<compile_context>
chip_gen: v7x
topology: tpu7x:2x2x1
jax: 0.10.2.dev20260603
libtpu: 0.0.44.dev20260713+nightly
codegen_flags: <defaults>
</compile_context>

<pallas_src>
import functools

import jax
import jax.numpy as jnp
from jax import lax
from jax.experimental import pallas as pl
from jax.experimental.pallas import tpu as pltpu
from jax.experimental.pallas import tpu_sc as plsc

_BOUNDARIES = tuple(float(v) for v in range(1, 100, 10))
_EPS = 1e-3
_B = 16384
_NU = 101
_NA = 11
_L = 16

_NC = 2
_NS = 16
_NW = _NC * _NS
_BPW = _B // _NW
_IDX_ROWS = _BPW // 128


def _table_body(tabT, age_tab, g1, b1, m1, v1, W1T, bias1,
                g2, b2, m2, v2, W2T, bias2, out_ref):
    uid_tab = jnp.transpose(tabT[...])
    W1 = jnp.transpose(W1T[...])
    W2 = jnp.transpose(W2T[...])
    s1 = g1[...] * lax.rsqrt(v1[...] + _EPS)
    t1 = b1[...] - m1[...] * s1
    uq = uid_tab * s1[:, :32] + t1[:, :32]
    aq = age_tab[...] * s1[:, 32:] + t1[:, 32:]
    u = jnp.dot(uq, W1[:32, :], preferred_element_type=jnp.float32) + bias1[...]
    a = jnp.dot(aq, W1[32:, :], preferred_element_type=jnp.float32)
    s2 = g2[...] * lax.rsqrt(v2[...] + _EPS)
    t2 = b2[...] - m2[...] * s2
    for ab in range(_NA):
        h = jnp.maximum(u + a[ab:ab + 1, :], 0.0)
        g = h * s2 + t2
        y = jnp.dot(g, W2, preferred_element_type=jnp.float32) + bias2[...]
        out_ref[pl.ds((ab >> 3) * 104, _NU),
                pl.ds((ab & 7) * 16, 16)] = jnp.maximum(y, 0.0)


_table_call = pl.pallas_call(
    lambda *refs: _table_body(*refs),
    out_shape=jax.ShapeDtypeStruct((208, 128), jnp.float32),
)


def _sc_body(uid_hbm, age_hbm, tab_hbm, out_hbm, uid_v, age_v, idx_v, rows_v,
             sem_in, sem_g):
    wid = lax.axis_index("s") * _NC + lax.axis_index("c")
    base = wid * _BPW
    cp_u = pltpu.async_copy(uid_hbm.at[pl.ds(base, _BPW)], uid_v, sem_in)
    cp_a = pltpu.async_copy(age_hbm.at[pl.ds(base, _BPW)], age_v, sem_in)
    cp_u.wait()
    cp_a.wait()
    gathers = []
    for j in range(_IDX_ROWS):
        for i in range(128 // _L):
            off = j * 128 + i * _L
            a = age_v[pl.ds(off, _L)]
            u = uid_v[pl.ds(off, _L)]
            b = jnp.zeros((_L,), jnp.int32)
            for c in _BOUNDARIES:
                b = b + jnp.where(a >= c, 1, 0)
            idx_v[j, pl.ds(i * _L, _L)] = u * 8 + b + jnp.where(b >= 8, 824, 0)
        gathers.append(pltpu.async_copy(tab_hbm.at[idx_v.at[j]],
                                        rows_v.at[pl.ds(j * 128, 128)], sem_g))
    outs = []
    for g, cp in enumerate(gathers):
        cp.wait()
        outs.append(pltpu.async_copy(rows_v.at[pl.ds(g * 128, 128)],
                                     out_hbm.at[pl.ds(base + g * 128, 128)],
                                     sem_in))
    for cp in outs:
        cp.wait()


@functools.cache
def _make_sc_call():
    return functools.partial(
        pl.kernel,
        mesh=plsc.VectorSubcoreMesh(core_axis_name="c", subcore_axis_name="s"),
        compiler_params=pltpu.CompilerParams(use_tc_tiling_on_sc=False),
        out_type=jax.ShapeDtypeStruct((_B, 16), jnp.float32),
        scratch_types=[
            pltpu.VMEM((_BPW,), jnp.int32),
            pltpu.VMEM((_BPW,), jnp.float32),
            pltpu.VMEM((_IDX_ROWS, 128), jnp.int32),
            pltpu.VMEM((_BPW, 16), jnp.float32),
            pltpu.SemaphoreType.DMA,
            pltpu.SemaphoreType.DMA,
        ],
    )(_sc_body)


def kernel(user_id, item_id, price, user_age, user_id_table, age_table,
           bn1_gamma, bn1_beta, bn1_mean, bn1_var, W1, b1,
           bn2_gamma, bn2_beta, bn2_mean, bn2_var, W2, b2):
    del item_id, price
    row = lambda x: x.reshape(1, -1)
    tab = _table_call(user_id_table.T, age_table,
                      row(bn1_gamma), row(bn1_beta), row(bn1_mean), row(bn1_var),
                      W1.T, row(b1),
                      row(bn2_gamma), row(bn2_beta), row(bn2_mean), row(bn2_var),
                      W2.T, row(b2))
    return _make_sc_call()(user_id.astype(jnp.int32), user_age,
                           tab.reshape(1664, 16))

# --- scband reference (transcript-rebuilt; emitter-appended) ---
"""Pipeline reference for scband-user-tower-25460566130838 (READ-ONLY COPY).

The authoritative reference and input builder live on the scoring server;
editing this copy changes nothing except your own understanding.
"""

import jax, jax.numpy as jnp
import numpy as np

BOUNDARIES = jnp.asarray(np.arange(1, 100, 10), dtype=jnp.float32)  # [1,11,...,91] -> 11 buckets
BN_EPS = 1e-3  # keras BatchNormalization default epsilon


def setup_inputs(seed: int = 0) -> dict:
    key = jax.random.key(seed)
    ks = jax.random.split(key, 10)
    B = 16384
    return {
        "user_id": jax.random.randint(ks[0], (B,), 0, 101, dtype=jnp.int32),
        "item_id": jax.random.randint(ks[1], (B,), 0, 1000000, dtype=jnp.int32),
        "price": jax.random.uniform(ks[2], (B,), dtype=jnp.float32),
        "user_age": jax.random.uniform(ks[3], (B,), dtype=jnp.float32, minval=0.0, maxval=100.0),
        "user_id_table": jax.random.normal(ks[4], (101, 32), dtype=jnp.float32) * 0.05,
        "age_table": jax.random.normal(ks[5], (11, 32), dtype=jnp.float32) * 0.05,
        "bn1_gamma": jnp.ones((64,), jnp.float32),
        "bn1_beta": jnp.zeros((64,), jnp.float32),
        "bn1_mean": jnp.zeros((64,), jnp.float32),
        "bn1_var": jnp.ones((64,), jnp.float32),
        "W1": jax.random.normal(ks[6], (64, 32), dtype=jnp.float32) * 0.1,
        "b1": jnp.zeros((32,), jnp.float32),
        "bn2_gamma": jnp.ones((32,), jnp.float32),
        "bn2_beta": jnp.zeros((32,), jnp.float32),
        "bn2_mean": jnp.zeros((32,), jnp.float32),
        "bn2_var": jnp.ones((32,), jnp.float32),
        "W2": jax.random.normal(ks[7], (32, 16), dtype=jnp.float32) * 0.1,
        "b2": jnp.zeros((16,), jnp.float32),
    }


def reference(user_id, item_id, price, user_age, user_id_table, age_table,
              bn1_gamma, bn1_beta, bn1_mean, bn1_var, W1, b1,
              bn2_gamma, bn2_beta, bn2_mean, bn2_var, W2, b2):
    # Discretization: tf Bucketize == searchsorted(boundaries, v, side='right')
    user_age_bucket = jnp.searchsorted(BOUNDARIES, user_age, side="right")
    user_age_embedding = jnp.take(age_table, user_age_bucket, axis=0)  # [B, 32]
    user_id_embedding = jnp.take(user_id_table, user_id, axis=0)       # [B, 32]
    features = jnp.concatenate([user_id_embedding, user_age_embedding], axis=-1)  # [B, 64]
    # BatchNorm (inference mode, moving stats)
    x = (features - bn1_mean) / jnp.sqrt(bn1_var + BN_EPS) * bn1_gamma + bn1_beta
    x = jax.nn.relu(x @ W1 + b1)
    x = (x - bn2_mean) / jnp.sqrt(bn2_var + BN_EPS) * bn2_gamma + bn2_beta
    x = jax.nn.relu(x @ W2 + b2)
    return x

if __name__ == "__main__":
    import jax
    _d = setup_inputs()
    print(jax.jit(kernel)(*tuple(_d.values())))

</pallas_src>

<mosaic_0001>
#map = affine_map<(d0, d1) -> (0)>
#map1 = affine_map<(d0, d1) -> (0, 0)>
module attributes {stable_mosaic.version = 14 : i64} {
  func.func @_sc_body(%arg0: i32, %arg1: i32, %arg2: memref<16384xi32, #tpu.memory_space<hbm>>, %arg3: memref<16384xf32, #tpu.memory_space<hbm>>, %arg4: memref<1664x16xf32, #tpu.memory_space<hbm>>, %arg5: memref<16384x16xf32, #tpu.memory_space<hbm>>, %arg6: memref<512xi32, #tpu.memory_space<vmem>>, %arg7: memref<512xf32, #tpu.memory_space<vmem>>, %arg8: memref<4x128xi32, #tpu.memory_space<vmem>>, %arg9: memref<512x16xf32, #tpu.memory_space<vmem>>, %arg10: memref<!tpu.dma_semaphore, #tpu.memory_space<semaphore_mem>>, %arg11: memref<!tpu.dma_semaphore, #tpu.memory_space<semaphore_mem>>) attributes {dimension_semantics = [#tpu.dimension_semantics<core_parallel>, #tpu.dimension_semantics<subcore_parallel>], iteration_bounds = array<i64: 2, 16>, scalar_prefetch = 0 : i64, scratch_operands = 6 : i64, tpu.core_type = #tpu.core_type<sc_vector_subcore>, window_params = [{transform_indices = #map}, {transform_indices = #map}, {transform_indices = #map1}, {transform_indices = #map1}]} {
    %mul3A = arith.constant 2 : i32
    %mul3A_0 = arith.muli %arg1, %mul3A : i32
    %add3A = arith.addi %mul3A_0, %arg0 : i32
    %mul3A_1 = arith.constant 512 : i32
    %mul3A_2 = arith.muli %add3A, %mul3A_1 : i32
    %dma_start3A = tpu.memref_slice %arg2[%mul3A_2] : memref<16384xi32, #tpu.memory_space<hbm>> -> memref<512xi32, #tpu.memory_space<hbm>>
    %dma_start3A_3 = tpu.memref_slice %arg2[%mul3A_2] : memref<16384xi32, #tpu.memory_space<hbm>> -> memref<512xi32, #tpu.memory_space<hbm>>
    tpu.enqueue_dma source(%dma_start3A_3 : memref<512xi32, #tpu.memory_space<hbm>>) target(%arg6 : memref<512xi32, #tpu.memory_space<vmem>>) target_semaphore(%arg10 : memref<!tpu.dma_semaphore, #tpu.memory_space<semaphore_mem>>)
    %dma_start3A_4 = tpu.memref_slice %arg3[%mul3A_2] : memref<16384xf32, #tpu.memory_space<hbm>> -> memref<512xf32, #tpu.memory_space<hbm>>
    %dma_start3A_5 = tpu.memref_slice %arg3[%mul3A_2] : memref<16384xf32, #tpu.memory_space<hbm>> -> memref<512xf32, #tpu.memory_space<hbm>>
    tpu.enqueue_dma source(%dma_start3A_5 : memref<512xf32, #tpu.memory_space<hbm>>) target(%arg7 : memref<512xf32, #tpu.memory_space<vmem>>) target_semaphore(%arg10 : memref<!tpu.dma_semaphore, #tpu.memory_space<semaphore_mem>>)
    %dma_wait3A = tpu.memref_slice %arg2[%mul3A_2] : memref<16384xi32, #tpu.memory_space<hbm>> -> memref<512xi32, #tpu.memory_space<hbm>>
    %dma_wait3A_6 = tpu.memref_slice %arg2[%mul3A_2] : memref<16384xi32, #tpu.memory_space<hbm>> -> memref<512xi32, #tpu.memory_space<hbm>>
    tpu.wait_dma2 semaphore(%arg10 : memref<!tpu.dma_semaphore, #tpu.memory_space<semaphore_mem>>) src(%dma_wait3A_6 : memref<512xi32, #tpu.memory_space<hbm>>) dst(%arg6 : memref<512xi32, #tpu.memory_space<vmem>>)
    %dma_wait3A_7 = tpu.memref_slice %arg3[%mul3A_2] : memref<16384xf32, #tpu.memory_space<hbm>> -> memref<512xf32, #tpu.memory_space<hbm>>
    %dma_wait3A_8 = tpu.memref_slice %arg3[%mul3A_2] : memref<16384xf32, #tpu.memory_space<hbm>> -> memref<512xf32, #tpu.memory_space<hbm>>
    tpu.wait_dma2 semaphore(%arg10 : memref<!tpu.dma_semaphore, #tpu.memory_space<semaphore_mem>>) src(%dma_wait3A_8 : memref<512xf32, #tpu.memory_space<hbm>>) dst(%arg7 : memref<512xf32, #tpu.memory_space<vmem>>)
    %get3A = arith.constant 0 : index
    %get3A_9 = tpu.vector_load %arg7[%get3A] {strides = array<i32>} : memref<512xf32, #tpu.memory_space<vmem>>, vector<16xf32>,
    %get3A_10 = vector.shape_cast %get3A_9 : vector<16xf32> to vector<16xf32>
    %get3A_11 = arith.constant 0 : index
    %get3A_12 = tpu.vector_load %arg6[%get3A_11] {strides = array<i32>} : memref<512xi32, #tpu.memory_space<vmem>>, vector<16xi32>,
    %get3A_13 = vector.shape_cast %get3A_12 : vector<16xi32> to vector<16xi32>
    %broadcast_in_dim3A = arith.constant 0 : i32
    %broadcast_in_dim3A_14 = vector.broadcast %broadcast_in_dim3A : i32 to vector<16xi32>
    %ge3A = arith.constant 1.000000e+00 : f32
    %ge3A_15 = vector.broadcast %ge3A : f32 to vector<16xf32>
    %ge3A_16 = arith.cmpf oge, %get3A_10, %ge3A_15 : vector<16xf32>
    %jit3A = arith.constant 1 : i32
    %jit3A_17 = arith.constant 0 : i32
    %broadcast_in_dim3A_18 = vector.broadcast %jit3A : i32 to vector<16xi32>
    %broadcast_in_dim3A_19 = vector.broadcast %jit3A_17 : i32 to vector<16xi32>
    %select_n3A = arith.select %ge3A_16, %broadcast_in_dim3A_18, %broadcast_in_dim3A_19 : vector<16xi1>, vector<16xi32>
    %add3A_20 = arith.addi %broadcast_in_dim3A_14, %select_n3A : vector<16xi32>
    %ge3A_21 = arith.constant 1.100000e+01 : f32
    %ge3A_22 = vector.broadcast %ge3A_21 : f32 to vector<16xf32>
    %ge3A_23 = arith.cmpf oge, %get3A_10, %ge3A_22 : vector<16xf32>
    %jit3A_24 = arith.constant 1 : i32
    %jit3A_25 = arith.constant 0 : i32
    %broadcast_in_dim3A_26 = vector.broadcast %jit3A_24 : i32 to vector<16xi32>
    %broadcast_in_dim3A_27 = vector.broadcast %jit3A_25 : i32 to vector<16xi32>
    %select_n3A_28 = arith.select %ge3A_23, %broadcast_in_dim3A_26, %broadcast_in_dim3A_27 : vector<16xi1>, vector<16xi32>
    %add3A_29 = arith.addi %add3A_20, %select_n3A_28 : vector<16xi32>
    %ge3A_30 = arith.constant 2.100000e+01 : f32
    %ge3A_31 = vector.broadcast %ge3A_30 : f32 to vector<16xf32>
    %ge3A_32 = arith.cmpf oge, %get3A_10, %ge3A_31 : vector<16xf32>
    %jit3A_33 = arith.constant 1 : i32
    %jit3A_34 = arith.constant 0 : i32
    %broadcast_in_dim3A_35 = vector.broadcast %jit3A_33 : i32 to vector<16xi32>
    %broadcast_in_dim3A_36 = vector.broadcast %jit3A_34 : i32 to vector<16xi32>
    %select_n3A_37 = arith.select %ge3A_32, %broadcast_in_dim3A_35, %broadcast_in_dim3A_36 : vector<16xi1>, vector<16xi32>
    %add3A_38 = arith.addi %add3A_29, %select_n3A_37 : vector<16xi32>
    %ge3A_39 = arith.constant 3.100000e+01 : f32
    %ge3A_40 = vector.broadcast %ge3A_39 : f32 to vector<16xf32>
    %ge3A_41 = arith.cmpf oge, %get3A_10, %ge3A_40 : vector<16xf32>
    %jit3A_42 = arith.constant 1 : i32
    %jit3A_43 = arith.constant 0 : i32
    %broadcast_in_dim3A_44 = vector.broadcast %jit3A_42 : i32 to vector<16xi32>
    %broadcast_in_dim3A_45 = vector.broadcast %jit3A_43 : i32 to vector<16xi32>
    %select_n3A_46 = arith.select %ge3A_41, %broadcast_in_dim3A_44, %broadcast_in_dim3A_45 : vector<16xi1>, vector<16xi32>
    %add3A_47 = arith.addi %add3A_38, %select_n3A_46 : vector<16xi32>
    %ge3A_48 = arith.constant 4.100000e+01 : f32
    %ge3A_49 = vector.broadcast %ge3A_48 : f32 to vector<16xf32>
    %ge3A_50 = arith.cmpf oge, %get3A_10, %ge3A_49 : vector<16xf32>
    %jit3A_51 = arith.constant 1 : i32
    %jit3A_52 = arith.constant 0 : i32
    %broadcast_in_dim3A_53 = vector.broadcast %jit3A_51 : i32 to vector<16xi32>
    %broadcast_in_dim3A_54 = vector.broadcast %jit3A_52 : i32 to vector<16xi32>
    %select_n3A_55 = arith.select %ge3A_50, %broadcast_in_dim3A_53, %broadcast_in_dim3A_54 : vector<16xi1>, vector<16xi32>
    %add3A_56 = arith.addi %add3A_47, %select_n3A_55 : vector<16xi32>
    %ge3A_57 = arith.constant 5.100000e+01 : f32
    %ge3A_58 = vector.broadcast %ge3A_57 : f32 to vector<16xf32>
    %ge3A_59 = arith.cmpf oge, %get3A_10, %ge3A_58 : vector<16xf32>
    %jit3A_60 = arith.constant 1 : i32
    %jit3A_61 = arith.constant 0 : i32
    %broadcast_in_dim3A_62 = vector.broadcast %jit3A_60 : i32 to vector<16xi32>
    %broadcast_in_dim3A_63 = vector.broadcast %jit3A_61 : i32 to vector<16xi32>
    %select_n3A_64 = arith.select %ge3A_59, %broadcast_in_dim3A_62, %broadcast_in_dim3A_63 : vector<16xi1>, vector<16xi32>
    %add3A_65 = arith.addi %add3A_56, %select_n3A_64 : vector<16xi32>
    %ge3A_66 = arith.constant 6.100000e+01 : f32
    %ge3A_67 = vector.broadcast %ge3A_66 : f32 to vector<16xf32>
    %ge3A_68 = arith.cmpf oge, %get3A_10, %ge3A_67 : vector<16xf32>
    %jit3A_69 = arith.constant 1 : i32
    %jit3A_70 = arith.constant 0 : i32
    %broadcast_in_dim3A_71 = vector.broadcast %jit3A_69 : i32 to vector<16xi32>
    %broadcast_in_dim3A_72 = vector.broadcast %jit3A_70 : i32 to vector<16xi32>
    %select_n3A_73 = arith.select %ge3A_68, %broadcast_in_dim3A_71, %broadcast_in_dim3A_72 : vector<16xi1>, vector<16xi32>
    %add3A_74 = arith.addi %add3A_65, %select_n3A_73 : vector<16xi32>
    %ge3A_75 = arith.constant 7.100000e+01 : f32
    %ge3A_76 = vector.broadcast %ge3A_75 : f32 to vector<16xf32>
    %ge3A_77 = arith.cmpf oge, %get3A_10, %ge3A_76 : vector<16xf32>
    %jit3A_78 = arith.constant 1 : i32
    %jit3A_79 = arith.constant 0 : i32
    %broadcast_in_dim3A_80 = vector.broadcast %jit3A_78 : i32 to vector<16xi32>
    %broadcast_in_dim3A_81 = vector.broadcast %jit3A_79 : i32 to vector<16xi32>
    %select_n3A_82 = arith.select %ge3A_77, %broadcast_in_dim3A_80, %broadcast_in_dim3A_81 : vector<16xi1>, vector<16xi32>
    %add3A_83 = arith.addi %add3A_74, %select_n3A_82 : vector<16xi32>
    %ge3A_84 = arith.constant 8.100000e+01 : f32
    %ge3A_85 = vector.broadcast %ge3A_84 : f32 to vector<16xf32>
    %ge3A_86 = arith.cmpf oge, %get3A_10, %ge3A_85 : vector<16xf32>
    %jit3A_87 = arith.constant 1 : i32
    %jit3A_88 = arith.constant 0 : i32
    %broadcast_in_dim3A_89 = vector.broadcast %jit3A_87 : i32 to vector<16xi32>
    %broadcast_in_dim3A_90 = vector.broadcast %jit3A_88 : i32 to vector<16xi32>
    %select_n3A_91 = arith.select %ge3A_86, %broadcast_in_dim3A_89, %broadcast_in_dim3A_90 : vector<16xi1>, vector<16xi32>
    %add3A_92 = arith.addi %add3A_83, %select_n3A_91 : vector<16xi32>
    %ge3A_93 = arith.constant 9.100000e+01 : f32
    %ge3A_94 = vector.broadcast %ge3A_93 : f32 to vector<16xf32>
    %ge3A_95 = arith.cmpf oge, %get3A_10, %ge3A_94 : vector<16xf32>
    %jit3A_96 = arith.constant 1 : i32
    %jit3A_97 = arith.constant 0 : i32
    %broadcast_in_dim3A_98 = vector.broadcast %jit3A_96 : i32 to vector<16xi32>
    %broadcast_in_dim3A_99 = vector.broadcast %jit3A_97 : i32 to vector<16xi32>
    %select_n3A_100 = arith.select %ge3A_95, %broadcast_in_dim3A_98, %broadcast_in_dim3A_99 : vector<16xi1>, vector<16xi32>
    %add3A_101 = arith.addi %add3A_92, %select_n3A_100 : vector<16xi32>
    %mul3A_102 = arith.constant 8 : i32
    %mul3A_103 = vector.broadcast %mul3A_102 : i32 to vector<16xi32>
    %mul3A_104 = arith.muli %get3A_13, %mul3A_103 : vector<16xi32>
    %add3A_105 = arith.addi %mul3A_104, %add3A_101 : vector<16xi32>
    %ge3A_106 = arith.constant 8 : i32
    %ge3A_107 = vector.broadcast %ge3A_106 : i32 to vector<16xi32>
    %ge3A_108 = arith.cmpi sge, %add3A_101, %ge3A_107 : vector<16xi32>
    %jit3A_109 = arith.constant 824 : i32
    %jit3A_110 = arith.constant 0 : i32
    %broadcast_in_dim3A_111 = vector.broadcast %jit3A_109 : i32 to vector<16xi32>
    %broadcast_in_dim3A_112 = vector.broadcast %jit3A_110 : i32 to vector<16xi32>
    %select_n3A_113 = arith.select %ge3A_108, %broadcast_in_dim3A_111, %broadcast_in_dim3A_112 : vector<16xi1>, vector<16xi32>
    %add3A_114 = arith.addi %add3A_105, %select_n3A_113 : vector<16xi32>
    %swap3A = arith.constant 0 : i32
    %swap3A_115 = arith.index_cast %swap3A : i32 to index
    %swap3A_116 = arith.constant 0 : index
    %swap3A_117 = tpu.vector_load %arg8[%swap3A_115, %swap3A_116] {strides = array<i32>} : memref<4x128xi32, #tpu.memory_space<vmem>>, vector<1x16xi32>,
    %swap3A_118 = vector.shape_cast %swap3A_117 : vector<1x16xi32> to vector<16xi32>
    %swap3A_119 = vector.shape_cast %add3A_114 : vector<16xi32> to vector<1x16xi32>
    tpu.vector_store %arg8[%swap3A_115, %swap3A_116], %swap3A_119 {strides = array<i32>} : memref<4x128xi32, #tpu.memory_space<vmem>>, vector<1x16xi32>,
    %get3A_120 = arith.constant 16 : index
    %get3A_121 = tpu.vector_load %arg7[%get3A_120] {strides = array<i32>} : memref<512xf32, #tpu.memory_space<vmem>>, vector<16xf32>,
    %get3A_122 = vector.shape_cast %get3A_121 : vector<16xf32> to vector<16xf32>
    %get3A_123 = arith.constant 16 : index
    %get3A_124 = tpu.vector_load %arg6[%get3A_123] {strides = array<i32>} : memref<512xi32, #tpu.memory_space<vmem>>, vector<16xi32>,
    %get3A_125 = vector.shape_cast %get3A_124 : vector<16xi32> to vector<16xi32>
    %broadcast_in_dim3A_126 = arith.constant 0 : i32
    %broadcast_in_dim3A_127 = vector.broadcast %broadcast_in_dim3A_126 : i32 to vector<16xi32>
    %ge3A_128 = arith.constant 1.000000e+00 : f32
    %ge3A_129 = vector.broadcast %ge3A_128 : f32 to vector<16xf32>
    %ge3A_130 = arith.cmpf oge, %get3A_122, %ge3A_129 : vector<16xf32>
    %jit3A_131 = arith.constant 1 : i32
    %jit3A_132 = arith.constant 0 : i32
    %broadcast_in_dim3A_133 = vector.broadcast %jit3A_131 : i32 to vector<16xi32>
    %broadcast_in_dim3A_134 = vector.broadcast %jit3A_132 : i32 to vector<16xi32>
    %select_n3A_135 = arith.select %ge3A_130, %broadcast_in_dim3A_133, %broadcast_in_dim3A_134 : vector<16xi1>, vector<16xi32>
    %add3A_136 = arith.addi %broadcast_in_dim3A_127, %select_n3A_135 : vector<16xi32>
    %ge3A_137 = arith.constant 1.100000e+01 : f32
    %ge3A_138 = vector.broadcast %ge3A_137 : f32 to vector<16xf32>
    %ge3A_139 = arith.cmpf oge, %get3A_122, %ge3A_138 : vector<16xf32>
    %jit3A_140 = arith.constant 1 : i32
    %jit3A_141 = arith.constant 0 : i32
    %broadcast_in_dim3A_142 = vector.broadcast %jit3A_140 : i32 to vector<16xi32>
    %broadcast_in_dim3A_143 = vector.broadcast %jit3A_141 : i32 to vector<16xi32>
    %select_n3A_144 = arith.select %ge3A_139, %broadcast_in_dim3A_142, %broadcast_in_dim3A_143 : vector<16xi1>, vector<16xi32>
    %add3A_145 = arith.addi %add3A_136, %select_n3A_144 : vector<16xi32>
    %ge3A_146 = arith.constant 2.100000e+01 : f32
    %ge3A_147 = vector.broadcast %ge3A_146 : f32 to vector<16xf32>
    %ge3A_148 = arith.cmpf oge, %get3A_122, %ge3A_147 : vector<16xf32>
    %jit3A_149 = arith.constant 1 : i32
    %jit3A_150 = arith.constant 0 : i32
    %broadcast_in_dim3A_151 = vector.broadcast %jit3A_149 : i32 to vector<16xi32>
    %broadcast_in_dim3A_152 = vector.broadcast %jit3A_150 : i32 to vector<16xi32>
    %select_n3A_153 = arith.select %ge3A_148, %broadcast_in_dim3A_151, %broadcast_in_dim3A_152 : vector<16xi1>, vector<16xi32>
    %add3A_154 = arith.addi %add3A_145, %select_n3A_153 : vector<16xi32>
    %ge3A_155 = arith.constant 3.100000e+01 : f32
    %ge3A_156 = vector.broadcast %ge3A_155 : f32 to vector<16xf32>
    %ge3A_157 = arith.cmpf oge, %get3A_122, %ge3A_156 : vector<16xf32>
    %jit3A_158 = arith.constant 1 : i32
    %jit3A_159 = arith.constant 0 : i32
    %broadcast_in_dim3A_160 = vector.broadcast %jit3A_158 : i32 to vector<16xi32>
    %broadcast_in_dim3A_161 = vector.broadcast %jit3A_159 : i32 to vector<16xi32>
    %select_n3A_162 = arith.select %ge3A_157, %broadcast_in_dim3A_160, %broadcast_in_dim3A_161 : vector<16xi1>, vector<16xi32>
    %add3A_163 = arith.addi %add3A_154, %select_n3A_162 : vector<16xi32>
    %ge3A_164 = arith.constant 4.100000e+01 : f32
    %ge3A_165 = vector.broadcast %ge3A_164 : f32 to vector<16xf32>
    %ge3A_166 = arith.cmpf oge, %get3A_122, %ge3A_165 : vector<16xf32>
    %jit3A_167 = arith.constant 1 : i32
    %jit3A_168 = arith.constant 0 : i32
    %broadcast_in_dim3A_169 = vector.broadcast %jit3A_167 : i32 to vector<16xi32>
    %broadcast_in_dim3A_170 = vector.broadcast %jit3A_168 : i32 to vector<16xi32>
    %select_n3A_171 = arith.select %ge3A_166, %broadcast_in_dim3A_169, %broadcast_in_dim3A_170 : vector<16xi1>, vector<16xi32>
    %add3A_172 = arith.addi %add3A_163, %select_n3A_171 : vector<16xi32>
    %ge3A_173 = arith.constant 5.100000e+01 : f32
    %ge3A_174 = vector.broadcast %ge3A_173 : f32 to vector<16xf32>
    %ge3A_175 = arith.cmpf oge, %get3A_122, %ge3A_174 : vector<16xf32>
    %jit3A_176 = arith.constant 1 : i32
    %jit3A_177 = arith.constant 0 : i32
    %broadcast_in_dim3A_178 = vector.broadcast %jit3A_176 : i32 to vector<16xi32>
    %broadcast_in_dim3A_179 = vector.broadcast %jit3A_177 : i32 to vector<16xi32>
    %select_n3A_180 = arith.select %ge3A_175, %broadcast_in_dim3A_178, %broadcast_in_dim3A_179 : vector<16xi1>, vector<16xi32>
    %add3A_181 = arith.addi %add3A_172, %select_n3A_180 : vector<16xi32>
    %ge3A_182 = arith.constant 6.100000e+01 : f32
    %ge3A_183 = vector.broadcast %ge3A_182 : f32 to vector<16xf32>
    %ge3A_184 = arith.cmpf oge, %get3A_122, %ge3A_183 : vector<16xf32>
    %jit3A_185 = arith.constant 1 : i32
    %jit3A_186 = arith.constant 0 : i32
    %broadcast_in_dim3A_187 = vector.broadcast %jit3A_185 : i32 to vector<16xi32>
    %broadcast_in_dim3A_188 = vector.broadcast %jit3A_186 : i32 to vector<16xi32>
    %select_n3A_189 = arith.select %ge3A_184, %broadcast_in_dim3A_187, %broadcast_in_dim3A_188 : vector<16xi1>, vector<16xi32>
    %add3A_190 = arith.addi %add3A_181, %select_n3A_189 : vector<16xi32>
    %ge3A_191 = arith.constant 7.100000e+01 : f32
    %ge3A_192 = vector.broadcast %ge3A_191 : f32 to vector<16xf32>
    %ge3A_193 = arith.cmpf oge, %get3A_122, %ge3A_192 : vector<16xf32>
    %jit3A_194 = arith.constant 1 : i32
    %jit3A_195 = arith.constant 0 : i32
    %broadcast_in_dim3A_196 = vector.broadcast %jit3A_194 : i32 to vector<16xi32>
    %broadcast_in_dim3A_197 = vector.broadcast %jit3A_195 : i32 to vector<16xi32>
    %select_n3A_198 = arith.select %ge3A_193, %broadcast_in_dim3A_196, %broadcast_in_dim3A_197 : vector<16xi1>, vector<16xi32>
    %add3A_199 = arith.addi %add3A_190, %select_n3A_198 : vector<16xi32>
    %ge3A_200 = arith.constant 8.100000e+01 : f32
    %ge3A_201 = vector.broadcast %ge3A_200 : f32 to vector<16xf32>
    %ge3A_202 = arith.cmpf oge, %get3A_122, %ge3A_201 : vector<16xf32>
    %jit3A_203 = arith.constant 1 : i32
    %jit3A_204 = arith.constant 0 : i32
    %broadcast_in_dim3A_205 = vector.broadcast %jit3A_203 : i32 to vector<16xi32>
    %broadcast_in_dim3A_206 = vector.broadcast %jit3A_204 : i32 to vector<16xi32>
    %select_n3A_207 = arith.select %ge3A_202, %broadcast_in_dim3A_205, %broadcast_in_dim3A_206 : vector<16xi1>, vector<16xi32>
    %add3A_208 = arith.addi %add3A_199, %select_n3A_207 : vector<16xi32>
    %ge3A_209 = arith.constant 9.100000e+01 : f32
    %ge3A_210 = vector.broadcast %ge3A_209 : f32 to vector<16xf32>
    %ge3A_211 = arith.cmpf oge, %get3A_122, %ge3A_210 : vector<16xf32>
    %jit3A_212 = arith.constant 1 : i32
    %jit3A_213 = arith.constant 0 : i32
    %broadcast_in_dim3A_214 = vector.broadcast %jit3A_212 : i32 to vector<16xi32>
    %broadcast_in_dim3A_215 = vector.broadcast %jit3A_213 : i32 to vector<16xi32>
    %select_n3A_216 = arith.select %ge3A_211, %broadcast_in_dim3A_214, %broadcast_in_dim3A_215 : vector<16xi1>, vector<16xi32>
    %add3A_217 = arith.addi %add3A_208, %select_n3A_216 : vector<16xi32>
    %mul3A_218 = arith.constant 8 : i32
    %mul3A_219 = vector.broadcast %mul3A_218 : i32 to vector<16xi32>
    %mul3A_220 = arith.muli %get3A_125, %mul3A_219 : vector<16xi32>
    %add3A_221 = arith.addi %mul3A_220, %add3A_217 : vector<16xi32>
    %ge3A_222 = arith.constant 8 : i32
    %ge3A_223 = vector.broadcast %ge3A_222 : i32 to vector<16xi32>
    %ge3A_224 = arith.cmpi sge, %add3A_217, %ge3A_223 : vector<16xi32>
    %jit3A_225 = arith.constant 824 : i32
    %jit3A_226 = arith.constant 0 : i32
    %broadcast_in_dim3A_227 = vector.broadcast %jit3A_225 : i32 to vector<16xi32>
    %broadcast_in_dim3A_228 = vector.broadcast %jit3A_226 : i32 to vector<16xi32>
    %select_n3A_229 = arith.select %ge3A_224, %broadcast_in_dim3A_227, %broadcast_in_dim3A_228 : vector<16xi1>, vector<16xi32>
    %add3A_230 = arith.addi %add3A_221, %select_n3A_229 : vector<16xi32>
    %swap3A_231 = arith.constant 0 : i32
    %swap3A_232 = arith.index_cast %swap3A_231 : i32 to index
    %swap3A_233 = arith.constant 16 : index
    %swap3A_234 = tpu.vector_load %arg8[%swap3A_232, %swap3A_233] {strides = array<i32>} : memref<4x128xi32, #tpu.memory_space<vmem>>, vector<1x16xi32>,
    %swap3A_235 = vector.shape_cast %swap3A_234 : vector<1x16xi32> to vector<16xi32>
    %swap3A_236 = vector.shape_cast %add3A_230 : vector<16xi32> to vector<1x16xi32>
    tpu.vector_store %arg8[%swap3A_232, %swap3A_233], %swap3A_236 {strides = array<i32>} : memref<4x128xi32, #tpu.memory_space<vmem>>, vector<1x16xi32>,
    %get3A_237 = arith.constant 32 : index
    %get3A_238 = tpu.vector_load %arg7[%get3A_237] {strides = array<i32>} : memref<512xf32, #tpu.memory_space<vmem>>, vector<16xf32>,
    %get3A_239 = vector.shape_cast %get3A_238 : vector<16xf32> to vector<16xf32>
    %get3A_240 = arith.constant 32 : index
    %get3A_241 = tpu.vector_load %arg6[%get3A_240] {strides = array<i32>} : memref<512xi32, #tpu.memory_space<vmem>>, vector<16xi32>,
    %get3A_242 = vector.shape_cast %get3A_241 : vector<16xi32> to vector<16xi32>
    %broadcast_in_dim3A_243 = arith.constant 0 : i32
    %broadcast_in_dim3A_244 = vector.broadcast %broadcast_in_dim3A_243 : i32 to vector<16xi32>
    %ge3A_245 = arith.constant 1.000000e+00 : f32
    %ge3A_246 = vector.broadcast %ge3A_245 : f32 to vector<16xf32>
    %ge3A_247 = arith.cmpf oge, %get3A_239, %ge3A_246 : vector<16xf32>
    %jit3A_248 = arith.constant 1 : i32
    %jit3A_249 = arith.constant 0 : i32
    %broadcast_in_dim3A_250 = vector.broadcast %jit3A_248 : i32 to vector<16xi32>
    %broadcast_in_dim3A_251 = vector.broadcast %jit3A_249 : i32 to vector<16xi32>
    %select_n3A_252 = arith.select %ge3A_247, %broadcast_in_dim3A_250, %broadcast_in_dim3A_251 : vector<16xi1>, vector<16xi32>
    %add3A_253 = arith.addi %broadcast_in_dim3A_244, %select_n3A_252 : vector<16xi32>
    %ge3A_254 = arith.constant 1.100000e+01 : f32
    %ge3A_255 = vector.broadcast %ge3A_254 : f32 to vector<16xf32>
    %ge3A_256 = arith.cmpf oge, %get3A_239, %ge3A_255 : vector<16xf32>
    %jit3A_257 = arith.constant 1 : i32
    %jit3A_258 = arith.constant 0 : i32
    %broadcast_in_dim3A_259 = vector.broadcast %jit3A_257 : i32 to vector<16xi32>
    %broadcast_in_dim3A_260 = vector.broadcast %jit3A_258 : i32 to vector<16xi32>
    %select_n3A_261 = arith.select %ge3A_256, %broadcast_in_dim3A_259, %broadcast_in_dim3A_260 : vector<16xi1>, vector<16xi32>
    %add3A_262 = arith.addi %add3A_253, %select_n3A_261 : vector<16xi32>
    %ge3A_263 = arith.constant 2.100000e+01 : f32
    %ge3A_264 = vector.broadcast %ge3A_263 : f32 to vector<16xf32>
    %ge3A_265 = arith.cmpf oge, %get3A_239, %ge3A_264 : vector<16xf32>
    %jit3A_266 = arith.constant 1 : i32
    %jit3A_267 = arith.constant 0 : i32
    %broadcast_in_dim3A_268 = vector.broadcast %jit3A_266 : i32 to vector<16xi32>
    %broadcast_in_dim3A_269 = vector.broadcast %jit3A_267 : i32 to vector<16xi32>
    %select_n3A_270 = arith.select %ge3A_265, %broadcast_in_dim3A_268, %broadcast_in_dim3A_269 : vector<16xi1>, vector<16xi32>
    %add3A_271 = arith.addi %add3A_262, %select_n3A_270 : vector<16xi32>
    %ge3A_272 = arith.constant 3.100000e+01 : f32
    %ge3A_273 = vector.broadcast %ge3A_272 : f32 to vector<16xf32>
    %ge3A_274 = arith.cmpf oge, %get3A_239, %ge3A_273 : vector<16xf32>
    %jit3A_275 = arith.constant 1 : i32
    %jit3A_276 = arith.constant 0 : i32
    %broadcast_in_dim3A_277 = vector.broadcast %jit3A_275 : i32 to vector<16xi32>
    %broadcast_in_dim3A_278 = vector.broadcast %jit3A_276 : i32 to vector<16xi32>
    %select_n3A_279 = arith.select %ge3A_274, %broadcast_in_dim3A_277, %broadcast_in_dim3A_278 : vector<16xi1>, vector<16xi32>
    %add3A_280 = arith.addi %add3A_271, %select_n3A_279 : vector<16xi32>
    %ge3A_281 = arith.constant 4.100000e+01 : f32
    %ge3A_282 = vector.broadcast %ge3A_281 : f32 to vector<16xf32>
    %ge3A_283 = arith.cmpf oge, %get3A_239, %ge3A_282 : vector<16xf32>
    %jit3A_284 = arith.constant 1 : i32
    %jit3A_285 = arith.constant 0 : i32
    %broadcast_in_dim3A_286 = vector.broadcast %jit3A_284 : i32 to vector<16xi32>
    %broadcast_in_dim3A_287 = vector.broadcast %jit3A_285 : i32 to vector<16xi32>
    %select_n3A_288 = arith.select %ge3A_283, %broadcast_in_dim3A_286, %broadcast_in_dim3A_287 : vector<16xi1>, vector<16xi32>
    %add3A_289 = arith.addi %add3A_280, %select_n3A_288 : vector<16xi32>
    %ge3A_290 = arith.constant 5.100000e+01 : f32
    %ge3A_291 = vector.broadcast %ge3A_290 : f32 to vector<16xf32>
    %ge3A_292 = arith.cmpf oge, %get3A_239, %ge3A_291 : vector<16xf32>
    %jit3A_293 = arith.constant 1 : i32
    %jit3A_294 = arith.constant 0 : i32
    %broadcast_in_dim3A_295 = vector.broadcast %jit3A_293 : i32 to vector<16xi32>
    %broadcast_in_dim3A_296 = vector.broadcast %jit3A_294 : i32 to vector<16xi32>
    %select_n3A_297 = arith.select %ge3A_292, %broadcast_in_dim3A_295, %broadcast_in_dim3A_296 : vector<16xi1>, vector<16xi32>
    %add3A_298 = arith.addi %add3A_289, %select_n3A_297 : vector<16xi32>
    %ge3A_299 = arith.constant 6.100000e+01 : f32
    %ge3A_300 = vector.broadcast %ge3A_299 : f32 to vector<16xf32>
    %ge3A_301 = arith.cmpf oge, %get3A_239, %ge3A_300 : vector<16xf32>
    %jit3A_302 = arith.constant 1 : i32
    %jit3A_303 = arith.constant 0 : i32
    %broadcast_in_dim3A_304 = vector.broadcast %jit3A_302 : i32 to vector<16xi32>
    %broadcast_in_dim3A_305 = vector.broadcast %jit3A_303 : i32 to vector<16xi32>
    %select_n3A_306 = arith.select %ge3A_301, %broadcast_in_dim3A_304, %broadcast_in_dim3A_305 : vector<16xi1>, vector<16xi32>
    %add3A_307 = arith.addi %add3A_298, %select_n3A_306 : vector<16xi32>
    %ge3A_308 = arith.constant 7.100000e+01 : f32
    %ge3A_309 = vector.broadcast %ge3A_308 : f32 to vector<16xf32>
    %ge3A_310 = arith.cmpf oge, %get3A_239, %ge3A_309 : vector<16xf32>
    %jit3A_311 = arith.constant 1 : i32
    %jit3A_312 = arith.constant 0 : i32
    %broadcast_in_dim3A_313 = vector.broadcast %jit3A_311 : i32 to vector<16xi32>
    %broadcast_in_dim3A_314 = vector.broadcast %jit3A_312 : i32 to vector<16xi32>
    %select_n3A_315 = arith.select %ge3A_310, %broadcast_in_dim3A_313, %broadcast_in_dim3A_314 : vector<16xi1>, vector<16xi32>
    %add3A_316 = arith.addi %add3A_307, %select_n3A_315 : vector<16xi32>
    %ge3A_317 = arith.constant 8.100000e+01 : f32
    %ge3A_318 = vector.broadcast %ge3A_317 : f32 to vector<16xf32>
    %ge3A_319 = arith.cmpf oge, %get3A_239, %ge3A_318 : vector<16xf32>
    %jit3A_320 = arith.constant 1 : i32
    %jit3A_321 = arith.constant 0 : i32
    %broadcast_in_dim3A_322 = vector.broadcast %jit3A_320 : i32 to vector<16xi32>
    %broadcast_in_dim3A_323 = vector.broadcast %jit3A_321 : i32 to vector<16xi32>
    %select_n3A_324 = arith.select %ge3A_319, %broadcast_in_dim3A_322, %broadcast_in_dim3A_323 : vector<16xi1>, vector<16xi32>
    %add3A_325 = arith.addi %add3A_316, %select_n3A_324 : vector<16xi32>
    %ge3A_326 = arith.constant 9.100000e+01 : f32
    %ge3A_327 = vector.broadcast %ge3A_326 : f32 to vector<16xf32>
    %ge3A_328 = arith.cmpf oge, %get3A_239, %ge3A_327 : vector<16xf32>
    %jit3A_329 = arith.constant 1 : i32
    %jit3A_330 = arith.constant 0 : i32
    %broadcast_in_dim3A_331 = vector.broadcast %jit3A_329 : i32 to vector<16xi32>
    %broadcast_in_dim3A_332 = vector.broadcast %jit3A_330 : i32 to vector<16xi32>
    %select_n3A_333 = arith.select %ge3A_328, %broadcast_in_dim3A_331, %broadcast_in_dim3A_332 : vector<16xi1>, vector<16xi32>
    %add3A_334 = arith.addi %add3A_325, %select_n3A_333 : vector<16xi32>
    %mul3A_335 = arith.constant 8 : i32
    %mul3A_336 = vector.broadcast %mul3A_335 : i32 to vector<16xi32>
    %mul3A_337 = arith.muli %get3A_242, %mul3A_336 : vector<16xi32>
    %add3A_338 = arith.addi %mul3A_337, %add3A_334 : vector<16xi32>
    %ge3A_339 = arith.constant 8 : i32
    %ge3A_340 = vector.broadcast %ge3A_339 : i32 to vector<16xi32>
    %ge3A_341 = arith.cmpi sge, %add3A_334, %ge3A_340 : vector<16xi32>
    %jit3A_342 = arith.constant 824 : i32
    %jit3A_343 = arith.constant 0 : i32
    %broadcast_in_dim3A_344 = vector.broadcast %jit3A_342 : i32 to vector<16xi32>
    %broadcast_in_dim3A_345 = vector.broadcast %jit3A_343 : i32 to vector<16xi32>
    %select_n3A_346 = arith.select %ge3A_341, %broadcast_in_dim3A_344, %broadcast_in_dim3A_345 : vector<16xi1>, vector<16xi32>
    %add3A_347 = arith.addi %add3A_338, %select_n3A_346 : vector<16xi32>
    %swap3A_348 = arith.constant 0 : i32
    %swap3A_349 = arith.index_cast %swap3A_348 : i32 to index
    %swap3A_350 = arith.constant 32 : index
    %swap3A_351 = tpu.vector_load %arg8[%swap3A_349, %swap3A_350] {strides = array<i32>} : memref<4x128xi32, #tpu.memory_space<vmem>>, vector<1x16xi32>,
    %swap3A_352 = vector.shape_cast %swap3A_351 : vector<1x16xi32> to vector<16xi32>
    %swap3A_353 = vector.shape_cast %add3A_347 : vector<16xi32> to vector<1x16xi32>
    tpu.vector_store %arg8[%swap3A_349, %swap3A_350], %swap3A_353 {strides = array<i32>} : memref<4x128xi32, #tpu.memory_space<vmem>>, vector<1x16xi32>,
    %get3A_354 = arith.constant 48 : index
    %get3A_355 = tpu.vector_load %arg7[%get3A_354] {strides = array<i32>} : memref<512xf32, #tpu.memory_space<vmem>>, vector<16xf32>,
    %get3A_356 = vector.shape_cast %get3A_355 : vector<16xf32> to vector<16xf32>
    %get3A_357 = arith.constant 48 : index
    %get3A_358 = tpu.vector_load %arg6[%get3A_357] {strides = array<i32>} : memref<512xi32, #tpu.memory_space<vmem>>, vector<16xi32>,
    %get3A_359 = vector.shape_cast %get3A_358 : vector<16xi32> to vector<16xi32>
    %broadcast_in_dim3A_360 = arith.constant 0 : i32
    %broadcast_in_dim3A_361 = vector.broadcast %broadcast_in_dim3A_360 : i32 to vector<16xi32>
    %ge3A_362 = arith.constant 1.000000e+00 : f32
    %ge3A_363 = vector.broadcast %ge3A_362 : f32 to vector<16xf32>
    %ge3A_364 = arith.cmpf oge, %get3A_356, %ge3A_363 : vector<16xf32>
    %jit3A_365 = arith.constant 1 : i32
    %jit3A_366 = arith.constant 0 : i32
    %broadcast_in_dim3A_367 = vector.broadcast %jit3A_365 : i32 to vector<16xi32>
    %broadcast_in_dim3A_368 = vector.broadcast %jit3A_366 : i32 to vector<16xi32>
    %select_n3A_369 = arith.select %ge3A_364, %broadcast_in_dim3A_367, %broadcast_in_dim3A_368 : vector<16xi1>, vector<16xi32>
    %add3A_370 = arith.addi %broadcast_in_dim3A_361, %select_n3A_369 : vector<16xi32>
    %ge3A_371 = arith.constant 1.100000e+01 : f32
    %ge3A_372 = vector.broadcast %ge3A_371 : f32 to vector<16xf32>
    %ge3A_373 = arith.cmpf oge, %get3A_356, %ge3A_372 : vector<16xf32>
    %jit3A_374 = arith.constant 1 : i32
    %jit3A_375 = arith.constant 0 : i32
    %broadcast_in_dim3A_376 = vector.broadcast %jit3A_374 : i32 to vector<16xi32>
    %broadcast_in_dim3A_377 = vector.broadcast %jit3A_375 : i32 to vector<16xi32>
    %select_n3A_378 = arith.select %ge3A_373, %broadcast_in_dim3A_376, %broadcast_in_dim3A_377 : vector<16xi1>, vector<16xi32>
    %add3A_379 = arith.addi %add3A_370, %select_n3A_378 : vector<16xi32>
    %ge3A_380 = arith.constant 2.100000e+01 : f32
    %ge3A_381 = vector.broadcast %ge3A_380 : f32 to vector<16xf32>
    %ge3A_382 = arith.cmpf oge, %get3A_356, %ge3A_381 : vector<16xf32>
    %jit3A_383 = arith.constant 1 : i32
    %jit3A_384 = arith.constant 0 : i32
    %broadcast_in_dim3A_385 = vector.broadcast %jit3A_383 : i32 to vector<16xi32>
    %broadcast_in_dim3A_386 = vector.broadcast %jit3A_384 : i32 to vector<16xi32>
    %select_n3A_387 = arith.select %ge3A_382, %broadcast_in_dim3A_385, %broadcast_in_dim3A_386 : vector<16xi1>, vector<16xi32>
    %add3A_388 = arith.addi %add3A_379, %select_n3A_387 : vector<16xi32>
    %ge3A_389 = arith.constant 3.100000e+01 : f32
    %ge3A_390 = vector.broadcast %ge3A_389 : f32 to vector<16xf32>
    %ge3A_391 = arith.cmpf oge, %get3A_356, %ge3A_390 : vector<16xf32>
    %jit3A_392 = arith.constant 1 : i32
    %jit3A_393 = arith.constant 0 : i32
    %broadcast_in_dim3A_394 = vector.broadcast %jit3A_392 : i32 to vector<16xi32>
    %broadcast_in_dim3A_395 = vector.broadcast %jit3A_393 : i32 to vector<16xi32>
    %select_n3A_396 = arith.select %ge3A_391, %broadcast_in_dim3A_394, %broadcast_in_dim3A_395 : vector<16xi1>, vector<16xi32>
    %add3A_397 = arith.addi %add3A_388, %select_n3A_396 : vector<16xi32>
    %ge3A_398 = arith.constant 4.100000e+01 : f32
    %ge3A_399 = vector.broadcast %ge3A_398 : f32 to vector<16xf32>
    %ge3A_400 = arith.cmpf oge, %get3A_356, %ge3A_399 : vector<16xf32>
    %jit3A_401 = arith.constant 1 : i32
    %jit3A_402 = arith.constant 0 : i32
    %broadcast_in_dim3A_403 = vector.broadcast %jit3A_401 : i32 to vector<16xi32>
    %broadcast_in_dim3A_404 = vector.broadcast %jit3A_402 : i32 to vector<16xi32>
    %select_n3A_405 = arith.select %ge3A_400, %broadcast_in_dim3A_403, %broadcast_in_dim3A_404 : vector<16xi1>, vector<16xi32>
    %add3A_406 = arith.addi %add3A_397, %select_n3A_405 : vector<16xi32>
    %ge3A_407 = arith.constant 5.100000e+01 : f32
    %ge3A_408 = vector.broadcast %ge3A_407 : f32 to vector<16xf32>
    %ge3A_409 = arith.cmpf oge, %get3A_356, %ge3A_408 : vector<16xf32>
    %jit3A_410 = arith.constant 1 : i32
    %jit3A_411 = arith.constant 0 : i32
    %broadcast_in_dim3A_412 = vector.broadcast %jit3A_410 : i32 to vector<16xi32>
    %broadcast_in_dim3A_413 = vector.broadcast %jit3A_411 : i32 to vector<16xi32>
    %select_n3A_414 = arith.select %ge3A_409, %broadcast_in_dim3A_412, %broadcast_in_dim3A_413 : vector<16xi1>, vector<16xi32>
    %add3A_415 = arith.addi %add3A_406, %select_n3A_414 : vector<16xi32>
    %ge3A_416 = arith.constant 6.100000e+01 : f32
    %ge3A_417 = vector.broadcast %ge3A_416 : f32 to vector<16xf32>
    %ge3A_418 = arith.cmpf oge, %get3A_356, %ge3A_417 : vector<16xf32>
    %jit3A_419 = arith.constant 1 : i32
    %jit3A_420 = arith.constant 0 : i32
    %broadcast_in_dim3A_421 = vector.broadcast %jit3A_419 : i32 to vector<16xi32>
    %broadcast_in_dim3A_422 = vector.broadcast %jit3A_420 : i32 to vector<16xi32>
    %select_n3A_423 = arith.select %ge3A_418, %broadcast_in_dim3A_421, %broadcast_in_dim3A_422 : vector<16xi1>, vector<16xi32>
    %add3A_424 = arith.addi %add3A_415, %select_n3A_423 : vector<16xi32>
    %ge3A_425 = arith.constant 7.100000e+01 : f32
    %ge3A_426 = vector.broadcast %ge3A_425 : f32 to vector<16xf32>
    %ge3A_427 = arith.cmpf oge, %get3A_356, %ge3A_426 : vector<16xf32>
    %jit3A_428 = arith.constant 1 : i32
    %jit3A_429 = arith.constant 0 : i32
    %broadcast_in_dim3A_430 = vector.broadcast %jit3A_428 : i32 to vector<16xi32>
    %broadcast_in_dim3A_431 = vector.broadcast %jit3A_429 : i32 to vector<16xi32>
    %select_n3A_432 = arith.select %ge3A_427, %broadcast_in_dim3A_430, %broadcast_in_dim3A_431 : vector<16xi1>, vector<16xi32>
    %add3A_433 = arith.addi %add3A_424, %select_n3A_432 : vector<16xi32>
    %ge3A_434 = arith.constant 8.100000e+01 : f32
    %ge3A_435 = vector.broadcast %ge3A_434 : f32 to vector<16xf32>
    %ge3A_436 = arith.cmpf oge, %get3A_356, %ge3A_435 : vector<16xf32>
    %jit3A_437 = arith.constant 1 : i32
    %jit3A_438 = arith.constant 0 : i32
    %broadcast_in_dim3A_439 = vector.broadcast %jit3A_437 : i32 to vector<16xi32>
    %broadcast_in_dim3A_440 = vector.broadcast %jit3A_438 : i32 to vector<16xi32>
    %select_n3A_441 = arith.select %ge3A_436, %broadcast_in_dim3A_439, %broadcast_in_dim3A_440 : vector<16xi1>, vector<16xi32>
    %add3A_442 = arith.addi %add3A_433, %select_n3A_441 : vector<16xi32>
    %ge3A_443 = arith.constant 9.100000e+01 : f32
    %ge3A_444 = vector.broadcast %ge3A_443 : f32 to vector<16xf32>
    %ge3A_445 = arith.cmpf oge, %get3A_356, %ge3A_444 : vector<16xf32>
    %jit3A_446 = arith.constant 1 : i32
    %jit3A_447 = arith.constant 0 : i32
    %broadcast_in_dim3A_448 = vector.broadcast %jit3A_446 : i32 to vector<16xi32>
    %broadcast_in_dim3A_449 = vector.broadcast %jit3A_447 : i32 to vector<16xi32>
    %select_n3A_450 = arith.select %ge3A_445, %broadcast_in_dim3A_448, %broadcast_in_dim3A_449 : vector<16xi1>, vector<16xi32>
    %add3A_451 = arith.addi %add3A_442, %select_n3A_450 : vector<16xi32>
    %mul3A_452 = arith.constant 8 : i32
    %mul3A_453 = vector.broadcast %mul3A_452 : i32 to vector<16xi32>
    %mul3A_454 = arith.muli %get3A_359, %mul3A_453 : vector<16xi32>
    %add3A_455 = arith.addi %mul3A_454, %add3A_451 : vector<16xi32>
    %ge3A_456 = arith.constant 8 : i32
    %ge3A_457 = vector.broadcast %ge3A_456 : i32 to vector<16xi32>
    %ge3A_458 = arith.cmpi sge, %add3A_451, %ge3A_457 : vector<16xi32>
    %jit3A_459 = arith.constant 824 : i32
    %jit3A_460 = arith.constant 0 : i32
    %broadcast_in_dim3A_461 = vector.broadcast %jit3A_459 : i32 to vector<16xi32>
    %broadcast_in_dim3A_462 = vector.broadcast %jit3A_460 : i32 to vector<16xi32>
    %select_n3A_463 = arith.select %ge3A_458, %broadcast_in_dim3A_461, %broadcast_in_dim3A_462 : vector<16xi1>, vector<16xi32>
    %add3A_464 = arith.addi %add3A_455, %select_n3A_463 : vector<16xi32>
    %swap3A_465 = arith.constant 0 : i32
    %swap3A_466 = arith.index_cast %swap3A_465 : i32 to index
    %swap3A_467 = arith.constant 48 : index
    %swap3A_468 = tpu.vector_load %arg8[%swap3A_466, %swap3A_467] {strides = array<i32>} : memref<4x128xi32, #tpu.memory_space<vmem>>, vector<1x16xi32>,
    %swap3A_469 = vector.shape_cast %swap3A_468 : vector<1x16xi32> to vector<16xi32>
    %swap3A_470 = vector.shape_cast %add3A_464 : vector<16xi32> to vector<1x16xi32>
    tpu.vector_store %arg8[%swap3A_466, %swap3A_467], %swap3A_470 {strides = array<i32>} : memref<4x128xi32, #tpu.memory_space<vmem>>, vector<1x16xi32>,
    %get3A_471 = arith.constant 64 : index
    %get3A_472 = tpu.vector_load %arg7[%get3A_471] {strides = array<i32>} : memref<512xf32, #tpu.memory_space<vmem>>, vector<16xf32>,
    %get3A_473 = vector.shape_cast %get3A_472 : vector<16xf32> to vector<16xf32>
    %get3A_474 = arith.constant 64 : index
    %get3A_475 = tpu.vector_load %arg6[%get3A_474] {strides = array<i32>} : memref<512xi32, #tpu.memory_space<vmem>>, vector<16xi32>,
    %get3A_476 = vector.shape_cast %get3A_475 : vector<16xi32> to vector<16xi32>
    %broadcast_in_dim3A_477 = arith.constant 0 : i32
    %broadcast_in_dim3A_478 = vector.broadcast %broadcast_in_dim3A_477 : i32 to vector<16xi32>
    %ge3A_479 = arith.constant 1.000000e+00 : f32
    %ge3A_480 = vector.broadcast %ge3A_479 : f32 to vector<16xf32>
    %ge3A_481 = arith.cmpf oge, %get3A_473, %ge3A_480 : vector<16xf32>
    %jit3A_482 = arith.constant 1 : i32
    %jit3A_483 = arith.constant 0 : i32
    %broadcast_in_dim3A_484 = vector.broadcast %jit3A_482 : i32 to vector<16xi32>
    %broadcast_in_dim3A_485 = vector.broadcast %jit3A_483 : i32 to vector<16xi32>
    %select_n3A_486 = arith.select %ge3A_481, %broadcast_in_dim3A_484, %broadcast_in_dim3A_485 : vector<16xi1>, vector<16xi32>
    %add3A_487 = arith.addi %broadcast_in_dim3A_478, %select_n3A_486 : vector<16xi32>
    %ge3A_488 = arith.constant 1.100000e+01 : f32
    %ge3A_489 = vector.broadcast %ge3A_488 : f32 to vector<16xf32>
    %ge3A_490 = arith.cmpf oge, %get3A_473, %ge3A_489 : vector<16xf32>
    %jit3A_491 = arith.constant 1 : i32
    %jit3A_492 = arith.constant 0 : i32
    %broadcast_in_dim3A_493 = vector.broadcast %jit3A_491 : i32 to vector<16xi32>
    %broadcast_in_dim3A_494 = vector.broadcast %jit3A_492 : i32 to vector<16xi32>
    %select_n3A_495 = arith.select %ge3A_490, %broadcast_in_dim3A_493, %broadcast_in_dim3A_494 : vector<16xi1>, vector<16xi32>
    %add3A_496 = arith.addi %add3A_487, %select_n3A_495 : vector<16xi32>
    %ge3A_497 = arith.constant 2.100000e+01 : f32
    %ge3A_498 = vector.broadcast %ge3A_497 : f32 to vector<16xf32>
    %ge3A_499 = arith.cmpf oge, %get3A_473, %ge3A_498 : vector<16xf32>
    %jit3A_500 = arith.constant 1 : i32
    %jit3A_501 = arith.constant 0 : i32
    %broadcast_in_dim3A_502 = vector.broadcast %jit3A_500 : i32 to vector<16xi32>
    %broadcast_in_dim3A_503 = vector.broadcast %jit3A_501 : i32 to vector<16xi32>
    %select_n3A_504 = arith.select %ge3A_499, %broadcast_in_dim3A_502, %broadcast_in_dim3A_503 : vector<16xi1>, vector<16xi32>
    %add3A_505 = arith.addi %add3A_496, %select_n3A_504 : vector<16xi32>
    %ge3A_506 = arith.constant 3.100000e+01 : f32
    %ge3A_507 = vector.broadcast %ge3A_506 : f32 to vector<16xf32>
    %ge3A_508 = arith.cmpf oge, %get3A_473, %ge3A_507 : vector<16xf32>
    %jit3A_509 = arith.constant 1 : i32
    %jit3A_510 = arith.constant 0 : i32
    %broadcast_in_dim3A_511 = vector.broadcast %jit3A_509 : i32 to vector<16xi32>
    %broadcast_in_dim3A_512 = vector.broadcast %jit3A_510 : i32 to vector<16xi32>
    %select_n3A_513 = arith.select %ge3A_508, %broadcast_in_dim3A_511, %broadcast_in_dim3A_512 : vector<16xi1>, vector<16xi32>
    %add3A_514 = arith.addi %add3A_505, %select_n3A_513 : vector<16xi32>
    %ge3A_515 = arith.constant 4.100000e+01 : f32
    %ge3A_516 = vector.broadcast %ge3A_515 : f32 to vector<16xf32>
    %ge3A_517 = arith.cmpf oge, %get3A_473, %ge3A_516 : vector<16xf32>
    %jit3A_518 = arith.constant 1 : i32
    %jit3A_519 = arith.constant 0 : i32
    %broadcast_in_dim3A_520 = vector.broadcast %jit3A_518 : i32 to vector<16xi32>
    %broadcast_in_dim3A_521 = vector.broadcast %jit3A_519 : i32 to vector<16xi32>
    %select_n3A_522 = arith.select %ge3A_517, %broadcast_in_dim3A_520, %broadcast_in_dim3A_521 : vector<16xi1>, vector<16xi32>
    %add3A_523 = arith.addi %add3A_514, %select_n3A_522 : vector<16xi32>
    %ge3A_524 = arith.constant 5.100000e+01 : f32
    %ge3A_525 = vector.broadcast %ge3A_524 : f32 to vector<16xf32>
    %ge3A_526 = arith.cmpf oge, %get3A_473, %ge3A_525 : vector<16xf32>
    %jit3A_527 = arith.constant 1 : i32
    %jit3A_528 = arith.constant 0 : i32
    %broadcast_in_dim3A_529 = vector.broadcast %jit3A_527 : i32 to vector<16xi32>
    %broadcast_in_dim3A_530 = vector.broadcast %jit3A_528 : i32 to vector<16xi32>
    %select_n3A_531 = arith.select %ge3A_526, %broadcast_in_dim3A_529, %broadcast_in_dim3A_530 : vector<16xi1>, vector<16xi32>
    %add3A_532 = arith.addi %add3A_523, %select_n3A_531 : vector<16xi32>
    %ge3A_533 = arith.constant 6.100000e+01 : f32
    %ge3A_534 = vector.broadcast %ge3A_533 : f32 to vector<16xf32>
    %ge3A_535 = arith.cmpf oge, %get3A_473, %ge3A_534 : vector<16xf32>
    %jit3A_536 = arith.constant 1 : i32
    %jit3A_537 = arith.constant 0 : i32
    %broadcast_in_dim3A_538 = vector.broadcast %jit3A_536 : i32 to vector<16xi32>
    %broadcast_in_dim3A_539 = vector.broadcast %jit3A_537 : i32 to vector<16xi32>
    %select_n3A_540 = arith.select %ge3A_535, %broadcast_in_dim3A_538, %broadcast_in_dim3A_539 : vector<16xi1>, vector<16xi32>
    %add3A_541 = arith.addi %add3A_532, %select_n3A_540 : vector<16xi32>
    %ge3A_542 = arith.constant 7.100000e+01 : f32
    %ge3A_543 = vector.broadcast %ge3A_542 : f32 to vector<16xf32>
    %ge3A_544 = arith.cmpf oge, %get3A_473, %ge3A_543 : vector<16xf32>
    %jit3A_545 = arith.constant 1 : i32
    %jit3A_546 = arith.constant 0 : i32
    %broadcast_in_dim3A_547 = vector.broadcast %jit3A_545 : i32 to vector<16xi32>
    %broadcast_in_dim3A_548 = vector.broadcast %jit3A_546 : i32 to vector<16xi32>
    %select_n3A_549 = arith.select %ge3A_544, %broadcast_in_dim3A_547, %broadcast_in_dim3A_548 : vector<16xi1>, vector<16xi32>
    %add3A_550 = arith.addi %add3A_541, %select_n3A_549 : vector<16xi32>
    %ge3A_551 = arith.constant 8.100000e+01 : f32
    %ge3A_552 = vector.broadcast %ge3A_551 : f32 to vector<16xf32>
    %ge3A_553 = arith.cmpf oge, %get3A_473, %ge3A_552 : vector<16xf32>
    %jit3A_554 = arith.constant 1 : i32
    %jit3A_555 = arith.constant 0 : i32
    %broadcast_in_dim3A_556 = vector.broadcast %jit3A_554 : i32 to vector<16xi32>
    %broadcast_in_dim3A_557 = vector.broadcast %jit3A_555 : i32 to vector<16xi32>
    %select_n3A_558 = arith.select %ge3A_553, %broadcast_in_dim3A_556, %broadcast_in_dim3A_557 : vector<16xi1>, vector<16xi32>
    %add3A_559 = arith.addi %add3A_550, %select_n3A_558 : vector<16xi32>
    %ge3A_560 = arith.constant 9.100000e+01 : f32
    %ge3A_561 = vector.broadcast %ge3A_560 : f32 to vector<16xf32>
    %ge3A_562 = arith.cmpf oge, %get3A_473, %ge3A_561 : vector<16xf32>
    %jit3A_563 = arith.constant 1 : i32
    %jit3A_564 = arith.constant 0 : i32
    %broadcast_in_dim3A_565 = vector.broadcast %jit3A_563 : i32 to vector<16xi32>
    %broadcast_in_dim3A_566 = vector.broadcast %jit3A_564 : i32 to vector<16xi32>
    %select_n3A_567 = arith.select %ge3A_562, %broadcast_in_dim3A_565, %broadcast_in_dim3A_566 : vector<16xi1>, vector<16xi32>
    %add3A_568 = arith.addi %add3A_559, %select_n3A_567 : vector<16xi32>
    %mul3A_569 = arith.constant 8 : i32
    %mul3A_570 = vector.broadcast %mul3A_569 : i32 to vector<16xi32>
    %mul3A_571 = arith.muli %get3A_476, %mul3A_570 : vector<16xi32>
    %add3A_572 = arith.addi %mul3A_571, %add3A_568 : vector<16xi32>
    %ge3A_573 = arith.constant 8 : i32
    %ge3A_574 = vector.broadcast %ge3A_573 : i32 to vector<16xi32>
    %ge3A_575 = arith.cmpi sge, %add3A_568, %ge3A_574 : vector<16xi32>
    %jit3A_576 = arith.constant 824 : i32
    %jit3A_577 = arith.constant 0 : i32
    %broadcast_in_dim3A_578 = vector.broadcast %jit3A_576 : i32 to vector<16xi32>
    %broadcast_in_dim3A_579 = vector.broadcast %jit3A_577 : i32 to vector<16xi32>
    %select_n3A_580 = arith.select %ge3A_575, %broadcast_in_dim3A_578, %broadcast_in_dim3A_579 : vector<16xi1>, vector<16xi32>
    %add3A_581 = arith.addi %add3A_572, %select_n3A_580 : vector<16xi32>
    %swap3A_582 = arith.constant 0 : i32
    %swap3A_583 = arith.index_cast %swap3A_582 : i32 to index
    %swap3A_584 = arith.constant 64 : index
    %swap3A_585 = tpu.vector_load %arg8[%swap3A_583, %swap3A_584] {strides = array<i32>} : memref<4x128xi32, #tpu.memory_space<vmem>>, vector<1x16xi32>,
    %swap3A_586 = vector.shape_cast %swap3A_585 : vector<1x16xi32> to vector<16xi32>
    %swap3A_587 = vector.shape_cast %add3A_581 : vector<16xi32> to vector<1x16xi32>
    tpu.vector_store %arg8[%swap3A_583, %swap3A_584], %swap3A_587 {strides = array<i32>} : memref<4x128xi32, #tpu.memory_space<vmem>>, vector<1x16xi32>,
    %get3A_588 = arith.constant 80 : index
    %get3A_589 = tpu.vector_load %arg7[%get3A_588] {strides = array<i32>} : memref<512xf32, #tpu.memory_space<vmem>>, vector<16xf32>,
    %get3A_590 = vector.shape_cast %get3A_589 : vector<16xf32> to vector<16xf32>
    %get3A_591 = arith.constant 80 : index
    %get3A_592 = tpu.vector_load %arg6[%get3A_591] {strides = array<i32>} : memref<512xi32, #tpu.memory_space<vmem>>, vector<16xi32>,
    %get3A_593 = vector.shape_cast %get3A_592 : vector<16xi32> to vector<16xi32>
    %broadcast_in_dim3A_594 = arith.constant 0 : i32
    %broadcast_in_dim3A_595 = vector.broadcast %broadcast_in_dim3A_594 : i32 to vector<16xi32>
    %ge3A_596 = arith.constant 1.000000e+00 : f32
    %ge3A_597 = vector.broadcast %ge3A_596 : f32 to vector<16xf32>
    %ge3A_598 = arith.cmpf oge, %get3A_590, %ge3A_597 : vector<16xf32>
    %jit3A_599 = arith.constant 1 : i32
    %jit3A_600 = arith.constant 0 : i32
    %broadcast_in_dim3A_601 = vector.broadcast %jit3A_599 : i32 to vector<16xi32>
    %broadcast_in_dim3A_602 = vector.broadcast %jit3A_600 : i32 to vector<16xi32>
    %select_n3A_603 = arith.select %ge3A_598, %broadcast_in_dim3A_601, %broadcast_in_dim3A_602 : vector<16xi1>, vector<16xi32>
    %add3A_604 = arith.addi %broadcast_in_dim3A_595, %select_n3A_603 : vector<16xi32>
    %ge3A_605 = arith.constant 1.100000e+01 : f32
    %ge3A_606 = vector.broadcast %ge3A_605 : f32 to vector<16xf32>
    %ge3A_607 = arith.cmpf oge, %get3A_590, %ge3A_606 : vector<16xf32>
    %jit3A_608 = arith.constant 1 : i32
    %jit3A_609 = arith.constant 0 : i32
    %broadcast_in_dim3A_610 = vector.broadcast %jit3A_608 : i32 to vector<16xi32>
    %broadcast_in_dim3A_611 = vector.broadcast %jit3A_609 : i32 to vector<16xi32>
    %select_n3A_612 = arith.select %ge3A_607, %broadcast_in_dim3A_610, %broadcast_in_dim3A_611 : vector<16xi1>, vector<16xi32>
    %add3A_613 = arith.addi %add3A_604, %select_n3A_612 : vector<16xi32>
    %ge3A_614 = arith.constant 2.100000e+01 : f32
    %ge3A_615 = vector.broadcast %ge3A_614 : f32 to vector<16xf32>
    %ge3A_616 = arith.cmpf oge, %get3A_590, %ge3A_615 : vector<16xf32>
    %jit3A_617 = arith.constant 1 : i32
    %jit3A_618 = arith.constant 0 : i32
    %broadcast_in_dim3A_619 = vector.broadcast %jit3A_617 : i32 to vector<16xi32>
    %broadcast_in_dim3A_620 = vector.broadcast %jit3A_618 : i32 to vector<16xi32>
    %select_n3A_621 = arith.select %ge3A_616, %broadcast_in_dim3A_619, %broadcast_in_dim3A_620 : vector<16xi1>, vector<16xi32>
    %add3A_622 = arith.addi %add3A_613, %select_n3A_621 : vector<16xi32>
    %ge3A_623 = arith.constant 3.100000e+01 : f32
    %ge3A_624 = vector.broadcast %ge3A_623 : f32 to vector<16xf32>
    %ge3A_625 = arith.cmpf oge, %get3A_590, %ge3A_624 : vector<16xf32>
    %jit3A_626 = arith.constant 1 : i32
    %jit3A_627 = arith.constant 0 : i32
    %broadcast_in_dim3A_628 = vector.broadcast %jit3A_626 : i32 to vector<16xi32>
    %broadcast_in_dim3A_629 = vector.broadcast %jit3A_627 : i32 to vector<16xi32>
    %select_n3A_630 = arith.select %ge3A_625, %broadcast_in_dim3A_628, %broadcast_in_dim3A_629 : vector<16xi1>, vector<16xi32>
    %add3A_631 = arith.addi %add3A_622, %select_n3A_630 : vector<16xi32>
    %ge3A_632 = arith.constant 4.100000e+01 : f32
    %ge3A_633 = vector.broadcast %ge3A_632 : f32 to vector<16xf32>
    %ge3A_634 = arith.cmpf oge, %get3A_590, %ge3A_633 : vector<16xf32>
    %jit3A_635 = arith.constant 1 : i32
    %jit3A_636 = arith.constant 0 : i32
    %broadcast_in_dim3A_637 = vector.broadcast %jit3A_635 : i32 to vector<16xi32>
    %broadcast_in_dim3A_638 = vector.broadcast %jit3A_636 : i32 to vector<16xi32>
    %select_n3A_639 = arith.select %ge3A_634, %broadcast_in_dim3A_637, %broadcast_in_dim3A_638 : vector<16xi1>, vector<16xi32>
    %add3A_640 = arith.addi %add3A_631, %select_n3A_639 : vector<16xi32>
    %ge3A_641 = arith.constant 5.100000e+01 : f32
    %ge3A_642 = vector.broadcast %ge3A_641 : f32 to vector<16xf32>
    %ge3A_643 = arith.cmpf oge, %get3A_590, %ge3A_642 : vector<16xf32>
    %jit3A_644 = arith.constant 1 : i32
    %jit3A_645 = arith.constant 0 : i32
    %broadcast_in_dim3A_646 = vector.broadcast %jit3A_644 : i32 to vector<16xi32>
    %broadcast_in_dim3A_647 = vector.broadcast %jit3A_645 : i32 to vector<16xi32>
    %select_n3A_648 = arith.select %ge3A_643, %broadcast_in_dim3A_646, %broadcast_in_dim3A_647 : vector<16xi1>, vector<16xi32>
    %add3A_649 = arith.addi %add3A_640, %select_n3A_648 : vector<16xi32>
    %ge3A_650 = arith.constant 6.100000e+01 : f32
    %ge3A_651 = vector.broadcast %ge3A_650 : f32 to vector<16xf32>
    %ge3A_652 = arith.cmpf oge, %get3A_590, %ge3A_651 : vector<16xf32>
    %jit3A_653 = arith.constant 1 : i32
    %jit3A_654 = arith.constant 0 : i32
    %broadcast_in_dim3A_655 = vector.broadcast %jit3A_653 : i32 to vector<16xi32>
    %broadcast_in_dim3A_656 = vector.broadcast %jit3A_654 : i32 to vector<16xi32>
    %select_n3A_657 = arith.select %ge3A_652, %broadcast_in_dim3A_655, %broadcast_in_dim3A_656 : vector<16xi1>, vector<16xi32>
    %add3A_658 = arith.addi %add3A_649, %select_n3A_657 : vector<16xi32>
    %ge3A_659 = arith.constant 7.100000e+01 : f32
    %ge3A_660 = vector.broadcast %ge3A_659 : f32 to vector<16xf32>
    %ge3A_661 = arith.cmpf oge, %get3A_590, %ge3A_660 : vector<16xf32>
    %jit3A_662 = arith.constant 1 : i32
    %jit3A_663 = arith.constant 0 : i32
    %broadcast_in_dim3A_664 = vector.broadcast %jit3A_662 : i32 to vector<16xi32>
    %broadcast_in_dim3A_665 = vector.broadcast %jit3A_663 : i32 to vector<16xi32>
    %select_n3A_666 = arith.select %ge3A_661, %broadcast_in_dim3A_664, %broadcast_in_dim3A_665 : vector<16xi1>, vector<16xi32>
    %add3A_667 = arith.addi %add3A_658, %select_n3A_666 : vector<16xi32>
    %ge3A_668 = arith.constant 8.100000e+01 : f32
    %ge3A_669 = vector.broadcast %ge3A_668 : f32 to vector<16xf32>
    %ge3A_670 = arith.cmpf oge, %get3A_590, %ge3A_669 : vector<16xf32>
    %jit3A_671 = arith.constant 1 : i32
    %jit3A_672 = arith.constant 0 : i32
    %broadcast_in_dim3A_673 = vector.broadcast %jit3A_671 : i32 to vector<16xi32>
    %broadcast_in_dim3A_674 = vector.broadcast %jit3A_672 : i32 to vector<16xi32>
    %select_n3A_675 = arith.select %ge3A_670, %broadcast_in_dim3A_673, %broadcast_in_dim3A_674 : vector<16xi1>, vector<16xi32>
    %add3A_676 = arith.addi %add3A_667, %select_n3A_675 : vector<16xi32>
    %ge3A_677 = arith.constant 9.100000e+01 : f32
    %ge3A_678 = vector.broadcast %ge3A_677 : f32 to vector<16xf32>
    %ge3A_679 = arith.cmpf oge, %get3A_590, %ge3A_678 : vector<16xf32>
    %jit3A_680 = arith.constant 1 : i32
    %jit3A_681 = arith.constant 0 : i32
    %broadcast_in_dim3A_682 = vector.broadcast %jit3A_680 : i32 to vector<16xi32>
    %broadcast_in_dim3A_683 = vector.broadcast %jit3A_681 : i32 to vector<16xi32>
    %select_n3A_684 = arith.select %ge3A_679, %broadcast_in_dim3A_682, %broadcast_in_dim3A_683 : vector<16xi1>, vector<16xi32>
    %add3A_685 = arith.addi %add3A_676, %select_n3A_684 : vector<16xi32>
    %mul3A_686 = arith.constant 8 : i32
    %mul3A_687 = vector.broadcast %mul3A_686 : i32 to vector<16xi32>
    %mul3A_688 = arith.muli %get3A_593, %mul3A_687 : vector<16xi32>
    %add3A_689 = arith.addi %mul3A_688, %add3A_685 : vector<16xi32>
    %ge3A_690 = arith.constant 8 : i32
    %ge3A_691 = vector.broadcast %ge3A_690 : i32 to vector<16xi32>
    %ge3A_692 = arith.cmpi sge, %add3A_685, %ge3A_691 : vector<16xi32>
    %jit3A_693 = arith.constant 824 : i32
    %jit3A_694 = arith.constant 0 : i32
    %broadcast_in_dim3A_695 = vector.broadcast %jit3A_693 : i32 to vector<16xi32>
    %broadcast_in_dim3A_696 = vector.broadcast %jit3A_694 : i32 to vector<16xi32>
    %select_n3A_697 = arith.select %ge3A_692, %broadcast_in_dim3A_695, %broadcast_in_dim3A_696 : vector<16xi1>, vector<16xi32>
    %add3A_698 = arith.addi %add3A_689, %select_n3A_697 : vector<16xi32>
    %swap3A_699 = arith.constant 0 : i32
    %swap3A_700 = arith.index_cast %swap3A_699 : i32 to index
    %swap3A_701 = arith.constant 80 : index
    %swap3A_702 = tpu.vector_load %arg8[%swap3A_700, %swap3A_701] {strides = array<i32>} : memref<4x128xi32, #tpu.memory_space<vmem>>, vector<1x16xi32>,
    %swap3A_703 = vector.shape_cast %swap3A_702 : vector<1x16xi32> to vector<16xi32>
    %swap3A_704 = vector.shape_cast %add3A_698 : vector<16xi32> to vector<1x16xi32>
    tpu.vector_store %arg8[%swap3A_700, %swap3A_701], %swap3A_704 {strides = array<i32>} : memref<4x128xi32, #tpu.memory_space<vmem>>, vector<1x16xi32>,
    %get3A_705 = arith.constant 96 : index
    %get3A_706 = tpu.vector_load %arg7[%get3A_705] {strides = array<i32>} : memref<512xf32, #tpu.memory_space<vmem>>, vector<16xf32>,
    %get3A_707 = vector.shape_cast %get3A_706 : vector<16xf32> to vector<16xf32>
    %get3A_708 = arith.constant 96 : index
    %get3A_709 = tpu.vector_load %arg6[%get3A_708] {strides = array<i32>} : memref<512xi32, #tpu.memory_space<vmem>>, vector<16xi32>,
    %get3A_710 = vector.shape_cast %get3A_709 : vector<16xi32> to vector<16xi32>
    %broadcast_in_dim3A_711 = arith.constant 0 : i32
    %broadcast_in_dim3A_712 = vector.broadcast %broadcast_in_dim3A_711 : i32 to vector<16xi32>
    %ge3A_713 = arith.constant 1.000000e+00 : f32
    %ge3A_714 = vector.broadcast %ge3A_713 : f32 to vector<16xf32>
    %ge3A_715 = arith.cmpf oge, %get3A_707, %ge3A_714 : vector<16xf32>
    %jit3A_716 = arith.constant 1 : i32
    %jit3A_717 = arith.constant 0 : i32
    %broadcast_in_dim3A_718 = vector.broadcast %jit3A_716 : i32 to vector<16xi32>
    %broadcast_in_dim3A_719 = vector.broadcast %jit3A_717 : i32 to vector<16xi32>
    %select_n3A_720 = arith.select %ge3A_715, %broadcast_in_dim3A_718, %broadcast_in_dim3A_719 : vector<16xi1>, vector<16xi32>
    %add3A_721 = arith.addi %broadcast_in_dim3A_712, %select_n3A_720 : vector<16xi32>
    %ge3A_722 = arith.constant 1.100000e+01 : f32
    %ge3A_723 = vector.broadcast %ge3A_722 : f32 to vector<16xf32>
    %ge3A_724 = arith.cmpf oge, %get3A_707, %ge3A_723 : vector<16xf32>
    %jit3A_725 = arith.constant 1 : i32
    %jit3A_726 = arith.constant 0 : i32
    %broadcast_in_dim3A_727 = vector.broadcast %jit3A_725 : i32 to vector<16xi32>
    %broadcast_in_dim3A_728 = vector.broadcast %jit3A_726 : i32 to vector<16xi32>
    %select_n3A_729 = arith.select %ge3A_724, %broadcast_in_dim3A_727, %broadcast_in_dim3A_728 : vector<16xi1>, vector<16xi32>
    %add3A_730 = arith.addi %add3A_721, %select_n3A_729 : vector<16xi32>
    %ge3A_731 = arith.constant 2.100000e+01 : f32
    %ge3A_732 = vector.broadcast %ge3A_731 : f32 to vector<16xf32>
    %ge3A_733 = arith.cmpf oge, %get3A_707, %ge3A_732 : vector<16xf32>
    %jit3A_734 = arith.constant 1 : i32
    %jit3A_735 = arith.constant 0 : i32
    %broadcast_in_dim3A_736 = vector.broadcast %jit3A_734 : i32 to vector<16xi32>
    %broadcast_in_dim3A_737 = vector.broadcast %jit3A_735 : i32 to vector<16xi32>
    %select_n3A_738 = arith.select %ge3A_733, %broadcast_in_dim3A_736, %broadcast_in_dim3A_737 : vector<16xi1>, vector<16xi32>
    %add3A_739 = arith.addi %add3A_730, %select_n3A_738 : vector<16xi32>
    %ge3A_740 = arith.constant 3.100000e+01 : f32
    %ge3A_741 = vector.broadcast %ge3A_740 : f32 to vector<16xf32>
    %ge3A_742 = arith.cmpf oge, %get3A_707, %ge3A_741 : vector<16xf32>
    %jit3A_743 = arith.constant 1 : i32
    %jit3A_744 = arith.constant 0 : i32
    %broadcast_in_dim3A_745 = vector.broadcast %jit3A_743 : i32 to vector<16xi32>
    %broadcast_in_dim3A_746 = vector.broadcast %jit3A_744 : i32 to vector<16xi32>
    %select_n3A_747 = arith.select %ge3A_742, %broadcast_in_dim3A_745, %broadcast_in_dim3A_746 : vector<16xi1>, vector<16xi32>
    %add3A_748 = arith.addi %add3A_739, %select_n3A_747 : vector<16xi32>
    %ge3A_749 = arith.constant 4.100000e+01 : f32
    %ge3A_750 = vector.broadcast %ge3A_749 : f32 to vector<16xf32>
    %ge3A_751 = arith.cmpf oge, %get3A_707, %ge3A_750 : vector<16xf32>
    %jit3A_752 = arith.constant 1 : i32
    %jit3A_753 = arith.constant 0 : i32
    %broadcast_in_dim3A_754 = vector.broadcast %jit3A_752 : i32 to vector<16xi32>
    %broadcast_in_dim3A_755 = vector.broadcast %jit3A_753 : i32 to vector<16xi32>
    %select_n3A_756 = arith.select %ge3A_751, %broadcast_in_dim3A_754, %broadcast_in_dim3A_755 : vector<16xi1>, vector<16xi32>
    %add3A_757 = arith.addi %add3A_748, %select_n3A_756 : vector<16xi32>
    %ge3A_758 = arith.constant 5.100000e+01 : f32
    %ge3A_759 = vector.broadcast %ge3A_758 : f32 to vector<16xf32>
    %ge3A_760 = arith.cmpf oge, %get3A_707, %ge3A_759 : vector<16xf32>
    %jit3A_761 = arith.constant 1 : i32
    %jit3A_762 = arith.constant 0 : i32
    %broadcast_in_dim3A_763 = vector.broadcast %jit3A_761 : i32 to vector<16xi32>
    %broadcast_in_dim3A_764 = vector.broadcast %jit3A_762 : i32 to vector<16xi32>
    %select_n3A_765 = arith.select %ge3A_760, %broadcast_in_dim3A_763, %broadcast_in_dim3A_764 : vector<16xi1>, vector<16xi32>
    %add3A_766 = arith.addi %add3A_757, %select_n3A_765 : vector<16xi32>
    %ge3A_767 = arith.constant 6.100000e+01 : f32
    %ge3A_768 = vector.broadcast %ge3A_767 : f32 to vector<16xf32>
    %ge3A_769 = arith.cmpf oge, %get3A_707, %ge3A_768 : vector<16xf32>
    %jit3A_770 = arith.constant 1 : i32
    %jit3A_771 = arith.constant 0 : i32
    %broadcast_in_dim3A_772 = vector.broadcast %jit3A_770 : i32 to vector<16xi32>
    %broadcast_in_dim3A_773 = vector.broadcast %jit3A_771 : i32 to vector<16xi32>
    %select_n3A_774 = arith.select %ge3A_769, %broadcast_in_dim3A_772, %broadcast_in_dim3A_773 : vector<16xi1>, vector<16xi32>
    %add3A_775 = arith.addi %add3A_766, %select_n3A_774 : vector<16xi32>
    %ge3A_776 = arith.constant 7.100000e+01 : f32
    %ge3A_777 = vector.broadcast %ge3A_776 : f32 to vector<16xf32>
    %ge3A_778 = arith.cmpf oge, %get3A_707, %ge3A_777 : vector<16xf32>
    %jit3A_779 = arith.constant 1 : i32
    %jit3A_780 = arith.constant 0 : i32
    %broadcast_in_dim3A_781 = vector.broadcast %jit3A_779 : i32 to vector<16xi32>
    %broadcast_in_dim3A_782 = vector.broadcast %jit3A_780 : i32 to vector<16xi32>
    %select_n3A_783 = arith.select %ge3A_778, %broadcast_in_dim3A_781, %broadcast_in_dim3A_782 : vector<16xi1>, vector<16xi32>
    %add3A_784 = arith.addi %add3A_775, %select_n3A_783 : vector<16xi32>
    %ge3A_785 = arith.constant 8.100000e+01 : f32
    %ge3A_786 = vector.broadcast %ge3A_785 : f32 to vector<16xf32>
    %ge3A_787 = arith.cmpf oge, %get3A_707, %ge3A_786 : vector<16xf32>
    %jit3A_788 = arith.constant 1 : i32
    %jit3A_789 = arith.constant 0 : i32
    %broadcast_in_dim3A_790 = vector.broadcast %jit3A_788 : i32 to vector<16xi32>
    %broadcast_in_dim3A_791 = vector.broadcast %jit3A_789 : i32 to vector<16xi32>
    %select_n3A_792 = arith.select %ge3A_787, %broadcast_in_dim3A_790, %broadcast_in_dim3A_791 : vector<16xi1>, vector<16xi32>
    %add3A_793 = arith.addi %add3A_784, %select_n3A_792 : vector<16xi32>
    %ge3A_794 = arith.constant 9.100000e+01 : f32
    %ge3A_795 = vector.broadcast %ge3A_794 : f32 to vector<16xf32>
    %ge3A_796 = arith.cmpf oge, %get3A_707, %ge3A_795 : vector<16xf32>
    %jit3A_797 = arith.constant 1 : i32
    %jit3A_798 = arith.constant 0 : i32
    %broadcast_in_dim3A_799 = vector.broadcast %jit3A_797 : i32 to vector<16xi32>
    %broadcast_in_dim3A_800 = vector.broadcast %jit3A_798 : i32 to vector<16xi32>
    %select_n3A_801 = arith.select %ge3A_796, %broadcast_in_dim3A_799, %broadcast_in_dim3A_800 : vector<16xi1>, vector<16xi32>
    %add3A_802 = arith.addi %add3A_793, %select_n3A_801 : vector<16xi32>
    %mul3A_803 = arith.constant 8 : i32
    %mul3A_804 = vector.broadcast %mul3A_803 : i32 to vector<16xi32>
    %mul3A_805 = arith.muli %get3A_710, %mul3A_804 : vector<16xi32>
    %add3A_806 = arith.addi %mul3A_805, %add3A_802 : vector<16xi32>
    %ge3A_807 = arith.constant 8 : i32
    %ge3A_808 = vector.broadcast %ge3A_807 : i32 to vector<16xi32>
    %ge3A_809 = arith.cmpi sge, %add3A_802, %ge3A_808 : vector<16xi32>
    %jit3A_810 = arith.constant 824 : i32
    %jit3A_811 = arith.constant 0 : i32
    %broadcast_in_dim3A_812 = vector.broadcast %jit3A_810 : i32 to vector<16xi32>
    %broadcast_in_dim3A_813 = vector.broadcast %jit3A_811 : i32 to vector<16xi32>
    %select_n3A_814 = arith.select %ge3A_809, %broadcast_in_dim3A_812, %broadcast_in_dim3A_813 : vector<16xi1>, vector<16xi32>
    %add3A_815 = arith.addi %add3A_806, %select_n3A_814 : vector<16xi32>
    %swap3A_816 = arith.constant 0 : i32
    %swap3A_817 = arith.index_cast %swap3A_816 : i32 to index
    %swap3A_818 = arith.constant 96 : index
    %swap3A_819 = tpu.vector_load %arg8[%swap3A_817, %swap3A_818] {strides = array<i32>} : memref<4x128xi32, #tpu.memory_space<vmem>>, vector<1x16xi32>,
    %swap3A_820 = vector.shape_cast %swap3A_819 : vector<1x16xi32> to vector<16xi32>
    %swap3A_821 = vector.shape_cast %add3A_815 : vector<16xi32> to vector<1x16xi32>
    tpu.vector_store %arg8[%swap3A_817, %swap3A_818], %swap3A_821 {strides = array<i32>} : memref<4x128xi32, #tpu.memory_space<vmem>>, vector<1x16xi32>,
    %get3A_822 = arith.constant 112 : index
    %get3A_823 = tpu.vector_load %arg7[%get3A_822] {strides = array<i32>} : memref<512xf32, #tpu.memory_space<vmem>>, vector<16xf32>,
    %get3A_824 = vector.shape_cast %get3A_823 : vector<16xf32> to vector<16xf32>
    %get3A_825 = arith.constant 112 : index
    %get3A_826 = tpu.vector_load %arg6[%get3A_825] {strides = array<i32>} : memref<512xi32, #tpu.memory_space<vmem>>, vector<16xi32>,
    %get3A_827 = vector.shape_cast %get3A_826 : vector<16xi32> to vector<16xi32>
    %broadcast_in_dim3A_828 = arith.constant 0 : i32
    %broadcast_in_dim3A_829 = vector.broadcast %broadcast_in_dim3A_828 : i32 to vector<16xi32>
    %ge3A_830 = arith.constant 1.000000e+00 : f32
    %ge3A_831 = vector.broadcast %ge3A_830 : f32 to vector<16xf32>
    %ge3A_832 = arith.cmpf oge, %get3A_824, %ge3A_831 : vector<16xf32>
    %jit3A_833 = arith.constant 1 : i32
    %jit3A_834 = arith.constant 0 : i32
    %broadcast_in_dim3A_835 = vector.broadcast %jit3A_833 : i32 to vector<16xi32>
    %broadcast_in_dim3A_836 = vector.broadcast %jit3A_834 : i32 to vector<16xi32>
    %select_n3A_837 = arith.select %ge3A_832, %broadcast_in_dim3A_835, %broadcast_in_dim3A_836 : vector<16xi1>, vector<16xi32>
    %add3A_838 = arith.addi %broadcast_in_dim3A_829, %select_n3A_837 : vector<16xi32>
    %ge3A_839 = arith.constant 1.100000e+01 : f32
    %ge3A_840 = vector.broadcast %ge3A_839 : f32 to vector<16xf32>
    %ge3A_841 = arith.cmpf oge, %get3A_824, %ge3A_840 : vector<16xf32>
    %jit3A_842 = arith.constant 1 : i32
    %jit3A_843 = arith.constant 0 : i32
    %broadcast_in_dim3A_844 = vector.broadcast %jit3A_842 : i32 to vector<16xi32>
    %broadcast_in_dim3A_845 = vector.broadcast %jit3A_843 : i32 to vector<16xi32>
    %select_n3A_846 = arith.select %ge3A_841, %broadcast_in_dim3A_844, %broadcast_in_dim3A_845 : vector<16xi1>, vector<16xi32>
    %add3A_847 = arith.addi %add3A_838, %select_n3A_846 : vector<16xi32>
    %ge3A_848 = arith.constant 2.100000e+01 : f32
    %ge3A_849 = vector.broadcast %ge3A_848 : f32 to vector<16xf32>
    %ge3A_850 = arith.cmpf oge, %get3A_824, %ge3A_849 : vector<16xf32>
    %jit3A_851 = arith.constant 1 : i32
    %jit3A_852 = arith.constant 0 : i32
    %broadcast_in_dim3A_853 = vector.broadcast %jit3A_851 : i32 to vector<16xi32>
    %broadcast_in_dim3A_854 = vector.broadcast %jit3A_852 : i32 to vector<16xi32>
    %select_n3A_855 = arith.select %ge3A_850, %broadcast_in_dim3A_853, %broadcast_in_dim3A_854 : vector<16xi1>, vector<16xi32>
    %add3A_856 = arith.addi %add3A_847, %select_n3A_855 : vector<16xi32>
    %ge3A_857 = arith.constant 3.100000e+01 : f32
    %ge3A_858 = vector.broadcast %ge3A_857 : f32 to vector<16xf32>
    %ge3A_859 = arith.cmpf oge, %get3A_824, %ge3A_858 : vector<16xf32>
    %jit3A_860 = arith.constant 1 : i32
    %jit3A_861 = arith.constant 0 : i32
    %broadcast_in_dim3A_862 = vector.broadcast %jit3A_860 : i32 to vector<16xi32>
    %broadcast_in_dim3A_863 = vector.broadcast %jit3A_861 : i32 to vector<16xi32>
    %select_n3A_864 = arith.select %ge3A_859, %broadcast_in_dim3A_862, %broadcast_in_dim3A_863 : vector<16xi1>, vector<16xi32>
    %add3A_865 = arith.addi %add3A_856, %select_n3A_864 : vector<16xi32>
    %ge3A_866 = arith.constant 4.100000e+01 : f32
    %ge3A_867 = vector.broadcast %ge3A_866 : f32 to vector<16xf32>
    %ge3A_868 = arith.cmpf oge, %get3A_824, %ge3A_867 : vector<16xf32>
    %jit3A_869 = arith.constant 1 : i32
    %jit3A_870 = arith.constant 0 : i32
    %broadcast_in_dim3A_871 = vector.broadcast %jit3A_869 : i32 to vector<16xi32>
    %broadcast_in_dim3A_872 = vector.broadcast %jit3A_870 : i32 to vector<16xi32>
    %select_n3A_873 = arith.select %ge3A_868, %broadcast_in_dim3A_871, %broadcast_in_dim3A_872 : vector<16xi1>, vector<16xi32>
    %add3A_874 = arith.addi %add3A_865, %select_n3A_873 : vector<16xi32>
    %ge3A_875 = arith.constant 5.100000e+01 : f32
    %ge3A_876 = vector.broadcast %ge3A_875 : f32 to vector<16xf32>
    %ge3A_877 = arith.cmpf oge, %get3A_824, %ge3A_876 : vector<16xf32>
    %jit3A_878 = arith.constant 1 : i32
    %jit3A_879 = arith.constant 0 : i32
    %broadcast_in_dim3A_880 = vector.broadcast %jit3A_878 : i32 to vector<16xi32>
    %broadcast_in_dim3A_881 = vector.broadcast %jit3A_879 : i32 to vector<16xi32>
    %select_n3A_882 = arith.select %ge3A_877, %broadcast_in_dim3A_880, %broadcast_in_dim3A_881 : vector<16xi1>, vector<16xi32>
    %add3A_883 = arith.addi %add3A_874, %select_n3A_882 : vector<16xi32>
    %ge3A_884 = arith.constant 6.100000e+01 : f32
    %ge3A_885 = vector.broadcast %ge3A_884 : f32 to vector<16xf32>
    %ge3A_886 = arith.cmpf oge, %get3A_824, %ge3A_885 : vector<16xf32>
    %jit3A_887 = arith.constant 1 : i32
    %jit3A_888 = arith.constant 0 : i32
    %broadcast_in_dim3A_889 = vector.broadcast %jit3A_887 : i32 to vector<16xi32>
    %broadcast_in_dim3A_890 = vector.broadcast %jit3A_888 : i32 to vector<16xi32>
    %select_n3A_891 = arith.select %ge3A_886, %broadcast_in_dim3A_889, %broadcast_in_dim3A_890 : vector<16xi1>, vector<16xi32>
    %add3A_892 = arith.addi %add3A_883, %select_n3A_891 : vector<16xi32>
    %ge3A_893 = arith.constant 7.100000e+01 : f32
    %ge3A_894 = vector.broadcast %ge3A_893 : f32 to vector<16xf32>
    %ge3A_895 = arith.cmpf oge, %get3A_824, %ge3A_894 : vector<16xf32>
    %jit3A_896 = arith.constant 1 : i32
    %jit3A_897 = arith.constant 0 : i32
    %broadcast_in_dim3A_898 = vector.broadcast %jit3A_896 : i32 to vector<16xi32>
    %broadcast_in_dim3A_899 = vector.broadcast %jit3A_897 : i32 to vector<16xi32>
    %select_n3A_900 = arith.select %ge3A_895, %broadcast_in_dim3A_898, %broadcast_in_dim3A_899 : vector<16xi1>, vector<16xi32>
    %add3A_901 = arith.addi %add3A_892, %select_n3A_900 : vector<16xi32>
    %ge3A_902 = arith.constant 8.100000e+01 : f32
    %ge3A_903 = vector.broadcast %ge3A_902 : f32 to vector<16xf32>
    %ge3A_904 = arith.cmpf oge, %get3A_824, %ge3A_903 : vector<16xf32>
    %jit3A_905 = arith.constant 1 : i32
    %jit3A_906 = arith.constant 0 : i32
    %broadcast_in_dim3A_907 = vector.broadcast %jit3A_905 : i32 to vector<16xi32>
    %broadcast_in_dim3A_908 = vector.broadcast %jit3A_906 : i32 to vector<16xi32>
    %select_n3A_909 = arith.select %ge3A_904, %broadcast_in_dim3A_907, %broadcast_in_dim3A_908 : vector<16xi1>, vector<16xi32>
    %add3A_910 = arith.addi %add3A_901, %select_n3A_909 : vector<16xi32>
    %ge3A_911 = arith.constant 9.100000e+01 : f32
    %ge3A_912 = vector.broadcast %ge3A_911 : f32 to vector<16xf32>
    %ge3A_913 = arith.cmpf oge, %get3A_824, %ge3A_912 : vector<16xf32>
    %jit3A_914 = arith.constant 1 : i32
    %jit3A_915 = arith.constant 0 : i32
    %broadcast_in_dim3A_916 = vector.broadcast %jit3A_914 : i32 to vector<16xi32>
    %broadcast_in_dim3A_917 = vector.broadcast %jit3A_915 : i32 to vector<16xi32>
    %select_n3A_918 = arith.select %ge3A_913, %broadcast_in_dim3A_916, %broadcast_in_dim3A_917 : vector<16xi1>, vector<16xi32>
    %add3A_919 = arith.addi %add3A_910, %select_n3A_918 : vector<16xi32>
    %mul3A_920 = arith.constant 8 : i32
    %mul3A_921 = vector.broadcast %mul3A_920 : i32 to vector<16xi32>
    %mul3A_922 = arith.muli %get3A_827, %mul3A_921 : vector<16xi32>
    %add3A_923 = arith.addi %mul3A_922, %add3A_919 : vector<16xi32>
    %ge3A_924 = arith.constant 8 : i32
    %ge3A_925 = vector.broadcast %ge3A_924 : i32 to vector<16xi32>
    %ge3A_926 = arith.cmpi sge, %add3A_919, %ge3A_925 : vector<16xi32>
    %jit3A_927 = arith.constant 824 : i32
    %jit3A_928 = arith.constant 0 : i32
    %broadcast_in_dim3A_929 = vector.broadcast %jit3A_927 : i32 to vector<16xi32>
    %broadcast_in_dim3A_930 = vector.broadcast %jit3A_928 : i32 to vector<16xi32>
    %select_n3A_931 = arith.select %ge3A_926, %broadcast_in_dim3A_929, %broadcast_in_dim3A_930 : vector<16xi1>, vector<16xi32>
    %add3A_932 = arith.addi %add3A_923, %select_n3A_931 : vector<16xi32>
    %swap3A_933 = arith.constant 0 : i32
    %swap3A_934 = arith.index_cast %swap3A_933 : i32 to index
    %swap3A_935 = arith.constant 112 : index
    %swap3A_936 = tpu.vector_load %arg8[%swap3A_934, %swap3A_935] {strides = array<i32>} : memref<4x128xi32, #tpu.memory_space<vmem>>, vector<1x16xi32>,
    %swap3A_937 = vector.shape_cast %swap3A_936 : vector<1x16xi32> to vector<16xi32>
    %swap3A_938 = vector.shape_cast %add3A_932 : vector<16xi32> to vector<1x16xi32>
    tpu.vector_store %arg8[%swap3A_934, %swap3A_935], %swap3A_938 {strides = array<i32>} : memref<4x128xi32, #tpu.memory_space<vmem>>, vector<1x16xi32>,
    %dma_start3A_939 = arith.constant 0 : i32
    %dma_start3A_940 = arith.constant 0 : i32
    %dma_start3A_941 = arith.constant 0 : i32
    %dma_start3A_942 = tpu.memref_slice %arg9[%dma_start3A_940, %dma_start3A_941] : memref<512x16xf32, #tpu.memory_space<vmem>> -> memref<128x16xf32, #tpu.memory_space<vmem>>
    %dma_start3A_943 = arith.constant 0 : i32
    %dma_start3A_944 = tpu.memref_slice %arg8[%dma_start3A_939, %dma_start3A_943] : memref<4x128xi32, #tpu.memory_space<vmem>> -> memref<1x128xi32, #tpu.memory_space<vmem>>
    %dma_start3A_945 = tpu.memref_squeeze %dma_start3A_944 : memref<1x128xi32, #tpu.memory_space<vmem>> -> memref<128xi32, #tpu.memory_space<vmem>>
    %dma_start3A_946 = arith.constant 0 : i32
    %dma_start3A_947 = arith.constant 0 : i32
    %dma_start3A_948 = tpu.memref_slice %arg4[%dma_start3A_946, %dma_start3A_947] : memref<1664x16xf32, #tpu.memory_space<hbm>> -> memref<1664x16xf32, #tpu.memory_space<hbm>>
    tpu.enqueue_indirect_dma source(%dma_start3A_948 : memref<1664x16xf32, #tpu.memory_space<hbm>>) target(%dma_start3A_942 : memref<128x16xf32, #tpu.memory_space<vmem>>) offsets(%dma_start3A_945 : memref<128xi32, #tpu.memory_space<vmem>>) semaphore(%arg11 : memref<!tpu.dma_semaphore, #tpu.memory_space<semaphore_mem>>)
    %get3A_949 = arith.constant 128 : index
    %get3A_950 = tpu.vector_load %arg7[%get3A_949] {strides = array<i32>} : memref<512xf32, #tpu.memory_space<vmem>>, vector<16xf32>,
    %get3A_951 = vector.shape_cast %get3A_950 : vector<16xf32> to vector<16xf32>
    %get3A_952 = arith.constant 128 : index
    %get3A_953 = tpu.vector_load %arg6[%get3A_952] {strides = array<i32>} : memref<512xi32, #tpu.memory_space<vmem>>, vector<16xi32>,
    %get3A_954 = vector.shape_cast %get3A_953 : vector<16xi32> to vector<16xi32>
    %broadcast_in_dim3A_955 = arith.constant 0 : i32
    %broadcast_in_dim3A_956 = vector.broadcast %broadcast_in_dim3A_955 : i32 to vector<16xi32>
    %ge3A_957 = arith.constant 1.000000e+00 : f32
    %ge3A_958 = vector.broadcast %ge3A_957 : f32 to vector<16xf32>
    %ge3A_959 = arith.cmpf oge, %get3A_951, %ge3A_958 : vector<16xf32>
    %jit3A_960 = arith.constant 1 : i32
    %jit3A_961 = arith.constant 0 : i32
    %broadcast_in_dim3A_962 = vector.broadcast %jit3A_960 : i32 to vector<16xi32>
    %broadcast_in_dim3A_963 = vector.broadcast %jit3A_961 : i32 to vector<16xi32>
    %select_n3A_964 = arith.select %ge3A_959, %broadcast_in_dim3A_962, %broadcast_in_dim3A_963 : vector<16xi1>, vector<16xi32>
    %add3A_965 = arith.addi %broadcast_in_dim3A_956, %select_n3A_964 : vector<16xi32>
    %ge3A_966 = arith.constant 1.100000e+01 : f32
    %ge3A_967 = vector.broadcast %ge3A_966 : f32 to vector<16xf32>
    %ge3A_968 = arith.cmpf oge, %get3A_951, %ge3A_967 : vector<16xf32>
    %jit3A_969 = arith.constant 1 : i32
    %jit3A_970 = arith.constant 0 : i32
    %broadcast_in_dim3A_971 = vector.broadcast %jit3A_969 : i32 to vector<16xi32>
    %broadcast_in_dim3A_972 = vector.broadcast %jit3A_970 : i32 to vector<16xi32>
    %select_n3A_973 = arith.select %ge3A_968, %broadcast_in_dim3A_971, %broadcast_in_dim3A_972 : vector<16xi1>, vector<16xi32>
    %add3A_974 = arith.addi %add3A_965, %select_n3A_973 : vector<16xi32>
    %ge3A_975 = arith.constant 2.100000e+01 : f32
    %ge3A_976 = vector.broadcast %ge3A_975 : f32 to vector<16xf32>
    %ge3A_977 = arith.cmpf oge, %get3A_951, %ge3A_976 : vector<16xf32>
    %jit3A_978 = arith.constant 1 : i32
    %jit3A_979 = arith.constant 0 : i32
    %broadcast_in_dim3A_980 = vector.broadcast %jit3A_978 : i32 to vector<16xi32>
    %broadcast_in_dim3A_981 = vector.broadcast %jit3A_979 : i32 to vector<16xi32>
    %select_n3A_982 = arith.select %ge3A_977, %broadcast_in_dim3A_980, %broadcast_in_dim3A_981 : vector<16xi1>, vector<16xi32>
    %add3A_983 = arith.addi %add3A_974, %select_n3A_982 : vector<16xi32>
    %ge3A_984 = arith.constant 3.100000e+01 : f32
    %ge3A_985 = vector.broadcast %ge3A_984 : f32 to vector<16xf32>
    %ge3A_986 = arith.cmpf oge, %get3A_951, %ge3A_985 : vector<16xf32>
    %jit3A_987 = arith.constant 1 : i32
    %jit3A_988 = arith.constant 0 : i32
    %broadcast_in_dim3A_989 = vector.broadcast %jit3A_987 : i32 to vector<16xi32>
    %broadcast_in_dim3A_990 = vector.broadcast %jit3A_988 : i32 to vector<16xi32>
    %select_n3A_991 = arith.select %ge3A_986, %broadcast_in_dim3A_989, %broadcast_in_dim3A_990 : vector<16xi1>, vector<16xi32>
    %add3A_992 = arith.addi %add3A_983, %select_n3A_991 : vector<16xi32>
    %ge3A_993 = arith.constant 4.100000e+01 : f32
    %ge3A_994 = vector.broadcast %ge3A_993 : f32 to vector<16xf32>
    %ge3A_995 = arith.cmpf oge, %get3A_951, %ge3A_994 : vector<16xf32>
    %jit3A_996 = arith.constant 1 : i32
    %jit3A_997 = arith.constant 0 : i32
    %broadcast_in_dim3A_998 = vector.broadcast %jit3A_996 : i32 to vector<16xi32>
    %broadcast_in_dim3A_999 = vector.broadcast %jit3A_997 : i32 to vector<16xi32>
    %select_n3A_1000 = arith.select %ge3A_995, %broadcast_in_dim3A_998, %broadcast_in_dim3A_999 : vector<16xi1>, vector<16xi32>
    %add3A_1001 = arith.addi %add3A_992, %select_n3A_1000 : vector<16xi32>
    %ge3A_1002 = arith.constant 5.100000e+01 : f32
    %ge3A_1003 = vector.broadcast %ge3A_1002 : f32 to vector<16xf32>
    %ge3A_1004 = arith.cmpf oge, %get3A_951, %ge3A_1003 : vector<16xf32>
    %jit3A_1005 = arith.constant 1 : i32
    %jit3A_1006 = arith.constant 0 : i32
    %broadcast_in_dim3A_1007 = vector.broadcast %jit3A_1005 : i32 to vector<16xi32>
    %broadcast_in_dim3A_1008 = vector.broadcast %jit3A_1006 : i32 to vector<16xi32>
    %select_n3A_1009 = arith.select %ge3A_1004, %broadcast_in_dim3A_1007, %broadcast_in_dim3A_1008 : vector<16xi1>, vector<16xi32>
    %add3A_1010 = arith.addi %add3A_1001, %select_n3A_1009 : vector<16xi32>
    %ge3A_1011 = arith.constant 6.100000e+01 : f32
    %ge3A_1012 = vector.broadcast %ge3A_1011 : f32 to vector<16xf32>
    %ge3A_1013 = arith.cmpf oge, %get3A_951, %ge3A_1012 : vector<16xf32>
    %jit3A_1014 = arith.constant 1 : i32
    %jit3A_1015 = arith.constant 0 : i32
    %broadcast_in_dim3A_1016 = vector.broadcast %jit3A_1014 : i32 to vector<16xi32>
    %broadcast_in_dim3A_1017 = vector.broadcast %jit3A_1015 : i32 to vector<16xi32>
    %select_n3A_1018 = arith.select %ge3A_1013, %broadcast_in_dim3A_1016, %broadcast_in_dim3A_1017 : vector<16xi1>, vector<16xi32>
    %add3A_1019 = arith.addi %add3A_1010, %select_n3A_1018 : vector<16xi32>
    %ge3A_1020 = arith.constant 7.100000e+01 : f32
    %ge3A_1021 = vector.broadcast %ge3A_1020 : f32 to vector<16xf32>
    %ge3A_1022 = arith.cmpf oge, %get3A_951, %ge3A_1021 : vector<16xf32>
    %jit3A_1023 = arith.constant 1 : i32
    %jit3A_1024 = arith.constant 0 : i32
    %broadcast_in_dim3A_1025 = vector.broadcast %jit3A_1023 : i32 to vector<16xi32>
    %broadcast_in_dim3A_1026 = vector.broadcast %jit3A_1024 : i32 to vector<16xi32>
    %select_n3A_1027 = arith.select %ge3A_1022, %broadcast_in_dim3A_1025, %broadcast_in_dim3A_1026 : vector<16xi1>, vector<16xi32>
    %add3A_1028 = arith.addi %add3A_1019, %select_n3A_1027 : vector<16xi32>
    %ge3A_1029 = arith.constant 8.100000e+01 : f32
    %ge3A_1030 = vector.broadcast %ge3A_1029 : f32 to vector<16xf32>
    %ge3A_1031 = arith.cmpf oge, %get3A_951, %ge3A_1030 : vector<16xf32>
    %jit3A_1032 = arith.constant 1 : i32
    %jit3A_1033 = arith.constant 0 : i32
    %broadcast_in_dim3A_1034 = vector.broadcast %jit3A_1032 : i32 to vector<16xi32>
    %broadcast_in_dim3A_1035 = vector.broadcast %jit3A_1033 : i32 to vector<16xi32>
    %select_n3A_1036 = arith.select %ge3A_1031, %broadcast_in_dim3A_1034, %broadcast_in_dim3A_1035 : vector<16xi1>, vector<16xi32>
    %add3A_1037 = arith.addi %add3A_1028, %select_n3A_1036 : vector<16xi32>
    %ge3A_1038 = arith.constant 9.100000e+01 : f32
    %ge3A_1039 = vector.broadcast %ge3A_1038 : f32 to vector<16xf32>
    %ge3A_1040 = arith.cmpf oge, %get3A_951, %ge3A_1039 : vector<16xf32>
    %jit3A_1041 = arith.constant 1 : i32
    %jit3A_1042 = arith.constant 0 : i32
    %broadcast_in_dim3A_1043 = vector.broadcast %jit3A_1041 : i32 to vector<16xi32>
    %broadcast_in_dim3A_1044 = vector.broadcast %jit3A_1042 : i32 to vector<16xi32>
    %select_n3A_1045 = arith.select %ge3A_1040, %broadcast_in_dim3A_1043, %broadcast_in_dim3A_1044 : vector<16xi1>, vector<16xi32>
    %add3A_1046 = arith.addi %add3A_1037, %select_n3A_1045 : vector<16xi32>
    %mul3A_1047 = arith.constant 8 : i32
    %mul3A_1048 = vector.broadcast %mul3A_1047 : i32 to vector<16xi32>
    %mul3A_1049 = arith.muli %get3A_954, %mul3A_1048 : vector<16xi32>
    %add3A_1050 = arith.addi %mul3A_1049, %add3A_1046 : vector<16xi32>
    %ge3A_1051 = arith.constant 8 : i32
    %ge3A_1052 = vector.broadcast %ge3A_1051 : i32 to vector<16xi32>
    %ge3A_1053 = arith.cmpi sge, %add3A_1046, %ge3A_1052 : vector<16xi32>
    %jit3A_1054 = arith.constant 824 : i32
    %jit3A_1055 = arith.constant 0 : i32
    %broadcast_in_dim3A_1056 = vector.broadcast %jit3A_1054 : i32 to vector<16xi32>
    %broadcast_in_dim3A_1057 = vector.broadcast %jit3A_1055 : i32 to vector<16xi32>
    %select_n3A_1058 = arith.select %ge3A_1053, %broadcast_in_dim3A_1056, %broadcast_in_dim3A_1057 : vector<16xi1>, vector<16xi32>
    %add3A_1059 = arith.addi %add3A_1050, %select_n3A_1058 : vector<16xi32>
    %swap3A_1060 = arith.constant 1 : i32
    %swap3A_1061 = arith.index_cast %swap3A_1060 : i32 to index
    %swap3A_1062 = arith.constant 0 : index
    %swap3A_1063 = tpu.vector_load %arg8[%swap3A_1061, %swap3A_1062] {strides = array<i32>} : memref<4x128xi32, #tpu.memory_space<vmem>>, vector<1x16xi32>,
    %swap3A_1064 = vector.shape_cast %swap3A_1063 : vector<1x16xi32> to vector<16xi32>
    %swap3A_1065 = vector.shape_cast %add3A_1059 : vector<16xi32> to vector<1x16xi32>
    tpu.vector_store %arg8[%swap3A_1061, %swap3A_1062], %swap3A_1065 {strides = array<i32>} : memref<4x128xi32, #tpu.memory_space<vmem>>, vector<1x16xi32>,
    %get3A_1066 = arith.constant 144 : index
    %get3A_1067 = tpu.vector_load %arg7[%get3A_1066] {strides = array<i32>} : memref<512xf32, #tpu.memory_space<vmem>>, vector<16xf32>,
    %get3A_1068 = vector.shape_cast %get3A_1067 : vector<16xf32> to vector<16xf32>
    %get3A_1069 = arith.constant 144 : index
    %get3A_1070 = tpu.vector_load %arg6[%get3A_1069] {strides = array<i32>} : memref<512xi32, #tpu.memory_space<vmem>>, vector<16xi32>,
    %get3A_1071 = vector.shape_cast %get3A_1070 : vector<16xi32> to vector<16xi32>
    %broadcast_in_dim3A_1072 = arith.constant 0 : i32
    %broadcast_in_dim3A_1073 = vector.broadcast %broadcast_in_dim3A_1072 : i32 to vector<16xi32>
    %ge3A_1074 = arith.constant 1.000000e+00 : f32
    %ge3A_1075 = vector.broadcast %ge3A_1074 : f32 to vector<16xf32>
    %ge3A_1076 = arith.cmpf oge, %get3A_1068, %ge3A_1075 : vector<16xf32>
    %jit3A_1077 = arith.constant 1 : i32
    %jit3A_1078 = arith.constant 0 : i32
    %broadcast_in_dim3A_1079 = vector.broadcast %jit3A_1077 : i32 to vector<16xi32>
    %broadcast_in_dim3A_1080 = vector.broadcast %jit3A_1078 : i32 to vector<16xi32>
    %select_n3A_1081 = arith.select %ge3A_1076, %broadcast_in_dim3A_1079, %broadcast_in_dim3A_1080 : vector<16xi1>, vector<16xi32>
    %add3A_1082 = arith.addi %broadcast_in_dim3A_1073, %select_n3A_1081 : vector<16xi32>
    %ge3A_1083 = arith.constant 1.100000e+01 : f32
    %ge3A_1084 = vector.broadcast %ge3A_1083 : f32 to vector<16xf32>
    %ge3A_1085 = arith.cmpf oge, %get3A_1068, %ge3A_1084 : vector<16xf32>
    %jit3A_1086 = arith.constant 1 : i32
    %jit3A_1087 = arith.constant 0 : i32
    %broadcast_in_dim3A_1088 = vector.broadcast %jit3A_1086 : i32 to vector<16xi32>
    %broadcast_in_dim3A_1089 = vector.broadcast %jit3A_1087 : i32 to vector<16xi32>
    %select_n3A_1090 = arith.select %ge3A_1085, %broadcast_in_dim3A_1088, %broadcast_in_dim3A_1089 : vector<16xi1>, vector<16xi32>
    %add3A_1091 = arith.addi %add3A_1082, %select_n3A_1090 : vector<16xi32>
    %ge3A_1092 = arith.constant 2.100000e+01 : f32
    %ge3A_1093 = vector.broadcast %ge3A_1092 : f32 to vector<16xf32>
    %ge3A_1094 = arith.cmpf oge, %get3A_1068, %ge3A_1093 : vector<16xf32>
    %jit3A_1095 = arith.constant 1 : i32
    %jit3A_1096 = arith.constant 0 : i32
    %broadcast_in_dim3A_1097 = vector.broadcast %jit3A_1095 : i32 to vector<16xi32>
    %broadcast_in_dim3A_1098 = vector.broadcast %jit3A_1096 : i32 to vector<16xi32>
    %select_n3A_1099 = arith.select %ge3A_1094, %broadcast_in_dim3A_1097, %broadcast_in_dim3A_1098 : vector<16xi1>, vector<16xi32>
    %add3A_1100 = arith.addi %add3A_1091, %select_n3A_1099 : vector<16xi32>
    %ge3A_1101 = arith.constant 3.100000e+01 : f32
    %ge3A_1102 = vector.broadcast %ge3A_1101 : f32 to vector<16xf32>
    %ge3A_1103 = arith.cmpf oge, %get3A_1068, %ge3A_1102 : vector<16xf32>
    %jit3A_1104 = arith.constant 1 : i32
    %jit3A_1105 = arith.constant 0 : i32
    %broadcast_in_dim3A_1106 = vector.broadcast %jit3A_1104 : i32 to vector<16xi32>
    %broadcast_in_dim3A_1107 = vector.broadcast %jit3A_1105 : i32 to vector<16xi32>
    %select_n3A_1108 = arith.select %ge3A_1103, %broadcast_in_dim3A_1106, %broadcast_in_dim3A_1107 : vector<16xi1>, vector<16xi32>
    %add3A_1109 = arith.addi %add3A_1100, %select_n3A_1108 : vector<16xi32>
    %ge3A_1110 = arith.constant 4.100000e+01 : f32
    %ge3A_1111 = vector.broadcast %ge3A_1110 : f32 to vector<16xf32>
    %ge3A_1112 = arith.cmpf oge, %get3A_1068, %ge3A_1111 : vector<16xf32>
    %jit3A_1113 = arith.constant 1 : i32
    %jit3A_1114 = arith.constant 0 : i32
    %broadcast_in_dim3A_1115 = vector.broadcast %jit3A_1113 : i32 to vector<16xi32>
    %broadcast_in_dim3A_1116 = vector.broadcast %jit3A_1114 : i32 to vector<16xi32>
    %select_n3A_1117 = arith.select %ge3A_1112, %broadcast_in_dim3A_1115, %broadcast_in_dim3A_1116 : vector<16xi1>, vector<16xi32>
    %add3A_1118 = arith.addi %add3A_1109, %select_n3A_1117 : vector<16xi32>
    %ge3A_1119 = arith.constant 5.100000e+01 : f32
    %ge3A_1120 = vector.broadcast %ge3A_1119 : f32 to vector<16xf32>
    %ge3A_1121 = arith.cmpf oge, %get3A_1068, %ge3A_1120 : vector<16xf32>
    %jit3A_1122 = arith.constant 1 : i32
    %jit3A_1123 = arith.constant 0 : i32
    %broadcast_in_dim3A_1124 = vector.broadcast %jit3A_1122 : i32 to vector<16xi32>
    %broadcast_in_dim3A_1125 = vector.broadcast %jit3A_1123 : i32 to vector<16xi32>
    %select_n3A_1126 = arith.select %ge3A_1121, %broadcast_in_dim3A_1124, %broadcast_in_dim3A_1125 : vector<16xi1>, vector<16xi32>
    %add3A_1127 = arith.addi %add3A_1118, %select_n3A_1126 : vector<16xi32>
    %ge3A_1128 = arith.constant 6.100000e+01 : f32
    %ge3A_1129 = vector.broadcast %ge3A_1128 : f32 to vector<16xf32>
    %ge3A_1130 = arith.cmpf oge, %get3A_1068, %ge3A_1129 : vector<16xf32>
    %jit3A_1131 = arith.constant 1 : i32
    %jit3A_1132 = arith.constant 0 : i32
    %broadcast_in_dim3A_1133 = vector.broadcast %jit3A_1131 : i32 to vector<16xi32>
    %broadcast_in_dim3A_1134 = vector.broadcast %jit3A_1132 : i32 to vector<16xi32>
    %select_n3A_1135 = arith.select %ge3A_1130, %broadcast_in_dim3A_1133, %broadcast_in_dim3A_1134 : vector<16xi1>, vector<16xi32>
    %add3A_1136 = arith.addi %add3A_1127, %select_n3A_1135 : vector<16xi32>
    %ge3A_1137 = arith.constant 7.100000e+01 : f32
    %ge3A_1138 = vector.broadcast %ge3A_1137 : f32 to vector<16xf32>
    %ge3A_1139 = arith.cmpf oge, %get3A_1068, %ge3A_1138 : vector<16xf32>
    %jit3A_1140 = arith.constant 1 : i32
    %jit3A_1141 = arith.constant 0 : i32
    %broadcast_in_dim3A_1142 = vector.broadcast %jit3A_1140 : i32 to vector<16xi32>
    %broadcast_in_dim3A_1143 = vector.broadcast %jit3A_1141 : i32 to vector<16xi32>
    %select_n3A_1144 = arith.select %ge3A_1139, %broadcast_in_dim3A_1142, %broadcast_in_dim3A_1143 : vector<16xi1>, vector<16xi32>
    %add3A_1145 = arith.addi %add3A_1136, %select_n3A_1144 : vector<16xi32>
    %ge3A_1146 = arith.constant 8.100000e+01 : f32
    %ge3A_1147 = vector.broadcast %ge3A_1146 : f32 to vector<16xf32>
    %ge3A_1148 = arith.cmpf oge, %get3A_1068, %ge3A_1147 : vector<16xf32>
    %jit3A_1149 = arith.constant 1 : i32
    %jit3A_1150 = arith.constant 0 : i32
    %broadcast_in_dim3A_1151 = vector.broadcast %jit3A_1149 : i32 to vector<16xi32>
    %broadcast_in_dim3A_1152 = vector.broadcast %jit3A_1150 : i32 to vector<16xi32>
    %select_n3A_1153 = arith.select %ge3A_1148, %broadcast_in_dim3A_1151, %broadcast_in_dim3A_1152 : vector<16xi1>, vector<16xi32>
    %add3A_1154 = arith.addi %add3A_1145, %select_n3A_1153 : vector<16xi32>
    %ge3A_1155 = arith.constant 9.100000e+01 : f32
    %ge3A_1156 = vector.broadcast %ge3A_1155 : f32 to vector<16xf32>
    %ge3A_1157 = arith.cmpf oge, %get3A_1068, %ge3A_1156 : vector<16xf32>
    %jit3A_1158 = arith.constant 1 : i32
    %jit3A_1159 = arith.constant 0 : i32
    %broadcast_in_dim3A_1160 = vector.broadcast %jit3A_1158 : i32 to vector<16xi32>
    %broadcast_in_dim3A_1161 = vector.broadcast %jit3A_1159 : i32 to vector<16xi32>
    %select_n3A_1162 = arith.select %ge3A_1157, %broadcast_in_dim3A_1160, %broadcast_in_dim3A_1161 : vector<16xi1>, vector<16xi32>
    %add3A_1163 = arith.addi %add3A_1154, %select_n3A_1162 : vector<16xi32>
    %mul3A_1164 = arith.constant 8 : i32
    %mul3A_1165 = vector.broadcast %mul3A_1164 : i32 to vector<16xi32>
    %mul3A_1166 = arith.muli %get3A_1071, %mul3A_1165 : vector<16xi32>
    %add3A_1167 = arith.addi %mul3A_1166, %add3A_1163 : vector<16xi32>
    %ge3A_1168 = arith.constant 8 : i32
    %ge3A_1169 = vector.broadcast %ge3A_1168 : i32 to vector<16xi32>
    %ge3A_1170 = arith.cmpi sge, %add3A_1163, %ge3A_1169 : vector<16xi32>
    %jit3A_1171 = arith.constant 824 : i32
    %jit3A_1172 = arith.constant 0 : i32
    %broadcast_in_dim3A_1173 = vector.broadcast %jit3A_1171 : i32 to vector<16xi32>
    %broadcast_in_dim3A_1174 = vector.broadcast %jit3A_1172 : i32 to vector<16xi32>
    %select_n3A_1175 = arith.select %ge3A_1170, %broadcast_in_dim3A_1173, %broadcast_in_dim3A_1174 : vector<16xi1>, vector<16xi32>
    %add3A_1176 = arith.addi %add3A_1167, %select_n3A_1175 : vector<16xi32>
    %swap3A_1177 = arith.constant 1 : i32
    %swap3A_1178 = arith.index_cast %swap3A_1177 : i32 to index
    %swap3A_1179 = arith.constant 16 : index
    %swap3A_1180 = tpu.vector_load %arg8[%swap3A_1178, %swap3A_1179] {strides = array<i32>} : memref<4x128xi32, #tpu.memory_space<vmem>>, vector<1x16xi32>,
    %swap3A_1181 = vector.shape_cast %swap3A_1180 : vector<1x16xi32> to vector<16xi32>
    %swap3A_1182 = vector.shape_cast %add3A_1176 : vector<16xi32> to vector<1x16xi32>
    tpu.vector_store %arg8[%swap3A_1178, %swap3A_1179], %swap3A_1182 {strides = array<i32>} : memref<4x128xi32, #tpu.memory_space<vmem>>, vector<1x16xi32>,
    %get3A_1183 = arith.constant 160 : index
    %get3A_1184 = tpu.vector_load %arg7[%get3A_1183] {strides = array<i32>} : memref<512xf32, #tpu.memory_space<vmem>>, vector<16xf32>,
    %get3A_1185 = vector.shape_cast %get3A_1184 : vector<16xf32> to vector<16xf32>
    %get3A_1186 = arith.constant 160 : index
    %get3A_1187 = tpu.vector_load %arg6[%get3A_1186] {strides = array<i32>} : memref<512xi32, #tpu.memory_space<vmem>>, vector<16xi32>,
    %get3A_1188 = vector.shape_cast %get3A_1187 : vector<16xi32> to vector<16xi32>
    %broadcast_in_dim3A_1189 = arith.constant 0 : i32
    %broadcast_in_dim3A_1190 = vector.broadcast %broadcast_in_dim3A_1189 : i32 to vector<16xi32>
    %ge3A_1191 = arith.constant 1.000000e+00 : f32
    %ge3A_1192 = vector.broadcast %ge3A_1191 : f32 to vector<16xf32>
    %ge3A_1193 = arith.cmpf oge, %get3A_1185, %ge3A_1192 : vector<16xf32>
    %jit3A_1194 = arith.constant 1 : i32
    %jit3A_1195 = arith.constant 0 : i32
    %broadcast_in_dim3A_1196 = vector.broadcast %jit3A_1194 : i32 to vector<16xi32>
    %broadcast_in_dim3A_1197 = vector.broadcast %jit3A_1195 : i32 to vector<16xi32>
    %select_n3A_1198 = arith.select %ge3A_1193, %broadcast_in_dim3A_1196, %broadcast_in_dim3A_1197 : vector<16xi1>, vector<16xi32>
    %add3A_1199 = arith.addi %broadcast_in_dim3A_1190, %select_n3A_1198 : vector<16xi32>
    %ge3A_1200 = arith.constant 1.100000e+01 : f32
    %ge3A_1201 = vector.broadcast %ge3A_1200 : f32 to vector<16xf32>
    %ge3A_1202 = arith.cmpf oge, %get3A_1185, %ge3A_1201 : vector<16xf32>
    %jit3A_1203 = arith.constant 1 : i32
    %jit3A_1204 = arith.constant 0 : i32
    %broadcast_in_dim3A_1205 = vector.broadcast %jit3A_1203 : i32 to vector<16xi32>
    %broadcast_in_dim3A_1206 = vector.broadcast %jit3A_1204 : i32 to vector<16xi32>
    %select_n3A_1207 = arith.select %ge3A_1202, %broadcast_in_dim3A_1205, %broadcast_in_dim3A_1206 : vector<16xi1>, vector<16xi32>
    %add3A_1208 = arith.addi %add3A_1199, %select_n3A_1207 : vector<16xi32>
    %ge3A_1209 = arith.constant 2.100000e+01 : f32
    %ge3A_1210 = vector.broadcast %ge3A_1209 : f32 to vector<16xf32>
    %ge3A_1211 = arith.cmpf oge, %get3A_1185, %ge3A_1210 : vector<16xf32>
    %jit3A_1212 = arith.constant 1 : i32
    %jit3A_1213 = arith.constant 0 : i32
    %broadcast_in_dim3A_1214 = vector.broadcast %jit3A_1212 : i32 to vector<16xi32>
    %broadcast_in_dim3A_1215 = vector.broadcast %jit3A_1213 : i32 to vector<16xi32>
    %select_n3A_1216 = arith.select %ge3A_1211, %broadcast_in_dim3A_1214, %broadcast_in_dim3A_1215 : vector<16xi1>, vector<16xi32>
    %add3A_1217 = arith.addi %add3A_1208, %select_n3A_1216 : vector<16xi32>
    %ge3A_1218 = arith.constant 3.100000e+01 : f32
    %ge3A_1219 = vector.broadcast %ge3A_1218 : f32 to vector<16xf32>
    %ge3A_1220 = arith.cmpf oge, %get3A_1185, %ge3A_1219 : vector<16xf32>
    %jit3A_1221 = arith.constant 1 : i32
    %jit3A_1222 = arith.constant 0 : i32
    %broadcast_in_dim3A_1223 = vector.broadcast %jit3A_1221 : i32 to vector<16xi32>
    %broadcast_in_dim3A_1224 = vector.broadcast %jit3A_1222 : i32 to vector<16xi32>
    %select_n3A_1225 = arith.select %ge3A_1220, %broadcast_in_dim3A_1223, %broadcast_in_dim3A_1224 : vector<16xi1>, vector<16xi32>
    %add3A_1226 = arith.addi %add3A_1217, %select_n3A_1225 : vector<16xi32>
    %ge3A_1227 = arith.constant 4.100000e+01 : f32
    %ge3A_1228 = vector.broadcast %ge3A_1227 : f32 to vector<16xf32>
    %ge3A_1229 = arith.cmpf oge, %get3A_1185, %ge3A_1228 : vector<16xf32>
    %jit3A_1230 = arith.constant 1 : i32
    %jit3A_1231 = arith.constant 0 : i32
    %broadcast_in_dim3A_1232 = vector.broadcast %jit3A_1230 : i32 to vector<16xi32>
    %broadcast_in_dim3A_1233 = vector.broadcast %jit3A_1231 : i32 to vector<16xi32>
    %select_n3A_1234 = arith.select %ge3A_1229, %broadcast_in_dim3A_1232, %broadcast_in_dim3A_1233 : vector<16xi1>, vector<16xi32>
    %add3A_1235 = arith.addi %add3A_1226, %select_n3A_1234 : vector<16xi32>
    %ge3A_1236 = arith.constant 5.100000e+01 : f32
    %ge3A_1237 = vector.broadcast %ge3A_1236 : f32 to vector<16xf32>
    %ge3A_1238 = arith.cmpf oge, %get3A_1185, %ge3A_1237 : vector<16xf32>
    %jit3A_1239 = arith.constant 1 : i32
    %jit3A_1240 = arith.constant 0 : i32
    %broadcast_in_dim3A_1241 = vector.broadcast %jit3A_1239 : i32 to vector<16xi32>
    %broadcast_in_dim3A_1242 = vector.broadcast %jit3A_1240 : i32 to vector<16xi32>
    %select_n3A_1243 = arith.select %ge3A_1238, %broadcast_in_dim3A_1241, %broadcast_in_dim3A_1242 : vector<16xi1>, vector<16xi32>
    %add3A_1244 = arith.addi %add3A_1235, %select_n3A_1243 : vector<16xi32>
    %ge3A_1245 = arith.constant 6.100000e+01 : f32
    %ge3A_1246 = vector.broadcast %ge3A_1245 : f32 to vector<16xf32>
    %ge3A_1247 = arith.cmpf oge, %get3A_1185, %ge3A_1246 : vector<16xf32>
    %jit3A_1248 = arith.constant 1 : i32
    %jit3A_1249 = arith.constant 0 : i32
    %broadcast_in_dim3A_1250 = vector.broadcast %jit3A_1248 : i32 to vector<16xi32>
    %broadcast_in_dim3A_1251 = vector.broadcast %jit3A_1249 : i32 to vector<16xi32>
    %select_n3A_1252 = arith.select %ge3A_1247, %broadcast_in_dim3A_1250, %broadcast_in_dim3A_1251 : vector<16xi1>, vector<16xi32>
    %add3A_1253 = arith.addi %add3A_1244, %select_n3A_1252 : vector<16xi32>
    %ge3A_1254 = arith.constant 7.100000e+01 : f32
    %ge3A_1255 = vector.broadcast %ge3A_1254 : f32 to vector<16xf32>
    %ge3A_1256 = arith.cmpf oge, %get3A_1185, %ge3A_1255 : vector<16xf32>
    %jit3A_1257 = arith.constant 1 : i32
    %jit3A_1258 = arith.constant 0 : i32
    %broadcast_in_dim3A_1259 = vector.broadcast %jit3A_1257 : i32 to vector<16xi32>
    %broadcast_in_dim3A_1260 = vector.broadcast %jit3A_1258 : i32 to vector<16xi32>
    %select_n3A_1261 = arith.select %ge3A_1256, %broadcast_in_dim3A_1259, %broadcast_in_dim3A_1260 : vector<16xi1>, vector<16xi32>
    %add3A_1262 = arith.addi %add3A_1253, %select_n3A_1261 : vector<16xi32>
    %ge3A_1263 = arith.constant 8.100000e+01 : f32
    %ge3A_1264 = vector.broadcast %ge3A_1263 : f32 to vector<16xf32>
    %ge3A_1265 = arith.cmpf oge, %get3A_1185, %ge3A_1264 : vector<16xf32>
    %jit3A_1266 = arith.constant 1 : i32
    %jit3A_1267 = arith.constant 0 : i32
    %broadcast_in_dim3A_1268 = vector.broadcast %jit3A_1266 : i32 to vector<16xi32>
    %broadcast_in_dim3A_1269 = vector.broadcast %jit3A_1267 : i32 to vector<16xi32>
    %select_n3A_1270 = arith.select %ge3A_1265, %broadcast_in_dim3A_1268, %broadcast_in_dim3A_1269 : vector<16xi1>, vector<16xi32>
    %add3A_1271 = arith.addi %add3A_1262, %select_n3A_1270 : vector<16xi32>
    %ge3A_1272 = arith.constant 9.100000e+01 : f32
    %ge3A_1273 = vector.broadcast %ge3A_1272 : f32 to vector<16xf32>
    %ge3A_1274 = arith.cmpf oge, %get3A_1185, %ge3A_1273 : vector<16xf32>
    %jit3A_1275 = arith.constant 1 : i32
    %jit3A_1276 = arith.constant 0 : i32
    %broadcast_in_dim3A_1277 = vector.broadcast %jit3A_1275 : i32 to vector<16xi32>
    %broadcast_in_dim3A_1278 = vector.broadcast %jit3A_1276 : i32 to vector<16xi32>
    %select_n3A_1279 = arith.select %ge3A_1274, %broadcast_in_dim3A_1277, %broadcast_in_dim3A_1278 : vector<16xi1>, vector<16xi32>
    %add3A_1280 = arith.addi %add3A_1271, %select_n3A_1279 : vector<16xi32>
    %mul3A_1281 = arith.constant 8 : i32
    %mul3A_1282 = vector.broadcast %mul3A_1281 : i32 to vector<16xi32>
    %mul3A_1283 = arith.muli %get3A_1188, %mul3A_1282 : vector<16xi32>
    %add3A_1284 = arith.addi %mul3A_1283, %add3A_1280 : vector<16xi32>
    %ge3A_1285 = arith.constant 8 : i32
    %ge3A_1286 = vector.broadcast %ge3A_1285 : i32 to vector<16xi32>
    %ge3A_1287 = arith.cmpi sge, %add3A_1280, %ge3A_1286 : vector<16xi32>
    %jit3A_1288 = arith.constant 824 : i32
    %jit3A_1289 = arith.constant 0 : i32
    %broadcast_in_dim3A_1290 = vector.broadcast %jit3A_1288 : i32 to vector<16xi32>
    %broadcast_in_dim3A_1291 = vector.broadcast %jit3A_1289 : i32 to vector<16xi32>
    %select_n3A_1292 = arith.select %ge3A_1287, %broadcast_in_dim3A_1290, %broadcast_in_dim3A_1291 : vector<16xi1>, vector<16xi32>
    %add3A_1293 = arith.addi %add3A_1284, %select_n3A_1292 : vector<16xi32>
    %swap3A_1294 = arith.constant 1 : i32
    %swap3A_1295 = arith.index_cast %swap3A_1294 : i32 to index
    %swap3A_1296 = arith.constant 32 : index
    %swap3A_1297 = tpu.vector_load %arg8[%swap3A_1295, %swap3A_1296] {strides = array<i32>} : memref<4x128xi32, #tpu.memory_space<vmem>>, vector<1x16xi32>,
    %swap3A_1298 = vector.shape_cast %swap3A_1297 : vector<1x16xi32> to vector<16xi32>
    %swap3A_1299 = vector.shape_cast %add3A_1293 : vector<16xi32> to vector<1x16xi32>
    tpu.vector_store %arg8[%swap3A_1295, %swap3A_1296], %swap3A_1299 {strides = array<i32>} : memref<4x128xi32, #tpu.memory_space<vmem>>, vector<1x16xi32>,
    %get3A_1300 = arith.constant 176 : index
    %get3A_1301 = tpu.vector_load %arg7[%get3A_1300] {strides = array<i32>} : memref<512xf32, #tpu.memory_space<vmem>>, vector<16xf32>,
    %get3A_1302 = vector.shape_cast %get3A_1301 : vector<16xf32> to vector<16xf32>
    %get3A_1303 = arith.constant 176 : index
    %get3A_1304 = tpu.vector_load %arg6[%get3A_1303] {strides = array<i32>} : memref<512xi32, #tpu.memory_space<vmem>>, vector<16xi32>,
    %get3A_1305 = vector.shape_cast %get3A_1304 : vector<16xi32> to vector<16xi32>
    %broadcast_in_dim3A_1306 = arith.constant 0 : i32
    %broadcast_in_dim3A_1307 = vector.broadcast %broadcast_in_dim3A_1306 : i32 to vector<16xi32>
    %ge3A_1308 = arith.constant 1.000000e+00 : f32
    %ge3A_1309 = vector.broadcast %ge3A_1308 : f32 to vector<16xf32>
    %ge3A_1310 = arith.cmpf oge, %get3A_1302, %ge3A_1309 : vector<16xf32>
    %jit3A_1311 = arith.constant 1 : i32
    %jit3A_1312 = arith.constant 0 : i32
    %broadcast_in_dim3A_1313 = vector.broadcast %jit3A_1311 : i32 to vector<16xi32>
    %broadcast_in_dim3A_1314 = vector.broadcast %jit3A_1312 : i32 to vector<16xi32>
    %select_n3A_1315 = arith.select %ge3A_1310, %broadcast_in_dim3A_1313, %broadcast_in_dim3A_1314 : vector<16xi1>, vector<16xi32>
    %add3A_1316 = arith.addi %broadcast_in_dim3A_1307, %select_n3A_1315 : vector<16xi32>
    %ge3A_1317 = arith.constant 1.100000e+01 : f32
    %ge3A_1318 = vector.broadcast %ge3A_1317 : f32 to vector<16xf32>
    %ge3A_1319 = arith.cmpf oge, %get3A_1302, %ge3A_1318 : vector<16xf32>
    %jit3A_1320 = arith.constant 1 : i32
    %jit3A_1321 = arith.constant 0 : i32
    %broadcast_in_dim3A_1322 = vector.broadcast %jit3A_1320 : i32 to vector<16xi32>
    %broadcast_in_dim3A_1323 = vector.broadcast %jit3A_1321 : i32 to vector<16xi32>
    %select_n3A_1324 = arith.select %ge3A_1319, %broadcast_in_dim3A_1322, %broadcast_in_dim3A_1323 : vector<16xi1>, vector<16xi32>
    %add3A_1325 = arith.addi %add3A_1316, %select_n3A_1324 : vector<16xi32>
    %ge3A_1326 = arith.constant 2.100000e+01 : f32
    %ge3A_1327 = vector.broadcast %ge3A_1326 : f32 to vector<16xf32>
    %ge3A_1328 = arith.cmpf oge, %get3A_1302, %ge3A_1327 : vector<16xf32>
    %jit3A_1329 = arith.constant 1 : i32
    %jit3A_1330 = arith.constant 0 : i32
    %broadcast_in_dim3A_1331 = vector.broadcast %jit3A_1329 : i32 to vector<16xi32>
    %broadcast_in_dim3A_1332 = vector.broadcast %jit3A_1330 : i32 to vector<16xi32>
    %select_n3A_1333 = arith.select %ge3A_1328, %broadcast_in_dim3A_1331, %broadcast_in_dim3A_1332 : vector<16xi1>, vector<16xi32>
    %add3A_1334 = arith.addi %add3A_1325, %select_n3A_1333 : vector<16xi32>
    %ge3A_1335 = arith.constant 3.100000e+01 : f32
    %ge3A_1336 = vector.broadcast %ge3A_1335 : f32 to vector<16xf32>
    %ge3A_1337 = arith.cmpf oge, %get3A_1302, %ge3A_1336 : vector<16xf32>
    %jit3A_1338 = arith.constant 1 : i32
    %jit3A_1339 = arith.constant 0 : i32
    %broadcast_in_dim3A_1340 = vector.broadcast %jit3A_1338 : i32 to vector<16xi32>
    %broadcast_in_dim3A_1341 = vector.broadcast %jit3A_1339 : i32 to vector<16xi32>
    %select_n3A_1342 = arith.select %ge3A_1337, %broadcast_in_dim3A_1340, %broadcast_in_dim3A_1341 : vector<16xi1>, vector<16xi32>
    %add3A_1343 = arith.addi %add3A_1334, %select_n3A_1342 : vector<16xi32>
    %ge3A_1344 = arith.constant 4.100000e+01 : f32
    %ge3A_1345 = vector.broadcast %ge3A_1344 : f32 to vector<16xf32>
    %ge3A_1346 = arith.cmpf oge, %get3A_1302, %ge3A_1345 : vector<16xf32>
    %jit3A_1347 = arith.constant 1 : i32
    %jit3A_1348 = arith.constant 0 : i32
    %broadcast_in_dim3A_1349 = vector.broadcast %jit3A_1347 : i32 to vector<16xi32>
    %broadcast_in_dim3A_1350 = vector.broadcast %jit3A_1348 : i32 to vector<16xi32>
    %select_n3A_1351 = arith.select %ge3A_1346, %broadcast_in_dim3A_1349, %broadcast_in_dim3A_1350 : vector<16xi1>, vector<16xi32>
    %add3A_1352 = arith.addi %add3A_1343, %select_n3A_1351 : vector<16xi32>
    %ge3A_1353 = arith.constant 5.100000e+01 : f32
    %ge3A_1354 = vector.broadcast %ge3A_1353 : f32 to vector<16xf32>
    %ge3A_1355 = arith.cmpf oge, %get3A_1302, %ge3A_1354 : vector<16xf32>
    %jit3A_1356 = arith.constant 1 : i32
    %jit3A_1357 = arith.constant 0 : i32
    %broadcast_in_dim3A_1358 = vector.broadcast %jit3A_1356 : i32 to vector<16xi32>
    %broadcast_in_dim3A_1359 = vector.broadcast %jit3A_1357 : i32 to vector<16xi32>
    %select_n3A_1360 = arith.select %ge3A_1355, %broadcast_in_dim3A_1358, %broadcast_in_dim3A_1359 : vector<16xi1>, vector<16xi32>
    %add3A_1361 = arith.addi %add3A_1352, %select_n3A_1360 : vector<16xi32>
    %ge3A_1362 = arith.constant 6.100000e+01 : f32
    %ge3A_1363 = vector.broadcast %ge3A_1362 : f32 to vector<16xf32>
    %ge3A_1364 = arith.cmpf oge, %get3A_1302, %ge3A_1363 : vector<16xf32>
    %jit3A_1365 = arith.constant 1 : i32
    %jit3A_1366 = arith.constant 0 : i32
    %broadcast_in_dim3A_1367 = vector.broadcast %jit3A_1365 : i32 to vector<16xi32>
    %broadcast_in_dim3A_1368 = vector.broadcast %jit3A_1366 : i32 to vector<16xi32>
    %select_n3A_1369 = arith.select %ge3A_1364, %broadcast_in_dim3A_1367, %broadcast_in_dim3A_1368 : vector<16xi1>, vector<16xi32>
    %add3A_1370 = arith.addi %add3A_1361, %select_n3A_1369 : vector<16xi32>
    %ge3A_1371 = arith.constant 7.100000e+01 : f32
    %ge3A_1372 = vector.broadcast %ge3A_1371 : f32 to vector<16xf32>
    %ge3A_1373 = arith.cmpf oge, %get3A_1302, %ge3A_1372 : vector<16xf32>
    %jit3A_1374 = arith.constant 1 : i32
    %jit3A_1375 = arith.constant 0 : i32
    %broadcast_in_dim3A_1376 = vector.broadcast %jit3A_1374 : i32 to vector<16xi32>
    %broadcast_in_dim3A_1377 = vector.broadcast %jit3A_1375 : i32 to vector<16xi32>
    %select_n3A_1378 = arith.select %ge3A_1373, %broadcast_in_dim3A_1376, %broadcast_in_dim3A_1377 : vector<16xi1>, vector<16xi32>
    %add3A_1379 = arith.addi %add3A_1370, %select_n3A_1378 : vector<16xi32>
    %ge3A_1380 = arith.constant 8.100000e+01 : f32
    %ge3A_1381 = vector.broadcast %ge3A_1380 : f32 to vector<16xf32>
    %ge3A_1382 = arith.cmpf oge, %get3A_1302, %ge3A_1381 : vector<16xf32>
    %jit3A_1383 = arith.constant 1 : i32
    %jit3A_1384 = arith.constant 0 : i32
    %broadcast_in_dim3A_1385 = vector.broadcast %jit3A_1383 : i32 to vector<16xi32>
    %broadcast_in_dim3A_1386 = vector.broadcast %jit3A_1384 : i32 to vector<16xi32>
    %select_n3A_1387 = arith.select %ge3A_1382, %broadcast_in_dim3A_1385, %broadcast_in_dim3A_1386 : vector<16xi1>, vector<16xi32>
    %add3A_1388 = arith.addi %add3A_1379, %select_n3A_1387 : vector<16xi32>
    %ge3A_1389 = arith.constant 9.100000e+01 : f32
    %ge3A_1390 = vector.broadcast %ge3A_1389 : f32 to vector<16xf32>
    %ge3A_1391 = arith.cmpf oge, %get3A_1302, %ge3A_1390 : vector<16xf32>
    %jit3A_1392 = arith.constant 1 : i32
    %jit3A_1393 = arith.constant 0 : i32
    %broadcast_in_dim3A_1394 = vector.broadcast %jit3A_1392 : i32 to vector<16xi32>
    %broadcast_in_dim3A_1395 = vector.broadcast %jit3A_1393 : i32 to vector<16xi32>
    %select_n3A_1396 = arith.select %ge3A_1391, %broadcast_in_dim3A_1394, %broadcast_in_dim3A_1395 : vector<16xi1>, vector<16xi32>
    %add3A_1397 = arith.addi %add3A_1388, %select_n3A_1396 : vector<16xi32>
    %mul3A_1398 = arith.constant 8 : i32
    %mul3A_1399 = vector.broadcast %mul3A_1398 : i32 to vector<16xi32>
    %mul3A_1400 = arith.muli %get3A_1305, %mul3A_1399 : vector<16xi32>
    %add3A_1401 = arith.addi %mul3A_1400, %add3A_1397 : vector<16xi32>
    %ge3A_1402 = arith.constant 8 : i32
    %ge3A_1403 = vector.broadcast %ge3A_1402 : i32 to vector<16xi32>
    %ge3A_1404 = arith.cmpi sge, %add3A_1397, %ge3A_1403 : vector<16xi32>
    %jit3A_1405 = arith.constant 824 : i32
    %jit3A_1406 = arith.constant 0 : i32
    %broadcast_in_dim3A_1407 = vector.broadcast %jit3A_1405 : i32 to vector<16xi32>
    %broadcast_in_dim3A_1408 = vector.broadcast %jit3A_1406 : i32 to vector<16xi32>
    %select_n3A_1409 = arith.select %ge3A_1404, %broadcast_in_dim3A_1407, %broadcast_in_dim3A_1408 : vector<16xi1>, vector<16xi32>
    %add3A_1410 = arith.addi %add3A_1401, %select_n3A_1409 : vector<16xi32>
    %swap3A_1411 = arith.constant 1 : i32
    %swap3A_1412 = arith.index_cast %swap3A_1411 : i32 to index
    %swap3A_1413 = arith.constant 48 : index
    %swap3A_1414 = tpu.vector_load %arg8[%swap3A_1412, %swap3A_1413] {strides = array<i32>} : memref<4x128xi32, #tpu.memory_space<vmem>>, vector<1x16xi32>,
    %swap3A_1415 = vector.shape_cast %swap3A_1414 : vector<1x16xi32> to vector<16xi32>
    %swap3A_1416 = vector.shape_cast %add3A_1410 : vector<16xi32> to vector<1x16xi32>
    tpu.vector_store %arg8[%swap3A_1412, %swap3A_1413], %swap3A_1416 {strides = array<i32>} : memref<4x128xi32, #tpu.memory_space<vmem>>, vector<1x16xi32>,
    %get3A_1417 = arith.constant 192 : index
    %get3A_1418 = tpu.vector_load %arg7[%get3A_1417] {strides = array<i32>} : memref<512xf32, #tpu.memory_space<vmem>>, vector<16xf32>,
    %get3A_1419 = vector.shape_cast %get3A_1418 : vector<16xf32> to vector<16xf32>
    %get3A_1420 = arith.constant 192 : index
    %get3A_1421 = tpu.vector_load %arg6[%get3A_1420] {strides = array<i32>} : memref<512xi32, #tpu.memory_space<vmem>>, vector<16xi32>,
    %get3A_1422 = vector.shape_cast %get3A_1421 : vector<16xi32> to vector<16xi32>
    %broadcast_in_dim3A_1423 = arith.constant 0 : i32
    %broadcast_in_dim3A_1424 = vector.broadcast %broadcast_in_dim3A_1423 : i32 to vector<16xi32>
    %ge3A_1425 = arith.constant 1.000000e+00 : f32
    %ge3A_1426 = vector.broadcast %ge3A_1425 : f32 to vector<16xf32>
    %ge3A_1427 = arith.cmpf oge, %get3A_1419, %ge3A_1426 : vector<16xf32>
    %jit3A_1428 = arith.constant 1 : i32
    %jit3A_1429 = arith.constant 0 : i32
    %broadcast_in_dim3A_1430 = vector.broadcast %jit3A_1428 : i32 to vector<16xi32>
    %broadcast_in_dim3A_1431 = vector.broadcast %jit3A_1429 : i32 to vector<16xi32>
    %select_n3A_1432 = arith.select %ge3A_1427, %broadcast_in_dim3A_1430, %broadcast_in_dim3A_1431 : vector<16xi1>, vector<16xi32>
    %add3A_1433 = arith.addi %broadcast_in_dim3A_1424, %select_n3A_1432 : vector<16xi32>
    %ge3A_1434 = arith.constant 1.100000e+01 : f32
    %ge3A_1435 = vector.broadcast %ge3A_1434 : f32 to vector<16xf32>
    %ge3A_1436 = arith.cmpf oge, %get3A_1419, %ge3A_1435 : vector<16xf32>
    %jit3A_1437 = arith.constant 1 : i32
    %jit3A_1438 = arith.constant 0 : i32
    %broadcast_in_dim3A_1439 = vector.broadcast %jit3A_1437 : i32 to vector<16xi32>
    %broadcast_in_dim3A_1440 = vector.broadcast %jit3A_1438 : i32 to vector<16xi32>
    %select_n3A_1441 = arith.select %ge3A_1436, %broadcast_in_dim3A_1439, %broadcast_in_dim3A_1440 : vector<16xi1>, vector<16xi32>
    %add3A_1442 = arith.addi %add3A_1433, %select_n3A_1441 : vector<16xi32>
    %ge3A_1443 = arith.constant 2.100000e+01 : f32
    %ge3A_1444 = vector.broadcast %ge3A_1443 : f32 to vector<16xf32>
    %ge3A_1445 = arith.cmpf oge, %get3A_1419, %ge3A_1444 : vector<16xf32>
    %jit3A_1446 = arith.constant 1 : i32
    %jit3A_1447 = arith.constant 0 : i32
    %broadcast_in_dim3A_1448 = vector.broadcast %jit3A_1446 : i32 to vector<16xi32>
    %broadcast_in_dim3A_1449 = vector.broadcast %jit3A_1447 : i32 to vector<16xi32>
    %select_n3A_1450 = arith.select %ge3A_1445, %broadcast_in_dim3A_1448, %broadcast_in_dim3A_1449 : vector<16xi1>, vector<16xi32>
    %add3A_1451 = arith.addi %add3A_1442, %select_n3A_1450 : vector<16xi32>
    %ge3A_1452 = arith.constant 3.100000e+01 : f32
    %ge3A_1453 = vector.broadcast %ge3A_1452 : f32 to vector<16xf32>
    %ge3A_1454 = arith.cmpf oge, %get3A_1419, %ge3A_1453 : vector<16xf32>
    %jit3A_1455 = arith.constant 1 : i32
    %jit3A_1456 = arith.constant 0 : i32
    %broadcast_in_dim3A_1457 = vector.broadcast %jit3A_1455 : i32 to vector<16xi32>
    %broadcast_in_dim3A_1458 = vector.broadcast %jit3A_1456 : i32 to vector<16xi32>
    %select_n3A_1459 = arith.select %ge3A_1454, %broadcast_in_dim3A_1457, %broadcast_in_dim3A_1458 : vector<16xi1>, vector<16xi32>
    %add3A_1460 = arith.addi %add3A_1451, %select_n3A_1459 : vector<16xi32>
    %ge3A_1461 = arith.constant 4.100000e+01 : f32
    %ge3A_1462 = vector.broadcast %ge3A_1461 : f32 to vector<16xf32>
    %ge3A_1463 = arith.cmpf oge, %get3A_1419, %ge3A_1462 : vector<16xf32>
    %jit3A_1464 = arith.constant 1 : i32
    %jit3A_1465 = arith.constant 0 : i32
    %broadcast_in_dim3A_1466 = vector.broadcast %jit3A_1464 : i32 to vector<16xi32>
    %broadcast_in_dim3A_1467 = vector.broadcast %jit3A_1465 : i32 to vector<16xi32>
    %select_n3A_1468 = arith.select %ge3A_1463, %broadcast_in_dim3A_1466, %broadcast_in_dim3A_1467 : vector<16xi1>, vector<16xi32>
    %add3A_1469 = arith.addi %add3A_1460, %select_n3A_1468 : vector<16xi32>
    %ge3A_1470 = arith.constant 5.100000e+01 : f32
    %ge3A_1471 = vector.broadcast %ge3A_1470 : f32 to vector<16xf32>
    %ge3A_1472 = arith.cmpf oge, %get3A_1419, %ge3A_1471 : vector<16xf32>
    %jit3A_1473 = arith.constant 1 : i32
    %jit3A_1474 = arith.constant 0 : i32
    %broadcast_in_dim3A_1475 = vector.broadcast %jit3A_1473 : i32 to vector<16xi32>
    %broadcast_in_dim3A_1476 = vector.broadcast %jit3A_1474 : i32 to vector<16xi32>
    %select_n3A_1477 = arith.select %ge3A_1472, %broadcast_in_dim3A_1475, %broadcast_in_dim3A_1476 : vector<16xi1>, vector<16xi32>
    %add3A_1478 = arith.addi %add3A_1469, %select_n3A_1477 : vector<16xi32>
    %ge3A_1479 = arith.constant 6.100000e+01 : f32
    %ge3A_1480 = vector.broadcast %ge3A_1479 : f32 to vector<16xf32>
    %ge3A_1481 = arith.cmpf oge, %get3A_1419, %ge3A_1480 : vector<16xf32>
    %jit3A_1482 = arith.constant 1 : i32
    %jit3A_1483 = arith.constant 0 : i32
    %broadcast_in_dim3A_1484 = vector.broadcast %jit3A_1482 : i32 to vector<16xi32>
    %broadcast_in_dim3A_1485 = vector.broadcast %jit3A_1483 : i32 to vector<16xi32>
    %select_n3A_1486 = arith.select %ge3A_1481, %broadcast_in_dim3A_1484, %broadcast_in_dim3A_1485 : vector<16xi1>, vector<16xi32>
    %add3A_1487 = arith.addi %add3A_1478, %select_n3A_1486 : vector<16xi32>
    %ge3A_1488 = arith.constant 7.100000e+01 : f32
    %ge3A_1489 = vector.broadcast %ge3A_1488 : f32 to vector<16xf32>
    %ge3A_1490 = arith.cmpf oge, %get3A_1419, %ge3A_1489 : vector<16xf32>
    %jit3A_1491 = arith.constant 1 : i32
    %jit3A_1492 = arith.constant 0 : i32
    %broadcast_in_dim3A_1493 = vector.broadcast %jit3A_1491 : i32 to vector<16xi32>
    %broadcast_in_dim3A_1494 = vector.broadcast %jit3A_1492 : i32 to vector<16xi32>
    %select_n3A_1495 = arith.select %ge3A_1490, %broadcast_in_dim3A_1493, %broadcast_in_dim3A_1494 : vector<16xi1>, vector<16xi32>
    %add3A_1496 = arith.addi %add3A_1487, %select_n3A_1495 : vector<16xi32>
    %ge3A_1497 = arith.constant 8.100000e+01 : f32
    %ge3A_1498 = vector.broadcast %ge3A_1497 : f32 to vector<16xf32>
    %ge3A_1499 = arith.cmpf oge, %get3A_1419, %ge3A_1498 : vector<16xf32>
    %jit3A_1500 = arith.constant 1 : i32
    %jit3A_1501 = arith.constant 0 : i32
    %broadcast_in_dim3A_1502 = vector.broadcast %jit3A_1500 : i32 to vector<16xi32>
    %broadcast_in_dim3A_1503 = vector.broadcast %jit3A_1501 : i32 to vector<16xi32>
    %select_n3A_1504 = arith.select %ge3A_1499, %broadcast_in_dim3A_1502, %broadcast_in_dim3A_1503 : vector<16xi1>, vector<16xi32>
    %add3A_1505 = arith.addi %add3A_1496, %select_n3A_1504 : vector<16xi32>
    %ge3A_1506 = arith.constant 9.100000e+01 : f32
    %ge3A_1507 = vector.broadcast %ge3A_1506 : f32 to vector<16xf32>
    %ge3A_1508 = arith.cmpf oge, %get3A_1419, %ge3A_1507 : vector<16xf32>
    %jit3A_1509 = arith.constant 1 : i32
    %jit3A_1510 = arith.constant 0 : i32
    %broadcast_in_dim3A_1511 = vector.broadcast %jit3A_1509 : i32 to vector<16xi32>
    %broadcast_in_dim3A_1512 = vector.broadcast %jit3A_1510 : i32 to vector<16xi32>
    %select_n3A_1513 = arith.select %ge3A_1508, %broadcast_in_dim3A_1511, %broadcast_in_dim3A_1512 : vector<16xi1>, vector<16xi32>
    %add3A_1514 = arith.addi %add3A_1505, %select_n3A_1513 : vector<16xi32>
    %mul3A_1515 = arith.constant 8 : i32
    %mul3A_1516 = vector.broadcast %mul3A_1515 : i32 to vector<16xi32>
    %mul3A_1517 = arith.muli %get3A_1422, %mul3A_1516 : vector<16xi32>
    %add3A_1518 = arith.addi %mul3A_1517, %add3A_1514 : vector<16xi32>
    %ge3A_1519 = arith.constant 8 : i32
    %ge3A_1520 = vector.broadcast %ge3A_1519 : i32 to vector<16xi32>
    %ge3A_1521 = arith.cmpi sge, %add3A_1514, %ge3A_1520 : vector<16xi32>
    %jit3A_1522 = arith.constant 824 : i32
    %jit3A_1523 = arith.constant 0 : i32
    %broadcast_in_dim3A_1524 = vector.broadcast %jit3A_1522 : i32 to vector<16xi32>
    %broadcast_in_dim3A_1525 = vector.broadcast %jit3A_1523 : i32 to vector<16xi32>
    %select_n3A_1526 = arith.select %ge3A_1521, %broadcast_in_dim3A_1524, %broadcast_in_dim3A_1525 : vector<16xi1>, vector<16xi32>
    %add3A_1527 = arith.addi %add3A_1518, %select_n3A_1526 : vector<16xi32>
    %swap3A_1528 = arith.constant 1 : i32
    %swap3A_1529 = arith.index_cast %swap3A_1528 : i32 to index
    %swap3A_1530 = arith.constant 64 : index
    %swap3A_1531 = tpu.vector_load %arg8[%swap3A_1529, %swap3A_1530] {strides = array<i32>} : memref<4x128xi32, #tpu.memory_space<vmem>>, vector<1x16xi32>,
    %swap3A_1532 = vector.shape_cast %swap3A_1531 : vector<1x16xi32> to vector<16xi32>
    %swap3A_1533 = vector.shape_cast %add3A_1527 : vector<16xi32> to vector<1x16xi32>
    tpu.vector_store %arg8[%swap3A_1529, %swap3A_1530], %swap3A_1533 {strides = array<i32>} : memref<4x128xi32, #tpu.memory_space<vmem>>, vector<1x16xi32>,
    %get3A_1534 = arith.constant 208 : index
    %get3A_1535 = tpu.vector_load %arg7[%get3A_1534] {strides = array<i32>} : memref<512xf32, #tpu.memory_space<vmem>>, vector<16xf32>,
    %get3A_1536 = vector.shape_cast %get3A_1535 : vector<16xf32> to vector<16xf32>
    %get3A_1537 = arith.constant 208 : index
    %get3A_1538 = tpu.vector_load %arg6[%get3A_1537] {strides = array<i32>} : memref<512xi32, #tpu.memory_space<vmem>>, vector<16xi32>,
    %get3A_1539 = vector.shape_cast %get3A_1538 : vector<16xi32> to vector<16xi32>
    %broadcast_in_dim3A_1540 = arith.constant 0 : i32
    %broadcast_in_dim3A_1541 = vector.broadcast %broadcast_in_dim3A_1540 : i32 to vector<16xi32>
    %ge3A_1542 = arith.constant 1.000000e+00 : f32
    %ge3A_1543 = vector.broadcast %ge3A_1542 : f32 to vector<16xf32>
    %ge3A_1544 = arith.cmpf oge, %get3A_1536, %ge3A_1543 : vector<16xf32>
    %jit3A_1545 = arith.constant 1 : i32
    %jit3A_1546 = arith.constant 0 : i32
    %broadcast_in_dim3A_1547 = vector.broadcast %jit3A_1545 : i32 to vector<16xi32>
    %broadcast_in_dim3A_1548 = vector.broadcast %jit3A_1546 : i32 to vector<16xi32>
    %select_n3A_1549 = arith.select %ge3A_1544, %broadcast_in_dim3A_1547, %broadcast_in_dim3A_1548 : vector<16xi1>, vector<16xi32>
    %add3A_1550 = arith.addi %broadcast_in_dim3A_1541, %select_n3A_1549 : vector<16xi32>
    %ge3A_1551 = arith.constant 1.100000e+01 : f32
    %ge3A_1552 = vector.broadcast %ge3A_1551 : f32 to vector<16xf32>
    %ge3A_1553 = arith.cmpf oge, %get3A_1536, %ge3A_1552 : vector<16xf32>
    %jit3A_1554 = arith.constant 1 : i32
    %jit3A_1555 = arith.constant 0 : i32
    %broadcast_in_dim3A_1556 = vector.broadcast %jit3A_1554 : i32 to vector<16xi32>
    %broadcast_in_dim3A_1557 = vector.broadcast %jit3A_1555 : i32 to vector<16xi32>
    %select_n3A_1558 = arith.select %ge3A_1553, %broadcast_in_dim3A_1556, %broadcast_in_dim3A_1557 : vector<16xi1>, vector<16xi32>
    %add3A_1559 = arith.addi %add3A_1550, %select_n3A_1558 : vector<16xi32>
    %ge3A_1560 = arith.constant 2.100000e+01 : f32
    %ge3A_1561 = vector.broadcast %ge3A_1560 : f32 to vector<16xf32>
    %ge3A_1562 = arith.cmpf oge, %get3A_1536, %ge3A_1561 : vector<16xf32>
    %jit3A_1563 = arith.constant 1 : i32
    %jit3A_1564 = arith.constant 0 : i32
    %broadcast_in_dim3A_1565 = vector.broadcast %jit3A_1563 : i32 to vector<16xi32>
    %broadcast_in_dim3A_1566 = vector.broadcast %jit3A_1564 : i32 to vector<16xi32>
    %select_n3A_1567 = arith.select %ge3A_1562, %broadcast_in_dim3A_1565, %broadcast_in_dim3A_1566 : vector<16xi1>, vector<16xi32>
    %add3A_1568 = arith.addi %add3A_1559, %select_n3A_1567 : vector<16xi32>
    %ge3A_1569 = arith.constant 3.100000e+01 : f32
    %ge3A_1570 = vector.broadcast %ge3A_1569 : f32 to vector<16xf32>
    %ge3A_1571 = arith.cmpf oge, %get3A_1536, %ge3A_1570 : vector<16xf32>
    %jit3A_1572 = arith.constant 1 : i32
    %jit3A_1573 = arith.constant 0 : i32
    %broadcast_in_dim3A_1574 = vector.broadcast %jit3A_1572 : i32 to vector<16xi32>
    %broadcast_in_dim3A_1575 = vector.broadcast %jit3A_1573 : i32 to vector<16xi32>
    %select_n3A_1576 = arith.select %ge3A_1571, %broadcast_in_dim3A_1574, %broadcast_in_dim3A_1575 : vector<16xi1>, vector<16xi32>
    %add3A_1577 = arith.addi %add3A_1568, %select_n3A_1576 : vector<16xi32>
    %ge3A_1578 = arith.constant 4.100000e+01 : f32
    %ge3A_1579 = vector.broadcast %ge3A_1578 : f32 to vector<16xf32>
    %ge3A_1580 = arith.cmpf oge, %get3A_1536, %ge3A_1579 : vector<16xf32>
    %jit3A_1581 = arith.constant 1 : i32
    %jit3A_1582 = arith.constant 0 : i32
    %broadcast_in_dim3A_1583 = vector.broadcast %jit3A_1581 : i32 to vector<16xi32>
    %broadcast_in_dim3A_1584 = vector.broadcast %jit3A_1582 : i32 to vector<16xi32>
    %select_n3A_1585 = arith.select %ge3A_1580, %broadcast_in_dim3A_1583, %broadcast_in_dim3A_1584 : vector<16xi1>, vector<16xi32>
    %add3A_1586 = arith.addi %add3A_1577, %select_n3A_1585 : vector<16xi32>
    %ge3A_1587 = arith.constant 5.100000e+01 : f32
    %ge3A_1588 = vector.broadcast %ge3A_1587 : f32 to vector<16xf32>
    %ge3A_1589 = arith.cmpf oge, %get3A_1536, %ge3A_1588 : vector<16xf32>
    %jit3A_1590 = arith.constant 1 : i32
    %jit3A_1591 = arith.constant 0 : i32
    %broadcast_in_dim3A_1592 = vector.broadcast %jit3A_1590 : i32 to vector<16xi32>
    %broadcast_in_dim3A_1593 = vector.broadcast %jit3A_1591 : i32 to vector<16xi32>
    %select_n3A_1594 = arith.select %ge3A_1589, %broadcast_in_dim3A_1592, %broadcast_in_dim3A_1593 : vector<16xi1>, vector<16xi32>
    %add3A_1595 = arith.addi %add3A_1586, %select_n3A_1594 : vector<16xi32>
    %ge3A_1596 = arith.constant 6.100000e+01 : f32
    %ge3A_1597 = vector.broadcast %ge3A_1596 : f32 to vector<16xf32>
    %ge3A_1598 = arith.cmpf oge, %get3A_1536, %ge3A_1597 : vector<16xf32>
    %jit3A_1599 = arith.constant 1 : i32
    %jit3A_1600 = arith.constant 0 : i32
    %broadcast_in_dim3A_1601 = vector.broadcast %jit3A_1599 : i32 to vector<16xi32>
    %broadcast_in_dim3A_1602 = vector.broadcast %jit3A_1600 : i32 to vector<16xi32>
    %select_n3A_1603 = arith.select %ge3A_1598, %broadcast_in_dim3A_1601, %broadcast_in_dim3A_1602 : vector<16xi1>, vector<16xi32>
    %add3A_1604 = arith.addi %add3A_1595, %select_n3A_1603 : vector<16xi32>
    %ge3A_1605 = arith.constant 7.100000e+01 : f32
    %ge3A_1606 = vector.broadcast %ge3A_1605 : f32 to vector<16xf32>
    %ge3A_1607 = arith.cmpf oge, %get3A_1536, %ge3A_1606 : vector<16xf32>
    %jit3A_1608 = arith.constant 1 : i32
    %jit3A_1609 = arith.constant 0 : i32
    %broadcast_in_dim3A_1610 = vector.broadcast %jit3A_1608 : i32 to vector<16xi32>
    %broadcast_in_dim3A_1611 = vector.broadcast %jit3A_1609 : i32 to vector<16xi32>
    %select_n3A_1612 = arith.select %ge3A_1607, %broadcast_in_dim3A_1610, %broadcast_in_dim3A_1611 : vector<16xi1>, vector<16xi32>
    %add3A_1613 = arith.addi %add3A_1604, %select_n3A_1612 : vector<16xi32>
    %ge3A_1614 = arith.constant 8.100000e+01 : f32
    %ge3A_1615 = vector.broadcast %ge3A_1614 : f32 to vector<16xf32>
    %ge3A_1616 = arith.cmpf oge, %get3A_1536, %ge3A_1615 : vector<16xf32>
    %jit3A_1617 = arith.constant 1 : i32
    %jit3A_1618 = arith.constant 0 : i32
    %broadcast_in_dim3A_1619 = vector.broadcast %jit3A_1617 : i32 to vector<16xi32>
    %broadcast_in_dim3A_1620 = vector.broadcast %jit3A_1618 : i32 to vector<16xi32>
    %select_n3A_1621 = arith.select %ge3A_1616, %broadcast_in_dim3A_1619, %broadcast_in_dim3A_1620 : vector<16xi1>, vector<16xi32>
    %add3A_1622 = arith.addi %add3A_1613, %select_n3A_1621 : vector<16xi32>
    %ge3A_1623 = arith.constant 9.100000e+01 : f32
    %ge3A_1624 = vector.broadcast %ge3A_1623 : f32 to vector<16xf32>
    %ge3A_1625 = arith.cmpf oge, %get3A_1536, %ge3A_1624 : vector<16xf32>
    %jit3A_1626 = arith.constant 1 : i32
    %jit3A_1627 = arith.constant 0 : i32
    %broadcast_in_dim3A_1628 = vector.broadcast %jit3A_1626 : i32 to vector<16xi32>
    %broadcast_in_dim3A_1629 = vector.broadcast %jit3A_1627 : i32 to vector<16xi32>
    %select_n3A_1630 = arith.select %ge3A_1625, %broadcast_in_dim3A_1628, %broadcast_in_dim3A_1629 : vector<16xi1>, vector<16xi32>
    %add3A_1631 = arith.addi %add3A_1622, %select_n3A_1630 : vector<16xi32>
    %mul3A_1632 = arith.constant 8 : i32
    %mul3A_1633 = vector.broadcast %mul3A_1632 : i32 to vector<16xi32>
    %mul3A_1634 = arith.muli %get3A_1539, %mul3A_1633 : vector<16xi32>
    %add3A_1635 = arith.addi %mul3A_1634, %add3A_1631 : vector<16xi32>
    %ge3A_1636 = arith.constant 8 : i32
    %ge3A_1637 = vector.broadcast %ge3A_1636 : i32 to vector<16xi32>
    %ge3A_1638 = arith.cmpi sge, %add3A_1631, %ge3A_1637 : vector<16xi32>
    %jit3A_1639 = arith.constant 824 : i32
    %jit3A_1640 = arith.constant 0 : i32
    %broadcast_in_dim3A_1641 = vector.broadcast %jit3A_1639 : i32 to vector<16xi32>
    %broadcast_in_dim3A_1642 = vector.broadcast %jit3A_1640 : i32 to vector<16xi32>
    %select_n3A_1643 = arith.select %ge3A_1638, %broadcast_in_dim3A_1641, %broadcast_in_dim3A_1642 : vector<16xi1>, vector<16xi32>
    %add3A_1644 = arith.addi %add3A_1635, %select_n3A_1643 : vector<16xi32>
    %swap3A_1645 = arith.constant 1 : i32
    %swap3A_1646 = arith.index_cast %swap3A_1645 : i32 to index
    %swap3A_1647 = arith.constant 80 : index
    %swap3A_1648 = tpu.vector_load %arg8[%swap3A_1646, %swap3A_1647] {strides = array<i32>} : memref<4x128xi32, #tpu.memory_space<vmem>>, vector<1x16xi32>,
    %swap3A_1649 = vector.shape_cast %swap3A_1648 : vector<1x16xi32> to vector<16xi32>
    %swap3A_1650 = vector.shape_cast %add3A_1644 : vector<16xi32> to vector<1x16xi32>
    tpu.vector_store %arg8[%swap3A_1646, %swap3A_1647], %swap3A_1650 {strides = array<i32>} : memref<4x128xi32, #tpu.memory_space<vmem>>, vector<1x16xi32>,
    %get3A_1651 = arith.constant 224 : index
    %get3A_1652 = tpu.vector_load %arg7[%get3A_1651] {strides = array<i32>} : memref<512xf32, #tpu.memory_space<vmem>>, vector<16xf32>,
    %get3A_1653 = vector.shape_cast %get3A_1652 : vector<16xf32> to vector<16xf32>
    %get3A_1654 = arith.constant 224 : index
    %get3A_1655 = tpu.vector_load %arg6[%get3A_1654] {strides = array<i32>} : memref<512xi32, #tpu.memory_space<vmem>>, vector<16xi32>,
    %get3A_1656 = vector.shape_cast %get3A_1655 : vector<16xi32> to vector<16xi32>
    %broadcast_in_dim3A_1657 = arith.constant 0 : i32
    %broadcast_in_dim3A_1658 = vector.broadcast %broadcast_in_dim3A_1657 : i32 to vector<16xi32>
    %ge3A_1659 = arith.constant 1.000000e+00 : f32
    %ge3A_1660 = vector.broadcast %ge3A_1659 : f32 to vector<16xf32>
    %ge3A_1661 = arith.cmpf oge, %get3A_1653, %ge3A_1660 : vector<16xf32>
    %jit3A_1662 = arith.constant 1 : i32
    %jit3A_1663 = arith.constant 0 : i32
    %broadcast_in_dim3A_1664 = vector.broadcast %jit3A_1662 : i32 to vector<16xi32>
    %broadcast_in_dim3A_1665 = vector.broadcast %jit3A_1663 : i32 to vector<16xi32>
    %select_n3A_1666 = arith.select %ge3A_1661, %broadcast_in_dim3A_1664, %broadcast_in_dim3A_1665 : vector<16xi1>, vector<16xi32>
    %add3A_1667 = arith.addi %broadcast_in_dim3A_1658, %select_n3A_1666 : vector<16xi32>
    %ge3A_1668 = arith.constant 1.100000e+01 : f32
    %ge3A_1669 = vector.broadcast %ge3A_1668 : f32 to vector<16xf32>
    %ge3A_1670 = arith.cmpf oge, %get3A_1653, %ge3A_1669 : vector<16xf32>
    %jit3A_1671 = arith.constant 1 : i32
    %jit3A_1672 = arith.constant 0 : i32
    %broadcast_in_dim3A_1673 = vector.broadcast %jit3A_1671 : i32 to vector<16xi32>
    %broadcast_in_dim3A_1674 = vector.broadcast %jit3A_1672 : i32 to vector<16xi32>
    %select_n3A_1675 = arith.select %ge3A_1670, %broadcast_in_dim3A_1673, %broadcast_in_dim3A_1674 : vector<16xi1>, vector<16xi32>
    %add3A_1676 = arith.addi %add3A_1667, %select_n3A_1675 : vector<16xi32>
    %ge3A_1677 = arith.constant 2.100000e+01 : f32
    %ge3A_1678 = vector.broadcast %ge3A_1677 : f32 to vector<16xf32>
    %ge3A_1679 = arith.cmpf oge, %get3A_1653, %ge3A_1678 : vector<16xf32>
    %jit3A_1680 = arith.constant 1 : i32
    %jit3A_1681 = arith.constant 0 : i32
    %broadcast_in_dim3A_1682 = vector.broadcast %jit3A_1680 : i32 to vector<16xi32>
    %broadcast_in_dim3A_1683 = vector.broadcast %jit3A_1681 : i32 to vector<16xi32>
    %select_n3A_1684 = arith.select %ge3A_1679, %broadcast_in_dim3A_1682, %broadcast_in_dim3A_1683 : vector<16xi1>, vector<16xi32>
    %add3A_1685 = arith.addi %add3A_1676, %select_n3A_1684 : vector<16xi32>
    %ge3A_1686 = arith.constant 3.100000e+01 : f32
    %ge3A_1687 = vector.broadcast %ge3A_1686 : f32 to vector<16xf32>
    %ge3A_1688 = arith.cmpf oge, %get3A_1653, %ge3A_1687 : vector<16xf32>
    %jit3A_1689 = arith.constant 1 : i32
    %jit3A_1690 = arith.constant 0 : i32
    %broadcast_in_dim3A_1691 = vector.broadcast %jit3A_1689 : i32 to vector<16xi32>
    %broadcast_in_dim3A_1692 = vector.broadcast %jit3A_1690 : i32 to vector<16xi32>
    %select_n3A_1693 = arith.select %ge3A_1688, %broadcast_in_dim3A_1691, %broadcast_in_dim3A_1692 : vector<16xi1>, vector<16xi32>
    %add3A_1694 = arith.addi %add3A_1685, %select_n3A_1693 : vector<16xi32>
    %ge3A_1695 = arith.constant 4.100000e+01 : f32
    %ge3A_1696 = vector.broadcast %ge3A_1695 : f32 to vector<16xf32>
    %ge3A_1697 = arith.cmpf oge, %get3A_1653, %ge3A_1696 : vector<16xf32>
    %jit3A_1698 = arith.constant 1 : i32
    %jit3A_1699 = arith.constant 0 : i32
    %broadcast_in_dim3A_1700 = vector.broadcast %jit3A_1698 : i32 to vector<16xi32>
    %broadcast_in_dim3A_1701 = vector.broadcast %jit3A_1699 : i32 to vector<16xi32>
    %select_n3A_1702 = arith.select %ge3A_1697, %broadcast_in_dim3A_1700, %broadcast_in_dim3A_1701 : vector<16xi1>, vector<16xi32>
    %add3A_1703 = arith.addi %add3A_1694, %select_n3A_1702 : vector<16xi32>
    %ge3A_1704 = arith.constant 5.100000e+01 : f32
    %ge3A_1705 = vector.broadcast %ge3A_1704 : f32 to vector<16xf32>
    %ge3A_1706 = arith.cmpf oge, %get3A_1653, %ge3A_1705 : vector<16xf32>
    %jit3A_1707 = arith.constant 1 : i32
    %jit3A_1708 = arith.constant 0 : i32
    %broadcast_in_dim3A_1709 = vector.broadcast %jit3A_1707 : i32 to vector<16xi32>
    %broadcast_in_dim3A_1710 = vector.broadcast %jit3A_1708 : i32 to vector<16xi32>
    %select_n3A_1711 = arith.select %ge3A_1706, %broadcast_in_dim3A_1709, %broadcast_in_dim3A_1710 : vector<16xi1>, vector<16xi32>
    %add3A_1712 = arith.addi %add3A_1703, %select_n3A_1711 : vector<16xi32>
    %ge3A_1713 = arith.constant 6.100000e+01 : f32
    %ge3A_1714 = vector.broadcast %ge3A_1713 : f32 to vector<16xf32>
    %ge3A_1715 = arith.cmpf oge, %get3A_1653, %ge3A_1714 : vector<16xf32>
    %jit3A_1716 = arith.constant 1 : i32
    %jit3A_1717 = arith.constant 0 : i32
    %broadcast_in_dim3A_1718 = vector.broadcast %jit3A_1716 : i32 to vector<16xi32>
    %broadcast_in_dim3A_1719 = vector.broadcast %jit3A_1717 : i32 to vector<16xi32>
    %select_n3A_1720 = arith.select %ge3A_1715, %broadcast_in_dim3A_1718, %broadcast_in_dim3A_1719 : vector<16xi1>, vector<16xi32>
    %add3A_1721 = arith.addi %add3A_1712, %select_n3A_1720 : vector<16xi32>
    %ge3A_1722 = arith.constant 7.100000e+01 : f32
    %ge3A_1723 = vector.broadcast %ge3A_1722 : f32 to vector<16xf32>
    %ge3A_1724 = arith.cmpf oge, %get3A_1653, %ge3A_1723 : vector<16xf32>
    %jit3A_1725 = arith.constant 1 : i32
    %jit3A_1726 = arith.constant 0 : i32
    %broadcast_in_dim3A_1727 = vector.broadcast %jit3A_1725 : i32 to vector<16xi32>
    %broadcast_in_dim3A_1728 = vector.broadcast %jit3A_1726 : i32 to vector<16xi32>
    %select_n3A_1729 = arith.select %ge3A_1724, %broadcast_in_dim3A_1727, %broadcast_in_dim3A_1728 : vector<16xi1>, vector<16xi32>
    %add3A_1730 = arith.addi %add3A_1721, %select_n3A_1729 : vector<16xi32>
    %ge3A_1731 = arith.constant 8.100000e+01 : f32
    %ge3A_1732 = vector.broadcast %ge3A_1731 : f32 to vector<16xf32>
    %ge3A_1733 = arith.cmpf oge, %get3A_1653, %ge3A_1732 : vector<16xf32>
    %jit3A_1734 = arith.constant 1 : i32
    %jit3A_1735 = arith.constant 0 : i32
    %broadcast_in_dim3A_1736 = vector.broadcast %jit3A_1734 : i32 to vector<16xi32>
    %broadcast_in_dim3A_1737 = vector.broadcast %jit3A_1735 : i32 to vector<16xi32>
    %select_n3A_1738 = arith.select %ge3A_1733, %broadcast_in_dim3A_1736, %broadcast_in_dim3A_1737 : vector<16xi1>, vector<16xi32>
    %add3A_1739 = arith.addi %add3A_1730, %select_n3A_1738 : vector<16xi32>
    %ge3A_1740 = arith.constant 9.100000e+01 : f32
    %ge3A_1741 = vector.broadcast %ge3A_1740 : f32 to vector<16xf32>
    %ge3A_1742 = arith.cmpf oge, %get3A_1653, %ge3A_1741 : vector<16xf32>
    %jit3A_1743 = arith.constant 1 : i32
    %jit3A_1744 = arith.constant 0 : i32
    %broadcast_in_dim3A_1745 = vector.broadcast %jit3A_1743 : i32 to vector<16xi32>
    %broadcast_in_dim3A_1746 = vector.broadcast %jit3A_1744 : i32 to vector<16xi32>
    %select_n3A_1747 = arith.select %ge3A_1742, %broadcast_in_dim3A_1745, %broadcast_in_dim3A_1746 : vector<16xi1>, vector<16xi32>
    %add3A_1748 = arith.addi %add3A_1739, %select_n3A_1747 : vector<16xi32>
    %mul3A_1749 = arith.constant 8 : i32
    %mul3A_1750 = vector.broadcast %mul3A_1749 : i32 to vector<16xi32>
    %mul3A_1751 = arith.muli %get3A_1656, %mul3A_1750 : vector<16xi32>
    %add3A_1752 = arith.addi %mul3A_1751, %add3A_1748 : vector<16xi32>
    %ge3A_1753 = arith.constant 8 : i32
    %ge3A_1754 = vector.broadcast %ge3A_1753 : i32 to vector<16xi32>
    %ge3A_1755 = arith.cmpi sge, %add3A_1748, %ge3A_1754 : vector<16xi32>
    %jit3A_1756 = arith.constant 824 : i32
    %jit3A_1757 = arith.constant 0 : i32
    %broadcast_in_dim3A_1758 = vector.broadcast %jit3A_1756 : i32 to vector<16xi32>
    %broadcast_in_dim3A_1759 = vector.broadcast %jit3A_1757 : i32 to vector<16xi32>
    %select_n3A_1760 = arith.select %ge3A_1755, %broadcast_in_dim3A_1758, %broadcast_in_dim3A_1759 : vector<16xi1>, vector<16xi32>
    %add3A_1761 = arith.addi %add3A_1752, %select_n3A_1760 : vector<16xi32>
    %swap3A_1762 = arith.constant 1 : i32
    %swap3A_1763 = arith.index_cast %swap3A_1762 : i32 to index
    %swap3A_1764 = arith.constant 96 : index
    %swap3A_1765 = tpu.vector_load %arg8[%swap3A_1763, %swap3A_1764] {strides = array<i32>} : memref<4x128xi32, #tpu.memory_space<vmem>>, vector<1x16xi32>,
    %swap3A_1766 = vector.shape_cast %swap3A_1765 : vector<1x16xi32> to vector<16xi32>
    %swap3A_1767 = vector.shape_cast %add3A_1761 : vector<16xi32> to vector<1x16xi32>
    tpu.vector_store %arg8[%swap3A_1763, %swap3A_1764], %swap3A_1767 {strides = array<i32>} : memref<4x128xi32, #tpu.memory_space<vmem>>, vector<1x16xi32>,
    %get3A_1768 = arith.constant 240 : index
    %get3A_1769 = tpu.vector_load %arg7[%get3A_1768] {strides = array<i32>} : memref<512xf32, #tpu.memory_space<vmem>>, vector<16xf32>,
    %get3A_1770 = vector.shape_cast %get3A_1769 : vector<16xf32> to vector<16xf32>
    %get3A_1771 = arith.constant 240 : index
    %get3A_1772 = tpu.vector_load %arg6[%get3A_1771] {strides = array<i32>} : memref<512xi32, #tpu.memory_space<vmem>>, vector<16xi32>,
    %get3A_1773 = vector.shape_cast %get3A_1772 : vector<16xi32> to vector<16xi32>
    %broadcast_in_dim3A_1774 = arith.constant 0 : i32
    %broadcast_in_dim3A_1775 = vector.broadcast %broadcast_in_dim3A_1774 : i32 to vector<16xi32>
    %ge3A_1776 = arith.constant 1.000000e+00 : f32
    %ge3A_1777 = vector.broadcast %ge3A_1776 : f32 to vector<16xf32>
    %ge3A_1778 = arith.cmpf oge, %get3A_1770, %ge3A_1777 : vector<16xf32>
    %jit3A_1779 = arith.constant 1 : i32
    %jit3A_1780 = arith.constant 0 : i32
    %broadcast_in_dim3A_1781 = vector.broadcast %jit3A_1779 : i32 to vector<16xi32>
    %broadcast_in_dim3A_1782 = vector.broadcast %jit3A_1780 : i32 to vector<16xi32>
    %select_n3A_1783 = arith.select %ge3A_1778, %broadcast_in_dim3A_1781, %broadcast_in_dim3A_1782 : vector<16xi1>, vector<16xi32>
    %add3A_1784 = arith.addi %broadcast_in_dim3A_1775, %select_n3A_1783 : vector<16xi32>
    %ge3A_1785 = arith.constant 1.100000e+01 : f32
    %ge3A_1786 = vector.broadcast %ge3A_1785 : f32 to vector<16xf32>
    %ge3A_1787 = arith.cmpf oge, %get3A_1770, %ge3A_1786 : vector<16xf32>
    %jit3A_1788 = arith.constant 1 : i32
    %jit3A_1789 = arith.constant 0 : i32
    %broadcast_in_dim3A_1790 = vector.broadcast %jit3A_1788 : i32 to vector<16xi32>
    %broadcast_in_dim3A_1791 = vector.broadcast %jit3A_1789 : i32 to vector<16xi32>
    %select_n3A_1792 = arith.select %ge3A_1787, %broadcast_in_dim3A_1790, %broadcast_in_dim3A_1791 : vector<16xi1>, vector<16xi32>
    %add3A_1793 = arith.addi %add3A_1784, %select_n3A_1792 : vector<16xi32>
    %ge3A_1794 = arith.constant 2.100000e+01 : f32
    %ge3A_1795 = vector.broadcast %ge3A_1794 : f32 to vector<16xf32>
    %ge3A_1796 = arith.cmpf oge, %get3A_1770, %ge3A_1795 : vector<16xf32>
    %jit3A_1797 = arith.constant 1 : i32
    %jit3A_1798 = arith.constant 0 : i32
    %broadcast_in_dim3A_1799 = vector.broadcast %jit3A_1797 : i32 to vector<16xi32>
    %broadcast_in_dim3A_1800 = vector.broadcast %jit3A_1798 : i32 to vector<16xi32>
    %select_n3A_1801 = arith.select %ge3A_1796, %broadcast_in_dim3A_1799, %broadcast_in_dim3A_1800 : vector<16xi1>, vector<16xi32>
    %add3A_1802 = arith.addi %add3A_1793, %select_n3A_1801 : vector<16xi32>
    %ge3A_1803 = arith.constant 3.100000e+01 : f32
    %ge3A_1804 = vector.broadcast %ge3A_1803 : f32 to vector<16xf32>
    %ge3A_1805 = arith.cmpf oge, %get3A_1770, %ge3A_1804 : vector<16xf32>
    %jit3A_1806 = arith.constant 1 : i32
    %jit3A_1807 = arith.constant 0 : i32
    %broadcast_in_dim3A_1808 = vector.broadcast %jit3A_1806 : i32 to vector<16xi32>
    %broadcast_in_dim3A_1809 = vector.broadcast %jit3A_1807 : i32 to vector<16xi32>
    %select_n3A_1810 = arith.select %ge3A_1805, %broadcast_in_dim3A_1808, %broadcast_in_dim3A_1809 : vector<16xi1>, vector<16xi32>
    %add3A_1811 = arith.addi %add3A_1802, %select_n3A_1810 : vector<16xi32>
    %ge3A_1812 = arith.constant 4.100000e+01 : f32
    %ge3A_1813 = vector.broadcast %ge3A_1812 : f32 to vector<16xf32>
    %ge3A_1814 = arith.cmpf oge, %get3A_1770, %ge3A_1813 : vector<16xf32>
    %jit3A_1815 = arith.constant 1 : i32
    %jit3A_1816 = arith.constant 0 : i32
    %broadcast_in_dim3A_1817 = vector.broadcast %jit3A_1815 : i32 to vector<16xi32>
    %broadcast_in_dim3A_1818 = vector.broadcast %jit3A_1816 : i32 to vector<16xi32>
    %select_n3A_1819 = arith.select %ge3A_1814, %broadcast_in_dim3A_1817, %broadcast_in_dim3A_1818 : vector<16xi1>, vector<16xi32>
    %add3A_1820 = arith.addi %add3A_1811, %select_n3A_1819 : vector<16xi32>
    %ge3A_1821 = arith.constant 5.100000e+01 : f32
    %ge3A_1822 = vector.broadcast %ge3A_1821 : f32 to vector<16xf32>
    %ge3A_1823 = arith.cmpf oge, %get3A_1770, %ge3A_1822 : vector<16xf32>
    %jit3A_1824 = arith.constant 1 : i32
    %jit3A_1825 = arith.constant 0 : i32
    %broadcast_in_dim3A_1826 = vector.broadcast %jit3A_1824 : i32 to vector<16xi32>
    %broadcast_in_dim3A_1827 = vector.broadcast %jit3A_1825 : i32 to vector<16xi32>
    %select_n3A_1828 = arith.select %ge3A_1823, %broadcast_in_dim3A_1826, %broadcast_in_dim3A_1827 : vector<16xi1>, vector<16xi32>
    %add3A_1829 = arith.addi %add3A_1820, %select_n3A_1828 : vector<16xi32>
    %ge3A_1830 = arith.constant 6.100000e+01 : f32
    %ge3A_1831 = vector.broadcast %ge3A_1830 : f32 to vector<16xf32>
    %ge3A_1832 = arith.cmpf oge, %get3A_1770, %ge3A_1831 : vector<16xf32>
    %jit3A_1833 = arith.constant 1 : i32
    %jit3A_1834 = arith.constant 0 : i32
    %broadcast_in_dim3A_1835 = vector.broadcast %jit3A_1833 : i32 to vector<16xi32>
    %broadcast_in_dim3A_1836 = vector.broadcast %jit3A_1834 : i32 to vector<16xi32>
    %select_n3A_1837 = arith.select %ge3A_1832, %broadcast_in_dim3A_1835, %broadcast_in_dim3A_1836 : vector<16xi1>, vector<16xi32>
    %add3A_1838 = arith.addi %add3A_1829, %select_n3A_1837 : vector<16xi32>
    %ge3A_1839 = arith.constant 7.100000e+01 : f32
    %ge3A_1840 = vector.broadcast %ge3A_1839 : f32 to vector<16xf32>
    %ge3A_1841 = arith.cmpf oge, %get3A_1770, %ge3A_1840 : vector<16xf32>
    %jit3A_1842 = arith.constant 1 : i32
    %jit3A_1843 = arith.constant 0 : i32
    %broadcast_in_dim3A_1844 = vector.broadcast %jit3A_1842 : i32 to vector<16xi32>
    %broadcast_in_dim3A_1845 = vector.broadcast %jit3A_1843 : i32 to vector<16xi32>
    %select_n3A_1846 = arith.select %ge3A_1841, %broadcast_in_dim3A_1844, %broadcast_in_dim3A_1845 : vector<16xi1>, vector<16xi32>
    %add3A_1847 = arith.addi %add3A_1838, %select_n3A_1846 : vector<16xi32>
    %ge3A_1848 = arith.constant 8.100000e+01 : f32
    %ge3A_1849 = vector.broadcast %ge3A_1848 : f32 to vector<16xf32>
    %ge3A_1850 = arith.cmpf oge, %get3A_1770, %ge3A_1849 : vector<16xf32>
    %jit3A_1851 = arith.constant 1 : i32
    %jit3A_1852 = arith.constant 0 : i32
    %broadcast_in_dim3A_1853 = vector.broadcast %jit3A_1851 : i32 to vector<16xi32>
    %broadcast_in_dim3A_1854 = vector.broadcast %jit3A_1852 : i32 to vector<16xi32>
    %select_n3A_1855 = arith.select %ge3A_1850, %broadcast_in_dim3A_1853, %broadcast_in_dim3A_1854 : vector<16xi1>, vector<16xi32>
    %add3A_1856 = arith.addi %add3A_1847, %select_n3A_1855 : vector<16xi32>
    %ge3A_1857 = arith.constant 9.100000e+01 : f32
    %ge3A_1858 = vector.broadcast %ge3A_1857 : f32 to vector<16xf32>
    %ge3A_1859 = arith.cmpf oge, %get3A_1770, %ge3A_1858 : vector<16xf32>
    %jit3A_1860 = arith.constant 1 : i32
    %jit3A_1861 = arith.constant 0 : i32
    %broadcast_in_dim3A_1862 = vector.broadcast %jit3A_1860 : i32 to vector<16xi32>
    %broadcast_in_dim3A_1863 = vector.broadcast %jit3A_1861 : i32 to vector<16xi32>
    %select_n3A_1864 = arith.select %ge3A_1859, %broadcast_in_dim3A_1862, %broadcast_in_dim3A_1863 : vector<16xi1>, vector<16xi32>
    %add3A_1865 = arith.addi %add3A_1856, %select_n3A_1864 : vector<16xi32>
    %mul3A_1866 = arith.constant 8 : i32
    %mul3A_1867 = vector.broadcast %mul3A_1866 : i32 to vector<16xi32>
    %mul3A_1868 = arith.muli %get3A_1773, %mul3A_1867 : vector<16xi32>
    %add3A_1869 = arith.addi %mul3A_1868, %add3A_1865 : vector<16xi32>
    %ge3A_1870 = arith.constant 8 : i32
    %ge3A_1871 = vector.broadcast %ge3A_1870 : i32 to vector<16xi32>
    %ge3A_1872 = arith.cmpi sge, %add3A_1865, %ge3A_1871 : vector<16xi32>
    %jit3A_1873 = arith.constant 824 : i32
    %jit3A_1874 = arith.constant 0 : i32
    %broadcast_in_dim3A_1875 = vector.broadcast %jit3A_1873 : i32 to vector<16xi32>
    %broadcast_in_dim3A_1876 = vector.broadcast %jit3A_1874 : i32 to vector<16xi32>
    %select_n3A_1877 = arith.select %ge3A_1872, %broadcast_in_dim3A_1875, %broadcast_in_dim3A_1876 : vector<16xi1>, vector<16xi32>
    %add3A_1878 = arith.addi %add3A_1869, %select_n3A_1877 : vector<16xi32>
    %swap3A_1879 = arith.constant 1 : i32
    %swap3A_1880 = arith.index_cast %swap3A_1879 : i32 to index
    %swap3A_1881 = arith.constant 112 : index
    %swap3A_1882 = tpu.vector_load %arg8[%swap3A_1880, %swap3A_1881] {strides = array<i32>} : memref<4x128xi32, #tpu.memory_space<vmem>>, vector<1x16xi32>,
    %swap3A_1883 = vector.shape_cast %swap3A_1882 : vector<1x16xi32> to vector<16xi32>
    %swap3A_1884 = vector.shape_cast %add3A_1878 : vector<16xi32> to vector<1x16xi32>
    tpu.vector_store %arg8[%swap3A_1880, %swap3A_1881], %swap3A_1884 {strides = array<i32>} : memref<4x128xi32, #tpu.memory_space<vmem>>, vector<1x16xi32>,
    %dma_start3A_1885 = arith.constant 1 : i32
    %dma_start3A_1886 = arith.constant 128 : i32
    %dma_start3A_1887 = arith.constant 0 : i32
    %dma_start3A_1888 = tpu.memref_slice %arg9[%dma_start3A_1886, %dma_start3A_1887] : memref<512x16xf32, #tpu.memory_space<vmem>> -> memref<128x16xf32, #tpu.memory_space<vmem>>
    %dma_start3A_1889 = arith.constant 0 : i32
    %dma_start3A_1890 = tpu.memref_slice %arg8[%dma_start3A_1885, %dma_start3A_1889] : memref<4x128xi32, #tpu.memory_space<vmem>> -> memref<1x128xi32, #tpu.memory_space<vmem>>
    %dma_start3A_1891 = tpu.memref_squeeze %dma_start3A_1890 : memref<1x128xi32, #tpu.memory_space<vmem>> -> memref<128xi32, #tpu.memory_space<vmem>>
    %dma_start3A_1892 = arith.constant 0 : i32
    %dma_start3A_1893 = arith.constant 0 : i32
    %dma_start3A_1894 = tpu.memref_slice %arg4[%dma_start3A_1892, %dma_start3A_1893] : memref<1664x16xf32, #tpu.memory_space<hbm>> -> memref<1664x16xf32, #tpu.memory_space<hbm>>
    tpu.enqueue_indirect_dma source(%dma_start3A_1894 : memref<1664x16xf32, #tpu.memory_space<hbm>>) target(%dma_start3A_1888 : memref<128x16xf32, #tpu.memory_space<vmem>>) offsets(%dma_start3A_1891 : memref<128xi32, #tpu.memory_space<vmem>>) semaphore(%arg11 : memref<!tpu.dma_semaphore, #tpu.memory_space<semaphore_mem>>)
    %get3A_1895 = arith.constant 256 : index
    %get3A_1896 = tpu.vector_load %arg7[%get3A_1895] {strides = array<i32>} : memref<512xf32, #tpu.memory_space<vmem>>, vector<16xf32>,
    %get3A_1897 = vector.shape_cast %get3A_1896 : vector<16xf32> to vector<16xf32>
    %get3A_1898 = arith.constant 256 : index
    %get3A_1899 = tpu.vector_load %arg6[%get3A_1898] {strides = array<i32>} : memref<512xi32, #tpu.memory_space<vmem>>, vector<16xi32>,
    %get3A_1900 = vector.shape_cast %get3A_1899 : vector<16xi32> to vector<16xi32>
    %broadcast_in_dim3A_1901 = arith.constant 0 : i32
    %broadcast_in_dim3A_1902 = vector.broadcast %broadcast_in_dim3A_1901 : i32 to vector<16xi32>
    %ge3A_1903 = arith.constant 1.000000e+00 : f32
    %ge3A_1904 = vector.broadcast %ge3A_1903 : f32 to vector<16xf32>
    %ge3A_1905 = arith.cmpf oge, %get3A_1897, %ge3A_1904 : vector<16xf32>
    %jit3A_1906 = arith.constant 1 : i32
    %jit3A_1907 = arith.constant 0 : i32
    %broadcast_in_dim3A_1908 = vector.broadcast %jit3A_1906 : i32 to vector<16xi32>
    %broadcast_in_dim3A_1909 = vector.broadcast %jit3A_1907 : i32 to vector<16xi32>
    %select_n3A_1910 = arith.select %ge3A_1905, %broadcast_in_dim3A_1908, %broadcast_in_dim3A_1909 : vector<16xi1>, vector<16xi32>
    %add3A_1911 = arith.addi %broadcast_in_dim3A_1902, %select_n3A_1910 : vector<16xi32>
    %ge3A_1912 = arith.constant 1.100000e+01 : f32
    %ge3A_1913 = vector.broadcast %ge3A_1912 : f32 to vector<16xf32>
    %ge3A_1914 = arith.cmpf oge, %get3A_1897, %ge3A_1913 : vector<16xf32>
    %jit3A_1915 = arith.constant 1 : i32
    %jit3A_1916 = arith.constant 0 : i32
    %broadcast_in_dim3A_1917 = vector.broadcast %jit3A_1915 : i32 to vector<16xi32>
    %broadcast_in_dim3A_1918 = vector.broadcast %jit3A_1916 : i32 to vector<16xi32>
    %select_n3A_1919 = arith.select %ge3A_1914, %broadcast_in_dim3A_1917, %broadcast_in_dim3A_1918 : vector<16xi1>, vector<16xi32>
    %add3A_1920 = arith.addi %add3A_1911, %select_n3A_1919 : vector<16xi32>
    %ge3A_1921 = arith.constant 2.100000e+01 : f32
    %ge3A_1922 = vector.broadcast %ge3A_1921 : f32 to vector<16xf32>
    %ge3A_1923 = arith.cmpf oge, %get3A_1897, %ge3A_1922 : vector<16xf32>
    %jit3A_1924 = arith.constant 1 : i32
    %jit3A_1925 = arith.constant 0 : i32
    %broadcast_in_dim3A_1926 = vector.broadcast %jit3A_1924 : i32 to vector<16xi32>
    %broadcast_in_dim3A_1927 = vector.broadcast %jit3A_1925 : i32 to vector<16xi32>
    %select_n3A_1928 = arith.select %ge3A_1923, %broadcast_in_dim3A_1926, %broadcast_in_dim3A_1927 : vector<16xi1>, vector<16xi32>
    %add3A_1929 = arith.addi %add3A_1920, %select_n3A_1928 : vector<16xi32>
    %ge3A_1930 = arith.constant 3.100000e+01 : f32
    %ge3A_1931 = vector.broadcast %ge3A_1930 : f32 to vector<16xf32>
    %ge3A_1932 = arith.cmpf oge, %get3A_1897, %ge3A_1931 : vector<16xf32>
    %jit3A_1933 = arith.constant 1 : i32
    %jit3A_1934 = arith.constant 0 : i32
    %broadcast_in_dim3A_1935 = vector.broadcast %jit3A_1933 : i32 to vector<16xi32>
    %broadcast_in_dim3A_1936 = vector.broadcast %jit3A_1934 : i32 to vector<16xi32>
    %select_n3A_1937 = arith.select %ge3A_1932, %broadcast_in_dim3A_1935, %broadcast_in_dim3A_1936 : vector<16xi1>, vector<16xi32>
    %add3A_1938 = arith.addi %add3A_1929, %select_n3A_1937 : vector<16xi32>
    %ge3A_1939 = arith.constant 4.100000e+01 : f32
    %ge3A_1940 = vector.broadcast %ge3A_1939 : f32 to vector<16xf32>
    %ge3A_1941 = arith.cmpf oge, %get3A_1897, %ge3A_1940 : vector<16xf32>
    %jit3A_1942 = arith.constant 1 : i32
    %jit3A_1943 = arith.constant 0 : i32
    %broadcast_in_dim3A_1944 = vector.broadcast %jit3A_1942 : i32 to vector<16xi32>
    %broadcast_in_dim3A_1945 = vector.broadcast %jit3A_1943 : i32 to vector<16xi32>
    %select_n3A_1946 = arith.select %ge3A_1941, %broadcast_in_dim3A_1944, %broadcast_in_dim3A_1945 : vector<16xi1>, vector<16xi32>
    %add3A_1947 = arith.addi %add3A_1938, %select_n3A_1946 : vector<16xi32>
    %ge3A_1948 = arith.constant 5.100000e+01 : f32
    %ge3A_1949 = vector.broadcast %ge3A_1948 : f32 to vector<16xf32>
    %ge3A_1950 = arith.cmpf oge, %get3A_1897, %ge3A_1949 : vector<16xf32>
    %jit3A_1951 = arith.constant 1 : i32
    %jit3A_1952 = arith.constant 0 : i32
    %broadcast_in_dim3A_1953 = vector.broadcast %jit3A_1951 : i32 to vector<16xi32>
    %broadcast_in_dim3A_1954 = vector.broadcast %jit3A_1952 : i32 to vector<16xi32>
    %select_n3A_1955 = arith.select %ge3A_1950, %broadcast_in_dim3A_1953, %broadcast_in_dim3A_1954 : vector<16xi1>, vector<16xi32>
    %add3A_1956 = arith.addi %add3A_1947, %select_n3A_1955 : vector<16xi32>
    %ge3A_1957 = arith.constant 6.100000e+01 : f32
    %ge3A_1958 = vector.broadcast %ge3A_1957 : f32 to vector<16xf32>
    %ge3A_1959 = arith.cmpf oge, %get3A_1897, %ge3A_1958 : vector<16xf32>
    %jit3A_1960 = arith.constant 1 : i32
    %jit3A_1961 = arith.constant 0 : i32
    %broadcast_in_dim3A_1962 = vector.broadcast %jit3A_1960 : i32 to vector<16xi32>
    %broadcast_in_dim3A_1963 = vector.broadcast %jit3A_1961 : i32 to vector<16xi32>
    %select_n3A_1964 = arith.select %ge3A_1959, %broadcast_in_dim3A_1962, %broadcast_in_dim3A_1963 : vector<16xi1>, vector<16xi32>
    %add3A_1965 = arith.addi %add3A_1956, %select_n3A_1964 : vector<16xi32>
    %ge3A_1966 = arith.constant 7.100000e+01 : f32
    %ge3A_1967 = vector.broadcast %ge3A_1966 : f32 to vector<16xf32>
    %ge3A_1968 = arith.cmpf oge, %get3A_1897, %ge3A_1967 : vector<16xf32>
    %jit3A_1969 = arith.constant 1 : i32
    %jit3A_1970 = arith.constant 0 : i32
    %broadcast_in_dim3A_1971 = vector.broadcast %jit3A_1969 : i32 to vector<16xi32>
    %broadcast_in_dim3A_1972 = vector.broadcast %jit3A_1970 : i32 to vector<16xi32>
    %select_n3A_1973 = arith.select %ge3A_1968, %broadcast_in_dim3A_1971, %broadcast_in_dim3A_1972 : vector<16xi1>, vector<16xi32>
    %add3A_1974 = arith.addi %add3A_1965, %select_n3A_1973 : vector<16xi32>
    %ge3A_1975 = arith.constant 8.100000e+01 : f32
    %ge3A_1976 = vector.broadcast %ge3A_1975 : f32 to vector<16xf32>
    %ge3A_1977 = arith.cmpf oge, %get3A_1897, %ge3A_1976 : vector<16xf32>
    %jit3A_1978 = arith.constant 1 : i32
    %jit3A_1979 = arith.constant 0 : i32
    %broadcast_in_dim3A_1980 = vector.broadcast %jit3A_1978 : i32 to vector<16xi32>
    %broadcast_in_dim3A_1981 = vector.broadcast %jit3A_1979 : i32 to vector<16xi32>
    %select_n3A_1982 = arith.select %ge3A_1977, %broadcast_in_dim3A_1980, %broadcast_in_dim3A_1981 : vector<16xi1>, vector<16xi32>
    %add3A_1983 = arith.addi %add3A_1974, %select_n3A_1982 : vector<16xi32>
    %ge3A_1984 = arith.constant 9.100000e+01 : f32
    %ge3A_1985 = vector.broadcast %ge3A_1984 : f32 to vector<16xf32>
    %ge3A_1986 = arith.cmpf oge, %get3A_1897, %ge3A_1985 : vector<16xf32>
    %jit3A_1987 = arith.constant 1 : i32
    %jit3A_1988 = arith.constant 0 : i32
    %broadcast_in_dim3A_1989 = vector.broadcast %jit3A_1987 : i32 to vector<16xi32>
    %broadcast_in_dim3A_1990 = vector.broadcast %jit3A_1988 : i32 to vector<16xi32>
    %select_n3A_1991 = arith.select %ge3A_1986, %broadcast_in_dim3A_1989, %broadcast_in_dim3A_1990 : vector<16xi1>, vector<16xi32>
    %add3A_1992 = arith.addi %add3A_1983, %select_n3A_1991 : vector<16xi32>
    %mul3A_1993 = arith.constant 8 : i32
    %mul3A_1994 = vector.broadcast %mul3A_1993 : i32 to vector<16xi32>
    %mul3A_1995 = arith.muli %get3A_1900, %mul3A_1994 : vector<16xi32>
    %add3A_1996 = arith.addi %mul3A_1995, %add3A_1992 : vector<16xi32>
    %ge3A_1997 = arith.constant 8 : i32
    %ge3A_1998 = vector.broadcast %ge3A_1997 : i32 to vector<16xi32>
    %ge3A_1999 = arith.cmpi sge, %add3A_1992, %ge3A_1998 : vector<16xi32>
    %jit3A_2000 = arith.constant 824 : i32
    %jit3A_2001 = arith.constant 0 : i32
    %broadcast_in_dim3A_2002 = vector.broadcast %jit3A_2000 : i32 to vector<16xi32>
    %broadcast_in_dim3A_2003 = vector.broadcast %jit3A_2001 : i32 to vector<16xi32>
    %select_n3A_2004 = arith.select %ge3A_1999, %broadcast_in_dim3A_2002, %broadcast_in_dim3A_2003 : vector<16xi1>, vector<16xi32>
    %add3A_2005 = arith.addi %add3A_1996, %select_n3A_2004 : vector<16xi32>
    %swap3A_2006 = arith.constant 2 : i32
    %swap3A_2007 = arith.index_cast %swap3A_2006 : i32 to index
    %swap3A_2008 = arith.constant 0 : index
    %swap3A_2009 = tpu.vector_load %arg8[%swap3A_2007, %swap3A_2008] {strides = array<i32>} : memref<4x128xi32, #tpu.memory_space<vmem>>, vector<1x16xi32>,
    %swap3A_2010 = vector.shape_cast %swap3A_2009 : vector<1x16xi32> to vector<16xi32>
    %swap3A_2011 = vector.shape_cast %add3A_2005 : vector<16xi32> to vector<1x16xi32>
    tpu.vector_store %arg8[%swap3A_2007, %swap3A_2008], %swap3A_2011 {strides = array<i32>} : memref<4x128xi32, #tpu.memory_space<vmem>>, vector<1x16xi32>,
    %get3A_2012 = arith.constant 272 : index
    %get3A_2013 = tpu.vector_load %arg7[%get3A_2012] {strides = array<i32>} : memref<512xf32, #tpu.memory_space<vmem>>, vector<16xf32>,
    %get3A_2014 = vector.shape_cast %get3A_2013 : vector<16xf32> to vector<16xf32>
    %get3A_2015 = arith.constant 272 : index
    %get3A_2016 = tpu.vector_load %arg6[%get3A_2015] {strides = array<i32>} : memref<512xi32, #tpu.memory_space<vmem>>, vector<16xi32>,
    %get3A_2017 = vector.shape_cast %get3A_2016 : vector<16xi32> to vector<16xi32>
    %broadcast_in_dim3A_2018 = arith.constant 0 : i32
    %broadcast_in_dim3A_2019 = vector.broadcast %broadcast_in_dim3A_2018 : i32 to vector<16xi32>
    %ge3A_2020 = arith.constant 1.000000e+00 : f32
    %ge3A_2021 = vector.broadcast %ge3A_2020 : f32 to vector<16xf32>
    %ge3A_2022 = arith.cmpf oge, %get3A_2014, %ge3A_2021 : vector<16xf32>
    %jit3A_2023 = arith.constant 1 : i32
    %jit3A_2024 = arith.constant 0 : i32
    %broadcast_in_dim3A_2025 = vector.broadcast %jit3A_2023 : i32 to vector<16xi32>
    %broadcast_in_dim3A_2026 = vector.broadcast %jit3A_2024 : i32 to vector<16xi32>
    %select_n3A_2027 = arith.select %ge3A_2022, %broadcast_in_dim3A_2025, %broadcast_in_dim3A_2026 : vector<16xi1>, vector<16xi32>
    %add3A_2028 = arith.addi %broadcast_in_dim3A_2019, %select_n3A_2027 : vector<16xi32>
    %ge3A_2029 = arith.constant 1.100000e+01 : f32
    %ge3A_2030 = vector.broadcast %ge3A_2029 : f32 to vector<16xf32>
    %ge3A_2031 = arith.cmpf oge, %get3A_2014, %ge3A_2030 : vector<16xf32>
    %jit3A_2032 = arith.constant 1 : i32
    %jit3A_2033 = arith.constant 0 : i32
    %broadcast_in_dim3A_2034 = vector.broadcast %jit3A_2032 : i32 to vector<16xi32>
    %broadcast_in_dim3A_2035 = vector.broadcast %jit3A_2033 : i32 to vector<16xi32>
    %select_n3A_2036 = arith.select %ge3A_2031, %broadcast_in_dim3A_2034, %broadcast_in_dim3A_2035 : vector<16xi1>, vector<16xi32>
    %add3A_2037 = arith.addi %add3A_2028, %select_n3A_2036 : vector<16xi32>
    %ge3A_2038 = arith.constant 2.100000e+01 : f32
    %ge3A_2039 = vector.broadcast %ge3A_2038 : f32 to vector<16xf32>
    %ge3A_2040 = arith.cmpf oge, %get3A_2014, %ge3A_2039 : vector<16xf32>
    %jit3A_2041 = arith.constant 1 : i32
    %jit3A_2042 = arith.constant 0 : i32
    %broadcast_in_dim3A_2043 = vector.broadcast %jit3A_2041 : i32 to vector<16xi32>
    %broadcast_in_dim3A_2044 = vector.broadcast %jit3A_2042 : i32 to vector<16xi32>
    %select_n3A_2045 = arith.select %ge3A_2040, %broadcast_in_dim3A_2043, %broadcast_in_dim3A_2044 : vector<16xi1>, vector<16xi32>
    %add3A_2046 = arith.addi %add3A_2037, %select_n3A_2045 : vector<16xi32>
    %ge3A_2047 = arith.constant 3.100000e+01 : f32
    %ge3A_2048 = vector.broadcast %ge3A_2047 : f32 to vector<16xf32>
    %ge3A_2049 = arith.cmpf oge, %get3A_2014, %ge3A_2048 : vector<16xf32>
    %jit3A_2050 = arith.constant 1 : i32
    %jit3A_2051 = arith.constant 0 : i32
    %broadcast_in_dim3A_2052 = vector.broadcast %jit3A_2050 : i32 to vector<16xi32>
    %broadcast_in_dim3A_2053 = vector.broadcast %jit3A_2051 : i32 to vector<16xi32>
    %select_n3A_2054 = arith.select %ge3A_2049, %broadcast_in_dim3A_2052, %broadcast_in_dim3A_2053 : vector<16xi1>, vector<16xi32>
    %add3A_2055 = arith.addi %add3A_2046, %select_n3A_2054 : vector<16xi32>
    %ge3A_2056 = arith.constant 4.100000e+01 : f32
    %ge3A_2057 = vector.broadcast %ge3A_2056 : f32 to vector<16xf32>
    %ge3A_2058 = arith.cmpf oge, %get3A_2014, %ge3A_2057 : vector<16xf32>
    %jit3A_2059 = arith.constant 1 : i32
    %jit3A_2060 = arith.constant 0 : i32
    %broadcast_in_dim3A_2061 = vector.broadcast %jit3A_2059 : i32 to vector<16xi32>
    %broadcast_in_dim3A_2062 = vector.broadcast %jit3A_2060 : i32 to vector<16xi32>
    %select_n3A_2063 = arith.select %ge3A_2058, %broadcast_in_dim3A_2061, %broadcast_in_dim3A_2062 : vector<16xi1>, vector<16xi32>
    %add3A_2064 = arith.addi %add3A_2055, %select_n3A_2063 : vector<16xi32>
    %ge3A_2065 = arith.constant 5.100000e+01 : f32
    %ge3A_2066 = vector.broadcast %ge3A_2065 : f32 to vector<16xf32>
    %ge3A_2067 = arith.cmpf oge, %get3A_2014, %ge3A_2066 : vector<16xf32>
    %jit3A_2068 = arith.constant 1 : i32
    %jit3A_2069 = arith.constant 0 : i32
    %broadcast_in_dim3A_2070 = vector.broadcast %jit3A_2068 : i32 to vector<16xi32>
    %broadcast_in_dim3A_2071 = vector.broadcast %jit3A_2069 : i32 to vector<16xi32>
    %select_n3A_2072 = arith.select %ge3A_2067, %broadcast_in_dim3A_2070, %broadcast_in_dim3A_2071 : vector<16xi1>, vector<16xi32>
    %add3A_2073 = arith.addi %add3A_2064, %select_n3A_2072 : vector<16xi32>
    %ge3A_2074 = arith.constant 6.100000e+01 : f32
    %ge3A_2075 = vector.broadcast %ge3A_2074 : f32 to vector<16xf32>
    %ge3A_2076 = arith.cmpf oge, %get3A_2014, %ge3A_2075 : vector<16xf32>
    %jit3A_2077 = arith.constant 1 : i32
    %jit3A_2078 = arith.constant 0 : i32
    %broadcast_in_dim3A_2079 = vector.broadcast %jit3A_2077 : i32 to vector<16xi32>
    %broadcast_in_dim3A_2080 = vector.broadcast %jit3A_2078 : i32 to vector<16xi32>
    %select_n3A_2081 = arith.select %ge3A_2076, %broadcast_in_dim3A_2079, %broadcast_in_dim3A_2080 : vector<16xi1>, vector<16xi32>
    %add3A_2082 = arith.addi %add3A_2073, %select_n3A_2081 : vector<16xi32>
    %ge3A_2083 = arith.constant 7.100000e+01 : f32
    %ge3A_2084 = vector.broadcast %ge3A_2083 : f32 to vector<16xf32>
    %ge3A_2085 = arith.cmpf oge, %get3A_2014, %ge3A_2084 : vector<16xf32>
    %jit3A_2086 = arith.constant 1 : i32
    %jit3A_2087 = arith.constant 0 : i32
    %broadcast_in_dim3A_2088 = vector.broadcast %jit3A_2086 : i32 to vector<16xi32>
    %broadcast_in_dim3A_2089 = vector.broadcast %jit3A_2087 : i32 to vector<16xi32>
    %select_n3A_2090 = arith.select %ge3A_2085, %broadcast_in_dim3A_2088, %broadcast_in_dim3A_2089 : vector<16xi1>, vector<16xi32>
    %add3A_2091 = arith.addi %add3A_2082, %select_n3A_2090 : vector<16xi32>
    %ge3A_2092 = arith.constant 8.100000e+01 : f32
    %ge3A_2093 = vector.broadcast %ge3A_2092 : f32 to vector<16xf32>
    %ge3A_2094 = arith.cmpf oge, %get3A_2014, %ge3A_2093 : vector<16xf32>
    %jit3A_2095 = arith.constant 1 : i32
    %jit3A_2096 = arith.constant 0 : i32
    %broadcast_in_dim3A_2097 = vector.broadcast %jit3A_2095 : i32 to vector<16xi32>
    %broadcast_in_dim3A_2098 = vector.broadcast %jit3A_2096 : i32 to vector<16xi32>
    %select_n3A_2099 = arith.select %ge3A_2094, %broadcast_in_dim3A_2097, %broadcast_in_dim3A_2098 : vector<16xi1>, vector<16xi32>
    %add3A_2100 = arith.addi %add3A_2091, %select_n3A_2099 : vector<16xi32>
    %ge3A_2101 = arith.constant 9.100000e+01 : f32
    %ge3A_2102 = vector.broadcast %ge3A_2101 : f32 to vector<16xf32>
    %ge3A_2103 = arith.cmpf oge, %get3A_2014, %ge3A_2102 : vector<16xf32>
    %jit3A_2104 = arith.constant 1 : i32
    %jit3A_2105 = arith.constant 0 : i32
    %broadcast_in_dim3A_2106 = vector.broadcast %jit3A_2104 : i32 to vector<16xi32>
    %broadcast_in_dim3A_2107 = vector.broadcast %jit3A_2105 : i32 to vector<16xi32>
    %select_n3A_2108 = arith.select %ge3A_2103, %broadcast_in_dim3A_2106, %broadcast_in_dim3A_2107 : vector<16xi1>, vector<16xi32>
    %add3A_2109 = arith.addi %add3A_2100, %select_n3A_2108 : vector<16xi32>
    %mul3A_2110 = arith.constant 8 : i32
    %mul3A_2111 = vector.broadcast %mul3A_2110 : i32 to vector<16xi32>
    %mul3A_2112 = arith.muli %get3A_2017, %mul3A_2111 : vector<16xi32>
    %add3A_2113 = arith.addi %mul3A_2112, %add3A_2109 : vector<16xi32>
    %ge3A_2114 = arith.constant 8 : i32
    %ge3A_2115 = vector.broadcast %ge3A_2114 : i32 to vector<16xi32>
    %ge3A_2116 = arith.cmpi sge, %add3A_2109, %ge3A_2115 : vector<16xi32>
    %jit3A_2117 = arith.constant 824 : i32
    %jit3A_2118 = arith.constant 0 : i32
    %broadcast_in_dim3A_2119 = vector.broadcast %jit3A_2117 : i32 to vector<16xi32>
    %broadcast_in_dim3A_2120 = vector.broadcast %jit3A_2118 : i32 to vector<16xi32>
    %select_n3A_2121 = arith.select %ge3A_2116, %broadcast_in_dim3A_2119, %broadcast_in_dim3A_2120 : vector<16xi1>, vector<16xi32>
    %add3A_2122 = arith.addi %add3A_2113, %select_n3A_2121 : vector<16xi32>
    %swap3A_2123 = arith.constant 2 : i32
    %swap3A_2124 = arith.index_cast %swap3A_2123 : i32 to index
    %swap3A_2125 = arith.constant 16 : index
    %swap3A_2126 = tpu.vector_load %arg8[%swap3A_2124, %swap3A_2125] {strides = array<i32>} : memref<4x128xi32, #tpu.memory_space<vmem>>, vector<1x16xi32>,
    %swap3A_2127 = vector.shape_cast %swap3A_2126 : vector<1x16xi32> to vector<16xi32>
    %swap3A_2128 = vector.shape_cast %add3A_2122 : vector<16xi32> to vector<1x16xi32>
    tpu.vector_store %arg8[%swap3A_2124, %swap3A_2125], %swap3A_2128 {strides = array<i32>} : memref<4x128xi32, #tpu.memory_space<vmem>>, vector<1x16xi32>,
    %get3A_2129 = arith.constant 288 : index
    %get3A_2130 = tpu.vector_load %arg7[%get3A_2129] {strides = array<i32>} : memref<512xf32, #tpu.memory_space<vmem>>, vector<16xf32>,
    %get3A_2131 = vector.shape_cast %get3A_2130 : vector<16xf32> to vector<16xf32>
    %get3A_2132 = arith.constant 288 : index
    %get3A_2133 = tpu.vector_load %arg6[%get3A_2132] {strides = array<i32>} : memref<512xi32, #tpu.memory_space<vmem>>, vector<16xi32>,
    %get3A_2134 = vector.shape_cast %get3A_2133 : vector<16xi32> to vector<16xi32>
    %broadcast_in_dim3A_2135 = arith.constant 0 : i32
    %broadcast_in_dim3A_2136 = vector.broadcast %broadcast_in_dim3A_2135 : i32 to vector<16xi32>
    %ge3A_2137 = arith.constant 1.000000e+00 : f32
    %ge3A_2138 = vector.broadcast %ge3A_2137 : f32 to vector<16xf32>
    %ge3A_2139 = arith.cmpf oge, %get3A_2131, %ge3A_2138 : vector<16xf32>
    %jit3A_2140 = arith.constant 1 : i32
    %jit3A_2141 = arith.constant 0 : i32
    %broadcast_in_dim3A_2142 = vector.broadcast %jit3A_2140 : i32 to vector<16xi32>
    %broadcast_in_dim3A_2143 = vector.broadcast %jit3A_2141 : i32 to vector<16xi32>
    %select_n3A_2144 = arith.select %ge3A_2139, %broadcast_in_dim3A_2142, %broadcast_in_dim3A_2143 : vector<16xi1>, vector<16xi32>
    %add3A_2145 = arith.addi %broadcast_in_dim3A_2136, %select_n3A_2144 : vector<16xi32>
    %ge3A_2146 = arith.constant 1.100000e+01 : f32
    %ge3A_2147 = vector.broadcast %ge3A_2146 : f32 to vector<16xf32>
    %ge3A_2148 = arith.cmpf oge, %get3A_2131, %ge3A_2147 : vector<16xf32>
    %jit3A_2149 = arith.constant 1 : i32
    %jit3A_2150 = arith.constant 0 : i32
    %broadcast_in_dim3A_2151 = vector.broadcast %jit3A_2149 : i32 to vector<16xi32>
    %broadcast_in_dim3A_2152 = vector.broadcast %jit3A_2150 : i32 to vector<16xi32>
    %select_n3A_2153 = arith.select %ge3A_2148, %broadcast_in_dim3A_2151, %broadcast_in_dim3A_2152 : vector<16xi1>, vector<16xi32>
    %add3A_2154 = arith.addi %add3A_2145, %select_n3A_2153 : vector<16xi32>
    %ge3A_2155 = arith.constant 2.100000e+01 : f32
    %ge3A_2156 = vector.broadcast %ge3A_2155 : f32 to vector<16xf32>
    %ge3A_2157 = arith.cmpf oge, %get3A_2131, %ge3A_2156 : vector<16xf32>
    %jit3A_2158 = arith.constant 1 : i32
    %jit3A_2159 = arith.constant 0 : i32
    %broadcast_in_dim3A_2160 = vector.broadcast %jit3A_2158 : i32 to vector<16xi32>
    %broadcast_in_dim3A_2161 = vector.broadcast %jit3A_2159 : i32 to vector<16xi32>
    %select_n3A_2162 = arith.select %ge3A_2157, %broadcast_in_dim3A_2160, %broadcast_in_dim3A_2161 : vector<16xi1>, vector<16xi32>
    %add3A_2163 = arith.addi %add3A_2154, %select_n3A_2162 : vector<16xi32>
    %ge3A_2164 = arith.constant 3.100000e+01 : f32
    %ge3A_2165 = vector.broadcast %ge3A_2164 : f32 to vector<16xf32>
    %ge3A_2166 = arith.cmpf oge, %get3A_2131, %ge3A_2165 : vector<16xf32>
    %jit3A_2167 = arith.constant 1 : i32
    %jit3A_2168 = arith.constant 0 : i32
    %broadcast_in_dim3A_2169 = vector.broadcast %jit3A_2167 : i32 to vector<16xi32>
    %broadcast_in_dim3A_2170 = vector.broadcast %jit3A_2168 : i32 to vector<16xi32>
    %select_n3A_2171 = arith.select %ge3A_2166, %broadcast_in_dim3A_2169, %broadcast_in_dim3A_2170 : vector<16xi1>, vector<16xi32>
    %add3A_2172 = arith.addi %add3A_2163, %select_n3A_2171 : vector<16xi32>
    %ge3A_2173 = arith.constant 4.100000e+01 : f32
    %ge3A_2174 = vector.broadcast %ge3A_2173 : f32 to vector<16xf32>
    %ge3A_2175 = arith.cmpf oge, %get3A_2131, %ge3A_2174 : vector<16xf32>
    %jit3A_2176 = arith.constant 1 : i32
    %jit3A_2177 = arith.constant 0 : i32
    %broadcast_in_dim3A_2178 = vector.broadcast %jit3A_2176 : i32 to vector<16xi32>
    %broadcast_in_dim3A_2179 = vector.broadcast %jit3A_2177 : i32 to vector<16xi32>
    %select_n3A_2180 = arith.select %ge3A_2175, %broadcast_in_dim3A_2178, %broadcast_in_dim3A_2179 : vector<16xi1>, vector<16xi32>
    %add3A_2181 = arith.addi %add3A_2172, %select_n3A_2180 : vector<16xi32>
    %ge3A_2182 = arith.constant 5.100000e+01 : f32
    %ge3A_2183 = vector.broadcast %ge3A_2182 : f32 to vector<16xf32>
    %ge3A_2184 = arith.cmpf oge, %get3A_2131, %ge3A_2183 : vector<16xf32>
    %jit3A_2185 = arith.constant 1 : i32
    %jit3A_2186 = arith.constant 0 : i32
    %broadcast_in_dim3A_2187 = vector.broadcast %jit3A_2185 : i32 to vector<16xi32>
    %broadcast_in_dim3A_2188 = vector.broadcast %jit3A_2186 : i32 to vector<16xi32>
    %select_n3A_2189 = arith.select %ge3A_2184, %broadcast_in_dim3A_2187, %broadcast_in_dim3A_2188 : vector<16xi1>, vector<16xi32>
    %add3A_2190 = arith.addi %add3A_2181, %select_n3A_2189 : vector<16xi32>
    %ge3A_2191 = arith.constant 6.100000e+01 : f32
    %ge3A_2192 = vector.broadcast %ge3A_2191 : f32 to vector<16xf32>
    %ge3A_2193 = arith.cmpf oge, %get3A_2131, %ge3A_2192 : vector<16xf32>
    %jit3A_2194 = arith.constant 1 : i32
    %jit3A_2195 = arith.constant 0 : i32
    %broadcast_in_dim3A_2196 = vector.broadcast %jit3A_2194 : i32 to vector<16xi32>
    %broadcast_in_dim3A_2197 = vector.broadcast %jit3A_2195 : i32 to vector<16xi32>
    %select_n3A_2198 = arith.select %ge3A_2193, %broadcast_in_dim3A_2196, %broadcast_in_dim3A_2197 : vector<16xi1>, vector<16xi32>
    %add3A_2199 = arith.addi %add3A_2190, %select_n3A_2198 : vector<16xi32>
    %ge3A_2200 = arith.constant 7.100000e+01 : f32
    %ge3A_2201 = vector.broadcast %ge3A_2200 : f32 to vector<16xf32>
    %ge3A_2202 = arith.cmpf oge, %get3A_2131, %ge3A_2201 : vector<16xf32>
    %jit3A_2203 = arith.constant 1 : i32
    %jit3A_2204 = arith.constant 0 : i32
    %broadcast_in_dim3A_2205 = vector.broadcast %jit3A_2203 : i32 to vector<16xi32>
    %broadcast_in_dim3A_2206 = vector.broadcast %jit3A_2204 : i32 to vector<16xi32>
    %select_n3A_2207 = arith.select %ge3A_2202, %broadcast_in_dim3A_2205, %broadcast_in_dim3A_2206 : vector<16xi1>, vector<16xi32>
    %add3A_2208 = arith.addi %add3A_2199, %select_n3A_2207 : vector<16xi32>
    %ge3A_2209 = arith.constant 8.100000e+01 : f32
    %ge3A_2210 = vector.broadcast %ge3A_2209 : f32 to vector<16xf32>
    %ge3A_2211 = arith.cmpf oge, %get3A_2131, %ge3A_2210 : vector<16xf32>
    %jit3A_2212 = arith.constant 1 : i32
    %jit3A_2213 = arith.constant 0 : i32
    %broadcast_in_dim3A_2214 = vector.broadcast %jit3A_2212 : i32 to vector<16xi32>
    %broadcast_in_dim3A_2215 = vector.broadcast %jit3A_2213 : i32 to vector<16xi32>
    %select_n3A_2216 = arith.select %ge3A_2211, %broadcast_in_dim3A_2214, %broadcast_in_dim3A_2215 : vector<16xi1>, vector<16xi32>
    %add3A_2217 = arith.addi %add3A_2208, %select_n3A_2216 : vector<16xi32>
    %ge3A_2218 = arith.constant 9.100000e+01 : f32
    %ge3A_2219 = vector.broadcast %ge3A_2218 : f32 to vector<16xf32>
    %ge3A_2220 = arith.cmpf oge, %get3A_2131, %ge3A_2219 : vector<16xf32>
    %jit3A_2221 = arith.constant 1 : i32
    %jit3A_2222 = arith.constant 0 : i32
    %broadcast_in_dim3A_2223 = vector.broadcast %jit3A_2221 : i32 to vector<16xi32>
    %broadcast_in_dim3A_2224 = vector.broadcast %jit3A_2222 : i32 to vector<16xi32>
    %select_n3A_2225 = arith.select %ge3A_2220, %broadcast_in_dim3A_2223, %broadcast_in_dim3A_2224 : vector<16xi1>, vector<16xi32>
    %add3A_2226 = arith.addi %add3A_2217, %select_n3A_2225 : vector<16xi32>
    %mul3A_2227 = arith.constant 8 : i32
    %mul3A_2228 = vector.broadcast %mul3A_2227 : i32 to vector<16xi32>
    %mul3A_2229 = arith.muli %get3A_2134, %mul3A_2228 : vector<16xi32>
    %add3A_2230 = arith.addi %mul3A_2229, %add3A_2226 : vector<16xi32>
    %ge3A_2231 = arith.constant 8 : i32
    %ge3A_2232 = vector.broadcast %ge3A_2231 : i32 to vector<16xi32>
    %ge3A_2233 = arith.cmpi sge, %add3A_2226, %ge3A_2232 : vector<16xi32>
    %jit3A_2234 = arith.constant 824 : i32
    %jit3A_2235 = arith.constant 0 : i32
    %broadcast_in_dim3A_2236 = vector.broadcast %jit3A_2234 : i32 to vector<16xi32>
    %broadcast_in_dim3A_2237 = vector.broadcast %jit3A_2235 : i32 to vector<16xi32>
    %select_n3A_2238 = arith.select %ge3A_2233, %broadcast_in_dim3A_2236, %broadcast_in_dim3A_2237 : vector<16xi1>, vector<16xi32>
    %add3A_2239 = arith.addi %add3A_2230, %select_n3A_2238 : vector<16xi32>
    %swap3A_2240 = arith.constant 2 : i32
    %swap3A_2241 = arith.index_cast %swap3A_2240 : i32 to index
    %swap3A_2242 = arith.constant 32 : index
    %swap3A_2243 = tpu.vector_load %arg8[%swap3A_2241, %swap3A_2242] {strides = array<i32>} : memref<4x128xi32, #tpu.memory_space<vmem>>, vector<1x16xi32>,
    %swap3A_2244 = vector.shape_cast %swap3A_2243 : vector<1x16xi32> to vector<16xi32>
    %swap3A_2245 = vector.shape_cast %add3A_2239 : vector<16xi32> to vector<1x16xi32>
    tpu.vector_store %arg8[%swap3A_2241, %swap3A_2242], %swap3A_2245 {strides = array<i32>} : memref<4x128xi32, #tpu.memory_space<vmem>>, vector<1x16xi32>,
    %get3A_2246 = arith.constant 304 : index
    %get3A_2247 = tpu.vector_load %arg7[%get3A_2246] {strides = array<i32>} : memref<512xf32, #tpu.memory_space<vmem>>, vector<16xf32>,
    %get3A_2248 = vector.shape_cast %get3A_2247 : vector<16xf32> to vector<16xf32>
    %get3A_2249 = arith.constant 304 : index
    %get3A_2250 = tpu.vector_load %arg6[%get3A_2249] {strides = array<i32>} : memref<512xi32, #tpu.memory_space<vmem>>, vector<16xi32>,
    %get3A_2251 = vector.shape_cast %get3A_2250 : vector<16xi32> to vector<16xi32>
    %broadcast_in_dim3A_2252 = arith.constant 0 : i32
    %broadcast_in_dim3A_2253 = vector.broadcast %broadcast_in_dim3A_2252 : i32 to vector<16xi32>
    %ge3A_2254 = arith.constant 1.000000e+00 : f32
    %ge3A_2255 = vector.broadcast %ge3A_2254 : f32 to vector<16xf32>
    %ge3A_2256 = arith.cmpf oge, %get3A_2248, %ge3A_2255 : vector<16xf32>
    %jit3A_2257 = arith.constant 1 : i32
    %jit3A_2258 = arith.constant 0 : i32
    %broadcast_in_dim3A_2259 = vector.broadcast %jit3A_2257 : i32 to vector<16xi32>
    %broadcast_in_dim3A_2260 = vector.broadcast %jit3A_2258 : i32 to vector<16xi32>
    %select_n3A_2261 = arith.select %ge3A_2256, %broadcast_in_dim3A_2259, %broadcast_in_dim3A_2260 : vector<16xi1>, vector<16xi32>
    %add3A_2262 = arith.addi %broadcast_in_dim3A_2253, %select_n3A_2261 : vector<16xi32>
    %ge3A_2263 = arith.constant 1.100000e+01 : f32
    %ge3A_2264 = vector.broadcast %ge3A_2263 : f32 to vector<16xf32>
    %ge3A_2265 = arith.cmpf oge, %get3A_2248, %ge3A_2264 : vector<16xf32>
    %jit3A_2266 = arith.constant 1 : i32
    %jit3A_2267 = arith.constant 0 : i32
    %broadcast_in_dim3A_2268 = vector.broadcast %jit3A_2266 : i32 to vector<16xi32>
    %broadcast_in_dim3A_2269 = vector.broadcast %jit3A_2267 : i32 to vector<16xi32>
    %select_n3A_2270 = arith.select %ge3A_2265, %broadcast_in_dim3A_2268, %broadcast_in_dim3A_2269 : vector<16xi1>, vector<16xi32>
    %add3A_2271 = arith.addi %add3A_2262, %select_n3A_2270 : vector<16xi32>
    %ge3A_2272 = arith.constant 2.100000e+01 : f32
    %ge3A_2273 = vector.broadcast %ge3A_2272 : f32 to vector<16xf32>
    %ge3A_2274 = arith.cmpf oge, %get3A_2248, %ge3A_2273 : vector<16xf32>
    %jit3A_2275 = arith.constant 1 : i32
    %jit3A_2276 = arith.constant 0 : i32
    %broadcast_in_dim3A_2277 = vector.broadcast %jit3A_2275 : i32 to vector<16xi32>
    %broadcast_in_dim3A_2278 = vector.broadcast %jit3A_2276 : i32 to vector<16xi32>
    %select_n3A_2279 = arith.select %ge3A_2274, %broadcast_in_dim3A_2277, %broadcast_in_dim3A_2278 : vector<16xi1>, vector<16xi32>
    %add3A_2280 = arith.addi %add3A_2271, %select_n3A_2279 : vector<16xi32>
    %ge3A_2281 = arith.constant 3.100000e+01 : f32
    %ge3A_2282 = vector.broadcast %ge3A_2281 : f32 to vector<16xf32>
    %ge3A_2283 = arith.cmpf oge, %get3A_2248, %ge3A_2282 : vector<16xf32>
    %jit3A_2284 = arith.constant 1 : i32
    %jit3A_2285 = arith.constant 0 : i32
    %broadcast_in_dim3A_2286 = vector.broadcast %jit3A_2284 : i32 to vector<16xi32>
    %broadcast_in_dim3A_2287 = vector.broadcast %jit3A_2285 : i32 to vector<16xi32>
    %select_n3A_2288 = arith.select %ge3A_2283, %broadcast_in_dim3A_2286, %broadcast_in_dim3A_2287 : vector<16xi1>, vector<16xi32>
    %add3A_2289 = arith.addi %add3A_2280, %select_n3A_2288 : vector<16xi32>
    %ge3A_2290 = arith.constant 4.100000e+01 : f32
    %ge3A_2291 = vector.broadcast %ge3A_2290 : f32 to vector<16xf32>
    %ge3A_2292 = arith.cmpf oge, %get3A_2248, %ge3A_2291 : vector<16xf32>
    %jit3A_2293 = arith.constant 1 : i32
    %jit3A_2294 = arith.constant 0 : i32
    %broadcast_in_dim3A_2295 = vector.broadcast %jit3A_2293 : i32 to vector<16xi32>
    %broadcast_in_dim3A_2296 = vector.broadcast %jit3A_2294 : i32 to vector<16xi32>
    %select_n3A_2297 = arith.select %ge3A_2292, %broadcast_in_dim3A_2295, %broadcast_in_dim3A_2296 : vector<16xi1>, vector<16xi32>
    %add3A_2298 = arith.addi %add3A_2289, %select_n3A_2297 : vector<16xi32>
    %ge3A_2299 = arith.constant 5.100000e+01 : f32
    %ge3A_2300 = vector.broadcast %ge3A_2299 : f32 to vector<16xf32>
    %ge3A_2301 = arith.cmpf oge, %get3A_2248, %ge3A_2300 : vector<16xf32>
    %jit3A_2302 = arith.constant 1 : i32
    %jit3A_2303 = arith.constant 0 : i32
    %broadcast_in_dim3A_2304 = vector.broadcast %jit3A_2302 : i32 to vector<16xi32>
    %broadcast_in_dim3A_2305 = vector.broadcast %jit3A_2303 : i32 to vector<16xi32>
    %select_n3A_2306 = arith.select %ge3A_2301, %broadcast_in_dim3A_2304, %broadcast_in_dim3A_2305 : vector<16xi1>, vector<16xi32>
    %add3A_2307 = arith.addi %add3A_2298, %select_n3A_2306 : vector<16xi32>
    %ge3A_2308 = arith.constant 6.100000e+01 : f32
    %ge3A_2309 = vector.broadcast %ge3A_2308 : f32 to vector<16xf32>
    %ge3A_2310 = arith.cmpf oge, %get3A_2248, %ge3A_2309 : vector<16xf32>
    %jit3A_2311 = arith.constant 1 : i32
    %jit3A_2312 = arith.constant 0 : i32
    %broadcast_in_dim3A_2313 = vector.broadcast %jit3A_2311 : i32 to vector<16xi32>
    %broadcast_in_dim3A_2314 = vector.broadcast %jit3A_2312 : i32 to vector<16xi32>
    %select_n3A_2315 = arith.select %ge3A_2310, %broadcast_in_dim3A_2313, %broadcast_in_dim3A_2314 : vector<16xi1>, vector<16xi32>
    %add3A_2316 = arith.addi %add3A_2307, %select_n3A_2315 : vector<16xi32>
    %ge3A_2317 = arith.constant 7.100000e+01 : f32
    %ge3A_2318 = vector.broadcast %ge3A_2317 : f32 to vector<16xf32>
    %ge3A_2319 = arith.cmpf oge, %get3A_2248, %ge3A_2318 : vector<16xf32>
    %jit3A_2320 = arith.constant 1 : i32
    %jit3A_2321 = arith.constant 0 : i32
    %broadcast_in_dim3A_2322 = vector.broadcast %jit3A_2320 : i32 to vector<16xi32>
    %broadcast_in_dim3A_2323 = vector.broadcast %jit3A_2321 : i32 to vector<16xi32>
    %select_n3A_2324 = arith.select %ge3A_2319, %broadcast_in_dim3A_2322, %broadcast_in_dim3A_2323 : vector<16xi1>, vector<16xi32>
    %add3A_2325 = arith.addi %add3A_2316, %select_n3A_2324 : vector<16xi32>
    %ge3A_2326 = arith.constant 8.100000e+01 : f32
    %ge3A_2327 = vector.broadcast %ge3A_2326 : f32 to vector<16xf32>
    %ge3A_2328 = arith.cmpf oge, %get3A_2248, %ge3A_2327 : vector<16xf32>
    %jit3A_2329 = arith.constant 1 : i32
    %jit3A_2330 = arith.constant 0 : i32
    %broadcast_in_dim3A_2331 = vector.broadcast %jit3A_2329 : i32 to vector<16xi32>
    %broadcast_in_dim3A_2332 = vector.broadcast %jit3A_2330 : i32 to vector<16xi32>
    %select_n3A_2333 = arith.select %ge3A_2328, %broadcast_in_dim3A_2331, %broadcast_in_dim3A_2332 : vector<16xi1>, vector<16xi32>
    %add3A_2334 = arith.addi %add3A_2325, %select_n3A_2333 : vector<16xi32>
    %ge3A_2335 = arith.constant 9.100000e+01 : f32
    %ge3A_2336 = vector.broadcast %ge3A_2335 : f32 to vector<16xf32>
    %ge3A_2337 = arith.cmpf oge, %get3A_2248, %ge3A_2336 : vector<16xf32>
    %jit3A_2338 = arith.constant 1 : i32
    %jit3A_2339 = arith.constant 0 : i32
    %broadcast_in_dim3A_2340 = vector.broadcast %jit3A_2338 : i32 to vector<16xi32>
    %broadcast_in_dim3A_2341 = vector.broadcast %jit3A_2339 : i32 to vector<16xi32>
    %select_n3A_2342 = arith.select %ge3A_2337, %broadcast_in_dim3A_2340, %broadcast_in_dim3A_2341 : vector<16xi1>, vector<16xi32>
    %add3A_2343 = arith.addi %add3A_2334, %select_n3A_2342 : vector<16xi32>
    %mul3A_2344 = arith.constant 8 : i32
    %mul3A_2345 = vector.broadcast %mul3A_2344 : i32 to vector<16xi32>
    %mul3A_2346 = arith.muli %get3A_2251, %mul3A_2345 : vector<16xi32>
    %add3A_2347 = arith.addi %mul3A_2346, %add3A_2343 : vector<16xi32>
    %ge3A_2348 = arith.constant 8 : i32
    %ge3A_2349 = vector.broadcast %ge3A_2348 : i32 to vector<16xi32>
    %ge3A_2350 = arith.cmpi sge, %add3A_2343, %ge3A_2349 : vector<16xi32>
    %jit3A_2351 = arith.constant 824 : i32
    %jit3A_2352 = arith.constant 0 : i32
    %broadcast_in_dim3A_2353 = vector.broadcast %jit3A_2351 : i32 to vector<16xi32>
    %broadcast_in_dim3A_2354 = vector.broadcast %jit3A_2352 : i32 to vector<16xi32>
    %select_n3A_2355 = arith.select %ge3A_2350, %broadcast_in_dim3A_2353, %broadcast_in_dim3A_2354 : vector<16xi1>, vector<16xi32>
    %add3A_2356 = arith.addi %add3A_2347, %select_n3A_2355 : vector<16xi32>
    %swap3A_2357 = arith.constant 2 : i32
    %swap3A_2358 = arith.index_cast %swap3A_2357 : i32 to index
    %swap3A_2359 = arith.constant 48 : index
    %swap3A_2360 = tpu.vector_load %arg8[%swap3A_2358, %swap3A_2359] {strides = array<i32>} : memref<4x128xi32, #tpu.memory_space<vmem>>, vector<1x16xi32>,
    %swap3A_2361 = vector.shape_cast %swap3A_2360 : vector<1x16xi32> to vector<16xi32>
    %swap3A_2362 = vector.shape_cast %add3A_2356 : vector<16xi32> to vector<1x16xi32>
    tpu.vector_store %arg8[%swap3A_2358, %swap3A_2359], %swap3A_2362 {strides = array<i32>} : memref<4x128xi32, #tpu.memory_space<vmem>>, vector<1x16xi32>,
    %get3A_2363 = arith.constant 320 : index
    %get3A_2364 = tpu.vector_load %arg7[%get3A_2363] {strides = array<i32>} : memref<512xf32, #tpu.memory_space<vmem>>, vector<16xf32>,
    %get3A_2365 = vector.shape_cast %get3A_2364 : vector<16xf32> to vector<16xf32>
    %get3A_2366 = arith.constant 320 : index
    %get3A_2367 = tpu.vector_load %arg6[%get3A_2366] {strides = array<i32>} : memref<512xi32, #tpu.memory_space<vmem>>, vector<16xi32>,
    %get3A_2368 = vector.shape_cast %get3A_2367 : vector<16xi32> to vector<16xi32>
    %broadcast_in_dim3A_2369 = arith.constant 0 : i32
    %broadcast_in_dim3A_2370 = vector.broadcast %broadcast_in_dim3A_2369 : i32 to vector<16xi32>
    %ge3A_2371 = arith.constant 1.000000e+00 : f32
    %ge3A_2372 = vector.broadcast %ge3A_2371 : f32 to vector<16xf32>
    %ge3A_2373 = arith.cmpf oge, %get3A_2365, %ge3A_2372 : vector<16xf32>
    %jit3A_2374 = arith.constant 1 : i32
    %jit3A_2375 = arith.constant 0 : i32
    %broadcast_in_dim3A_2376 = vector.broadcast %jit3A_2374 : i32 to vector<16xi32>
    %broadcast_in_dim3A_2377 = vector.broadcast %jit3A_2375 : i32 to vector<16xi32>
    %select_n3A_2378 = arith.select %ge3A_2373, %broadcast_in_dim3A_2376, %broadcast_in_dim3A_2377 : vector<16xi1>, vector<16xi32>
    %add3A_2379 = arith.addi %broadcast_in_dim3A_2370, %select_n3A_2378 : vector<16xi32>
    %ge3A_2380 = arith.constant 1.100000e+01 : f32
    %ge3A_2381 = vector.broadcast %ge3A_2380 : f32 to vector<16xf32>
    %ge3A_2382 = arith.cmpf oge, %get3A_2365, %ge3A_2381 : vector<16xf32>
    %jit3A_2383 = arith.constant 1 : i32
    %jit3A_2384 = arith.constant 0 : i32
    %broadcast_in_dim3A_2385 = vector.broadcast %jit3A_2383 : i32 to vector<16xi32>
    %broadcast_in_dim3A_2386 = vector.broadcast %jit3A_2384 : i32 to vector<16xi32>
    %select_n3A_2387 = arith.select %ge3A_2382, %broadcast_in_dim3A_2385, %broadcast_in_dim3A_2386 : vector<16xi1>, vector<16xi32>
    %add3A_2388 = arith.addi %add3A_2379, %select_n3A_2387 : vector<16xi32>
    %ge3A_2389 = arith.constant 2.100000e+01 : f32
    %ge3A_2390 = vector.broadcast %ge3A_2389 : f32 to vector<16xf32>
    %ge3A_2391 = arith.cmpf oge, %get3A_2365, %ge3A_2390 : vector<16xf32>
    %jit3A_2392 = arith.constant 1 : i32
    %jit3A_2393 = arith.constant 0 : i32
    %broadcast_in_dim3A_2394 = vector.broadcast %jit3A_2392 : i32 to vector<16xi32>
    %broadcast_in_dim3A_2395 = vector.broadcast %jit3A_2393 : i32 to vector<16xi32>
    %select_n3A_2396 = arith.select %ge3A_2391, %broadcast_in_dim3A_2394, %broadcast_in_dim3A_2395 : vector<16xi1>, vector<16xi32>
    %add3A_2397 = arith.addi %add3A_2388, %select_n3A_2396 : vector<16xi32>
    %ge3A_2398 = arith.constant 3.100000e+01 : f32
    %ge3A_2399 = vector.broadcast %ge3A_2398 : f32 to vector<16xf32>
    %ge3A_2400 = arith.cmpf oge, %get3A_2365, %ge3A_2399 : vector<16xf32>
    %jit3A_2401 = arith.constant 1 : i32
    %jit3A_2402 = arith.constant 0 : i32
    %broadcast_in_dim3A_2403 = vector.broadcast %jit3A_2401 : i32 to vector<16xi32>
    %broadcast_in_dim3A_2404 = vector.broadcast %jit3A_2402 : i32 to vector<16xi32>
    %select_n3A_2405 = arith.select %ge3A_2400, %broadcast_in_dim3A_2403, %broadcast_in_dim3A_2404 : vector<16xi1>, vector<16xi32>
    %add3A_2406 = arith.addi %add3A_2397, %select_n3A_2405 : vector<16xi32>
    %ge3A_2407 = arith.constant 4.100000e+01 : f32
    %ge3A_2408 = vector.broadcast %ge3A_2407 : f32 to vector<16xf32>
    %ge3A_2409 = arith.cmpf oge, %get3A_2365, %ge3A_2408 : vector<16xf32>
    %jit3A_2410 = arith.constant 1 : i32
    %jit3A_2411 = arith.constant 0 : i32
    %broadcast_in_dim3A_2412 = vector.broadcast %jit3A_2410 : i32 to vector<16xi32>
    %broadcast_in_dim3A_2413 = vector.broadcast %jit3A_2411 : i32 to vector<16xi32>
    %select_n3A_2414 = arith.select %ge3A_2409, %broadcast_in_dim3A_2412, %broadcast_in_dim3A_2413 : vector<16xi1>, vector<16xi32>
    %add3A_2415 = arith.addi %add3A_2406, %select_n3A_2414 : vector<16xi32>
    %ge3A_2416 = arith.constant 5.100000e+01 : f32
    %ge3A_2417 = vector.broadcast %ge3A_2416 : f32 to vector<16xf32>
    %ge3A_2418 = arith.cmpf oge, %get3A_2365, %ge3A_2417 : vector<16xf32>
    %jit3A_2419 = arith.constant 1 : i32
    %jit3A_2420 = arith.constant 0 : i32
    %broadcast_in_dim3A_2421 = vector.broadcast %jit3A_2419 : i32 to vector<16xi32>
    %broadcast_in_dim3A_2422 = vector.broadcast %jit3A_2420 : i32 to vector<16xi32>
    %select_n3A_2423 = arith.select %ge3A_2418, %broadcast_in_dim3A_2421, %broadcast_in_dim3A_2422 : vector<16xi1>, vector<16xi32>
    %add3A_2424 = arith.addi %add3A_2415, %select_n3A_2423 : vector<16xi32>
    %ge3A_2425 = arith.constant 6.100000e+01 : f32
    %ge3A_2426 = vector.broadcast %ge3A_2425 : f32 to vector<16xf32>
    %ge3A_2427 = arith.cmpf oge, %get3A_2365, %ge3A_2426 : vector<16xf32>
    %jit3A_2428 = arith.constant 1 : i32
    %jit3A_2429 = arith.constant 0 : i32
    %broadcast_in_dim3A_2430 = vector.broadcast %jit3A_2428 : i32 to vector<16xi32>
    %broadcast_in_dim3A_2431 = vector.broadcast %jit3A_2429 : i32 to vector<16xi32>
    %select_n3A_2432 = arith.select %ge3A_2427, %broadcast_in_dim3A_2430, %broadcast_in_dim3A_2431 : vector<16xi1>, vector<16xi32>
    %add3A_2433 = arith.addi %add3A_2424, %select_n3A_2432 : vector<16xi32>
    %ge3A_2434 = arith.constant 7.100000e+01 : f32
    %ge3A_2435 = vector.broadcast %ge3A_2434 : f32 to vector<16xf32>
    %ge3A_2436 = arith.cmpf oge, %get3A_2365, %ge3A_2435 : vector<16xf32>
    %jit3A_2437 = arith.constant 1 : i32
    %jit3A_2438 = arith.constant 0 : i32
    %broadcast_in_dim3A_2439 = vector.broadcast %jit3A_2437 : i32 to vector<16xi32>
    %broadcast_in_dim3A_2440 = vector.broadcast %jit3A_2438 : i32 to vector<16xi32>
    %select_n3A_2441 = arith.select %ge3A_2436, %broadcast_in_dim3A_2439, %broadcast_in_dim3A_2440 : vector<16xi1>, vector<16xi32>
    %add3A_2442 = arith.addi %add3A_2433, %select_n3A_2441 : vector<16xi32>
    %ge3A_2443 = arith.constant 8.100000e+01 : f32
    %ge3A_2444 = vector.broadcast %ge3A_2443 : f32 to vector<16xf32>
    %ge3A_2445 = arith.cmpf oge, %get3A_2365, %ge3A_2444 : vector<16xf32>
    %jit3A_2446 = arith.constant 1 : i32
    %jit3A_2447 = arith.constant 0 : i32
    %broadcast_in_dim3A_2448 = vector.broadcast %jit3A_2446 : i32 to vector<16xi32>
    %broadcast_in_dim3A_2449 = vector.broadcast %jit3A_2447 : i32 to vector<16xi32>
    %select_n3A_2450 = arith.select %ge3A_2445, %broadcast_in_dim3A_2448, %broadcast_in_dim3A_2449 : vector<16xi1>, vector<16xi32>
    %add3A_2451 = arith.addi %add3A_2442, %select_n3A_2450 : vector<16xi32>
    %ge3A_2452 = arith.constant 9.100000e+01 : f32
    %ge3A_2453 = vector.broadcast %ge3A_2452 : f32 to vector<16xf32>
    %ge3A_2454 = arith.cmpf oge, %get3A_2365, %ge3A_2453 : vector<16xf32>
    %jit3A_2455 = arith.constant 1 : i32
    %jit3A_2456 = arith.constant 0 : i32
    %broadcast_in_dim3A_2457 = vector.broadcast %jit3A_2455 : i32 to vector<16xi32>
    %broadcast_in_dim3A_2458 = vector.broadcast %jit3A_2456 : i32 to vector<16xi32>
    %select_n3A_2459 = arith.select %ge3A_2454, %broadcast_in_dim3A_2457, %broadcast_in_dim3A_2458 : vector<16xi1>, vector<16xi32>
    %add3A_2460 = arith.addi %add3A_2451, %select_n3A_2459 : vector<16xi32>
    %mul3A_2461 = arith.constant 8 : i32
    %mul3A_2462 = vector.broadcast %mul3A_2461 : i32 to vector<16xi32>
    %mul3A_2463 = arith.muli %get3A_2368, %mul3A_2462 : vector<16xi32>
    %add3A_2464 = arith.addi %mul3A_2463, %add3A_2460 : vector<16xi32>
    %ge3A_2465 = arith.constant 8 : i32
    %ge3A_2466 = vector.broadcast %ge3A_2465 : i32 to vector<16xi32>
    %ge3A_2467 = arith.cmpi sge, %add3A_2460, %ge3A_2466 : vector<16xi32>
    %jit3A_2468 = arith.constant 824 : i32
    %jit3A_2469 = arith.constant 0 : i32
    %broadcast_in_dim3A_2470 = vector.broadcast %jit3A_2468 : i32 to vector<16xi32>
    %broadcast_in_dim3A_2471 = vector.broadcast %jit3A_2469 : i32 to vector<16xi32>
    %select_n3A_2472 = arith.select %ge3A_2467, %broadcast_in_dim3A_2470, %broadcast_in_dim3A_2471 : vector<16xi1>, vector<16xi32>
    %add3A_2473 = arith.addi %add3A_2464, %select_n3A_2472 : vector<16xi32>
    %swap3A_2474 = arith.constant 2 : i32
    %swap3A_2475 = arith.index_cast %swap3A_2474 : i32 to index
    %swap3A_2476 = arith.constant 64 : index
    %swap3A_2477 = tpu.vector_load %arg8[%swap3A_2475, %swap3A_2476] {strides = array<i32>} : memref<4x128xi32, #tpu.memory_space<vmem>>, vector<1x16xi32>,
    %swap3A_2478 = vector.shape_cast %swap3A_2477 : vector<1x16xi32> to vector<16xi32>
    %swap3A_2479 = vector.shape_cast %add3A_2473 : vector<16xi32> to vector<1x16xi32>
    tpu.vector_store %arg8[%swap3A_2475, %swap3A_2476], %swap3A_2479 {strides = array<i32>} : memref<4x128xi32, #tpu.memory_space<vmem>>, vector<1x16xi32>,
    %get3A_2480 = arith.constant 336 : index
    %get3A_2481 = tpu.vector_load %arg7[%get3A_2480] {strides = array<i32>} : memref<512xf32, #tpu.memory_space<vmem>>, vector<16xf32>,
    %get3A_2482 = vector.shape_cast %get3A_2481 : vector<16xf32> to vector<16xf32>
    %get3A_2483 = arith.constant 336 : index
    %get3A_2484 = tpu.vector_load %arg6[%get3A_2483] {strides = array<i32>} : memref<512xi32, #tpu.memory_space<vmem>>, vector<16xi32>,
    %get3A_2485 = vector.shape_cast %get3A_2484 : vector<16xi32> to vector<16xi32>
    %broadcast_in_dim3A_2486 = arith.constant 0 : i32
    %broadcast_in_dim3A_2487 = vector.broadcast %broadcast_in_dim3A_2486 : i32 to vector<16xi32>
    %ge3A_2488 = arith.constant 1.000000e+00 : f32
    %ge3A_2489 = vector.broadcast %ge3A_2488 : f32 to vector<16xf32>
    %ge3A_2490 = arith.cmpf oge, %get3A_2482, %ge3A_2489 : vector<16xf32>
    %jit3A_2491 = arith.constant 1 : i32
    %jit3A_2492 = arith.constant 0 : i32
    %broadcast_in_dim3A_2493 = vector.broadcast %jit3A_2491 : i32 to vector<16xi32>
    %broadcast_in_dim3A_2494 = vector.broadcast %jit3A_2492 : i32 to vector<16xi32>
    %select_n3A_2495 = arith.select %ge3A_2490, %broadcast_in_dim3A_2493, %broadcast_in_dim3A_2494 : vector<16xi1>, vector<16xi32>
    %add3A_2496 = arith.addi %broadcast_in_dim3A_2487, %select_n3A_2495 : vector<16xi32>
    %ge3A_2497 = arith.constant 1.100000e+01 : f32
    %ge3A_2498 = vector.broadcast %ge3A_2497 : f32 to vector<16xf32>
    %ge3A_2499 = arith.cmpf oge, %get3A_2482, %ge3A_2498 : vector<16xf32>
    %jit3A_2500 = arith.constant 1 : i32
    %jit3A_2501 = arith.constant 0 : i32
    %broadcast_in_dim3A_2502 = vector.broadcast %jit3A_2500 : i32 to vector<16xi32>
    %broadcast_in_dim3A_2503 = vector.broadcast %jit3A_2501 : i32 to vector<16xi32>
    %select_n3A_2504 = arith.select %ge3A_2499, %broadcast_in_dim3A_2502, %broadcast_in_dim3A_2503 : vector<16xi1>, vector<16xi32>
    %add3A_2505 = arith.addi %add3A_2496, %select_n3A_2504 : vector<16xi32>
    %ge3A_2506 = arith.constant 2.100000e+01 : f32
    %ge3A_2507 = vector.broadcast %ge3A_2506 : f32 to vector<16xf32>
    %ge3A_2508 = arith.cmpf oge, %get3A_2482, %ge3A_2507 : vector<16xf32>
    %jit3A_2509 = arith.constant 1 : i32
    %jit3A_2510 = arith.constant 0 : i32
    %broadcast_in_dim3A_2511 = vector.broadcast %jit3A_2509 : i32 to vector<16xi32>
    %broadcast_in_dim3A_2512 = vector.broadcast %jit3A_2510 : i32 to vector<16xi32>
    %select_n3A_2513 = arith.select %ge3A_2508, %broadcast_in_dim3A_2511, %broadcast_in_dim3A_2512 : vector<16xi1>, vector<16xi32>
    %add3A_2514 = arith.addi %add3A_2505, %select_n3A_2513 : vector<16xi32>
    %ge3A_2515 = arith.constant 3.100000e+01 : f32
    %ge3A_2516 = vector.broadcast %ge3A_2515 : f32 to vector<16xf32>
    %ge3A_2517 = arith.cmpf oge, %get3A_2482, %ge3A_2516 : vector<16xf32>
    %jit3A_2518 = arith.constant 1 : i32
    %jit3A_2519 = arith.constant 0 : i32
    %broadcast_in_dim3A_2520 = vector.broadcast %jit3A_2518 : i32 to vector<16xi32>
    %broadcast_in_dim3A_2521 = vector.broadcast %jit3A_2519 : i32 to vector<16xi32>
    %select_n3A_2522 = arith.select %ge3A_2517, %broadcast_in_dim3A_2520, %broadcast_in_dim3A_2521 : vector<16xi1>, vector<16xi32>
    %add3A_2523 = arith.addi %add3A_2514, %select_n3A_2522 : vector<16xi32>
    %ge3A_2524 = arith.constant 4.100000e+01 : f32
    %ge3A_2525 = vector.broadcast %ge3A_2524 : f32 to vector<16xf32>
    %ge3A_2526 = arith.cmpf oge, %get3A_2482, %ge3A_2525 : vector<16xf32>
    %jit3A_2527 = arith.constant 1 : i32
    %jit3A_2528 = arith.constant 0 : i32
    %broadcast_in_dim3A_2529 = vector.broadcast %jit3A_2527 : i32 to vector<16xi32>
    %broadcast_in_dim3A_2530 = vector.broadcast %jit3A_2528 : i32 to vector<16xi32>
    %select_n3A_2531 = arith.select %ge3A_2526, %broadcast_in_dim3A_2529, %broadcast_in_dim3A_2530 : vector<16xi1>, vector<16xi32>
    %add3A_2532 = arith.addi %add3A_2523, %select_n3A_2531 : vector<16xi32>
    %ge3A_2533 = arith.constant 5.100000e+01 : f32
    %ge3A_2534 = vector.broadcast %ge3A_2533 : f32 to vector<16xf32>
    %ge3A_2535 = arith.cmpf oge, %get3A_2482, %ge3A_2534 : vector<16xf32>
    %jit3A_2536 = arith.constant 1 : i32
    %jit3A_2537 = arith.constant 0 : i32
    %broadcast_in_dim3A_2538 = vector.broadcast %jit3A_2536 : i32 to vector<16xi32>
    %broadcast_in_dim3A_2539 = vector.broadcast %jit3A_2537 : i32 to vector<16xi32>
    %select_n3A_2540 = arith.select %ge3A_2535, %broadcast_in_dim3A_2538, %broadcast_in_dim3A_2539 : vector<16xi1>, vector<16xi32>
    %add3A_2541 = arith.addi %add3A_2532, %select_n3A_2540 : vector<16xi32>
    %ge3A_2542 = arith.constant 6.100000e+01 : f32
    %ge3A_2543 = vector.broadcast %ge3A_2542 : f32 to vector<16xf32>
    %ge3A_2544 = arith.cmpf oge, %get3A_2482, %ge3A_2543 : vector<16xf32>
    %jit3A_2545 = arith.constant 1 : i32
    %jit3A_2546 = arith.constant 0 : i32
    %broadcast_in_dim3A_2547 = vector.broadcast %jit3A_2545 : i32 to vector<16xi32>
    %broadcast_in_dim3A_2548 = vector.broadcast %jit3A_2546 : i32 to vector<16xi32>
    %select_n3A_2549 = arith.select %ge3A_2544, %broadcast_in_dim3A_2547, %broadcast_in_dim3A_2548 : vector<16xi1>, vector<16xi32>
    %add3A_2550 = arith.addi %add3A_2541, %select_n3A_2549 : vector<16xi32>
    %ge3A_2551 = arith.constant 7.100000e+01 : f32
    %ge3A_2552 = vector.broadcast %ge3A_2551 : f32 to vector<16xf32>
    %ge3A_2553 = arith.cmpf oge, %get3A_2482, %ge3A_2552 : vector<16xf32>
    %jit3A_2554 = arith.constant 1 : i32
    %jit3A_2555 = arith.constant 0 : i32
    %broadcast_in_dim3A_2556 = vector.broadcast %jit3A_2554 : i32 to vector<16xi32>
    %broadcast_in_dim3A_2557 = vector.broadcast %jit3A_2555 : i32 to vector<16xi32>
    %select_n3A_2558 = arith.select %ge3A_2553, %broadcast_in_dim3A_2556, %broadcast_in_dim3A_2557 : vector<16xi1>, vector<16xi32>
    %add3A_2559 = arith.addi %add3A_2550, %select_n3A_2558 : vector<16xi32>
    %ge3A_2560 = arith.constant 8.100000e+01 : f32
    %ge3A_2561 = vector.broadcast %ge3A_2560 : f32 to vector<16xf32>
    %ge3A_2562 = arith.cmpf oge, %get3A_2482, %ge3A_2561 : vector<16xf32>
    %jit3A_2563 = arith.constant 1 : i32
    %jit3A_2564 = arith.constant 0 : i32
    %broadcast_in_dim3A_2565 = vector.broadcast %jit3A_2563 : i32 to vector<16xi32>
    %broadcast_in_dim3A_2566 = vector.broadcast %jit3A_2564 : i32 to vector<16xi32>
    %select_n3A_2567 = arith.select %ge3A_2562, %broadcast_in_dim3A_2565, %broadcast_in_dim3A_2566 : vector<16xi1>, vector<16xi32>
    %add3A_2568 = arith.addi %add3A_2559, %select_n3A_2567 : vector<16xi32>
    %ge3A_2569 = arith.constant 9.100000e+01 : f32
    %ge3A_2570 = vector.broadcast %ge3A_2569 : f32 to vector<16xf32>
    %ge3A_2571 = arith.cmpf oge, %get3A_2482, %ge3A_2570 : vector<16xf32>
    %jit3A_2572 = arith.constant 1 : i32
    %jit3A_2573 = arith.constant 0 : i32
    %broadcast_in_dim3A_2574 = vector.broadcast %jit3A_2572 : i32 to vector<16xi32>
    %broadcast_in_dim3A_2575 = vector.broadcast %jit3A_2573 : i32 to vector<16xi32>
    %select_n3A_2576 = arith.select %ge3A_2571, %broadcast_in_dim3A_2574, %broadcast_in_dim3A_2575 : vector<16xi1>, vector<16xi32>
    %add3A_2577 = arith.addi %add3A_2568, %select_n3A_2576 : vector<16xi32>
    %mul3A_2578 = arith.constant 8 : i32
    %mul3A_2579 = vector.broadcast %mul3A_2578 : i32 to vector<16xi32>
    %mul3A_2580 = arith.muli %get3A_2485, %mul3A_2579 : vector<16xi32>
    %add3A_2581 = arith.addi %mul3A_2580, %add3A_2577 : vector<16xi32>
    %ge3A_2582 = arith.constant 8 : i32
    %ge3A_2583 = vector.broadcast %ge3A_2582 : i32 to vector<16xi32>
    %ge3A_2584 = arith.cmpi sge, %add3A_2577, %ge3A_2583 : vector<16xi32>
    %jit3A_2585 = arith.constant 824 : i32
    %jit3A_2586 = arith.constant 0 : i32
    %broadcast_in_dim3A_2587 = vector.broadcast %jit3A_2585 : i32 to vector<16xi32>
    %broadcast_in_dim3A_2588 = vector.broadcast %jit3A_2586 : i32 to vector<16xi32>
    %select_n3A_2589 = arith.select %ge3A_2584, %broadcast_in_dim3A_2587, %broadcast_in_dim3A_2588 : vector<16xi1>, vector<16xi32>
    %add3A_2590 = arith.addi %add3A_2581, %select_n3A_2589 : vector<16xi32>
    %swap3A_2591 = arith.constant 2 : i32
    %swap3A_2592 = arith.index_cast %swap3A_2591 : i32 to index
    %swap3A_2593 = arith.constant 80 : index
    %swap3A_2594 = tpu.vector_load %arg8[%swap3A_2592, %swap3A_2593] {strides = array<i32>} : memref<4x128xi32, #tpu.memory_space<vmem>>, vector<1x16xi32>,
    %swap3A_2595 = vector.shape_cast %swap3A_2594 : vector<1x16xi32> to vector<16xi32>
    %swap3A_2596 = vector.shape_cast %add3A_2590 : vector<16xi32> to vector<1x16xi32>
    tpu.vector_store %arg8[%swap3A_2592, %swap3A_2593], %swap3A_2596 {strides = array<i32>} : memref<4x128xi32, #tpu.memory_space<vmem>>, vector<1x16xi32>,
    %get3A_2597 = arith.constant 352 : index
    %get3A_2598 = tpu.vector_load %arg7[%get3A_2597] {strides = array<i32>} : memref<512xf32, #tpu.memory_space<vmem>>, vector<16xf32>,
    %get3A_2599 = vector.shape_cast %get3A_2598 : vector<16xf32> to vector<16xf32>
    %get3A_2600 = arith.constant 352 : index
    %get3A_2601 = tpu.vector_load %arg6[%get3A_2600] {strides = array<i32>} : memref<512xi32, #tpu.memory_space<vmem>>, vector<16xi32>,
    %get3A_2602 = vector.shape_cast %get3A_2601 : vector<16xi32> to vector<16xi32>
    %broadcast_in_dim3A_2603 = arith.constant 0 : i32
    %broadcast_in_dim3A_2604 = vector.broadcast %broadcast_in_dim3A_2603 : i32 to vector<16xi32>
    %ge3A_2605 = arith.constant 1.000000e+00 : f32
    %ge3A_2606 = vector.broadcast %ge3A_2605 : f32 to vector<16xf32>
    %ge3A_2607 = arith.cmpf oge, %get3A_2599, %ge3A_2606 : vector<16xf32>
    %jit3A_2608 = arith.constant 1 : i32
    %jit3A_2609 = arith.constant 0 : i32
    %broadcast_in_dim3A_2610 = vector.broadcast %jit3A_2608 : i32 to vector<16xi32>
    %broadcast_in_dim3A_2611 = vector.broadcast %jit3A_2609 : i32 to vector<16xi32>
    %select_n3A_2612 = arith.select %ge3A_2607, %broadcast_in_dim3A_2610, %broadcast_in_dim3A_2611 : vector<16xi1>, vector<16xi32>
    %add3A_2613 = arith.addi %broadcast_in_dim3A_2604, %select_n3A_2612 : vector<16xi32>
    %ge3A_2614 = arith.constant 1.100000e+01 : f32
    %ge3A_2615 = vector.broadcast %ge3A_2614 : f32 to vector<16xf32>
    %ge3A_2616 = arith.cmpf oge, %get3A_2599, %ge3A_2615 : vector<16xf32>
    %jit3A_2617 = arith.constant 1 : i32
    %jit3A_2618 = arith.constant 0 : i32
    %broadcast_in_dim3A_2619 = vector.broadcast %jit3A_2617 : i32 to vector<16xi32>
    %broadcast_in_dim3A_2620 = vector.broadcast %jit3A_2618 : i32 to vector<16xi32>
    %select_n3A_2621 = arith.select %ge3A_2616, %broadcast_in_dim3A_2619, %broadcast_in_dim3A_2620 : vector<16xi1>, vector<16xi32>
    %add3A_2622 = arith.addi %add3A_2613, %select_n3A_2621 : vector<16xi32>
    %ge3A_2623 = arith.constant 2.100000e+01 : f32
    %ge3A_2624 = vector.broadcast %ge3A_2623 : f32 to vector<16xf32>
    %ge3A_2625 = arith.cmpf oge, %get3A_2599, %ge3A_2624 : vector<16xf32>
    %jit3A_2626 = arith.constant 1 : i32
    %jit3A_2627 = arith.constant 0 : i32
    %broadcast_in_dim3A_2628 = vector.broadcast %jit3A_2626 : i32 to vector<16xi32>
    %broadcast_in_dim3A_2629 = vector.broadcast %jit3A_2627 : i32 to vector<16xi32>
    %select_n3A_2630 = arith.select %ge3A_2625, %broadcast_in_dim3A_2628, %broadcast_in_dim3A_2629 : vector<16xi1>, vector<16xi32>
    %add3A_2631 = arith.addi %add3A_2622, %select_n3A_2630 : vector<16xi32>
    %ge3A_2632 = arith.constant 3.100000e+01 : f32
    %ge3A_2633 = vector.broadcast %ge3A_2632 : f32 to vector<16xf32>
    %ge3A_2634 = arith.cmpf oge, %get3A_2599, %ge3A_2633 : vector<16xf32>
    %jit3A_2635 = arith.constant 1 : i32
    %jit3A_2636 = arith.constant 0 : i32
    %broadcast_in_dim3A_2637 = vector.broadcast %jit3A_2635 : i32 to vector<16xi32>
    %broadcast_in_dim3A_2638 = vector.broadcast %jit3A_2636 : i32 to vector<16xi32>
    %select_n3A_2639 = arith.select %ge3A_2634, %broadcast_in_dim3A_2637, %broadcast_in_dim3A_2638 : vector<16xi1>, vector<16xi32>
    %add3A_2640 = arith.addi %add3A_2631, %select_n3A_2639 : vector<16xi32>
    %ge3A_2641 = arith.constant 4.100000e+01 : f32
    %ge3A_2642 = vector.broadcast %ge3A_2641 : f32 to vector<16xf32>
    %ge3A_2643 = arith.cmpf oge, %get3A_2599, %ge3A_2642 : vector<16xf32>
    %jit3A_2644 = arith.constant 1 : i32
    %jit3A_2645 = arith.constant 0 : i32
    %broadcast_in_dim3A_2646 = vector.broadcast %jit3A_2644 : i32 to vector<16xi32>
    %broadcast_in_dim3A_2647 = vector.broadcast %jit3A_2645 : i32 to vector<16xi32>
    %select_n3A_2648 = arith.select %ge3A_2643, %broadcast_in_dim3A_2646, %broadcast_in_dim3A_2647 : vector<16xi1>, vector<16xi32>
    %add3A_2649 = arith.addi %add3A_2640, %select_n3A_2648 : vector<16xi32>
    %ge3A_2650 = arith.constant 5.100000e+01 : f32
    %ge3A_2651 = vector.broadcast %ge3A_2650 : f32 to vector<16xf32>
    %ge3A_2652 = arith.cmpf oge, %get3A_2599, %ge3A_2651 : vector<16xf32>
    %jit3A_2653 = arith.constant 1 : i32
    %jit3A_2654 = arith.constant 0 : i32
    %broadcast_in_dim3A_2655 = vector.broadcast %jit3A_2653 : i32 to vector<16xi32>
    %broadcast_in_dim3A_2656 = vector.broadcast %jit3A_2654 : i32 to vector<16xi32>
    %select_n3A_2657 = arith.select %ge3A_2652, %broadcast_in_dim3A_2655, %broadcast_in_dim3A_2656 : vector<16xi1>, vector<16xi32>
    %add3A_2658 = arith.addi %add3A_2649, %select_n3A_2657 : vector<16xi32>
    %ge3A_2659 = arith.constant 6.100000e+01 : f32
    %ge3A_2660 = vector.broadcast %ge3A_2659 : f32 to vector<16xf32>
    %ge3A_2661 = arith.cmpf oge, %get3A_2599, %ge3A_2660 : vector<16xf32>
    %jit3A_2662 = arith.constant 1 : i32
    %jit3A_2663 = arith.constant 0 : i32
    %broadcast_in_dim3A_2664 = vector.broadcast %jit3A_2662 : i32 to vector<16xi32>
    %broadcast_in_dim3A_2665 = vector.broadcast %jit3A_2663 : i32 to vector<16xi32>
    %select_n3A_2666 = arith.select %ge3A_2661, %broadcast_in_dim3A_2664, %broadcast_in_dim3A_2665 : vector<16xi1>, vector<16xi32>
    %add3A_2667 = arith.addi %add3A_2658, %select_n3A_2666 : vector<16xi32>
    %ge3A_2668 = arith.constant 7.100000e+01 : f32
    %ge3A_2669 = vector.broadcast %ge3A_2668 : f32 to vector<16xf32>
    %ge3A_2670 = arith.cmpf oge, %get3A_2599, %ge3A_2669 : vector<16xf32>
    %jit3A_2671 = arith.constant 1 : i32
    %jit3A_2672 = arith.constant 0 : i32
    %broadcast_in_dim3A_2673 = vector.broadcast %jit3A_2671 : i32 to vector<16xi32>
    %broadcast_in_dim3A_2674 = vector.broadcast %jit3A_2672 : i32 to vector<16xi32>
    %select_n3A_2675 = arith.select %ge3A_2670, %broadcast_in_dim3A_2673, %broadcast_in_dim3A_2674 : vector<16xi1>, vector<16xi32>
    %add3A_2676 = arith.addi %add3A_2667, %select_n3A_2675 : vector<16xi32>
    %ge3A_2677 = arith.constant 8.100000e+01 : f32
    %ge3A_2678 = vector.broadcast %ge3A_2677 : f32 to vector<16xf32>
    %ge3A_2679 = arith.cmpf oge, %get3A_2599, %ge3A_2678 : vector<16xf32>
    %jit3A_2680 = arith.constant 1 : i32
    %jit3A_2681 = arith.constant 0 : i32
    %broadcast_in_dim3A_2682 = vector.broadcast %jit3A_2680 : i32 to vector<16xi32>
    %broadcast_in_dim3A_2683 = vector.broadcast %jit3A_2681 : i32 to vector<16xi32>
    %select_n3A_2684 = arith.select %ge3A_2679, %broadcast_in_dim3A_2682, %broadcast_in_dim3A_2683 : vector<16xi1>, vector<16xi32>
    %add3A_2685 = arith.addi %add3A_2676, %select_n3A_2684 : vector<16xi32>
    %ge3A_2686 = arith.constant 9.100000e+01 : f32
    %ge3A_2687 = vector.broadcast %ge3A_2686 : f32 to vector<16xf32>
    %ge3A_2688 = arith.cmpf oge, %get3A_2599, %ge3A_2687 : vector<16xf32>
    %jit3A_2689 = arith.constant 1 : i32
    %jit3A_2690 = arith.constant 0 : i32
    %broadcast_in_dim3A_2691 = vector.broadcast %jit3A_2689 : i32 to vector<16xi32>
    %broadcast_in_dim3A_2692 = vector.broadcast %jit3A_2690 : i32 to vector<16xi32>
    %select_n3A_2693 = arith.select %ge3A_2688, %broadcast_in_dim3A_2691, %broadcast_in_dim3A_2692 : vector<16xi1>, vector<16xi32>
    %add3A_2694 = arith.addi %add3A_2685, %select_n3A_2693 : vector<16xi32>
    %mul3A_2695 = arith.constant 8 : i32
    %mul3A_2696 = vector.broadcast %mul3A_2695 : i32 to vector<16xi32>
    %mul3A_2697 = arith.muli %get3A_2602, %mul3A_2696 : vector<16xi32>
    %add3A_2698 = arith.addi %mul3A_2697, %add3A_2694 : vector<16xi32>
    %ge3A_2699 = arith.constant 8 : i32
    %ge3A_2700 = vector.broadcast %ge3A_2699 : i32 to vector<16xi32>
    %ge3A_2701 = arith.cmpi sge, %add3A_2694, %ge3A_2700 : vector<16xi32>
    %jit3A_2702 = arith.constant 824 : i32
    %jit3A_2703 = arith.constant 0 : i32
    %broadcast_in_dim3A_2704 = vector.broadcast %jit3A_2702 : i32 to vector<16xi32>
    %broadcast_in_dim3A_2705 = vector.broadcast %jit3A_2703 : i32 to vector<16xi32>
    %select_n3A_2706 = arith.select %ge3A_2701, %broadcast_in_dim3A_2704, %broadcast_in_dim3A_2705 : vector<16xi1>, vector<16xi32>
    %add3A_2707 = arith.addi %add3A_2698, %select_n3A_2706 : vector<16xi32>
    %swap3A_2708 = arith.constant 2 : i32
    %swap3A_2709 = arith.index_cast %swap3A_2708 : i32 to index
    %swap3A_2710 = arith.constant 96 : index
    %swap3A_2711 = tpu.vector_load %arg8[%swap3A_2709, %swap3A_2710] {strides = array<i32>} : memref<4x128xi32, #tpu.memory_space<vmem>>, vector<1x16xi32>,
    %swap3A_2712 = vector.shape_cast %swap3A_2711 : vector<1x16xi32> to vector<16xi32>
    %swap3A_2713 = vector.shape_cast %add3A_2707 : vector<16xi32> to vector<1x16xi32>
    tpu.vector_store %arg8[%swap3A_2709, %swap3A_2710], %swap3A_2713 {strides = array<i32>} : memref<4x128xi32, #tpu.memory_space<vmem>>, vector<1x16xi32>,
    %get3A_2714 = arith.constant 368 : index
    %get3A_2715 = tpu.vector_load %arg7[%get3A_2714] {strides = array<i32>} : memref<512xf32, #tpu.memory_space<vmem>>, vector<16xf32>,
    %get3A_2716 = vector.shape_cast %get3A_2715 : vector<16xf32> to vector<16xf32>
    %get3A_2717 = arith.constant 368 : index
    %get3A_2718 = tpu.vector_load %arg6[%get3A_2717] {strides = array<i32>} : memref<512xi32, #tpu.memory_space<vmem>>, vector<16xi32>,
    %get3A_2719 = vector.shape_cast %get3A_2718 : vector<16xi32> to vector<16xi32>
    %broadcast_in_dim3A_2720 = arith.constant 0 : i32
    %broadcast_in_dim3A_2721 = vector.broadcast %broadcast_in_dim3A_2720 : i32 to vector<16xi32>
    %ge3A_2722 = arith.constant 1.000000e+00 : f32
    %ge3A_2723 = vector.broadcast %ge3A_2722 : f32 to vector<16xf32>
    %ge3A_2724 = arith.cmpf oge, %get3A_2716, %ge3A_2723 : vector<16xf32>
    %jit3A_2725 = arith.constant 1 : i32
    %jit3A_2726 = arith.constant 0 : i32
    %broadcast_in_dim3A_2727 = vector.broadcast %jit3A_2725 : i32 to vector<16xi32>
    %broadcast_in_dim3A_2728 = vector.broadcast %jit3A_2726 : i32 to vector<16xi32>
    %select_n3A_2729 = arith.select %ge3A_2724, %broadcast_in_dim3A_2727, %broadcast_in_dim3A_2728 : vector<16xi1>, vector<16xi32>
    %add3A_2730 = arith.addi %broadcast_in_dim3A_2721, %select_n3A_2729 : vector<16xi32>
    %ge3A_2731 = arith.constant 1.100000e+01 : f32
    %ge3A_2732 = vector.broadcast %ge3A_2731 : f32 to vector<16xf32>
    %ge3A_2733 = arith.cmpf oge, %get3A_2716, %ge3A_2732 : vector<16xf32>
    %jit3A_2734 = arith.constant 1 : i32
    %jit3A_2735 = arith.constant 0 : i32
    %broadcast_in_dim3A_2736 = vector.broadcast %jit3A_2734 : i32 to vector<16xi32>
    %broadcast_in_dim3A_2737 = vector.broadcast %jit3A_2735 : i32 to vector<16xi32>
    %select_n3A_2738 = arith.select %ge3A_2733, %broadcast_in_dim3A_2736, %broadcast_in_dim3A_2737 : vector<16xi1>, vector<16xi32>
    %add3A_2739 = arith.addi %add3A_2730, %select_n3A_2738 : vector<16xi32>
    %ge3A_2740 = arith.constant 2.100000e+01 : f32
    %ge3A_2741 = vector.broadcast %ge3A_2740 : f32 to vector<16xf32>
    %ge3A_2742 = arith.cmpf oge, %get3A_2716, %ge3A_2741 : vector<16xf32>
    %jit3A_2743 = arith.constant 1 : i32
    %jit3A_2744 = arith.constant 0 : i32
    %broadcast_in_dim3A_2745 = vector.broadcast %jit3A_2743 : i32 to vector<16xi32>
    %broadcast_in_dim3A_2746 = vector.broadcast %jit3A_2744 : i32 to vector<16xi32>
    %select_n3A_2747 = arith.select %ge3A_2742, %broadcast_in_dim3A_2745, %broadcast_in_dim3A_2746 : vector<16xi1>, vector<16xi32>
    %add3A_2748 = arith.addi %add3A_2739, %select_n3A_2747 : vector<16xi32>
    %ge3A_2749 = arith.constant 3.100000e+01 : f32
    %ge3A_2750 = vector.broadcast %ge3A_2749 : f32 to vector<16xf32>
    %ge3A_2751 = arith.cmpf oge, %get3A_2716, %ge3A_2750 : vector<16xf32>
    %jit3A_2752 = arith.constant 1 : i32
    %jit3A_2753 = arith.constant 0 : i32
    %broadcast_in_dim3A_2754 = vector.broadcast %jit3A_2752 : i32 to vector<16xi32>
    %broadcast_in_dim3A_2755 = vector.broadcast %jit3A_2753 : i32 to vector<16xi32>
    %select_n3A_2756 = arith.select %ge3A_2751, %broadcast_in_dim3A_2754, %broadcast_in_dim3A_2755 : vector<16xi1>, vector<16xi32>
    %add3A_2757 = arith.addi %add3A_2748, %select_n3A_2756 : vector<16xi32>
    %ge3A_2758 = arith.constant 4.100000e+01 : f32
    %ge3A_2759 = vector.broadcast %ge3A_2758 : f32 to vector<16xf32>
    %ge3A_2760 = arith.cmpf oge, %get3A_2716, %ge3A_2759 : vector<16xf32>
    %jit3A_2761 = arith.constant 1 : i32
    %jit3A_2762 = arith.constant 0 : i32
    %broadcast_in_dim3A_2763 = vector.broadcast %jit3A_2761 : i32 to vector<16xi32>
    %broadcast_in_dim3A_2764 = vector.broadcast %jit3A_2762 : i32 to vector<16xi32>
    %select_n3A_2765 = arith.select %ge3A_2760, %broadcast_in_dim3A_2763, %broadcast_in_dim3A_2764 : vector<16xi1>, vector<16xi32>
    %add3A_2766 = arith.addi %add3A_2757, %select_n3A_2765 : vector<16xi32>
    %ge3A_2767 = arith.constant 5.100000e+01 : f32
    %ge3A_2768 = vector.broadcast %ge3A_2767 : f32 to vector<16xf32>
    %ge3A_2769 = arith.cmpf oge, %get3A_2716, %ge3A_2768 : vector<16xf32>
    %jit3A_2770 = arith.constant 1 : i32
    %jit3A_2771 = arith.constant 0 : i32
    %broadcast_in_dim3A_2772 = vector.broadcast %jit3A_2770 : i32 to vector<16xi32>
    %broadcast_in_dim3A_2773 = vector.broadcast %jit3A_2771 : i32 to vector<16xi32>
    %select_n3A_2774 = arith.select %ge3A_2769, %broadcast_in_dim3A_2772, %broadcast_in_dim3A_2773 : vector<16xi1>, vector<16xi32>
    %add3A_2775 = arith.addi %add3A_2766, %select_n3A_2774 : vector<16xi32>
    %ge3A_2776 = arith.constant 6.100000e+01 : f32
    %ge3A_2777 = vector.broadcast %ge3A_2776 : f32 to vector<16xf32>
    %ge3A_2778 = arith.cmpf oge, %get3A_2716, %ge3A_2777 : vector<16xf32>
    %jit3A_2779 = arith.constant 1 : i32
    %jit3A_2780 = arith.constant 0 : i32
    %broadcast_in_dim3A_2781 = vector.broadcast %jit3A_2779 : i32 to vector<16xi32>
    %broadcast_in_dim3A_2782 = vector.broadcast %jit3A_2780 : i32 to vector<16xi32>
    %select_n3A_2783 = arith.select %ge3A_2778, %broadcast_in_dim3A_2781, %broadcast_in_dim3A_2782 : vector<16xi1>, vector<16xi32>
    %add3A_2784 = arith.addi %add3A_2775, %select_n3A_2783 : vector<16xi32>
    %ge3A_2785 = arith.constant 7.100000e+01 : f32
    %ge3A_2786 = vector.broadcast %ge3A_2785 : f32 to vector<16xf32>
    %ge3A_2787 = arith.cmpf oge, %get3A_2716, %ge3A_2786 : vector<16xf32>
    %jit3A_2788 = arith.constant 1 : i32
    %jit3A_2789 = arith.constant 0 : i32
    %broadcast_in_dim3A_2790 = vector.broadcast %jit3A_2788 : i32 to vector<16xi32>
    %broadcast_in_dim3A_2791 = vector.broadcast %jit3A_2789 : i32 to vector<16xi32>
    %select_n3A_2792 = arith.select %ge3A_2787, %broadcast_in_dim3A_2790, %broadcast_in_dim3A_2791 : vector<16xi1>, vector<16xi32>
    %add3A_2793 = arith.addi %add3A_2784, %select_n3A_2792 : vector<16xi32>
    %ge3A_2794 = arith.constant 8.100000e+01 : f32
    %ge3A_2795 = vector.broadcast %ge3A_2794 : f32 to vector<16xf32>
    %ge3A_2796 = arith.cmpf oge, %get3A_2716, %ge3A_2795 : vector<16xf32>
    %jit3A_2797 = arith.constant 1 : i32
    %jit3A_2798 = arith.constant 0 : i32
    %broadcast_in_dim3A_2799 = vector.broadcast %jit3A_2797 : i32 to vector<16xi32>
    %broadcast_in_dim3A_2800 = vector.broadcast %jit3A_2798 : i32 to vector<16xi32>
    %select_n3A_2801 = arith.select %ge3A_2796, %broadcast_in_dim3A_2799, %broadcast_in_dim3A_2800 : vector<16xi1>, vector<16xi32>
    %add3A_2802 = arith.addi %add3A_2793, %select_n3A_2801 : vector<16xi32>
    %ge3A_2803 = arith.constant 9.100000e+01 : f32
    %ge3A_2804 = vector.broadcast %ge3A_2803 : f32 to vector<16xf32>
    %ge3A_2805 = arith.cmpf oge, %get3A_2716, %ge3A_2804 : vector<16xf32>
    %jit3A_2806 = arith.constant 1 : i32
    %jit3A_2807 = arith.constant 0 : i32
    %broadcast_in_dim3A_2808 = vector.broadcast %jit3A_2806 : i32 to vector<16xi32>
    %broadcast_in_dim3A_2809 = vector.broadcast %jit3A_2807 : i32 to vector<16xi32>
    %select_n3A_2810 = arith.select %ge3A_2805, %broadcast_in_dim3A_2808, %broadcast_in_dim3A_2809 : vector<16xi1>, vector<16xi32>
    %add3A_2811 = arith.addi %add3A_2802, %select_n3A_2810 : vector<16xi32>
    %mul3A_2812 = arith.constant 8 : i32
    %mul3A_2813 = vector.broadcast %mul3A_2812 : i32 to vector<16xi32>
    %mul3A_2814 = arith.muli %get3A_2719, %mul3A_2813 : vector<16xi32>
    %add3A_2815 = arith.addi %mul3A_2814, %add3A_2811 : vector<16xi32>
    %ge3A_2816 = arith.constant 8 : i32
    %ge3A_2817 = vector.broadcast %ge3A_2816 : i32 to vector<16xi32>
    %ge3A_2818 = arith.cmpi sge, %add3A_2811, %ge3A_2817 : vector<16xi32>
    %jit3A_2819 = arith.constant 824 : i32
    %jit3A_2820 = arith.constant 0 : i32
    %broadcast_in_dim3A_2821 = vector.broadcast %jit3A_2819 : i32 to vector<16xi32>
    %broadcast_in_dim3A_2822 = vector.broadcast %jit3A_2820 : i32 to vector<16xi32>
    %select_n3A_2823 = arith.select %ge3A_2818, %broadcast_in_dim3A_2821, %broadcast_in_dim3A_2822 : vector<16xi1>, vector<16xi32>
    %add3A_2824 = arith.addi %add3A_2815, %select_n3A_2823 : vector<16xi32>
    %swap3A_2825 = arith.constant 2 : i32
    %swap3A_2826 = arith.index_cast %swap3A_2825 : i32 to index
    %swap3A_2827 = arith.constant 112 : index
    %swap3A_2828 = tpu.vector_load %arg8[%swap3A_2826, %swap3A_2827] {strides = array<i32>} : memref<4x128xi32, #tpu.memory_space<vmem>>, vector<1x16xi32>,
    %swap3A_2829 = vector.shape_cast %swap3A_2828 : vector<1x16xi32> to vector<16xi32>
    %swap3A_2830 = vector.shape_cast %add3A_2824 : vector<16xi32> to vector<1x16xi32>
    tpu.vector_store %arg8[%swap3A_2826, %swap3A_2827], %swap3A_2830 {strides = array<i32>} : memref<4x128xi32, #tpu.memory_space<vmem>>, vector<1x16xi32>,
    %dma_start3A_2831 = arith.constant 2 : i32
    %dma_start3A_2832 = arith.constant 256 : i32
    %dma_start3A_2833 = arith.constant 0 : i32
    %dma_start3A_2834 = tpu.memref_slice %arg9[%dma_start3A_2832, %dma_start3A_2833] : memref<512x16xf32, #tpu.memory_space<vmem>> -> memref<128x16xf32, #tpu.memory_space<vmem>>
    %dma_start3A_2835 = arith.constant 0 : i32
    %dma_start3A_2836 = tpu.memref_slice %arg8[%dma_start3A_2831, %dma_start3A_2835] : memref<4x128xi32, #tpu.memory_space<vmem>> -> memref<1x128xi32, #tpu.memory_space<vmem>>
    %dma_start3A_2837 = tpu.memref_squeeze %dma_start3A_2836 : memref<1x128xi32, #tpu.memory_space<vmem>> -> memref<128xi32, #tpu.memory_space<vmem>>
    %dma_start3A_2838 = arith.constant 0 : i32
    %dma_start3A_2839 = arith.constant 0 : i32
    %dma_start3A_2840 = tpu.memref_slice %arg4[%dma_start3A_2838, %dma_start3A_2839] : memref<1664x16xf32, #tpu.memory_space<hbm>> -> memref<1664x16xf32, #tpu.memory_space<hbm>>
    tpu.enqueue_indirect_dma source(%dma_start3A_2840 : memref<1664x16xf32, #tpu.memory_space<hbm>>) target(%dma_start3A_2834 : memref<128x16xf32, #tpu.memory_space<vmem>>) offsets(%dma_start3A_2837 : memref<128xi32, #tpu.memory_space<vmem>>) semaphore(%arg11 : memref<!tpu.dma_semaphore, #tpu.memory_space<semaphore_mem>>)
    %get3A_2841 = arith.constant 384 : index
    %get3A_2842 = tpu.vector_load %arg7[%get3A_2841] {strides = array<i32>} : memref<512xf32, #tpu.memory_space<vmem>>, vector<16xf32>,
    %get3A_2843 = vector.shape_cast %get3A_2842 : vector<16xf32> to vector<16xf32>
    %get3A_2844 = arith.constant 384 : index
    %get3A_2845 = tpu.vector_load %arg6[%get3A_2844] {strides = array<i32>} : memref<512xi32, #tpu.memory_space<vmem>>, vector<16xi32>,
    %get3A_2846 = vector.shape_cast %get3A_2845 : vector<16xi32> to vector<16xi32>
    %broadcast_in_dim3A_2847 = arith.constant 0 : i32
    %broadcast_in_dim3A_2848 = vector.broadcast %broadcast_in_dim3A_2847 : i32 to vector<16xi32>
    %ge3A_2849 = arith.constant 1.000000e+00 : f32
    %ge3A_2850 = vector.broadcast %ge3A_2849 : f32 to vector<16xf32>
    %ge3A_2851 = arith.cmpf oge, %get3A_2843, %ge3A_2850 : vector<16xf32>
    %jit3A_2852 = arith.constant 1 : i32
    %jit3A_2853 = arith.constant 0 : i32
    %broadcast_in_dim3A_2854 = vector.broadcast %jit3A_2852 : i32 to vector<16xi32>
    %broadcast_in_dim3A_2855 = vector.broadcast %jit3A_2853 : i32 to vector<16xi32>
    %select_n3A_2856 = arith.select %ge3A_2851, %broadcast_in_dim3A_2854, %broadcast_in_dim3A_2855 : vector<16xi1>, vector<16xi32>
    %add3A_2857 = arith.addi %broadcast_in_dim3A_2848, %select_n3A_2856 : vector<16xi32>
    %ge3A_2858 = arith.constant 1.100000e+01 : f32
    %ge3A_2859 = vector.broadcast %ge3A_2858 : f32 to vector<16xf32>
    %ge3A_2860 = arith.cmpf oge, %get3A_2843, %ge3A_2859 : vector<16xf32>
    %jit3A_2861 = arith.constant 1 : i32
    %jit3A_2862 = arith.constant 0 : i32
    %broadcast_in_dim3A_2863 = vector.broadcast %jit3A_2861 : i32 to vector<16xi32>
    %broadcast_in_dim3A_2864 = vector.broadcast %jit3A_2862 : i32 to vector<16xi32>
    %select_n3A_2865 = arith.select %ge3A_2860, %broadcast_in_dim3A_2863, %broadcast_in_dim3A_2864 : vector<16xi1>, vector<16xi32>
    %add3A_2866 = arith.addi %add3A_2857, %select_n3A_2865 : vector<16xi32>
    %ge3A_2867 = arith.constant 2.100000e+01 : f32
    %ge3A_2868 = vector.broadcast %ge3A_2867 : f32 to vector<16xf32>
    %ge3A_2869 = arith.cmpf oge, %get3A_2843, %ge3A_2868 : vector<16xf32>
    %jit3A_2870 = arith.constant 1 : i32
    %jit3A_2871 = arith.constant 0 : i32
    %broadcast_in_dim3A_2872 = vector.broadcast %jit3A_2870 : i32 to vector<16xi32>
    %broadcast_in_dim3A_2873 = vector.broadcast %jit3A_2871 : i32 to vector<16xi32>
    %select_n3A_2874 = arith.select %ge3A_2869, %broadcast_in_dim3A_2872, %broadcast_in_dim3A_2873 : vector<16xi1>, vector<16xi32>
    %add3A_2875 = arith.addi %add3A_2866, %select_n3A_2874 : vector<16xi32>
    %ge3A_2876 = arith.constant 3.100000e+01 : f32
    %ge3A_2877 = vector.broadcast %ge3A_2876 : f32 to vector<16xf32>
    %ge3A_2878 = arith.cmpf oge, %get3A_2843, %ge3A_2877 : vector<16xf32>
    %jit3A_2879 = arith.constant 1 : i32
    %jit3A_2880 = arith.constant 0 : i32
    %broadcast_in_dim3A_2881 = vector.broadcast %jit3A_2879 : i32 to vector<16xi32>
    %broadcast_in_dim3A_2882 = vector.broadcast %jit3A_2880 : i32 to vector<16xi32>
    %select_n3A_2883 = arith.select %ge3A_2878, %broadcast_in_dim3A_2881, %broadcast_in_dim3A_2882 : vector<16xi1>, vector<16xi32>
    %add3A_2884 = arith.addi %add3A_2875, %select_n3A_2883 : vector<16xi32>
    %ge3A_2885 = arith.constant 4.100000e+01 : f32
    %ge3A_2886 = vector.broadcast %ge3A_2885 : f32 to vector<16xf32>
    %ge3A_2887 = arith.cmpf oge, %get3A_2843, %ge3A_2886 : vector<16xf32>
    %jit3A_2888 = arith.constant 1 : i32
    %jit3A_2889 = arith.constant 0 : i32
    %broadcast_in_dim3A_2890 = vector.broadcast %jit3A_2888 : i32 to vector<16xi32>
    %broadcast_in_dim3A_2891 = vector.broadcast %jit3A_2889 : i32 to vector<16xi32>
    %select_n3A_2892 = arith.select %ge3A_2887, %broadcast_in_dim3A_2890, %broadcast_in_dim3A_2891 : vector<16xi1>, vector<16xi32>
    %add3A_2893 = arith.addi %add3A_2884, %select_n3A_2892 : vector<16xi32>
    %ge3A_2894 = arith.constant 5.100000e+01 : f32
    %ge3A_2895 = vector.broadcast %ge3A_2894 : f32 to vector<16xf32>
    %ge3A_2896 = arith.cmpf oge, %get3A_2843, %ge3A_2895 : vector<16xf32>
    %jit3A_2897 = arith.constant 1 : i32
    %jit3A_2898 = arith.constant 0 : i32
    %broadcast_in_dim3A_2899 = vector.broadcast %jit3A_2897 : i32 to vector<16xi32>
    %broadcast_in_dim3A_2900 = vector.broadcast %jit3A_2898 : i32 to vector<16xi32>
    %select_n3A_2901 = arith.select %ge3A_2896, %broadcast_in_dim3A_2899, %broadcast_in_dim3A_2900 : vector<16xi1>, vector<16xi32>
    %add3A_2902 = arith.addi %add3A_2893, %select_n3A_2901 : vector<16xi32>
    %ge3A_2903 = arith.constant 6.100000e+01 : f32
    %ge3A_2904 = vector.broadcast %ge3A_2903 : f32 to vector<16xf32>
    %ge3A_2905 = arith.cmpf oge, %get3A_2843, %ge3A_2904 : vector<16xf32>
    %jit3A_2906 = arith.constant 1 : i32
    %jit3A_2907 = arith.constant 0 : i32
    %broadcast_in_dim3A_2908 = vector.broadcast %jit3A_2906 : i32 to vector<16xi32>
    %broadcast_in_dim3A_2909 = vector.broadcast %jit3A_2907 : i32 to vector<16xi32>
    %select_n3A_2910 = arith.select %ge3A_2905, %broadcast_in_dim3A_2908, %broadcast_in_dim3A_2909 : vector<16xi1>, vector<16xi32>
    %add3A_2911 = arith.addi %add3A_2902, %select_n3A_2910 : vector<16xi32>
    %ge3A_2912 = arith.constant 7.100000e+01 : f32
    %ge3A_2913 = vector.broadcast %ge3A_2912 : f32 to vector<16xf32>
    %ge3A_2914 = arith.cmpf oge, %get3A_2843, %ge3A_2913 : vector<16xf32>
    %jit3A_2915 = arith.constant 1 : i32
    %jit3A_2916 = arith.constant 0 : i32
    %broadcast_in_dim3A_2917 = vector.broadcast %jit3A_2915 : i32 to vector<16xi32>
    %broadcast_in_dim3A_2918 = vector.broadcast %jit3A_2916 : i32 to vector<16xi32>
    %select_n3A_2919 = arith.select %ge3A_2914, %broadcast_in_dim3A_2917, %broadcast_in_dim3A_2918 : vector<16xi1>, vector<16xi32>
    %add3A_2920 = arith.addi %add3A_2911, %select_n3A_2919 : vector<16xi32>
    %ge3A_2921 = arith.constant 8.100000e+01 : f32
    %ge3A_2922 = vector.broadcast %ge3A_2921 : f32 to vector<16xf32>
    %ge3A_2923 = arith.cmpf oge, %get3A_2843, %ge3A_2922 : vector<16xf32>
    %jit3A_2924 = arith.constant 1 : i32
    %jit3A_2925 = arith.constant 0 : i32
    %broadcast_in_dim3A_2926 = vector.broadcast %jit3A_2924 : i32 to vector<16xi32>
    %broadcast_in_dim3A_2927 = vector.broadcast %jit3A_2925 : i32 to vector<16xi32>
    %select_n3A_2928 = arith.select %ge3A_2923, %broadcast_in_dim3A_2926, %broadcast_in_dim3A_2927 : vector<16xi1>, vector<16xi32>
    %add3A_2929 = arith.addi %add3A_2920, %select_n3A_2928 : vector<16xi32>
    %ge3A_2930 = arith.constant 9.100000e+01 : f32
    %ge3A_2931 = vector.broadcast %ge3A_2930 : f32 to vector<16xf32>
    %ge3A_2932 = arith.cmpf oge, %get3A_2843, %ge3A_2931 : vector<16xf32>
    %jit3A_2933 = arith.constant 1 : i32
    %jit3A_2934 = arith.constant 0 : i32
    %broadcast_in_dim3A_2935 = vector.broadcast %jit3A_2933 : i32 to vector<16xi32>
    %broadcast_in_dim3A_2936 = vector.broadcast %jit3A_2934 : i32 to vector<16xi32>
    %select_n3A_2937 = arith.select %ge3A_2932, %broadcast_in_dim3A_2935, %broadcast_in_dim3A_2936 : vector<16xi1>, vector<16xi32>
    %add3A_2938 = arith.addi %add3A_2929, %select_n3A_2937 : vector<16xi32>
    %mul3A_2939 = arith.constant 8 : i32
    %mul3A_2940 = vector.broadcast %mul3A_2939 : i32 to vector<16xi32>
    %mul3A_2941 = arith.muli %get3A_2846, %mul3A_2940 : vector<16xi32>
    %add3A_2942 = arith.addi %mul3A_2941, %add3A_2938 : vector<16xi32>
    %ge3A_2943 = arith.constant 8 : i32
    %ge3A_2944 = vector.broadcast %ge3A_2943 : i32 to vector<16xi32>
    %ge3A_2945 = arith.cmpi sge, %add3A_2938, %ge3A_2944 : vector<16xi32>
    %jit3A_2946 = arith.constant 824 : i32
    %jit3A_2947 = arith.constant 0 : i32
    %broadcast_in_dim3A_2948 = vector.broadcast %jit3A_2946 : i32 to vector<16xi32>
    %broadcast_in_dim3A_2949 = vector.broadcast %jit3A_2947 : i32 to vector<16xi32>
    %select_n3A_2950 = arith.select %ge3A_2945, %broadcast_in_dim3A_2948, %broadcast_in_dim3A_2949 : vector<16xi1>, vector<16xi32>
    %add3A_2951 = arith.addi %add3A_2942, %select_n3A_2950 : vector<16xi32>
    %swap3A_2952 = arith.constant 3 : i32
    %swap3A_2953 = arith.index_cast %swap3A_2952 : i32 to index
    %swap3A_2954 = arith.constant 0 : index
    %swap3A_2955 = tpu.vector_load %arg8[%swap3A_2953, %swap3A_2954] {strides = array<i32>} : memref<4x128xi32, #tpu.memory_space<vmem>>, vector<1x16xi32>,
    %swap3A_2956 = vector.shape_cast %swap3A_2955 : vector<1x16xi32> to vector<16xi32>
    %swap3A_2957 = vector.shape_cast %add3A_2951 : vector<16xi32> to vector<1x16xi32>
    tpu.vector_store %arg8[%swap3A_2953, %swap3A_2954], %swap3A_2957 {strides = array<i32>} : memref<4x128xi32, #tpu.memory_space<vmem>>, vector<1x16xi32>,
    %get3A_2958 = arith.constant 400 : index
    %get3A_2959 = tpu.vector_load %arg7[%get3A_2958] {strides = array<i32>} : memref<512xf32, #tpu.memory_space<vmem>>, vector<16xf32>,
    %get3A_2960 = vector.shape_cast %get3A_2959 : vector<16xf32> to vector<16xf32>
    %get3A_2961 = arith.constant 400 : index
    %get3A_2962 = tpu.vector_load %arg6[%get3A_2961] {strides = array<i32>} : memref<512xi32, #tpu.memory_space<vmem>>, vector<16xi32>,
    %get3A_2963 = vector.shape_cast %get3A_2962 : vector<16xi32> to vector<16xi32>
    %broadcast_in_dim3A_2964 = arith.constant 0 : i32
    %broadcast_in_dim3A_2965 = vector.broadcast %broadcast_in_dim3A_2964 : i32 to vector<16xi32>
    %ge3A_2966 = arith.constant 1.000000e+00 : f32
    %ge3A_2967 = vector.broadcast %ge3A_2966 : f32 to vector<16xf32>
    %ge3A_2968 = arith.cmpf oge, %get3A_2960, %ge3A_2967 : vector<16xf32>
    %jit3A_2969 = arith.constant 1 : i32
    %jit3A_2970 = arith.constant 0 : i32
    %broadcast_in_dim3A_2971 = vector.broadcast %jit3A_2969 : i32 to vector<16xi32>
    %broadcast_in_dim3A_2972 = vector.broadcast %jit3A_2970 : i32 to vector<16xi32>
    %select_n3A_2973 = arith.select %ge3A_2968, %broadcast_in_dim3A_2971, %broadcast_in_dim3A_2972 : vector<16xi1>, vector<16xi32>
    %add3A_2974 = arith.addi %broadcast_in_dim3A_2965, %select_n3A_2973 : vector<16xi32>
    %ge3A_2975 = arith.constant 1.100000e+01 : f32
    %ge3A_2976 = vector.broadcast %ge3A_2975 : f32 to vector<16xf32>
    %ge3A_2977 = arith.cmpf oge, %get3A_2960, %ge3A_2976 : vector<16xf32>
    %jit3A_2978 = arith.constant 1 : i32
    %jit3A_2979 = arith.constant 0 : i32
    %broadcast_in_dim3A_2980 = vector.broadcast %jit3A_2978 : i32 to vector<16xi32>
    %broadcast_in_dim3A_2981 = vector.broadcast %jit3A_2979 : i32 to vector<16xi32>
    %select_n3A_2982 = arith.select %ge3A_2977, %broadcast_in_dim3A_2980, %broadcast_in_dim3A_2981 : vector<16xi1>, vector<16xi32>
    %add3A_2983 = arith.addi %add3A_2974, %select_n3A_2982 : vector<16xi32>
    %ge3A_2984 = arith.constant 2.100000e+01 : f32
    %ge3A_2985 = vector.broadcast %ge3A_2984 : f32 to vector<16xf32>
    %ge3A_2986 = arith.cmpf oge, %get3A_2960, %ge3A_2985 : vector<16xf32>
    %jit3A_2987 = arith.constant 1 : i32
    %jit3A_2988 = arith.constant 0 : i32
    %broadcast_in_dim3A_2989 = vector.broadcast %jit3A_2987 : i32 to vector<16xi32>
    %broadcast_in_dim3A_2990 = vector.broadcast %jit3A_2988 : i32 to vector<16xi32>
    %select_n3A_2991 = arith.select %ge3A_2986, %broadcast_in_dim3A_2989, %broadcast_in_dim3A_2990 : vector<16xi1>, vector<16xi32>
    %add3A_2992 = arith.addi %add3A_2983, %select_n3A_2991 : vector<16xi32>
    %ge3A_2993 = arith.constant 3.100000e+01 : f32
    %ge3A_2994 = vector.broadcast %ge3A_2993 : f32 to vector<16xf32>
    %ge3A_2995 = arith.cmpf oge, %get3A_2960, %ge3A_2994 : vector<16xf32>
    %jit3A_2996 = arith.constant 1 : i32
    %jit3A_2997 = arith.constant 0 : i32
    %broadcast_in_dim3A_2998 = vector.broadcast %jit3A_2996 : i32 to vector<16xi32>
    %broadcast_in_dim3A_2999 = vector.broadcast %jit3A_2997 : i32 to vector<16xi32>
    %select_n3A_3000 = arith.select %ge3A_2995, %broadcast_in_dim3A_2998, %broadcast_in_dim3A_2999 : vector<16xi1>, vector<16xi32>
    %add3A_3001 = arith.addi %add3A_2992, %select_n3A_3000 : vector<16xi32>
    %ge3A_3002 = arith.constant 4.100000e+01 : f32
    %ge3A_3003 = vector.broadcast %ge3A_3002 : f32 to vector<16xf32>
    %ge3A_3004 = arith.cmpf oge, %get3A_2960, %ge3A_3003 : vector<16xf32>
    %jit3A_3005 = arith.constant 1 : i32
    %jit3A_3006 = arith.constant 0 : i32
    %broadcast_in_dim3A_3007 = vector.broadcast %jit3A_3005 : i32 to vector<16xi32>
    %broadcast_in_dim3A_3008 = vector.broadcast %jit3A_3006 : i32 to vector<16xi32>
    %select_n3A_3009 = arith.select %ge3A_3004, %broadcast_in_dim3A_3007, %broadcast_in_dim3A_3008 : vector<16xi1>, vector<16xi32>
    %add3A_3010 = arith.addi %add3A_3001, %select_n3A_3009 : vector<16xi32>
    %ge3A_3011 = arith.constant 5.100000e+01 : f32
    %ge3A_3012 = vector.broadcast %ge3A_3011 : f32 to vector<16xf32>
    %ge3A_3013 = arith.cmpf oge, %get3A_2960, %ge3A_3012 : vector<16xf32>
    %jit3A_3014 = arith.constant 1 : i32
    %jit3A_3015 = arith.constant 0 : i32
    %broadcast_in_dim3A_3016 = vector.broadcast %jit3A_3014 : i32 to vector<16xi32>
    %broadcast_in_dim3A_3017 = vector.broadcast %jit3A_3015 : i32 to vector<16xi32>
    %select_n3A_3018 = arith.select %ge3A_3013, %broadcast_in_dim3A_3016, %broadcast_in_dim3A_3017 : vector<16xi1>, vector<16xi32>
    %add3A_3019 = arith.addi %add3A_3010, %select_n3A_3018 : vector<16xi32>
    %ge3A_3020 = arith.constant 6.100000e+01 : f32
    %ge3A_3021 = vector.broadcast %ge3A_3020 : f32 to vector<16xf32>
    %ge3A_3022 = arith.cmpf oge, %get3A_2960, %ge3A_3021 : vector<16xf32>
    %jit3A_3023 = arith.constant 1 : i32
    %jit3A_3024 = arith.constant 0 : i32
    %broadcast_in_dim3A_3025 = vector.broadcast %jit3A_3023 : i32 to vector<16xi32>
    %broadcast_in_dim3A_3026 = vector.broadcast %jit3A_3024 : i32 to vector<16xi32>
    %select_n3A_3027 = arith.select %ge3A_3022, %broadcast_in_dim3A_3025, %broadcast_in_dim3A_3026 : vector<16xi1>, vector<16xi32>
    %add3A_3028 = arith.addi %add3A_3019, %select_n3A_3027 : vector<16xi32>
    %ge3A_3029 = arith.constant 7.100000e+01 : f32
    %ge3A_3030 = vector.broadcast %ge3A_3029 : f32 to vector<16xf32>
    %ge3A_3031 = arith.cmpf oge, %get3A_2960, %ge3A_3030 : vector<16xf32>
    %jit3A_3032 = arith.constant 1 : i32
    %jit3A_3033 = arith.constant 0 : i32
    %broadcast_in_dim3A_3034 = vector.broadcast %jit3A_3032 : i32 to vector<16xi32>
    %broadcast_in_dim3A_3035 = vector.broadcast %jit3A_3033 : i32 to vector<16xi32>
    %select_n3A_3036 = arith.select %ge3A_3031, %broadcast_in_dim3A_3034, %broadcast_in_dim3A_3035 : vector<16xi1>, vector<16xi32>
    %add3A_3037 = arith.addi %add3A_3028, %select_n3A_3036 : vector<16xi32>
    %ge3A_3038 = arith.constant 8.100000e+01 : f32
    %ge3A_3039 = vector.broadcast %ge3A_3038 : f32 to vector<16xf32>
    %ge3A_3040 = arith.cmpf oge, %get3A_2960, %ge3A_3039 : vector<16xf32>
    %jit3A_3041 = arith.constant 1 : i32
    %jit3A_3042 = arith.constant 0 : i32
    %broadcast_in_dim3A_3043 = vector.broadcast %jit3A_3041 : i32 to vector<16xi32>
    %broadcast_in_dim3A_3044 = vector.broadcast %jit3A_3042 : i32 to vector<16xi32>
    %select_n3A_3045 = arith.select %ge3A_3040, %broadcast_in_dim3A_3043, %broadcast_in_dim3A_3044 : vector<16xi1>, vector<16xi32>
    %add3A_3046 = arith.addi %add3A_3037, %select_n3A_3045 : vector<16xi32>
    %ge3A_3047 = arith.constant 9.100000e+01 : f32
    %ge3A_3048 = vector.broadcast %ge3A_3047 : f32 to vector<16xf32>
    %ge3A_3049 = arith.cmpf oge, %get3A_2960, %ge3A_3048 : vector<16xf32>
    %jit3A_3050 = arith.constant 1 : i32
    %jit3A_3051 = arith.constant 0 : i32
    %broadcast_in_dim3A_3052 = vector.broadcast %jit3A_3050 : i32 to vector<16xi32>
    %broadcast_in_dim3A_3053 = vector.broadcast %jit3A_3051 : i32 to vector<16xi32>
    %select_n3A_3054 = arith.select %ge3A_3049, %broadcast_in_dim3A_3052, %broadcast_in_dim3A_3053 : vector<16xi1>, vector<16xi32>
    %add3A_3055 = arith.addi %add3A_3046, %select_n3A_3054 : vector<16xi32>
    %mul3A_3056 = arith.constant 8 : i32
    %mul3A_3057 = vector.broadcast %mul3A_3056 : i32 to vector<16xi32>
    %mul3A_3058 = arith.muli %get3A_2963, %mul3A_3057 : vector<16xi32>
    %add3A_3059 = arith.addi %mul3A_3058, %add3A_3055 : vector<16xi32>
    %ge3A_3060 = arith.constant 8 : i32
    %ge3A_3061 = vector.broadcast %ge3A_3060 : i32 to vector<16xi32>
    %ge3A_3062 = arith.cmpi sge, %add3A_3055, %ge3A_3061 : vector<16xi32>
    %jit3A_3063 = arith.constant 824 : i32
    %jit3A_3064 = arith.constant 0 : i32
    %broadcast_in_dim3A_3065 = vector.broadcast %jit3A_3063 : i32 to vector<16xi32>
    %broadcast_in_dim3A_3066 = vector.broadcast %jit3A_3064 : i32 to vector<16xi32>
    %select_n3A_3067 = arith.select %ge3A_3062, %broadcast_in_dim3A_3065, %broadcast_in_dim3A_3066 : vector<16xi1>, vector<16xi32>
    %add3A_3068 = arith.addi %add3A_3059, %select_n3A_3067 : vector<16xi32>
    %swap3A_3069 = arith.constant 3 : i32
    %swap3A_3070 = arith.index_cast %swap3A_3069 : i32 to index
    %swap3A_3071 = arith.constant 16 : index
    %swap3A_3072 = tpu.vector_load %arg8[%swap3A_3070, %swap3A_3071] {strides = array<i32>} : memref<4x128xi32, #tpu.memory_space<vmem>>, vector<1x16xi32>,
    %swap3A_3073 = vector.shape_cast %swap3A_3072 : vector<1x16xi32> to vector<16xi32>
    %swap3A_3074 = vector.shape_cast %add3A_3068 : vector<16xi32> to vector<1x16xi32>
    tpu.vector_store %arg8[%swap3A_3070, %swap3A_3071], %swap3A_3074 {strides = array<i32>} : memref<4x128xi32, #tpu.memory_space<vmem>>, vector<1x16xi32>,
    %get3A_3075 = arith.constant 416 : index
    %get3A_3076 = tpu.vector_load %arg7[%get3A_3075] {strides = array<i32>} : memref<512xf32, #tpu.memory_space<vmem>>, vector<16xf32>,
    %get3A_3077 = vector.shape_cast %get3A_3076 : vector<16xf32> to vector<16xf32>
    %get3A_3078 = arith.constant 416 : index
    %get3A_3079 = tpu.vector_load %arg6[%get3A_3078] {strides = array<i32>} : memref<512xi32, #tpu.memory_space<vmem>>, vector<16xi32>,
    %get3A_3080 = vector.shape_cast %get3A_3079 : vector<16xi32> to vector<16xi32>
    %broadcast_in_dim3A_3081 = arith.constant 0 : i32
    %broadcast_in_dim3A_3082 = vector.broadcast %broadcast_in_dim3A_3081 : i32 to vector<16xi32>
    %ge3A_3083 = arith.constant 1.000000e+00 : f32
    %ge3A_3084 = vector.broadcast %ge3A_3083 : f32 to vector<16xf32>
    %ge3A_3085 = arith.cmpf oge, %get3A_3077, %ge3A_3084 : vector<16xf32>
    %jit3A_3086 = arith.constant 1 : i32
    %jit3A_3087 = arith.constant 0 : i32
    %broadcast_in_dim3A_3088 = vector.broadcast %jit3A_3086 : i32 to vector<16xi32>
    %broadcast_in_dim3A_3089 = vector.broadcast %jit3A_3087 : i32 to vector<16xi32>
    %select_n3A_3090 = arith.select %ge3A_3085, %broadcast_in_dim3A_3088, %broadcast_in_dim3A_3089 : vector<16xi1>, vector<16xi32>
    %add3A_3091 = arith.addi %broadcast_in_dim3A_3082, %select_n3A_3090 : vector<16xi32>
    %ge3A_3092 = arith.constant 1.100000e+01 : f32
    %ge3A_3093 = vector.broadcast %ge3A_3092 : f32 to vector<16xf32>
    %ge3A_3094 = arith.cmpf oge, %get3A_3077, %ge3A_3093 : vector<16xf32>
    %jit3A_3095 = arith.constant 1 : i32
    %jit3A_3096 = arith.constant 0 : i32
    %broadcast_in_dim3A_3097 = vector.broadcast %jit3A_3095 : i32 to vector<16xi32>
    %broadcast_in_dim3A_3098 = vector.broadcast %jit3A_3096 : i32 to vector<16xi32>
    %select_n3A_3099 = arith.select %ge3A_3094, %broadcast_in_dim3A_3097, %broadcast_in_dim3A_3098 : vector<16xi1>, vector<16xi32>
    %add3A_3100 = arith.addi %add3A_3091, %select_n3A_3099 : vector<16xi32>
    %ge3A_3101 = arith.constant 2.100000e+01 : f32
    %ge3A_3102 = vector.broadcast %ge3A_3101 : f32 to vector<16xf32>
    %ge3A_3103 = arith.cmpf oge, %get3A_3077, %ge3A_3102 : vector<16xf32>
    %jit3A_3104 = arith.constant 1 : i32
    %jit3A_3105 = arith.constant 0 : i32
    %broadcast_in_dim3A_3106 = vector.broadcast %jit3A_3104 : i32 to vector<16xi32>
    %broadcast_in_dim3A_3107 = vector.broadcast %jit3A_3105 : i32 to vector<16xi32>
    %select_n3A_3108 = arith.select %ge3A_3103, %broadcast_in_dim3A_3106, %broadcast_in_dim3A_3107 : vector<16xi1>, vector<16xi32>
    %add3A_3109 = arith.addi %add3A_3100, %select_n3A_3108 : vector<16xi32>
    %ge3A_3110 = arith.constant 3.100000e+01 : f32
    %ge3A_3111 = vector.broadcast %ge3A_3110 : f32 to vector<16xf32>
    %ge3A_3112 = arith.cmpf oge, %get3A_3077, %ge3A_3111 : vector<16xf32>
    %jit3A_3113 = arith.constant 1 : i32
    %jit3A_3114 = arith.constant 0 : i32
    %broadcast_in_dim3A_3115 = vector.broadcast %jit3A_3113 : i32 to vector<16xi32>
    %broadcast_in_dim3A_3116 = vector.broadcast %jit3A_3114 : i32 to vector<16xi32>
    %select_n3A_3117 = arith.select %ge3A_3112, %broadcast_in_dim3A_3115, %broadcast_in_dim3A_3116 : vector<16xi1>, vector<16xi32>
    %add3A_3118 = arith.addi %add3A_3109, %select_n3A_3117 : vector<16xi32>
    %ge3A_3119 = arith.constant 4.100000e+01 : f32
    %ge3A_3120 = vector.broadcast %ge3A_3119 : f32 to vector<16xf32>
    %ge3A_3121 = arith.cmpf oge, %get3A_3077, %ge3A_3120 : vector<16xf32>
    %jit3A_3122 = arith.constant 1 : i32
    %jit3A_3123 = arith.constant 0 : i32
    %broadcast_in_dim3A_3124 = vector.broadcast %jit3A_3122 : i32 to vector<16xi32>
    %broadcast_in_dim3A_3125 = vector.broadcast %jit3A_3123 : i32 to vector<16xi32>
    %select_n3A_3126 = arith.select %ge3A_3121, %broadcast_in_dim3A_3124, %broadcast_in_dim3A_3125 : vector<16xi1>, vector<16xi32>
    %add3A_3127 = arith.addi %add3A_3118, %select_n3A_3126 : vector<16xi32>
    %ge3A_3128 = arith.constant 5.100000e+01 : f32
    %ge3A_3129 = vector.broadcast %ge3A_3128 : f32 to vector<16xf32>
    %ge3A_3130 = arith.cmpf oge, %get3A_3077, %ge3A_3129 : vector<16xf32>
    %jit3A_3131 = arith.constant 1 : i32
    %jit3A_3132 = arith.constant 0 : i32
    %broadcast_in_dim3A_3133 = vector.broadcast %jit3A_3131 : i32 to vector<16xi32>
    %broadcast_in_dim3A_3134 = vector.broadcast %jit3A_3132 : i32 to vector<16xi32>
    %select_n3A_3135 = arith.select %ge3A_3130, %broadcast_in_dim3A_3133, %broadcast_in_dim3A_3134 : vector<16xi1>, vector<16xi32>
    %add3A_3136 = arith.addi %add3A_3127, %select_n3A_3135 : vector<16xi32>
    %ge3A_3137 = arith.constant 6.100000e+01 : f32
    %ge3A_3138 = vector.broadcast %ge3A_3137 : f32 to vector<16xf32>
    %ge3A_3139 = arith.cmpf oge, %get3A_3077, %ge3A_3138 : vector<16xf32>
    %jit3A_3140 = arith.constant 1 : i32
    %jit3A_3141 = arith.constant 0 : i32
    %broadcast_in_dim3A_3142 = vector.broadcast %jit3A_3140 : i32 to vector<16xi32>
    %broadcast_in_dim3A_3143 = vector.broadcast %jit3A_3141 : i32 to vector<16xi32>
    %select_n3A_3144 = arith.select %ge3A_3139, %broadcast_in_dim3A_3142, %broadcast_in_dim3A_3143 : vector<16xi1>, vector<16xi32>
    %add3A_3145 = arith.addi %add3A_3136, %select_n3A_3144 : vector<16xi32>
    %ge3A_3146 = arith.constant 7.100000e+01 : f32
    %ge3A_3147 = vector.broadcast %ge3A_3146 : f32 to vector<16xf32>
    %ge3A_3148 = arith.cmpf oge, %get3A_3077, %ge3A_3147 : vector<16xf32>
    %jit3A_3149 = arith.constant 1 : i32
    %jit3A_3150 = arith.constant 0 : i32
    %broadcast_in_dim3A_3151 = vector.broadcast %jit3A_3149 : i32 to vector<16xi32>
    %broadcast_in_dim3A_3152 = vector.broadcast %jit3A_3150 : i32 to vector<16xi32>
    %select_n3A_3153 = arith.select %ge3A_3148, %broadcast_in_dim3A_3151, %broadcast_in_dim3A_3152 : vector<16xi1>, vector<16xi32>
    %add3A_3154 = arith.addi %add3A_3145, %select_n3A_3153 : vector<16xi32>
    %ge3A_3155 = arith.constant 8.100000e+01 : f32
    %ge3A_3156 = vector.broadcast %ge3A_3155 : f32 to vector<16xf32>
    %ge3A_3157 = arith.cmpf oge, %get3A_3077, %ge3A_3156 : vector<16xf32>
    %jit3A_3158 = arith.constant 1 : i32
    %jit3A_3159 = arith.constant 0 : i32
    %broadcast_in_dim3A_3160 = vector.broadcast %jit3A_3158 : i32 to vector<16xi32>
    %broadcast_in_dim3A_3161 = vector.broadcast %jit3A_3159 : i32 to vector<16xi32>
    %select_n3A_3162 = arith.select %ge3A_3157, %broadcast_in_dim3A_3160, %broadcast_in_dim3A_3161 : vector<16xi1>, vector<16xi32>
    %add3A_3163 = arith.addi %add3A_3154, %select_n3A_3162 : vector<16xi32>
    %ge3A_3164 = arith.constant 9.100000e+01 : f32
    %ge3A_3165 = vector.broadcast %ge3A_3164 : f32 to vector<16xf32>
    %ge3A_3166 = arith.cmpf oge, %get3A_3077, %ge3A_3165 : vector<16xf32>
    %jit3A_3167 = arith.constant 1 : i32
    %jit3A_3168 = arith.constant 0 : i32
    %broadcast_in_dim3A_3169 = vector.broadcast %jit3A_3167 : i32 to vector<16xi32>
    %broadcast_in_dim3A_3170 = vector.broadcast %jit3A_3168 : i32 to vector<16xi32>
    %select_n3A_3171 = arith.select %ge3A_3166, %broadcast_in_dim3A_3169, %broadcast_in_dim3A_3170 : vector<16xi1>, vector<16xi32>
    %add3A_3172 = arith.addi %add3A_3163, %select_n3A_3171 : vector<16xi32>
    %mul3A_3173 = arith.constant 8 : i32
    %mul3A_3174 = vector.broadcast %mul3A_3173 : i32 to vector<16xi32>
    %mul3A_3175 = arith.muli %get3A_3080, %mul3A_3174 : vector<16xi32>
    %add3A_3176 = arith.addi %mul3A_3175, %add3A_3172 : vector<16xi32>
    %ge3A_3177 = arith.constant 8 : i32
    %ge3A_3178 = vector.broadcast %ge3A_3177 : i32 to vector<16xi32>
    %ge3A_3179 = arith.cmpi sge, %add3A_3172, %ge3A_3178 : vector<16xi32>
    %jit3A_3180 = arith.constant 824 : i32
    %jit3A_3181 = arith.constant 0 : i32
    %broadcast_in_dim3A_3182 = vector.broadcast %jit3A_3180 : i32 to vector<16xi32>
    %broadcast_in_dim3A_3183 = vector.broadcast %jit3A_3181 : i32 to vector<16xi32>
    %select_n3A_3184 = arith.select %ge3A_3179, %broadcast_in_dim3A_3182, %broadcast_in_dim3A_3183 : vector<16xi1>, vector<16xi32>
    %add3A_3185 = arith.addi %add3A_3176, %select_n3A_3184 : vector<16xi32>
    %swap3A_3186 = arith.constant 3 : i32
    %swap3A_3187 = arith.index_cast %swap3A_3186 : i32 to index
    %swap3A_3188 = arith.constant 32 : index
    %swap3A_3189 = tpu.vector_load %arg8[%swap3A_3187, %swap3A_3188] {strides = array<i32>} : memref<4x128xi32, #tpu.memory_space<vmem>>, vector<1x16xi32>,
    %swap3A_3190 = vector.shape_cast %swap3A_3189 : vector<1x16xi32> to vector<16xi32>
    %swap3A_3191 = vector.shape_cast %add3A_3185 : vector<16xi32> to vector<1x16xi32>
    tpu.vector_store %arg8[%swap3A_3187, %swap3A_3188], %swap3A_3191 {strides = array<i32>} : memref<4x128xi32, #tpu.memory_space<vmem>>, vector<1x16xi32>,
    %get3A_3192 = arith.constant 432 : index
    %get3A_3193 = tpu.vector_load %arg7[%get3A_3192] {strides = array<i32>} : memref<512xf32, #tpu.memory_space<vmem>>, vector<16xf32>,
    %get3A_3194 = vector.shape_cast %get3A_3193 : vector<16xf32> to vector<16xf32>
    %get3A_3195 = arith.constant 432 : index
    %get3A_3196 = tpu.vector_load %arg6[%get3A_3195] {strides = array<i32>} : memref<512xi32, #tpu.memory_space<vmem>>, vector<16xi32>,
    %get3A_3197 = vector.shape_cast %get3A_3196 : vector<16xi32> to vector<16xi32>
    %broadcast_in_dim3A_3198 = arith.constant 0 : i32
    %broadcast_in_dim3A_3199 = vector.broadcast %broadcast_in_dim3A_3198 : i32 to vector<16xi32>
    %ge3A_3200 = arith.constant 1.000000e+00 : f32
    %ge3A_3201 = vector.broadcast %ge3A_3200 : f32 to vector<16xf32>
    %ge3A_3202 = arith.cmpf oge, %get3A_3194, %ge3A_3201 : vector<16xf32>
    %jit3A_3203 = arith.constant 1 : i32
    %jit3A_3204 = arith.constant 0 : i32
    %broadcast_in_dim3A_3205 = vector.broadcast %jit3A_3203 : i32 to vector<16xi32>
    %broadcast_in_dim3A_3206 = vector.broadcast %jit3A_3204 : i32 to vector<16xi32>
    %select_n3A_3207 = arith.select %ge3A_3202, %broadcast_in_dim3A_3205, %broadcast_in_dim3A_3206 : vector<16xi1>, vector<16xi32>
    %add3A_3208 = arith.addi %broadcast_in_dim3A_3199, %select_n3A_3207 : vector<16xi32>
    %ge3A_3209 = arith.constant 1.100000e+01 : f32
    %ge3A_3210 = vector.broadcast %ge3A_3209 : f32 to vector<16xf32>
    %ge3A_3211 = arith.cmpf oge, %get3A_3194, %ge3A_3210 : vector<16xf32>
    %jit3A_3212 = arith.constant 1 : i32
    %jit3A_3213 = arith.constant 0 : i32
    %broadcast_in_dim3A_3214 = vector.broadcast %jit3A_3212 : i32 to vector<16xi32>
    %broadcast_in_dim3A_3215 = vector.broadcast %jit3A_3213 : i32 to vector<16xi32>
    %select_n3A_3216 = arith.select %ge3A_3211, %broadcast_in_dim3A_3214, %broadcast_in_dim3A_3215 : vector<16xi1>, vector<16xi32>
    %add3A_3217 = arith.addi %add3A_3208, %select_n3A_3216 : vector<16xi32>
    %ge3A_3218 = arith.constant 2.100000e+01 : f32
    %ge3A_3219 = vector.broadcast %ge3A_3218 : f32 to vector<16xf32>
    %ge3A_3220 = arith.cmpf oge, %get3A_3194, %ge3A_3219 : vector<16xf32>
    %jit3A_3221 = arith.constant 1 : i32
    %jit3A_3222 = arith.constant 0 : i32
    %broadcast_in_dim3A_3223 = vector.broadcast %jit3A_3221 : i32 to vector<16xi32>
    %broadcast_in_dim3A_3224 = vector.broadcast %jit3A_3222 : i32 to vector<16xi32>
    %select_n3A_3225 = arith.select %ge3A_3220, %broadcast_in_dim3A_3223, %broadcast_in_dim3A_3224 : vector<16xi1>, vector<16xi32>
    %add3A_3226 = arith.addi %add3A_3217, %select_n3A_3225 : vector<16xi32>
    %ge3A_3227 = arith.constant 3.100000e+01 : f32
    %ge3A_3228 = vector.broadcast %ge3A_3227 : f32 to vector<16xf32>
    %ge3A_3229 = arith.cmpf oge, %get3A_3194, %ge3A_3228 : vector<16xf32>
    %jit3A_3230 = arith.constant 1 : i32
    %jit3A_3231 = arith.constant 0 : i32
    %broadcast_in_dim3A_3232 = vector.broadcast %jit3A_3230 : i32 to vector<16xi32>
    %broadcast_in_dim3A_3233 = vector.broadcast %jit3A_3231 : i32 to vector<16xi32>
    %select_n3A_3234 = arith.select %ge3A_3229, %broadcast_in_dim3A_3232, %broadcast_in_dim3A_3233 : vector<16xi1>, vector<16xi32>
    %add3A_3235 = arith.addi %add3A_3226, %select_n3A_3234 : vector<16xi32>
    %ge3A_3236 = arith.constant 4.100000e+01 : f32
    %ge3A_3237 = vector.broadcast %ge3A_3236 : f32 to vector<16xf32>
    %ge3A_3238 = arith.cmpf oge, %get3A_3194, %ge3A_3237 : vector<16xf32>
    %jit3A_3239 = arith.constant 1 : i32
    %jit3A_3240 = arith.constant 0 : i32
    %broadcast_in_dim3A_3241 = vector.broadcast %jit3A_3239 : i32 to vector<16xi32>
    %broadcast_in_dim3A_3242 = vector.broadcast %jit3A_3240 : i32 to vector<16xi32>
    %select_n3A_3243 = arith.select %ge3A_3238, %broadcast_in_dim3A_3241, %broadcast_in_dim3A_3242 : vector<16xi1>, vector<16xi32>
    %add3A_3244 = arith.addi %add3A_3235, %select_n3A_3243 : vector<16xi32>
    %ge3A_3245 = arith.constant 5.100000e+01 : f32
    %ge3A_3246 = vector.broadcast %ge3A_3245 : f32 to vector<16xf32>
    %ge3A_3247 = arith.cmpf oge, %get3A_3194, %ge3A_3246 : vector<16xf32>
    %jit3A_3248 = arith.constant 1 : i32
    %jit3A_3249 = arith.constant 0 : i32
    %broadcast_in_dim3A_3250 = vector.broadcast %jit3A_3248 : i32 to vector<16xi32>
    %broadcast_in_dim3A_3251 = vector.broadcast %jit3A_3249 : i32 to vector<16xi32>
    %select_n3A_3252 = arith.select %ge3A_3247, %broadcast_in_dim3A_3250, %broadcast_in_dim3A_3251 : vector<16xi1>, vector<16xi32>
    %add3A_3253 = arith.addi %add3A_3244, %select_n3A_3252 : vector<16xi32>
    %ge3A_3254 = arith.constant 6.100000e+01 : f32
    %ge3A_3255 = vector.broadcast %ge3A_3254 : f32 to vector<16xf32>
    %ge3A_3256 = arith.cmpf oge, %get3A_3194, %ge3A_3255 : vector<16xf32>
    %jit3A_3257 = arith.constant 1 : i32
    %jit3A_3258 = arith.constant 0 : i32
    %broadcast_in_dim3A_3259 = vector.broadcast %jit3A_3257 : i32 to vector<16xi32>
    %broadcast_in_dim3A_3260 = vector.broadcast %jit3A_3258 : i32 to vector<16xi32>
    %select_n3A_3261 = arith.select %ge3A_3256, %broadcast_in_dim3A_3259, %broadcast_in_dim3A_3260 : vector<16xi1>, vector<16xi32>
    %add3A_3262 = arith.addi %add3A_3253, %select_n3A_3261 : vector<16xi32>
    %ge3A_3263 = arith.constant 7.100000e+01 : f32
    %ge3A_3264 = vector.broadcast %ge3A_3263 : f32 to vector<16xf32>
    %ge3A_3265 = arith.cmpf oge, %get3A_3194, %ge3A_3264 : vector<16xf32>
    %jit3A_3266 = arith.constant 1 : i32
    %jit3A_3267 = arith.constant 0 : i32
    %broadcast_in_dim3A_3268 = vector.broadcast %jit3A_3266 : i32 to vector<16xi32>
    %broadcast_in_dim3A_3269 = vector.broadcast %jit3A_3267 : i32 to vector<16xi32>
    %select_n3A_3270 = arith.select %ge3A_3265, %broadcast_in_dim3A_3268, %broadcast_in_dim3A_3269 : vector<16xi1>, vector<16xi32>
    %add3A_3271 = arith.addi %add3A_3262, %select_n3A_3270 : vector<16xi32>
    %ge3A_3272 = arith.constant 8.100000e+01 : f32
    %ge3A_3273 = vector.broadcast %ge3A_3272 : f32 to vector<16xf32>
    %ge3A_3274 = arith.cmpf oge, %get3A_3194, %ge3A_3273 : vector<16xf32>
    %jit3A_3275 = arith.constant 1 : i32
    %jit3A_3276 = arith.constant 0 : i32
    %broadcast_in_dim3A_3277 = vector.broadcast %jit3A_3275 : i32 to vector<16xi32>
    %broadcast_in_dim3A_3278 = vector.broadcast %jit3A_3276 : i32 to vector<16xi32>
    %select_n3A_3279 = arith.select %ge3A_3274, %broadcast_in_dim3A_3277, %broadcast_in_dim3A_3278 : vector<16xi1>, vector<16xi32>
    %add3A_3280 = arith.addi %add3A_3271, %select_n3A_3279 : vector<16xi32>
    %ge3A_3281 = arith.constant 9.100000e+01 : f32
    %ge3A_3282 = vector.broadcast %ge3A_3281 : f32 to vector<16xf32>
    %ge3A_3283 = arith.cmpf oge, %get3A_3194, %ge3A_3282 : vector<16xf32>
    %jit3A_3284 = arith.constant 1 : i32
    %jit3A_3285 = arith.constant 0 : i32
    %broadcast_in_dim3A_3286 = vector.broadcast %jit3A_3284 : i32 to vector<16xi32>
    %broadcast_in_dim3A_3287 = vector.broadcast %jit3A_3285 : i32 to vector<16xi32>
    %select_n3A_3288 = arith.select %ge3A_3283, %broadcast_in_dim3A_3286, %broadcast_in_dim3A_3287 : vector<16xi1>, vector<16xi32>
    %add3A_3289 = arith.addi %add3A_3280, %select_n3A_3288 : vector<16xi32>
    %mul3A_3290 = arith.constant 8 : i32
    %mul3A_3291 = vector.broadcast %mul3A_3290 : i32 to vector<16xi32>
    %mul3A_3292 = arith.muli %get3A_3197, %mul3A_3291 : vector<16xi32>
    %add3A_3293 = arith.addi %mul3A_3292, %add3A_3289 : vector<16xi32>
    %ge3A_3294 = arith.constant 8 : i32
    %ge3A_3295 = vector.broadcast %ge3A_3294 : i32 to vector<16xi32>
    %ge3A_3296 = arith.cmpi sge, %add3A_3289, %ge3A_3295 : vector<16xi32>
    %jit3A_3297 = arith.constant 824 : i32
    %jit3A_3298 = arith.constant 0 : i32
    %broadcast_in_dim3A_3299 = vector.broadcast %jit3A_3297 : i32 to vector<16xi32>
    %broadcast_in_dim3A_3300 = vector.broadcast %jit3A_3298 : i32 to vector<16xi32>
    %select_n3A_3301 = arith.select %ge3A_3296, %broadcast_in_dim3A_3299, %broadcast_in_dim3A_3300 : vector<16xi1>, vector<16xi32>
    %add3A_3302 = arith.addi %add3A_3293, %select_n3A_3301 : vector<16xi32>
    %swap3A_3303 = arith.constant 3 : i32
    %swap3A_3304 = arith.index_cast %swap3A_3303 : i32 to index
    %swap3A_3305 = arith.constant 48 : index
    %swap3A_3306 = tpu.vector_load %arg8[%swap3A_3304, %swap3A_3305] {strides = array<i32>} : memref<4x128xi32, #tpu.memory_space<vmem>>, vector<1x16xi32>,
    %swap3A_3307 = vector.shape_cast %swap3A_3306 : vector<1x16xi32> to vector<16xi32>
    %swap3A_3308 = vector.shape_cast %add3A_3302 : vector<16xi32> to vector<1x16xi32>
    tpu.vector_store %arg8[%swap3A_3304, %swap3A_3305], %swap3A_3308 {strides = array<i32>} : memref<4x128xi32, #tpu.memory_space<vmem>>, vector<1x16xi32>,
    %get3A_3309 = arith.constant 448 : index
    %get3A_3310 = tpu.vector_load %arg7[%get3A_3309] {strides = array<i32>} : memref<512xf32, #tpu.memory_space<vmem>>, vector<16xf32>,
    %get3A_3311 = vector.shape_cast %get3A_3310 : vector<16xf32> to vector<16xf32>
    %get3A_3312 = arith.constant 448 : index
    %get3A_3313 = tpu.vector_load %arg6[%get3A_3312] {strides = array<i32>} : memref<512xi32, #tpu.memory_space<vmem>>, vector<16xi32>,
    %get3A_3314 = vector.shape_cast %get3A_3313 : vector<16xi32> to vector<16xi32>
    %broadcast_in_dim3A_3315 = arith.constant 0 : i32
    %broadcast_in_dim3A_3316 = vector.broadcast %broadcast_in_dim3A_3315 : i32 to vector<16xi32>
    %ge3A_3317 = arith.constant 1.000000e+00 : f32
    %ge3A_3318 = vector.broadcast %ge3A_3317 : f32 to vector<16xf32>
    %ge3A_3319 = arith.cmpf oge, %get3A_3311, %ge3A_3318 : vector<16xf32>
    %jit3A_3320 = arith.constant 1 : i32
    %jit3A_3321 = arith.constant 0 : i32
    %broadcast_in_dim3A_3322 = vector.broadcast %jit3A_3320 : i32 to vector<16xi32>
    %broadcast_in_dim3A_3323 = vector.broadcast %jit3A_3321 : i32 to vector<16xi32>
    %select_n3A_3324 = arith.select %ge3A_3319, %broadcast_in_dim3A_3322, %broadcast_in_dim3A_3323 : vector<16xi1>, vector<16xi32>
    %add3A_3325 = arith.addi %broadcast_in_dim3A_3316, %select_n3A_3324 : vector<16xi32>
    %ge3A_3326 = arith.constant 1.100000e+01 : f32
    %ge3A_3327 = vector.broadcast %ge3A_3326 : f32 to vector<16xf32>
    %ge3A_3328 = arith.cmpf oge, %get3A_3311, %ge3A_3327 : vector<16xf32>
    %jit3A_3329 = arith.constant 1 : i32
    %jit3A_3330 = arith.constant 0 : i32
    %broadcast_in_dim3A_3331 = vector.broadcast %jit3A_3329 : i32 to vector<16xi32>
    %broadcast_in_dim3A_3332 = vector.broadcast %jit3A_3330 : i32 to vector<16xi32>
    %select_n3A_3333 = arith.select %ge3A_3328, %broadcast_in_dim3A_3331, %broadcast_in_dim3A_3332 : vector<16xi1>, vector<16xi32>
    %add3A_3334 = arith.addi %add3A_3325, %select_n3A_3333 : vector<16xi32>
    %ge3A_3335 = arith.constant 2.100000e+01 : f32
    %ge3A_3336 = vector.broadcast %ge3A_3335 : f32 to vector<16xf32>
    %ge3A_3337 = arith.cmpf oge, %get3A_3311, %ge3A_3336 : vector<16xf32>
    %jit3A_3338 = arith.constant 1 : i32
    %jit3A_3339 = arith.constant 0 : i32
    %broadcast_in_dim3A_3340 = vector.broadcast %jit3A_3338 : i32 to vector<16xi32>
    %broadcast_in_dim3A_3341 = vector.broadcast %jit3A_3339 : i32 to vector<16xi32>
    %select_n3A_3342 = arith.select %ge3A_3337, %broadcast_in_dim3A_3340, %broadcast_in_dim3A_3341 : vector<16xi1>, vector<16xi32>
    %add3A_3343 = arith.addi %add3A_3334, %select_n3A_3342 : vector<16xi32>
    %ge3A_3344 = arith.constant 3.100000e+01 : f32
    %ge3A_3345 = vector.broadcast %ge3A_3344 : f32 to vector<16xf32>
    %ge3A_3346 = arith.cmpf oge, %get3A_3311, %ge3A_3345 : vector<16xf32>
    %jit3A_3347 = arith.constant 1 : i32
    %jit3A_3348 = arith.constant 0 : i32
    %broadcast_in_dim3A_3349 = vector.broadcast %jit3A_3347 : i32 to vector<16xi32>
    %broadcast_in_dim3A_3350 = vector.broadcast %jit3A_3348 : i32 to vector<16xi32>
    %select_n3A_3351 = arith.select %ge3A_3346, %broadcast_in_dim3A_3349, %broadcast_in_dim3A_3350 : vector<16xi1>, vector<16xi32>
    %add3A_3352 = arith.addi %add3A_3343, %select_n3A_3351 : vector<16xi32>
    %ge3A_3353 = arith.constant 4.100000e+01 : f32
    %ge3A_3354 = vector.broadcast %ge3A_3353 : f32 to vector<16xf32>
    %ge3A_3355 = arith.cmpf oge, %get3A_3311, %ge3A_3354 : vector<16xf32>
    %jit3A_3356 = arith.constant 1 : i32
    %jit3A_3357 = arith.constant 0 : i32
    %broadcast_in_dim3A_3358 = vector.broadcast %jit3A_3356 : i32 to vector<16xi32>
    %broadcast_in_dim3A_3359 = vector.broadcast %jit3A_3357 : i32 to vector<16xi32>
    %select_n3A_3360 = arith.select %ge3A_3355, %broadcast_in_dim3A_3358, %broadcast_in_dim3A_3359 : vector<16xi1>, vector<16xi32>
    %add3A_3361 = arith.addi %add3A_3352, %select_n3A_3360 : vector<16xi32>
    %ge3A_3362 = arith.constant 5.100000e+01 : f32
    %ge3A_3363 = vector.broadcast %ge3A_3362 : f32 to vector<16xf32>
    %ge3A_3364 = arith.cmpf oge, %get3A_3311, %ge3A_3363 : vector<16xf32>
    %jit3A_3365 = arith.constant 1 : i32
    %jit3A_3366 = arith.constant 0 : i32
    %broadcast_in_dim3A_3367 = vector.broadcast %jit3A_3365 : i32 to vector<16xi32>
    %broadcast_in_dim3A_3368 = vector.broadcast %jit3A_3366 : i32 to vector<16xi32>
    %select_n3A_3369 = arith.select %ge3A_3364, %broadcast_in_dim3A_3367, %broadcast_in_dim3A_3368 : vector<16xi1>, vector<16xi32>
    %add3A_3370 = arith.addi %add3A_3361, %select_n3A_3369 : vector<16xi32>
    %ge3A_3371 = arith.constant 6.100000e+01 : f32
    %ge3A_3372 = vector.broadcast %ge3A_3371 : f32 to vector<16xf32>
    %ge3A_3373 = arith.cmpf oge, %get3A_3311, %ge3A_3372 : vector<16xf32>
    %jit3A_3374 = arith.constant 1 : i32
    %jit3A_3375 = arith.constant 0 : i32
    %broadcast_in_dim3A_3376 = vector.broadcast %jit3A_3374 : i32 to vector<16xi32>
    %broadcast_in_dim3A_3377 = vector.broadcast %jit3A_3375 : i32 to vector<16xi32>
    %select_n3A_3378 = arith.select %ge3A_3373, %broadcast_in_dim3A_3376, %broadcast_in_dim3A_3377 : vector<16xi1>, vector<16xi32>
    %add3A_3379 = arith.addi %add3A_3370, %select_n3A_3378 : vector<16xi32>
    %ge3A_3380 = arith.constant 7.100000e+01 : f32
    %ge3A_3381 = vector.broadcast %ge3A_3380 : f32 to vector<16xf32>
    %ge3A_3382 = arith.cmpf oge, %get3A_3311, %ge3A_3381 : vector<16xf32>
    %jit3A_3383 = arith.constant 1 : i32
    %jit3A_3384 = arith.constant 0 : i32
    %broadcast_in_dim3A_3385 = vector.broadcast %jit3A_3383 : i32 to vector<16xi32>
    %broadcast_in_dim3A_3386 = vector.broadcast %jit3A_3384 : i32 to vector<16xi32>
    %select_n3A_3387 = arith.select %ge3A_3382, %broadcast_in_dim3A_3385, %broadcast_in_dim3A_3386 : vector<16xi1>, vector<16xi32>
    %add3A_3388 = arith.addi %add3A_3379, %select_n3A_3387 : vector<16xi32>
    %ge3A_3389 = arith.constant 8.100000e+01 : f32
    %ge3A_3390 = vector.broadcast %ge3A_3389 : f32 to vector<16xf32>
    %ge3A_3391 = arith.cmpf oge, %get3A_3311, %ge3A_3390 : vector<16xf32>
    %jit3A_3392 = arith.constant 1 : i32
    %jit3A_3393 = arith.constant 0 : i32
    %broadcast_in_dim3A_3394 = vector.broadcast %jit3A_3392 : i32 to vector<16xi32>
    %broadcast_in_dim3A_3395 = vector.broadcast %jit3A_3393 : i32 to vector<16xi32>
    %select_n3A_3396 = arith.select %ge3A_3391, %broadcast_in_dim3A_3394, %broadcast_in_dim3A_3395 : vector<16xi1>, vector<16xi32>
    %add3A_3397 = arith.addi %add3A_3388, %select_n3A_3396 : vector<16xi32>
    %ge3A_3398 = arith.constant 9.100000e+01 : f32
    %ge3A_3399 = vector.broadcast %ge3A_3398 : f32 to vector<16xf32>
    %ge3A_3400 = arith.cmpf oge, %get3A_3311, %ge3A_3399 : vector<16xf32>
    %jit3A_3401 = arith.constant 1 : i32
    %jit3A_3402 = arith.constant 0 : i32
    %broadcast_in_dim3A_3403 = vector.broadcast %jit3A_3401 : i32 to vector<16xi32>
    %broadcast_in_dim3A_3404 = vector.broadcast %jit3A_3402 : i32 to vector<16xi32>
    %select_n3A_3405 = arith.select %ge3A_3400, %broadcast_in_dim3A_3403, %broadcast_in_dim3A_3404 : vector<16xi1>, vector<16xi32>
    %add3A_3406 = arith.addi %add3A_3397, %select_n3A_3405 : vector<16xi32>
    %mul3A_3407 = arith.constant 8 : i32
    %mul3A_3408 = vector.broadcast %mul3A_3407 : i32 to vector<16xi32>
    %mul3A_3409 = arith.muli %get3A_3314, %mul3A_3408 : vector<16xi32>
    %add3A_3410 = arith.addi %mul3A_3409, %add3A_3406 : vector<16xi32>
    %ge3A_3411 = arith.constant 8 : i32
    %ge3A_3412 = vector.broadcast %ge3A_3411 : i32 to vector<16xi32>
    %ge3A_3413 = arith.cmpi sge, %add3A_3406, %ge3A_3412 : vector<16xi32>
    %jit3A_3414 = arith.constant 824 : i32
    %jit3A_3415 = arith.constant 0 : i32
    %broadcast_in_dim3A_3416 = vector.broadcast %jit3A_3414 : i32 to vector<16xi32>
    %broadcast_in_dim3A_3417 = vector.broadcast %jit3A_3415 : i32 to vector<16xi32>
    %select_n3A_3418 = arith.select %ge3A_3413, %broadcast_in_dim3A_3416, %broadcast_in_dim3A_3417 : vector<16xi1>, vector<16xi32>
    %add3A_3419 = arith.addi %add3A_3410, %select_n3A_3418 : vector<16xi32>
    %swap3A_3420 = arith.constant 3 : i32
    %swap3A_3421 = arith.index_cast %swap3A_3420 : i32 to index
    %swap3A_3422 = arith.constant 64 : index
    %swap3A_3423 = tpu.vector_load %arg8[%swap3A_3421, %swap3A_3422] {strides = array<i32>} : memref<4x128xi32, #tpu.memory_space<vmem>>, vector<1x16xi32>,
    %swap3A_3424 = vector.shape_cast %swap3A_3423 : vector<1x16xi32> to vector<16xi32>
    %swap3A_3425 = vector.shape_cast %add3A_3419 : vector<16xi32> to vector<1x16xi32>
    tpu.vector_store %arg8[%swap3A_3421, %swap3A_3422], %swap3A_3425 {strides = array<i32>} : memref<4x128xi32, #tpu.memory_space<vmem>>, vector<1x16xi32>,
    %get3A_3426 = arith.constant 464 : index
    %get3A_3427 = tpu.vector_load %arg7[%get3A_3426] {strides = array<i32>} : memref<512xf32, #tpu.memory_space<vmem>>, vector<16xf32>,
    %get3A_3428 = vector.shape_cast %get3A_3427 : vector<16xf32> to vector<16xf32>
    %get3A_3429 = arith.constant 464 : index
    %get3A_3430 = tpu.vector_load %arg6[%get3A_3429] {strides = array<i32>} : memref<512xi32, #tpu.memory_space<vmem>>, vector<16xi32>,
    %get3A_3431 = vector.shape_cast %get3A_3430 : vector<16xi32> to vector<16xi32>
    %broadcast_in_dim3A_3432 = arith.constant 0 : i32
    %broadcast_in_dim3A_3433 = vector.broadcast %broadcast_in_dim3A_3432 : i32 to vector<16xi32>
    %ge3A_3434 = arith.constant 1.000000e+00 : f32
    %ge3A_3435 = vector.broadcast %ge3A_3434 : f32 to vector<16xf32>
    %ge3A_3436 = arith.cmpf oge, %get3A_3428, %ge3A_3435 : vector<16xf32>
    %jit3A_3437 = arith.constant 1 : i32
    %jit3A_3438 = arith.constant 0 : i32
    %broadcast_in_dim3A_3439 = vector.broadcast %jit3A_3437 : i32 to vector<16xi32>
    %broadcast_in_dim3A_3440 = vector.broadcast %jit3A_3438 : i32 to vector<16xi32>
    %select_n3A_3441 = arith.select %ge3A_3436, %broadcast_in_dim3A_3439, %broadcast_in_dim3A_3440 : vector<16xi1>, vector<16xi32>
    %add3A_3442 = arith.addi %broadcast_in_dim3A_3433, %select_n3A_3441 : vector<16xi32>
    %ge3A_3443 = arith.constant 1.100000e+01 : f32
    %ge3A_3444 = vector.broadcast %ge3A_3443 : f32 to vector<16xf32>
    %ge3A_3445 = arith.cmpf oge, %get3A_3428, %ge3A_3444 : vector<16xf32>
    %jit3A_3446 = arith.constant 1 : i32
    %jit3A_3447 = arith.constant 0 : i32
    %broadcast_in_dim3A_3448 = vector.broadcast %jit3A_3446 : i32 to vector<16xi32>
    %broadcast_in_dim3A_3449 = vector.broadcast %jit3A_3447 : i32 to vector<16xi32>
    %select_n3A_3450 = arith.select %ge3A_3445, %broadcast_in_dim3A_3448, %broadcast_in_dim3A_3449 : vector<16xi1>, vector<16xi32>
    %add3A_3451 = arith.addi %add3A_3442, %select_n3A_3450 : vector<16xi32>
    %ge3A_3452 = arith.constant 2.100000e+01 : f32
    %ge3A_3453 = vector.broadcast %ge3A_3452 : f32 to vector<16xf32>
    %ge3A_3454 = arith.cmpf oge, %get3A_3428, %ge3A_3453 : vector<16xf32>
    %jit3A_3455 = arith.constant 1 : i32
    %jit3A_3456 = arith.constant 0 : i32
    %broadcast_in_dim3A_3457 = vector.broadcast %jit3A_3455 : i32 to vector<16xi32>
    %broadcast_in_dim3A_3458 = vector.broadcast %jit3A_3456 : i32 to vector<16xi32>
    %select_n3A_3459 = arith.select %ge3A_3454, %broadcast_in_dim3A_3457, %broadcast_in_dim3A_3458 : vector<16xi1>, vector<16xi32>
    %add3A_3460 = arith.addi %add3A_3451, %select_n3A_3459 : vector<16xi32>
    %ge3A_3461 = arith.constant 3.100000e+01 : f32
    %ge3A_3462 = vector.broadcast %ge3A_3461 : f32 to vector<16xf32>
    %ge3A_3463 = arith.cmpf oge, %get3A_3428, %ge3A_3462 : vector<16xf32>
    %jit3A_3464 = arith.constant 1 : i32
    %jit3A_3465 = arith.constant 0 : i32
    %broadcast_in_dim3A_3466 = vector.broadcast %jit3A_3464 : i32 to vector<16xi32>
    %broadcast_in_dim3A_3467 = vector.broadcast %jit3A_3465 : i32 to vector<16xi32>
    %select_n3A_3468 = arith.select %ge3A_3463, %broadcast_in_dim3A_3466, %broadcast_in_dim3A_3467 : vector<16xi1>, vector<16xi32>
    %add3A_3469 = arith.addi %add3A_3460, %select_n3A_3468 : vector<16xi32>
    %ge3A_3470 = arith.constant 4.100000e+01 : f32
    %ge3A_3471 = vector.broadcast %ge3A_3470 : f32 to vector<16xf32>
    %ge3A_3472 = arith.cmpf oge, %get3A_3428, %ge3A_3471 : vector<16xf32>
    %jit3A_3473 = arith.constant 1 : i32
    %jit3A_3474 = arith.constant 0 : i32
    %broadcast_in_dim3A_3475 = vector.broadcast %jit3A_3473 : i32 to vector<16xi32>
    %broadcast_in_dim3A_3476 = vector.broadcast %jit3A_3474 : i32 to vector<16xi32>
    %select_n3A_3477 = arith.select %ge3A_3472, %broadcast_in_dim3A_3475, %broadcast_in_dim3A_3476 : vector<16xi1>, vector<16xi32>
    %add3A_3478 = arith.addi %add3A_3469, %select_n3A_3477 : vector<16xi32>
    %ge3A_3479 = arith.constant 5.100000e+01 : f32
    %ge3A_3480 = vector.broadcast %ge3A_3479 : f32 to vector<16xf32>
    %ge3A_3481 = arith.cmpf oge, %get3A_3428, %ge3A_3480 : vector<16xf32>
    %jit3A_3482 = arith.constant 1 : i32
    %jit3A_3483 = arith.constant 0 : i32
    %broadcast_in_dim3A_3484 = vector.broadcast %jit3A_3482 : i32 to vector<16xi32>
    %broadcast_in_dim3A_3485 = vector.broadcast %jit3A_3483 : i32 to vector<16xi32>
    %select_n3A_3486 = arith.select %ge3A_3481, %broadcast_in_dim3A_3484, %broadcast_in_dim3A_3485 : vector<16xi1>, vector<16xi32>
    %add3A_3487 = arith.addi %add3A_3478, %select_n3A_3486 : vector<16xi32>
    %ge3A_3488 = arith.constant 6.100000e+01 : f32
    %ge3A_3489 = vector.broadcast %ge3A_3488 : f32 to vector<16xf32>
    %ge3A_3490 = arith.cmpf oge, %get3A_3428, %ge3A_3489 : vector<16xf32>
    %jit3A_3491 = arith.constant 1 : i32
    %jit3A_3492 = arith.constant 0 : i32
    %broadcast_in_dim3A_3493 = vector.broadcast %jit3A_3491 : i32 to vector<16xi32>
    %broadcast_in_dim3A_3494 = vector.broadcast %jit3A_3492 : i32 to vector<16xi32>
    %select_n3A_3495 = arith.select %ge3A_3490, %broadcast_in_dim3A_3493, %broadcast_in_dim3A_3494 : vector<16xi1>, vector<16xi32>
    %add3A_3496 = arith.addi %add3A_3487, %select_n3A_3495 : vector<16xi32>
    %ge3A_3497 = arith.constant 7.100000e+01 : f32
    %ge3A_3498 = vector.broadcast %ge3A_3497 : f32 to vector<16xf32>
    %ge3A_3499 = arith.cmpf oge, %get3A_3428, %ge3A_3498 : vector<16xf32>
    %jit3A_3500 = arith.constant 1 : i32
    %jit3A_3501 = arith.constant 0 : i32
    %broadcast_in_dim3A_3502 = vector.broadcast %jit3A_3500 : i32 to vector<16xi32>
    %broadcast_in_dim3A_3503 = vector.broadcast %jit3A_3501 : i32 to vector<16xi32>
    %select_n3A_3504 = arith.select %ge3A_3499, %broadcast_in_dim3A_3502, %broadcast_in_dim3A_3503 : vector<16xi1>, vector<16xi32>
    %add3A_3505 = arith.addi %add3A_3496, %select_n3A_3504 : vector<16xi32>
    %ge3A_3506 = arith.constant 8.100000e+01 : f32
    %ge3A_3507 = vector.broadcast %ge3A_3506 : f32 to vector<16xf32>
    %ge3A_3508 = arith.cmpf oge, %get3A_3428, %ge3A_3507 : vector<16xf32>
    %jit3A_3509 = arith.constant 1 : i32
    %jit3A_3510 = arith.constant 0 : i32
    %broadcast_in_dim3A_3511 = vector.broadcast %jit3A_3509 : i32 to vector<16xi32>
    %broadcast_in_dim3A_3512 = vector.broadcast %jit3A_3510 : i32 to vector<16xi32>
    %select_n3A_3513 = arith.select %ge3A_3508, %broadcast_in_dim3A_3511, %broadcast_in_dim3A_3512 : vector<16xi1>, vector<16xi32>
    %add3A_3514 = arith.addi %add3A_3505, %select_n3A_3513 : vector<16xi32>
    %ge3A_3515 = arith.constant 9.100000e+01 : f32
    %ge3A_3516 = vector.broadcast %ge3A_3515 : f32 to vector<16xf32>
    %ge3A_3517 = arith.cmpf oge, %get3A_3428, %ge3A_3516 : vector<16xf32>
    %jit3A_3518 = arith.constant 1 : i32
    %jit3A_3519 = arith.constant 0 : i32
    %broadcast_in_dim3A_3520 = vector.broadcast %jit3A_3518 : i32 to vector<16xi32>
    %broadcast_in_dim3A_3521 = vector.broadcast %jit3A_3519 : i32 to vector<16xi32>
    %select_n3A_3522 = arith.select %ge3A_3517, %broadcast_in_dim3A_3520, %broadcast_in_dim3A_3521 : vector<16xi1>, vector<16xi32>
    %add3A_3523 = arith.addi %add3A_3514, %select_n3A_3522 : vector<16xi32>
    %mul3A_3524 = arith.constant 8 : i32
    %mul3A_3525 = vector.broadcast %mul3A_3524 : i32 to vector<16xi32>
    %mul3A_3526 = arith.muli %get3A_3431, %mul3A_3525 : vector<16xi32>
    %add3A_3527 = arith.addi %mul3A_3526, %add3A_3523 : vector<16xi32>
    %ge3A_3528 = arith.constant 8 : i32
    %ge3A_3529 = vector.broadcast %ge3A_3528 : i32 to vector<16xi32>
    %ge3A_3530 = arith.cmpi sge, %add3A_3523, %ge3A_3529 : vector<16xi32>
    %jit3A_3531 = arith.constant 824 : i32
    %jit3A_3532 = arith.constant 0 : i32
    %broadcast_in_dim3A_3533 = vector.broadcast %jit3A_3531 : i32 to vector<16xi32>
    %broadcast_in_dim3A_3534 = vector.broadcast %jit3A_3532 : i32 to vector<16xi32>
    %select_n3A_3535 = arith.select %ge3A_3530, %broadcast_in_dim3A_3533, %broadcast_in_dim3A_3534 : vector<16xi1>, vector<16xi32>
    %add3A_3536 = arith.addi %add3A_3527, %select_n3A_3535 : vector<16xi32>
    %swap3A_3537 = arith.constant 3 : i32
    %swap3A_3538 = arith.index_cast %swap3A_3537 : i32 to index
    %swap3A_3539 = arith.constant 80 : index
    %swap3A_3540 = tpu.vector_load %arg8[%swap3A_3538, %swap3A_3539] {strides = array<i32>} : memref<4x128xi32, #tpu.memory_space<vmem>>, vector<1x16xi32>,
    %swap3A_3541 = vector.shape_cast %swap3A_3540 : vector<1x16xi32> to vector<16xi32>
    %swap3A_3542 = vector.shape_cast %add3A_3536 : vector<16xi32> to vector<1x16xi32>
    tpu.vector_store %arg8[%swap3A_3538, %swap3A_3539], %swap3A_3542 {strides = array<i32>} : memref<4x128xi32, #tpu.memory_space<vmem>>, vector<1x16xi32>,
    %get3A_3543 = arith.constant 480 : index
    %get3A_3544 = tpu.vector_load %arg7[%get3A_3543] {strides = array<i32>} : memref<512xf32, #tpu.memory_space<vmem>>, vector<16xf32>,
    %get3A_3545 = vector.shape_cast %get3A_3544 : vector<16xf32> to vector<16xf32>
    %get3A_3546 = arith.constant 480 : index
    %get3A_3547 = tpu.vector_load %arg6[%get3A_3546] {strides = array<i32>} : memref<512xi32, #tpu.memory_space<vmem>>, vector<16xi32>,
    %get3A_3548 = vector.shape_cast %get3A_3547 : vector<16xi32> to vector<16xi32>
    %broadcast_in_dim3A_3549 = arith.constant 0 : i32
    %broadcast_in_dim3A_3550 = vector.broadcast %broadcast_in_dim3A_3549 : i32 to vector<16xi32>
    %ge3A_3551 = arith.constant 1.000000e+00 : f32
    %ge3A_3552 = vector.broadcast %ge3A_3551 : f32 to vector<16xf32>
    %ge3A_3553 = arith.cmpf oge, %get3A_3545, %ge3A_3552 : vector<16xf32>
    %jit3A_3554 = arith.constant 1 : i32
    %jit3A_3555 = arith.constant 0 : i32
    %broadcast_in_dim3A_3556 = vector.broadcast %jit3A_3554 : i32 to vector<16xi32>
    %broadcast_in_dim3A_3557 = vector.broadcast %jit3A_3555 : i32 to vector<16xi32>
    %select_n3A_3558 = arith.select %ge3A_3553, %broadcast_in_dim3A_3556, %broadcast_in_dim3A_3557 : vector<16xi1>, vector<16xi32>
    %add3A_3559 = arith.addi %broadcast_in_dim3A_3550, %select_n3A_3558 : vector<16xi32>
    %ge3A_3560 = arith.constant 1.100000e+01 : f32
    %ge3A_3561 = vector.broadcast %ge3A_3560 : f32 to vector<16xf32>
    %ge3A_3562 = arith.cmpf oge, %get3A_3545, %ge3A_3561 : vector<16xf32>
    %jit3A_3563 = arith.constant 1 : i32
    %jit3A_3564 = arith.constant 0 : i32
    %broadcast_in_dim3A_3565 = vector.broadcast %jit3A_3563 : i32 to vector<16xi32>
    %broadcast_in_dim3A_3566 = vector.broadcast %jit3A_3564 : i32 to vector<16xi32>
    %select_n3A_3567 = arith.select %ge3A_3562, %broadcast_in_dim3A_3565, %broadcast_in_dim3A_3566 : vector<16xi1>, vector<16xi32>
    %add3A_3568 = arith.addi %add3A_3559, %select_n3A_3567 : vector<16xi32>
    %ge3A_3569 = arith.constant 2.100000e+01 : f32
    %ge3A_3570 = vector.broadcast %ge3A_3569 : f32 to vector<16xf32>
    %ge3A_3571 = arith.cmpf oge, %get3A_3545, %ge3A_3570 : vector<16xf32>
    %jit3A_3572 = arith.constant 1 : i32
    %jit3A_3573 = arith.constant 0 : i32
    %broadcast_in_dim3A_3574 = vector.broadcast %jit3A_3572 : i32 to vector<16xi32>
    %broadcast_in_dim3A_3575 = vector.broadcast %jit3A_3573 : i32 to vector<16xi32>
    %select_n3A_3576 = arith.select %ge3A_3571, %broadcast_in_dim3A_3574, %broadcast_in_dim3A_3575 : vector<16xi1>, vector<16xi32>
    %add3A_3577 = arith.addi %add3A_3568, %select_n3A_3576 : vector<16xi32>
    %ge3A_3578 = arith.constant 3.100000e+01 : f32
    %ge3A_3579 = vector.broadcast %ge3A_3578 : f32 to vector<16xf32>
    %ge3A_3580 = arith.cmpf oge, %get3A_3545, %ge3A_3579 : vector<16xf32>
    %jit3A_3581 = arith.constant 1 : i32
    %jit3A_3582 = arith.constant 0 : i32
    %broadcast_in_dim3A_3583 = vector.broadcast %jit3A_3581 : i32 to vector<16xi32>
    %broadcast_in_dim3A_3584 = vector.broadcast %jit3A_3582 : i32 to vector<16xi32>
    %select_n3A_3585 = arith.select %ge3A_3580, %broadcast_in_dim3A_3583, %broadcast_in_dim3A_3584 : vector<16xi1>, vector<16xi32>
    %add3A_3586 = arith.addi %add3A_3577, %select_n3A_3585 : vector<16xi32>
    %ge3A_3587 = arith.constant 4.100000e+01 : f32
    %ge3A_3588 = vector.broadcast %ge3A_3587 : f32 to vector<16xf32>
    %ge3A_3589 = arith.cmpf oge, %get3A_3545, %ge3A_3588 : vector<16xf32>
    %jit3A_3590 = arith.constant 1 : i32
    %jit3A_3591 = arith.constant 0 : i32
    %broadcast_in_dim3A_3592 = vector.broadcast %jit3A_3590 : i32 to vector<16xi32>
    %broadcast_in_dim3A_3593 = vector.broadcast %jit3A_3591 : i32 to vector<16xi32>
    %select_n3A_3594 = arith.select %ge3A_3589, %broadcast_in_dim3A_3592, %broadcast_in_dim3A_3593 : vector<16xi1>, vector<16xi32>
    %add3A_3595 = arith.addi %add3A_3586, %select_n3A_3594 : vector<16xi32>
    %ge3A_3596 = arith.constant 5.100000e+01 : f32
    %ge3A_3597 = vector.broadcast %ge3A_3596 : f32 to vector<16xf32>
    %ge3A_3598 = arith.cmpf oge, %get3A_3545, %ge3A_3597 : vector<16xf32>
    %jit3A_3599 = arith.constant 1 : i32
    %jit3A_3600 = arith.constant 0 : i32
    %broadcast_in_dim3A_3601 = vector.broadcast %jit3A_3599 : i32 to vector<16xi32>
    %broadcast_in_dim3A_3602 = vector.broadcast %jit3A_3600 : i32 to vector<16xi32>
    %select_n3A_3603 = arith.select %ge3A_3598, %broadcast_in_dim3A_3601, %broadcast_in_dim3A_3602 : vector<16xi1>, vector<16xi32>
    %add3A_3604 = arith.addi %add3A_3595, %select_n3A_3603 : vector<16xi32>
    %ge3A_3605 = arith.constant 6.100000e+01 : f32
    %ge3A_3606 = vector.broadcast %ge3A_3605 : f32 to vector<16xf32>
    %ge3A_3607 = arith.cmpf oge, %get3A_3545, %ge3A_3606 : vector<16xf32>
    %jit3A_3608 = arith.constant 1 : i32
    %jit3A_3609 = arith.constant 0 : i32
    %broadcast_in_dim3A_3610 = vector.broadcast %jit3A_3608 : i32 to vector<16xi32>
    %broadcast_in_dim3A_3611 = vector.broadcast %jit3A_3609 : i32 to vector<16xi32>
    %select_n3A_3612 = arith.select %ge3A_3607, %broadcast_in_dim3A_3610, %broadcast_in_dim3A_3611 : vector<16xi1>, vector<16xi32>
    %add3A_3613 = arith.addi %add3A_3604, %select_n3A_3612 : vector<16xi32>
    %ge3A_3614 = arith.constant 7.100000e+01 : f32
    %ge3A_3615 = vector.broadcast %ge3A_3614 : f32 to vector<16xf32>
    %ge3A_3616 = arith.cmpf oge, %get3A_3545, %ge3A_3615 : vector<16xf32>
    %jit3A_3617 = arith.constant 1 : i32
    %jit3A_3618 = arith.constant 0 : i32
    %broadcast_in_dim3A_3619 = vector.broadcast %jit3A_3617 : i32 to vector<16xi32>
    %broadcast_in_dim3A_3620 = vector.broadcast %jit3A_3618 : i32 to vector<16xi32>
    %select_n3A_3621 = arith.select %ge3A_3616, %broadcast_in_dim3A_3619, %broadcast_in_dim3A_3620 : vector<16xi1>, vector<16xi32>
    %add3A_3622 = arith.addi %add3A_3613, %select_n3A_3621 : vector<16xi32>
    %ge3A_3623 = arith.constant 8.100000e+01 : f32
    %ge3A_3624 = vector.broadcast %ge3A_3623 : f32 to vector<16xf32>
    %ge3A_3625 = arith.cmpf oge, %get3A_3545, %ge3A_3624 : vector<16xf32>
    %jit3A_3626 = arith.constant 1 : i32
    %jit3A_3627 = arith.constant 0 : i32
    %broadcast_in_dim3A_3628 = vector.broadcast %jit3A_3626 : i32 to vector<16xi32>
    %broadcast_in_dim3A_3629 = vector.broadcast %jit3A_3627 : i32 to vector<16xi32>
    %select_n3A_3630 = arith.select %ge3A_3625, %broadcast_in_dim3A_3628, %broadcast_in_dim3A_3629 : vector<16xi1>, vector<16xi32>
    %add3A_3631 = arith.addi %add3A_3622, %select_n3A_3630 : vector<16xi32>
    %ge3A_3632 = arith.constant 9.100000e+01 : f32
    %ge3A_3633 = vector.broadcast %ge3A_3632 : f32 to vector<16xf32>
    %ge3A_3634 = arith.cmpf oge, %get3A_3545, %ge3A_3633 : vector<16xf32>
    %jit3A_3635 = arith.constant 1 : i32
    %jit3A_3636 = arith.constant 0 : i32
    %broadcast_in_dim3A_3637 = vector.broadcast %jit3A_3635 : i32 to vector<16xi32>
    %broadcast_in_dim3A_3638 = vector.broadcast %jit3A_3636 : i32 to vector<16xi32>
    %select_n3A_3639 = arith.select %ge3A_3634, %broadcast_in_dim3A_3637, %broadcast_in_dim3A_3638 : vector<16xi1>, vector<16xi32>
    %add3A_3640 = arith.addi %add3A_3631, %select_n3A_3639 : vector<16xi32>
    %mul3A_3641 = arith.constant 8 : i32
    %mul3A_3642 = vector.broadcast %mul3A_3641 : i32 to vector<16xi32>
    %mul3A_3643 = arith.muli %get3A_3548, %mul3A_3642 : vector<16xi32>
    %add3A_3644 = arith.addi %mul3A_3643, %add3A_3640 : vector<16xi32>
    %ge3A_3645 = arith.constant 8 : i32
    %ge3A_3646 = vector.broadcast %ge3A_3645 : i32 to vector<16xi32>
    %ge3A_3647 = arith.cmpi sge, %add3A_3640, %ge3A_3646 : vector<16xi32>
    %jit3A_3648 = arith.constant 824 : i32
    %jit3A_3649 = arith.constant 0 : i32
    %broadcast_in_dim3A_3650 = vector.broadcast %jit3A_3648 : i32 to vector<16xi32>
    %broadcast_in_dim3A_3651 = vector.broadcast %jit3A_3649 : i32 to vector<16xi32>
    %select_n3A_3652 = arith.select %ge3A_3647, %broadcast_in_dim3A_3650, %broadcast_in_dim3A_3651 : vector<16xi1>, vector<16xi32>
    %add3A_3653 = arith.addi %add3A_3644, %select_n3A_3652 : vector<16xi32>
    %swap3A_3654 = arith.constant 3 : i32
    %swap3A_3655 = arith.index_cast %swap3A_3654 : i32 to index
    %swap3A_3656 = arith.constant 96 : index
    %swap3A_3657 = tpu.vector_load %arg8[%swap3A_3655, %swap3A_3656] {strides = array<i32>} : memref<4x128xi32, #tpu.memory_space<vmem>>, vector<1x16xi32>,
    %swap3A_3658 = vector.shape_cast %swap3A_3657 : vector<1x16xi32> to vector<16xi32>
    %swap3A_3659 = vector.shape_cast %add3A_3653 : vector<16xi32> to vector<1x16xi32>
    tpu.vector_store %arg8[%swap3A_3655, %swap3A_3656], %swap3A_3659 {strides = array<i32>} : memref<4x128xi32, #tpu.memory_space<vmem>>, vector<1x16xi32>,
    %get3A_3660 = arith.constant 496 : index
    %get3A_3661 = tpu.vector_load %arg7[%get3A_3660] {strides = array<i32>} : memref<512xf32, #tpu.memory_space<vmem>>, vector<16xf32>,
    %get3A_3662 = vector.shape_cast %get3A_3661 : vector<16xf32> to vector<16xf32>
    %get3A_3663 = arith.constant 496 : index
    %get3A_3664 = tpu.vector_load %arg6[%get3A_3663] {strides = array<i32>} : memref<512xi32, #tpu.memory_space<vmem>>, vector<16xi32>,
    %get3A_3665 = vector.shape_cast %get3A_3664 : vector<16xi32> to vector<16xi32>
    %broadcast_in_dim3A_3666 = arith.constant 0 : i32
    %broadcast_in_dim3A_3667 = vector.broadcast %broadcast_in_dim3A_3666 : i32 to vector<16xi32>
    %ge3A_3668 = arith.constant 1.000000e+00 : f32
    %ge3A_3669 = vector.broadcast %ge3A_3668 : f32 to vector<16xf32>
    %ge3A_3670 = arith.cmpf oge, %get3A_3662, %ge3A_3669 : vector<16xf32>
    %jit3A_3671 = arith.constant 1 : i32
    %jit3A_3672 = arith.constant 0 : i32
    %broadcast_in_dim3A_3673 = vector.broadcast %jit3A_3671 : i32 to vector<16xi32>
    %broadcast_in_dim3A_3674 = vector.broadcast %jit3A_3672 : i32 to vector<16xi32>
    %select_n3A_3675 = arith.select %ge3A_3670, %broadcast_in_dim3A_3673, %broadcast_in_dim3A_3674 : vector<16xi1>, vector<16xi32>
    %add3A_3676 = arith.addi %broadcast_in_dim3A_3667, %select_n3A_3675 : vector<16xi32>
    %ge3A_3677 = arith.constant 1.100000e+01 : f32
    %ge3A_3678 = vector.broadcast %ge3A_3677 : f32 to vector<16xf32>
    %ge3A_3679 = arith.cmpf oge, %get3A_3662, %ge3A_3678 : vector<16xf32>
    %jit3A_3680 = arith.constant 1 : i32
    %jit3A_3681 = arith.constant 0 : i32
    %broadcast_in_dim3A_3682 = vector.broadcast %jit3A_3680 : i32 to vector<16xi32>
    %broadcast_in_dim3A_3683 = vector.broadcast %jit3A_3681 : i32 to vector<16xi32>
    %select_n3A_3684 = arith.select %ge3A_3679, %broadcast_in_dim3A_3682, %broadcast_in_dim3A_3683 : vector<16xi1>, vector<16xi32>
    %add3A_3685 = arith.addi %add3A_3676, %select_n3A_3684 : vector<16xi32>
    %ge3A_3686 = arith.constant 2.100000e+01 : f32
    %ge3A_3687 = vector.broadcast %ge3A_3686 : f32 to vector<16xf32>
    %ge3A_3688 = arith.cmpf oge, %get3A_3662, %ge3A_3687 : vector<16xf32>
    %jit3A_3689 = arith.constant 1 : i32
    %jit3A_3690 = arith.constant 0 : i32
    %broadcast_in_dim3A_3691 = vector.broadcast %jit3A_3689 : i32 to vector<16xi32>
    %broadcast_in_dim3A_3692 = vector.broadcast %jit3A_3690 : i32 to vector<16xi32>
    %select_n3A_3693 = arith.select %ge3A_3688, %broadcast_in_dim3A_3691, %broadcast_in_dim3A_3692 : vector<16xi1>, vector<16xi32>
    %add3A_3694 = arith.addi %add3A_3685, %select_n3A_3693 : vector<16xi32>
    %ge3A_3695 = arith.constant 3.100000e+01 : f32
    %ge3A_3696 = vector.broadcast %ge3A_3695 : f32 to vector<16xf32>
    %ge3A_3697 = arith.cmpf oge, %get3A_3662, %ge3A_3696 : vector<16xf32>
    %jit3A_3698 = arith.constant 1 : i32
    %jit3A_3699 = arith.constant 0 : i32
    %broadcast_in_dim3A_3700 = vector.broadcast %jit3A_3698 : i32 to vector<16xi32>
    %broadcast_in_dim3A_3701 = vector.broadcast %jit3A_3699 : i32 to vector<16xi32>
    %select_n3A_3702 = arith.select %ge3A_3697, %broadcast_in_dim3A_3700, %broadcast_in_dim3A_3701 : vector<16xi1>, vector<16xi32>
    %add3A_3703 = arith.addi %add3A_3694, %select_n3A_3702 : vector<16xi32>
    %ge3A_3704 = arith.constant 4.100000e+01 : f32
    %ge3A_3705 = vector.broadcast %ge3A_3704 : f32 to vector<16xf32>
    %ge3A_3706 = arith.cmpf oge, %get3A_3662, %ge3A_3705 : vector<16xf32>
    %jit3A_3707 = arith.constant 1 : i32
    %jit3A_3708 = arith.constant 0 : i32
    %broadcast_in_dim3A_3709 = vector.broadcast %jit3A_3707 : i32 to vector<16xi32>
    %broadcast_in_dim3A_3710 = vector.broadcast %jit3A_3708 : i32 to vector<16xi32>
    %select_n3A_3711 = arith.select %ge3A_3706, %broadcast_in_dim3A_3709, %broadcast_in_dim3A_3710 : vector<16xi1>, vector<16xi32>
    %add3A_3712 = arith.addi %add3A_3703, %select_n3A_3711 : vector<16xi32>
    %ge3A_3713 = arith.constant 5.100000e+01 : f32
    %ge3A_3714 = vector.broadcast %ge3A_3713 : f32 to vector<16xf32>
    %ge3A_3715 = arith.cmpf oge, %get3A_3662, %ge3A_3714 : vector<16xf32>
    %jit3A_3716 = arith.constant 1 : i32
    %jit3A_3717 = arith.constant 0 : i32
    %broadcast_in_dim3A_3718 = vector.broadcast %jit3A_3716 : i32 to vector<16xi32>
    %broadcast_in_dim3A_3719 = vector.broadcast %jit3A_3717 : i32 to vector<16xi32>
    %select_n3A_3720 = arith.select %ge3A_3715, %broadcast_in_dim3A_3718, %broadcast_in_dim3A_3719 : vector<16xi1>, vector<16xi32>
    %add3A_3721 = arith.addi %add3A_3712, %select_n3A_3720 : vector<16xi32>
    %ge3A_3722 = arith.constant 6.100000e+01 : f32
    %ge3A_3723 = vector.broadcast %ge3A_3722 : f32 to vector<16xf32>
    %ge3A_3724 = arith.cmpf oge, %get3A_3662, %ge3A_3723 : vector<16xf32>
    %jit3A_3725 = arith.constant 1 : i32
    %jit3A_3726 = arith.constant 0 : i32
    %broadcast_in_dim3A_3727 = vector.broadcast %jit3A_3725 : i32 to vector<16xi32>
    %broadcast_in_dim3A_3728 = vector.broadcast %jit3A_3726 : i32 to vector<16xi32>
    %select_n3A_3729 = arith.select %ge3A_3724, %broadcast_in_dim3A_3727, %broadcast_in_dim3A_3728 : vector<16xi1>, vector<16xi32>
    %add3A_3730 = arith.addi %add3A_3721, %select_n3A_3729 : vector<16xi32>
    %ge3A_3731 = arith.constant 7.100000e+01 : f32
    %ge3A_3732 = vector.broadcast %ge3A_3731 : f32 to vector<16xf32>
    %ge3A_3733 = arith.cmpf oge, %get3A_3662, %ge3A_3732 : vector<16xf32>
    %jit3A_3734 = arith.constant 1 : i32
    %jit3A_3735 = arith.constant 0 : i32
    %broadcast_in_dim3A_3736 = vector.broadcast %jit3A_3734 : i32 to vector<16xi32>
    %broadcast_in_dim3A_3737 = vector.broadcast %jit3A_3735 : i32 to vector<16xi32>
    %select_n3A_3738 = arith.select %ge3A_3733, %broadcast_in_dim3A_3736, %broadcast_in_dim3A_3737 : vector<16xi1>, vector<16xi32>
    %add3A_3739 = arith.addi %add3A_3730, %select_n3A_3738 : vector<16xi32>
    %ge3A_3740 = arith.constant 8.100000e+01 : f32
    %ge3A_3741 = vector.broadcast %ge3A_3740 : f32 to vector<16xf32>
    %ge3A_3742 = arith.cmpf oge, %get3A_3662, %ge3A_3741 : vector<16xf32>
    %jit3A_3743 = arith.constant 1 : i32
    %jit3A_3744 = arith.constant 0 : i32
    %broadcast_in_dim3A_3745 = vector.broadcast %jit3A_3743 : i32 to vector<16xi32>
    %broadcast_in_dim3A_3746 = vector.broadcast %jit3A_3744 : i32 to vector<16xi32>
    %select_n3A_3747 = arith.select %ge3A_3742, %broadcast_in_dim3A_3745, %broadcast_in_dim3A_3746 : vector<16xi1>, vector<16xi32>
    %add3A_3748 = arith.addi %add3A_3739, %select_n3A_3747 : vector<16xi32>
    %ge3A_3749 = arith.constant 9.100000e+01 : f32
    %ge3A_3750 = vector.broadcast %ge3A_3749 : f32 to vector<16xf32>
    %ge3A_3751 = arith.cmpf oge, %get3A_3662, %ge3A_3750 : vector<16xf32>
    %jit3A_3752 = arith.constant 1 : i32
    %jit3A_3753 = arith.constant 0 : i32
    %broadcast_in_dim3A_3754 = vector.broadcast %jit3A_3752 : i32 to vector<16xi32>
    %broadcast_in_dim3A_3755 = vector.broadcast %jit3A_3753 : i32 to vector<16xi32>
    %select_n3A_3756 = arith.select %ge3A_3751, %broadcast_in_dim3A_3754, %broadcast_in_dim3A_3755 : vector<16xi1>, vector<16xi32>
    %add3A_3757 = arith.addi %add3A_3748, %select_n3A_3756 : vector<16xi32>
    %mul3A_3758 = arith.constant 8 : i32
    %mul3A_3759 = vector.broadcast %mul3A_3758 : i32 to vector<16xi32>
    %mul3A_3760 = arith.muli %get3A_3665, %mul3A_3759 : vector<16xi32>
    %add3A_3761 = arith.addi %mul3A_3760, %add3A_3757 : vector<16xi32>
    %ge3A_3762 = arith.constant 8 : i32
    %ge3A_3763 = vector.broadcast %ge3A_3762 : i32 to vector<16xi32>
    %ge3A_3764 = arith.cmpi sge, %add3A_3757, %ge3A_3763 : vector<16xi32>
    %jit3A_3765 = arith.constant 824 : i32
    %jit3A_3766 = arith.constant 0 : i32
    %broadcast_in_dim3A_3767 = vector.broadcast %jit3A_3765 : i32 to vector<16xi32>
    %broadcast_in_dim3A_3768 = vector.broadcast %jit3A_3766 : i32 to vector<16xi32>
    %select_n3A_3769 = arith.select %ge3A_3764, %broadcast_in_dim3A_3767, %broadcast_in_dim3A_3768 : vector<16xi1>, vector<16xi32>
    %add3A_3770 = arith.addi %add3A_3761, %select_n3A_3769 : vector<16xi32>
    %swap3A_3771 = arith.constant 3 : i32
    %swap3A_3772 = arith.index_cast %swap3A_3771 : i32 to index
    %swap3A_3773 = arith.constant 112 : index
    %swap3A_3774 = tpu.vector_load %arg8[%swap3A_3772, %swap3A_3773] {strides = array<i32>} : memref<4x128xi32, #tpu.memory_space<vmem>>, vector<1x16xi32>,
    %swap3A_3775 = vector.shape_cast %swap3A_3774 : vector<1x16xi32> to vector<16xi32>
    %swap3A_3776 = vector.shape_cast %add3A_3770 : vector<16xi32> to vector<1x16xi32>
    tpu.vector_store %arg8[%swap3A_3772, %swap3A_3773], %swap3A_3776 {strides = array<i32>} : memref<4x128xi32, #tpu.memory_space<vmem>>, vector<1x16xi32>,
    %dma_start3A_3777 = arith.constant 3 : i32
    %dma_start3A_3778 = arith.constant 384 : i32
    %dma_start3A_3779 = arith.constant 0 : i32
    %dma_start3A_3780 = tpu.memref_slice %arg9[%dma_start3A_3778, %dma_start3A_3779] : memref<512x16xf32, #tpu.memory_space<vmem>> -> memref<128x16xf32, #tpu.memory_space<vmem>>
    %dma_start3A_3781 = arith.constant 0 : i32
    %dma_start3A_3782 = tpu.memref_slice %arg8[%dma_start3A_3777, %dma_start3A_3781] : memref<4x128xi32, #tpu.memory_space<vmem>> -> memref<1x128xi32, #tpu.memory_space<vmem>>
    %dma_start3A_3783 = tpu.memref_squeeze %dma_start3A_3782 : memref<1x128xi32, #tpu.memory_space<vmem>> -> memref<128xi32, #tpu.memory_space<vmem>>
    %dma_start3A_3784 = arith.constant 0 : i32
    %dma_start3A_3785 = arith.constant 0 : i32
    %dma_start3A_3786 = tpu.memref_slice %arg4[%dma_start3A_3784, %dma_start3A_3785] : memref<1664x16xf32, #tpu.memory_space<hbm>> -> memref<1664x16xf32, #tpu.memory_space<hbm>>
    tpu.enqueue_indirect_dma source(%dma_start3A_3786 : memref<1664x16xf32, #tpu.memory_space<hbm>>) target(%dma_start3A_3780 : memref<128x16xf32, #tpu.memory_space<vmem>>) offsets(%dma_start3A_3783 : memref<128xi32, #tpu.memory_space<vmem>>) semaphore(%arg11 : memref<!tpu.dma_semaphore, #tpu.memory_space<semaphore_mem>>)
    %dma_wait3A_3787 = arith.constant 0 : i32
    %dma_wait3A_3788 = arith.constant 0 : i32
    %dma_wait3A_3789 = arith.constant 0 : i32
    %dma_wait3A_3790 = tpu.memref_slice %arg9[%dma_wait3A_3788, %dma_wait3A_3789] : memref<512x16xf32, #tpu.memory_space<vmem>> -> memref<128x16xf32, #tpu.memory_space<vmem>>
    %dma_wait3A_3791 = arith.constant 0 : i32
    %dma_wait3A_3792 = tpu.memref_slice %arg8[%dma_wait3A_3787, %dma_wait3A_3791] : memref<4x128xi32, #tpu.memory_space<vmem>> -> memref<1x128xi32, #tpu.memory_space<vmem>>
    %dma_wait3A_3793 = tpu.memref_squeeze %dma_wait3A_3792 : memref<1x128xi32, #tpu.memory_space<vmem>> -> memref<128xi32, #tpu.memory_space<vmem>>
    %dma_wait3A_3794 = arith.constant 0 : i32
    %dma_wait3A_3795 = arith.constant 0 : i32
    %dma_wait3A_3796 = tpu.memref_slice %arg4[%dma_wait3A_3794, %dma_wait3A_3795] : memref<1664x16xf32, #tpu.memory_space<hbm>> -> memref<1664x16xf32, #tpu.memory_space<hbm>>
    tpu.wait_indirect_dma semaphore(%arg11 : memref<!tpu.dma_semaphore, #tpu.memory_space<semaphore_mem>>) src(%dma_wait3A_3796 : memref<1664x16xf32, #tpu.memory_space<hbm>>) dst(%dma_wait3A_3790 : memref<128x16xf32, #tpu.memory_space<vmem>>)
    %add3A_3797 = arith.constant 0 : i32
    %add3A_3798 = arith.addi %mul3A_2, %add3A_3797 : i32
    %dma_start3A_3799 = arith.constant 0 : i32
    %dma_start3A_3800 = arith.constant 0 : i32
    %dma_start3A_3801 = tpu.memref_slice %arg9[%dma_start3A_3799, %dma_start3A_3800] : memref<512x16xf32, #tpu.memory_space<vmem>> -> memref<128x16xf32, #tpu.memory_space<vmem>>
    %dma_start3A_3802 = arith.constant 0 : i32
    %dma_start3A_3803 = tpu.memref_slice %arg5[%add3A_3798, %dma_start3A_3802] : memref<16384x16xf32, #tpu.memory_space<hbm>> -> memref<128x16xf32, #tpu.memory_space<hbm>>
    %dma_start3A_3804 = arith.constant 0 : i32
    %dma_start3A_3805 = tpu.memref_slice %arg5[%add3A_3798, %dma_start3A_3804] : memref<16384x16xf32, #tpu.memory_space<hbm>> -> memref<128x16xf32, #tpu.memory_space<hbm>>
    %dma_start3A_3806 = arith.constant 0 : i32
    %dma_start3A_3807 = arith.constant 0 : i32
    %dma_start3A_3808 = tpu.memref_slice %arg9[%dma_start3A_3806, %dma_start3A_3807] : memref<512x16xf32, #tpu.memory_space<vmem>> -> memref<128x16xf32, #tpu.memory_space<vmem>>
    tpu.enqueue_dma source(%dma_start3A_3808 : memref<128x16xf32, #tpu.memory_space<vmem>>) target(%dma_start3A_3805 : memref<128x16xf32, #tpu.memory_space<hbm>>) target_semaphore(%arg10 : memref<!tpu.dma_semaphore, #tpu.memory_space<semaphore_mem>>)
    %dma_wait3A_3809 = arith.constant 1 : i32
    %dma_wait3A_3810 = arith.constant 128 : i32
    %dma_wait3A_3811 = arith.constant 0 : i32
    %dma_wait3A_3812 = tpu.memref_slice %arg9[%dma_wait3A_3810, %dma_wait3A_3811] : memref<512x16xf32, #tpu.memory_space<vmem>> -> memref<128x16xf32, #tpu.memory_space<vmem>>
    %dma_wait3A_3813 = arith.constant 0 : i32
    %dma_wait3A_3814 = tpu.memref_slice %arg8[%dma_wait3A_3809, %dma_wait3A_3813] : memref<4x128xi32, #tpu.memory_space<vmem>> -> memref<1x128xi32, #tpu.memory_space<vmem>>
    %dma_wait3A_3815 = tpu.memref_squeeze %dma_wait3A_3814 : memref<1x128xi32, #tpu.memory_space<vmem>> -> memref<128xi32, #tpu.memory_space<vmem>>
    %dma_wait3A_3816 = arith.constant 0 : i32
    %dma_wait3A_3817 = arith.constant 0 : i32
    %dma_wait3A_3818 = tpu.memref_slice %arg4[%dma_wait3A_3816, %dma_wait3A_3817] : memref<1664x16xf32, #tpu.memory_space<hbm>> -> memref<1664x16xf32, #tpu.memory_space<hbm>>
    tpu.wait_indirect_dma semaphore(%arg11 : memref<!tpu.dma_semaphore, #tpu.memory_space<semaphore_mem>>) src(%dma_wait3A_3818 : memref<1664x16xf32, #tpu.memory_space<hbm>>) dst(%dma_wait3A_3812 : memref<128x16xf32, #tpu.memory_space<vmem>>)
    %add3A_3819 = arith.constant 128 : i32
    %add3A_3820 = arith.addi %mul3A_2, %add3A_3819 : i32
    %dma_start3A_3821 = arith.constant 128 : i32
    %dma_start3A_3822 = arith.constant 0 : i32
    %dma_start3A_3823 = tpu.memref_slice %arg9[%dma_start3A_3821, %dma_start3A_3822] : memref<512x16xf32, #tpu.memory_space<vmem>> -> memref<128x16xf32, #tpu.memory_space<vmem>>
    %dma_start3A_3824 = arith.constant 0 : i32
    %dma_start3A_3825 = tpu.memref_slice %arg5[%add3A_3820, %dma_start3A_3824] : memref<16384x16xf32, #tpu.memory_space<hbm>> -> memref<128x16xf32, #tpu.memory_space<hbm>>
    %dma_start3A_3826 = arith.constant 0 : i32
    %dma_start3A_3827 = tpu.memref_slice %arg5[%add3A_3820, %dma_start3A_3826] : memref<16384x16xf32, #tpu.memory_space<hbm>> -> memref<128x16xf32, #tpu.memory_space<hbm>>
    %dma_start3A_3828 = arith.constant 128 : i32
    %dma_start3A_3829 = arith.constant 0 : i32
    %dma_start3A_3830 = tpu.memref_slice %arg9[%dma_start3A_3828, %dma_start3A_3829] : memref<512x16xf32, #tpu.memory_space<vmem>> -> memref<128x16xf32, #tpu.memory_space<vmem>>
    tpu.enqueue_dma source(%dma_start3A_3830 : memref<128x16xf32, #tpu.memory_space<vmem>>) target(%dma_start3A_3827 : memref<128x16xf32, #tpu.memory_space<hbm>>) target_semaphore(%arg10 : memref<!tpu.dma_semaphore, #tpu.memory_space<semaphore_mem>>)
    %dma_wait3A_3831 = arith.constant 2 : i32
    %dma_wait3A_3832 = arith.constant 256 : i32
    %dma_wait3A_3833 = arith.constant 0 : i32
    %dma_wait3A_3834 = tpu.memref_slice %arg9[%dma_wait3A_3832, %dma_wait3A_3833] : memref<512x16xf32, #tpu.memory_space<vmem>> -> memref<128x16xf32, #tpu.memory_space<vmem>>
    %dma_wait3A_3835 = arith.constant 0 : i32
    %dma_wait3A_3836 = tpu.memref_slice %arg8[%dma_wait3A_3831, %dma_wait3A_3835] : memref<4x128xi32, #tpu.memory_space<vmem>> -> memref<1x128xi32, #tpu.memory_space<vmem>>
    %dma_wait3A_3837 = tpu.memref_squeeze %dma_wait3A_3836 : memref<1x128xi32, #tpu.memory_space<vmem>> -> memref<128xi32, #tpu.memory_space<vmem>>
    %dma_wait3A_3838 = arith.constant 0 : i32
    %dma_wait3A_3839 = arith.constant 0 : i32
    %dma_wait3A_3840 = tpu.memref_slice %arg4[%dma_wait3A_3838, %dma_wait3A_3839] : memref<1664x16xf32, #tpu.memory_space<hbm>> -> memref<1664x16xf32, #tpu.memory_space<hbm>>
    tpu.wait_indirect_dma semaphore(%arg11 : memref<!tpu.dma_semaphore, #tpu.memory_space<semaphore_mem>>) src(%dma_wait3A_3840 : memref<1664x16xf32, #tpu.memory_space<hbm>>) dst(%dma_wait3A_3834 : memref<128x16xf32, #tpu.memory_space<vmem>>)
    %add3A_3841 = arith.constant 256 : i32
    %add3A_3842 = arith.addi %mul3A_2, %add3A_3841 : i32
    %dma_start3A_3843 = arith.constant 256 : i32
    %dma_start3A_3844 = arith.constant 0 : i32
    %dma_start3A_3845 = tpu.memref_slice %arg9[%dma_start3A_3843, %dma_start3A_3844] : memref<512x16xf32, #tpu.memory_space<vmem>> -> memref<128x16xf32, #tpu.memory_space<vmem>>
    %dma_start3A_3846 = arith.constant 0 : i32
    %dma_start3A_3847 = tpu.memref_slice %arg5[%add3A_3842, %dma_start3A_3846] : memref<16384x16xf32, #tpu.memory_space<hbm>> -> memref<128x16xf32, #tpu.memory_space<hbm>>
    %dma_start3A_3848 = arith.constant 0 : i32
    %dma_start3A_3849 = tpu.memref_slice %arg5[%add3A_3842, %dma_start3A_3848] : memref<16384x16xf32, #tpu.memory_space<hbm>> -> memref<128x16xf32, #tpu.memory_space<hbm>>
    %dma_start3A_3850 = arith.constant 256 : i32
    %dma_start3A_3851 = arith.constant 0 : i32
    %dma_start3A_3852 = tpu.memref_slice %arg9[%dma_start3A_3850, %dma_start3A_3851] : memref<512x16xf32, #tpu.memory_space<vmem>> -> memref<128x16xf32, #tpu.memory_space<vmem>>
    tpu.enqueue_dma source(%dma_start3A_3852 : memref<128x16xf32, #tpu.memory_space<vmem>>) target(%dma_start3A_3849 : memref<128x16xf32, #tpu.memory_space<hbm>>) target_semaphore(%arg10 : memref<!tpu.dma_semaphore, #tpu.memory_space<semaphore_mem>>)
    %dma_wait3A_3853 = arith.constant 3 : i32
    %dma_wait3A_3854 = arith.constant 384 : i32
    %dma_wait3A_3855 = arith.constant 0 : i32
    %dma_wait3A_3856 = tpu.memref_slice %arg9[%dma_wait3A_3854, %dma_wait3A_3855] : memref<512x16xf32, #tpu.memory_space<vmem>> -> memref<128x16xf32, #tpu.memory_space<vmem>>
    %dma_wait3A_3857 = arith.constant 0 : i32
    %dma_wait3A_3858 = tpu.memref_slice %arg8[%dma_wait3A_3853, %dma_wait3A_3857] : memref<4x128xi32, #tpu.memory_space<vmem>> -> memref<1x128xi32, #tpu.memory_space<vmem>>
    %dma_wait3A_3859 = tpu.memref_squeeze %dma_wait3A_3858 : memref<1x128xi32, #tpu.memory_space<vmem>> -> memref<128xi32, #tpu.memory_space<vmem>>
    %dma_wait3A_3860 = arith.constant 0 : i32
    %dma_wait3A_3861 = arith.constant 0 : i32
    %dma_wait3A_3862 = tpu.memref_slice %arg4[%dma_wait3A_3860, %dma_wait3A_3861] : memref<1664x16xf32, #tpu.memory_space<hbm>> -> memref<1664x16xf32, #tpu.memory_space<hbm>>
    tpu.wait_indirect_dma semaphore(%arg11 : memref<!tpu.dma_semaphore, #tpu.memory_space<semaphore_mem>>) src(%dma_wait3A_3862 : memref<1664x16xf32, #tpu.memory_space<hbm>>) dst(%dma_wait3A_3856 : memref<128x16xf32, #tpu.memory_space<vmem>>)
    %add3A_3863 = arith.constant 384 : i32
    %add3A_3864 = arith.addi %mul3A_2, %add3A_3863 : i32
    %dma_start3A_3865 = arith.constant 384 : i32
    %dma_start3A_3866 = arith.constant 0 : i32
    %dma_start3A_3867 = tpu.memref_slice %arg9[%dma_start3A_3865, %dma_start3A_3866] : memref<512x16xf32, #tpu.memory_space<vmem>> -> memref<128x16xf32, #tpu.memory_space<vmem>>
    %dma_start3A_3868 = arith.constant 0 : i32
    %dma_start3A_3869 = tpu.memref_slice %arg5[%add3A_3864, %dma_start3A_3868] : memref<16384x16xf32, #tpu.memory_space<hbm>> -> memref<128x16xf32, #tpu.memory_space<hbm>>
    %dma_start3A_3870 = arith.constant 0 : i32
    %dma_start3A_3871 = tpu.memref_slice %arg5[%add3A_3864, %dma_start3A_3870] : memref<16384x16xf32, #tpu.memory_space<hbm>> -> memref<128x16xf32, #tpu.memory_space<hbm>>
    %dma_start3A_3872 = arith.constant 384 : i32
    %dma_start3A_3873 = arith.constant 0 : i32
    %dma_start3A_3874 = tpu.memref_slice %arg9[%dma_start3A_3872, %dma_start3A_3873] : memref<512x16xf32, #tpu.memory_space<vmem>> -> memref<128x16xf32, #tpu.memory_space<vmem>>
    tpu.enqueue_dma source(%dma_start3A_3874 : memref<128x16xf32, #tpu.memory_space<vmem>>) target(%dma_start3A_3871 : memref<128x16xf32, #tpu.memory_space<hbm>>) target_semaphore(%arg10 : memref<!tpu.dma_semaphore, #tpu.memory_space<semaphore_mem>>)
    %dma_wait3A_3875 = arith.constant 0 : i32
    %dma_wait3A_3876 = arith.constant 0 : i32
    %dma_wait3A_3877 = tpu.memref_slice %arg9[%dma_wait3A_3875, %dma_wait3A_3876] : memref<512x16xf32, #tpu.memory_space<vmem>> -> memref<128x16xf32, #tpu.memory_space<vmem>>
    %dma_wait3A_3878 = arith.constant 0 : i32
    %dma_wait3A_3879 = tpu.memref_slice %arg5[%add3A_3798, %dma_wait3A_3878] : memref<16384x16xf32, #tpu.memory_space<hbm>> -> memref<128x16xf32, #tpu.memory_space<hbm>>
    %dma_wait3A_3880 = arith.constant 0 : i32
    %dma_wait3A_3881 = tpu.memref_slice %arg5[%add3A_3798, %dma_wait3A_3880] : memref<16384x16xf32, #tpu.memory_space<hbm>> -> memref<128x16xf32, #tpu.memory_space<hbm>>
    %dma_wait3A_3882 = arith.constant 0 : i32
    %dma_wait3A_3883 = arith.constant 0 : i32
    %dma_wait3A_3884 = tpu.memref_slice %arg9[%dma_wait3A_3882, %dma_wait3A_3883] : memref<512x16xf32, #tpu.memory_space<vmem>> -> memref<128x16xf32, #tpu.memory_space<vmem>>
    tpu.wait_dma2 semaphore(%arg10 : memref<!tpu.dma_semaphore, #tpu.memory_space<semaphore_mem>>) src(%dma_wait3A_3884 : memref<128x16xf32, #tpu.memory_space<vmem>>) dst(%dma_wait3A_3881 : memref<128x16xf32, #tpu.memory_space<hbm>>)
    %dma_wait3A_3885 = arith.constant 128 : i32
    %dma_wait3A_3886 = arith.constant 0 : i32
    %dma_wait3A_3887 = tpu.memref_slice %arg9[%dma_wait3A_3885, %dma_wait3A_3886] : memref<512x16xf32, #tpu.memory_space<vmem>> -> memref<128x16xf32, #tpu.memory_space<vmem>>
    %dma_wait3A_3888 = arith.constant 0 : i32
    %dma_wait3A_3889 = tpu.memref_slice %arg5[%add3A_3820, %dma_wait3A_3888] : memref<16384x16xf32, #tpu.memory_space<hbm>> -> memref<128x16xf32, #tpu.memory_space<hbm>>
    %dma_wait3A_3890 = arith.constant 0 : i32
    %dma_wait3A_3891 = tpu.memref_slice %arg5[%add3A_3820, %dma_wait3A_3890] : memref<16384x16xf32, #tpu.memory_space<hbm>> -> memref<128x16xf32, #tpu.memory_space<hbm>>
    %dma_wait3A_3892 = arith.constant 128 : i32
    %dma_wait3A_3893 = arith.constant 0 : i32
    %dma_wait3A_3894 = tpu.memref_slice %arg9[%dma_wait3A_3892, %dma_wait3A_3893] : memref<512x16xf32, #tpu.memory_space<vmem>> -> memref<128x16xf32, #tpu.memory_space<vmem>>
    tpu.wait_dma2 semaphore(%arg10 : memref<!tpu.dma_semaphore, #tpu.memory_space<semaphore_mem>>) src(%dma_wait3A_3894 : memref<128x16xf32, #tpu.memory_space<vmem>>) dst(%dma_wait3A_3891 : memref<128x16xf32, #tpu.memory_space<hbm>>)
    %dma_wait3A_3895 = arith.constant 256 : i32
    %dma_wait3A_3896 = arith.constant 0 : i32
    %dma_wait3A_3897 = tpu.memref_slice %arg9[%dma_wait3A_3895, %dma_wait3A_3896] : memref<512x16xf32, #tpu.memory_space<vmem>> -> memref<128x16xf32, #tpu.memory_space<vmem>>
    %dma_wait3A_3898 = arith.constant 0 : i32
    %dma_wait3A_3899 = tpu.memref_slice %arg5[%add3A_3842, %dma_wait3A_3898] : memref<16384x16xf32, #tpu.memory_space<hbm>> -> memref<128x16xf32, #tpu.memory_space<hbm>>
    %dma_wait3A_3900 = arith.constant 0 : i32
    %dma_wait3A_3901 = tpu.memref_slice %arg5[%add3A_3842, %dma_wait3A_3900] : memref<16384x16xf32, #tpu.memory_space<hbm>> -> memref<128x16xf32, #tpu.memory_space<hbm>>
    %dma_wait3A_3902 = arith.constant 256 : i32
    %dma_wait3A_3903 = arith.constant 0 : i32
    %dma_wait3A_3904 = tpu.memref_slice %arg9[%dma_wait3A_3902, %dma_wait3A_3903] : memref<512x16xf32, #tpu.memory_space<vmem>> -> memref<128x16xf32, #tpu.memory_space<vmem>>
    tpu.wait_dma2 semaphore(%arg10 : memref<!tpu.dma_semaphore, #tpu.memory_space<semaphore_mem>>) src(%dma_wait3A_3904 : memref<128x16xf32, #tpu.memory_space<vmem>>) dst(%dma_wait3A_3901 : memref<128x16xf32, #tpu.memory_space<hbm>>)
    %dma_wait3A_3905 = arith.constant 384 : i32
    %dma_wait3A_3906 = arith.constant 0 : i32
    %dma_wait3A_3907 = tpu.memref_slice %arg9[%dma_wait3A_3905, %dma_wait3A_3906] : memref<512x16xf32, #tpu.memory_space<vmem>> -> memref<128x16xf32, #tpu.memory_space<vmem>>
    %dma_wait3A_3908 = arith.constant 0 : i32
    %dma_wait3A_3909 = tpu.memref_slice %arg5[%add3A_3864, %dma_wait3A_3908] : memref<16384x16xf32, #tpu.memory_space<hbm>> -> memref<128x16xf32, #tpu.memory_space<hbm>>
    %dma_wait3A_3910 = arith.constant 0 : i32
    %dma_wait3A_3911 = tpu.memref_slice %arg5[%add3A_3864, %dma_wait3A_3910] : memref<16384x16xf32, #tpu.memory_space<hbm>> -> memref<128x16xf32, #tpu.memory_space<hbm>>
    %dma_wait3A_3912 = arith.constant 384 : i32
    %dma_wait3A_3913 = arith.constant 0 : i32
    %dma_wait3A_3914 = tpu.memref_slice %arg9[%dma_wait3A_3912, %dma_wait3A_3913] : memref<512x16xf32, #tpu.memory_space<vmem>> -> memref<128x16xf32, #tpu.memory_space<vmem>>
    tpu.wait_dma2 semaphore(%arg10 : memref<!tpu.dma_semaphore, #tpu.memory_space<semaphore_mem>>) src(%dma_wait3A_3914 : memref<128x16xf32, #tpu.memory_space<vmem>>) dst(%dma_wait3A_3911 : memref<128x16xf32, #tpu.memory_space<hbm>>)
    return
  }
}

module attributes {stable_mosaic.version = 14 : i64} {
  func.func @_lambda_(%arg0: memref<32x101xf32, #tpu.memory_space<vmem>>, %arg1: memref<11x32xf32, #tpu.memory_space<vmem>>, %arg2: memref<1x64xf32, #tpu.memory_space<vmem>>, %arg3: memref<1x64xf32, #tpu.memory_space<vmem>>, %arg4: memref<1x64xf32, #tpu.memory_space<vmem>>, %arg5: memref<1x64xf32, #tpu.memory_space<vmem>>, %arg6: memref<32x64xf32, #tpu.memory_space<vmem>>, %arg7: memref<1x32xf32, #tpu.memory_space<vmem>>, %arg8: memref<1x32xf32, #tpu.memory_space<vmem>>, %arg9: memref<1x32xf32, #tpu.memory_space<vmem>>, %arg10: memref<1x32xf32, #tpu.memory_space<vmem>>, %arg11: memref<1x32xf32, #tpu.memory_space<vmem>>, %arg12: memref<16x32xf32, #tpu.memory_space<vmem>>, %arg13: memref<1x16xf32, #tpu.memory_space<vmem>>, %arg14: memref<208x128xf32, #tpu.memory_space<vmem>>) attributes {dimension_semantics = [], scalar_prefetch = 0 : i64, scratch_operands = 0 : i64, tpu.core_type = #tpu.core_type<tc>} {
    %get3A = arith.constant 0 : index
    %get3A_0 = arith.constant 0 : index
    %get3A_1 = vector.load %arg0[%get3A, %get3A_0] : memref<32x101xf32, #tpu.memory_space<vmem>>, vector<32x101xf32>
    %transpose3A = tpu.transpose %get3A_1, [1, 0] : vector<32x101xf32> -> vector<101x32xf32>
    %get3A_2 = arith.constant 0 : index
    %get3A_3 = arith.constant 0 : index
    %get3A_4 = vector.load %arg6[%get3A_2, %get3A_3] : memref<32x64xf32, #tpu.memory_space<vmem>>, vector<32x64xf32>
    %transpose3A_5 = tpu.transpose %get3A_4, [1, 0] : vector<32x64xf32> -> vector<64x32xf32>
    %get3A_6 = arith.constant 0 : index
    %get3A_7 = arith.constant 0 : index
    %get3A_8 = vector.load %arg12[%get3A_6, %get3A_7] : memref<16x32xf32, #tpu.memory_space<vmem>>, vector<16x32xf32>
    %transpose3A_9 = tpu.transpose %get3A_8, [1, 0] : vector<16x32xf32> -> vector<32x16xf32>
    %get3A_10 = arith.constant 0 : index
    %get3A_11 = arith.constant 0 : index
    %get3A_12 = vector.load %arg2[%get3A_10, %get3A_11] : memref<1x64xf32, #tpu.memory_space<vmem>>, vector<1x64xf32>
    %get3A_13 = arith.constant 0 : index
    %get3A_14 = arith.constant 0 : index
    %get3A_15 = vector.load %arg5[%get3A_13, %get3A_14] : memref<1x64xf32, #tpu.memory_space<vmem>>, vector<1x64xf32>
    %add3A = arith.constant 1.000000e-03 : f32
    %add3A_16 = vector.broadcast %add3A : f32 to vector<1x64xf32>
    %add3A_17 = arith.addf %get3A_15, %add3A_16 : vector<1x64xf32>
    %rsqrt3A = math.rsqrt %add3A_17 : vector<1x64xf32>
    %mul3A = arith.mulf %get3A_12, %rsqrt3A : vector<1x64xf32>
    %get3A_18 = arith.constant 0 : index
    %get3A_19 = arith.constant 0 : index
    %get3A_20 = vector.load %arg3[%get3A_18, %get3A_19] : memref<1x64xf32, #tpu.memory_space<vmem>>, vector<1x64xf32>
    %get3A_21 = arith.constant 0 : index
    %get3A_22 = arith.constant 0 : index
    %get3A_23 = vector.load %arg4[%get3A_21, %get3A_22] : memref<1x64xf32, #tpu.memory_space<vmem>>, vector<1x64xf32>
    %mul3A_24 = arith.mulf %get3A_23, %mul3A : vector<1x64xf32>
    %sub3A = arith.subf %get3A_20, %mul3A_24 : vector<1x64xf32>
    %slice3A = vector.extract_strided_slice %mul3A {offsets = [0, 0], sizes = [1, 32], strides = [1, 1]} : vector<1x64xf32> to vector<1x32xf32>
    %mul3A_25 = vector.broadcast %slice3A : vector<1x32xf32> to vector<101x32xf32>
    %mul3A_26 = arith.mulf %transpose3A, %mul3A_25 : vector<101x32xf32>
    %slice3A_27 = vector.extract_strided_slice %sub3A {offsets = [0, 0], sizes = [1, 32], strides = [1, 1]} : vector<1x64xf32> to vector<1x32xf32>
    %add3A_28 = vector.broadcast %slice3A_27 : vector<1x32xf32> to vector<101x32xf32>
    %add3A_29 = arith.addf %mul3A_26, %add3A_28 : vector<101x32xf32>
    %get3A_30 = arith.constant 0 : index
    %get3A_31 = arith.constant 0 : index
    %get3A_32 = vector.load %arg1[%get3A_30, %get3A_31] : memref<11x32xf32, #tpu.memory_space<vmem>>, vector<11x32xf32>
    %slice3A_33 = vector.extract_strided_slice %mul3A {offsets = [0, 32], sizes = [1, 32], strides = [1, 1]} : vector<1x64xf32> to vector<1x32xf32>
    %mul3A_34 = vector.broadcast %slice3A_33 : vector<1x32xf32> to vector<11x32xf32>
    %mul3A_35 = arith.mulf %get3A_32, %mul3A_34 : vector<11x32xf32>
    %slice3A_36 = vector.extract_strided_slice %sub3A {offsets = [0, 32], sizes = [1, 32], strides = [1, 1]} : vector<1x64xf32> to vector<1x32xf32>
    %add3A_37 = vector.broadcast %slice3A_36 : vector<1x32xf32> to vector<11x32xf32>
    %add3A_38 = arith.addf %mul3A_35, %add3A_37 : vector<11x32xf32>
    %slice3A_39 = vector.extract_strided_slice %transpose3A_5 {offsets = [0, 0], sizes = [32, 32], strides = [1, 1]} : vector<64x32xf32> to vector<32x32xf32>
    %dot_general3A = arith.constant dense<0.000000e+00> : vector<101x32xf32>
    %dot_general3A_40 = tpu.matmul %add3A_29, %slice3A_39, %dot_general3A {dimension_numbers = #tpu.dot_dimension_numbers<[1], [0], [0], [1], [0, 0, 1, 1], [], []>, transpose_lhs_hint = false} : vector<101x32xf32>, vector<32x32xf32>, vector<101x32xf32> -> vector<101x32xf32>
    %get3A_41 = arith.constant 0 : index
    %get3A_42 = arith.constant 0 : index
    %get3A_43 = vector.load %arg7[%get3A_41, %get3A_42] : memref<1x32xf32, #tpu.memory_space<vmem>>, vector<1x32xf32>
    %add3A_44 = vector.broadcast %get3A_43 : vector<1x32xf32> to vector<101x32xf32>
    %add3A_45 = arith.addf %dot_general3A_40, %add3A_44 : vector<101x32xf32>
    %slice3A_46 = vector.extract_strided_slice %transpose3A_5 {offsets = [32, 0], sizes = [32, 32], strides = [1, 1]} : vector<64x32xf32> to vector<32x32xf32>
    %dot_general3A_47 = arith.constant dense<0.000000e+00> : vector<11x32xf32>
    %dot_general3A_48 = tpu.matmul %add3A_38, %slice3A_46, %dot_general3A_47 {dimension_numbers = #tpu.dot_dimension_numbers<[1], [0], [0], [1], [0, 0, 1, 1], [], []>, transpose_lhs_hint = false} : vector<11x32xf32>, vector<32x32xf32>, vector<11x32xf32> -> vector<11x32xf32>
    %get3A_49 = arith.constant 0 : index
    %get3A_50 = arith.constant 0 : index
    %get3A_51 = vector.load %arg8[%get3A_49, %get3A_50] : memref<1x32xf32, #tpu.memory_space<vmem>>, vector<1x32xf32>
    %get3A_52 = arith.constant 0 : index
    %get3A_53 = arith.constant 0 : index
    %get3A_54 = vector.load %arg11[%get3A_52, %get3A_53] : memref<1x32xf32, #tpu.memory_space<vmem>>, vector<1x32xf32>
    %add3A_55 = arith.constant 1.000000e-03 : f32
    %add3A_56 = vector.broadcast %add3A_55 : f32 to vector<1x32xf32>
    %add3A_57 = arith.addf %get3A_54, %add3A_56 : vector<1x32xf32>
    %rsqrt3A_58 = math.rsqrt %add3A_57 : vector<1x32xf32>
    %mul3A_59 = arith.mulf %get3A_51, %rsqrt3A_58 : vector<1x32xf32>
    %get3A_60 = arith.constant 0 : index
    %get3A_61 = arith.constant 0 : index
    %get3A_62 = vector.load %arg9[%get3A_60, %get3A_61] : memref<1x32xf32, #tpu.memory_space<vmem>>, vector<1x32xf32>
    %get3A_63 = arith.constant 0 : index
    %get3A_64 = arith.constant 0 : index
    %get3A_65 = vector.load %arg10[%get3A_63, %get3A_64] : memref<1x32xf32, #tpu.memory_space<vmem>>, vector<1x32xf32>
    %mul3A_66 = arith.mulf %get3A_65, %mul3A_59 : vector<1x32xf32>
    %sub3A_67 = arith.subf %get3A_62, %mul3A_66 : vector<1x32xf32>
    %slice3A_68 = vector.extract_strided_slice %dot_general3A_48 {offsets = [0, 0], sizes = [1, 32], strides = [1, 1]} : vector<11x32xf32> to vector<1x32xf32>
    %add3A_69 = vector.broadcast %slice3A_68 : vector<1x32xf32> to vector<101x32xf32>
    %add3A_70 = arith.addf %add3A_45, %add3A_69 : vector<101x32xf32>
    %max3A = arith.constant 0.000000e+00 : f32
    %max3A_71 = vector.broadcast %max3A : f32 to vector<101x32xf32>
    %max3A_72 = arith.maximumf %add3A_70, %max3A_71 : vector<101x32xf32>
    %mul3A_73 = vector.broadcast %mul3A_59 : vector<1x32xf32> to vector<101x32xf32>
    %mul3A_74 = arith.mulf %max3A_72, %mul3A_73 : vector<101x32xf32>
    %add3A_75 = vector.broadcast %sub3A_67 : vector<1x32xf32> to vector<101x32xf32>
    %add3A_76 = arith.addf %mul3A_74, %add3A_75 : vector<101x32xf32>
    %dot_general3A_77 = arith.constant dense<0.000000e+00> : vector<101x16xf32>
    %dot_general3A_78 = tpu.matmul %add3A_76, %transpose3A_9, %dot_general3A_77 {dimension_numbers = #tpu.dot_dimension_numbers<[1], [0], [0], [1], [0, 0, 1, 1], [], []>, transpose_lhs_hint = false} : vector<101x32xf32>, vector<32x16xf32>, vector<101x16xf32> -> vector<101x16xf32>
    %get3A_79 = arith.constant 0 : index
    %get3A_80 = arith.constant 0 : index
    %get3A_81 = vector.load %arg13[%get3A_79, %get3A_80] : memref<1x16xf32, #tpu.memory_space<vmem>>, vector<1x16xf32>
    %add3A_82 = vector.broadcast %get3A_81 : vector<1x16xf32> to vector<101x16xf32>
    %add3A_83 = arith.addf %dot_general3A_78, %add3A_82 : vector<101x16xf32>
    %max3A_84 = arith.constant 0.000000e+00 : f32
    %max3A_85 = vector.broadcast %max3A_84 : f32 to vector<101x16xf32>
    %max3A_86 = arith.maximumf %add3A_83, %max3A_85 : vector<101x16xf32>
    %swap3A = arith.constant 0 : index
    %swap3A_87 = arith.constant 0 : index
    %swap3A_88 = vector.load %arg14[%swap3A, %swap3A_87] : memref<208x128xf32, #tpu.memory_space<vmem>>, vector<101x16xf32>
    tpu.vector_store %arg14[%swap3A, %swap3A_87], %max3A_86 {strides = array<i32>} : memref<208x128xf32, #tpu.memory_space<vmem>>, vector<101x16xf32>,
    %slice3A_89 = vector.extract_strided_slice %dot_general3A_48 {offsets = [1, 0], sizes = [1, 32], strides = [1, 1]} : vector<11x32xf32> to vector<1x32xf32>
    %add3A_90 = vector.broadcast %slice3A_89 : vector<1x32xf32> to vector<101x32xf32>
    %add3A_91 = arith.addf %add3A_45, %add3A_90 : vector<101x32xf32>
    %max3A_92 = arith.constant 0.000000e+00 : f32
    %max3A_93 = vector.broadcast %max3A_92 : f32 to vector<101x32xf32>
    %max3A_94 = arith.maximumf %add3A_91, %max3A_93 : vector<101x32xf32>
    %mul3A_95 = vector.broadcast %mul3A_59 : vector<1x32xf32> to vector<101x32xf32>
    %mul3A_96 = arith.mulf %max3A_94, %mul3A_95 : vector<101x32xf32>
    %add3A_97 = vector.broadcast %sub3A_67 : vector<1x32xf32> to vector<101x32xf32>
    %add3A_98 = arith.addf %mul3A_96, %add3A_97 : vector<101x32xf32>
    %dot_general3A_99 = arith.constant dense<0.000000e+00> : vector<101x16xf32>
    %dot_general3A_100 = tpu.matmul %add3A_98, %transpose3A_9, %dot_general3A_99 {dimension_numbers = #tpu.dot_dimension_numbers<[1], [0], [0], [1], [0, 0, 1, 1], [], []>, transpose_lhs_hint = false} : vector<101x32xf32>, vector<32x16xf32>, vector<101x16xf32> -> vector<101x16xf32>
    %get3A_101 = arith.constant 0 : index
    %get3A_102 = arith.constant 0 : index
    %get3A_103 = vector.load %arg13[%get3A_101, %get3A_102] : memref<1x16xf32, #tpu.memory_space<vmem>>, vector<1x16xf32>
    %add3A_104 = vector.broadcast %get3A_103 : vector<1x16xf32> to vector<101x16xf32>
    %add3A_105 = arith.addf %dot_general3A_100, %add3A_104 : vector<101x16xf32>
    %max3A_106 = arith.constant 0.000000e+00 : f32
    %max3A_107 = vector.broadcast %max3A_106 : f32 to vector<101x16xf32>
    %max3A_108 = arith.maximumf %add3A_105, %max3A_107 : vector<101x16xf32>
    %swap3A_109 = arith.constant 0 : index
    %swap3A_110 = arith.constant 16 : index
    %swap3A_111 = vector.load %arg14[%swap3A_109, %swap3A_110] : memref<208x128xf32, #tpu.memory_space<vmem>>, vector<101x16xf32>
    tpu.vector_store %arg14[%swap3A_109, %swap3A_110], %max3A_108 {strides = array<i32>} : memref<208x128xf32, #tpu.memory_space<vmem>>, vector<101x16xf32>,
    %slice3A_112 = vector.extract_strided_slice %dot_general3A_48 {offsets = [2, 0], sizes = [1, 32], strides = [1, 1]} : vector<11x32xf32> to vector<1x32xf32>
    %add3A_113 = vector.broadcast %slice3A_112 : vector<1x32xf32> to vector<101x32xf32>
    %add3A_114 = arith.addf %add3A_45, %add3A_113 : vector<101x32xf32>
    %max3A_115 = arith.constant 0.000000e+00 : f32
    %max3A_116 = vector.broadcast %max3A_115 : f32 to vector<101x32xf32>
    %max3A_117 = arith.maximumf %add3A_114, %max3A_116 : vector<101x32xf32>
    %mul3A_118 = vector.broadcast %mul3A_59 : vector<1x32xf32> to vector<101x32xf32>
    %mul3A_119 = arith.mulf %max3A_117, %mul3A_118 : vector<101x32xf32>
    %add3A_120 = vector.broadcast %sub3A_67 : vector<1x32xf32> to vector<101x32xf32>
    %add3A_121 = arith.addf %mul3A_119, %add3A_120 : vector<101x32xf32>
    %dot_general3A_122 = arith.constant dense<0.000000e+00> : vector<101x16xf32>
    %dot_general3A_123 = tpu.matmul %add3A_121, %transpose3A_9, %dot_general3A_122 {dimension_numbers = #tpu.dot_dimension_numbers<[1], [0], [0], [1], [0, 0, 1, 1], [], []>, transpose_lhs_hint = false} : vector<101x32xf32>, vector<32x16xf32>, vector<101x16xf32> -> vector<101x16xf32>
    %get3A_124 = arith.constant 0 : index
    %get3A_125 = arith.constant 0 : index
    %get3A_126 = vector.load %arg13[%get3A_124, %get3A_125] : memref<1x16xf32, #tpu.memory_space<vmem>>, vector<1x16xf32>
    %add3A_127 = vector.broadcast %get3A_126 : vector<1x16xf32> to vector<101x16xf32>
    %add3A_128 = arith.addf %dot_general3A_123, %add3A_127 : vector<101x16xf32>
    %max3A_129 = arith.constant 0.000000e+00 : f32
    %max3A_130 = vector.broadcast %max3A_129 : f32 to vector<101x16xf32>
    %max3A_131 = arith.maximumf %add3A_128, %max3A_130 : vector<101x16xf32>
    %swap3A_132 = arith.constant 0 : index
    %swap3A_133 = arith.constant 32 : index
    %swap3A_134 = vector.load %arg14[%swap3A_132, %swap3A_133] : memref<208x128xf32, #tpu.memory_space<vmem>>, vector<101x16xf32>
    tpu.vector_store %arg14[%swap3A_132, %swap3A_133], %max3A_131 {strides = array<i32>} : memref<208x128xf32, #tpu.memory_space<vmem>>, vector<101x16xf32>,
    %slice3A_135 = vector.extract_strided_slice %dot_general3A_48 {offsets = [3, 0], sizes = [1, 32], strides = [1, 1]} : vector<11x32xf32> to vector<1x32xf32>
    %add3A_136 = vector.broadcast %slice3A_135 : vector<1x32xf32> to vector<101x32xf32>
    %add3A_137 = arith.addf %add3A_45, %add3A_136 : vector<101x32xf32>
    %max3A_138 = arith.constant 0.000000e+00 : f32
    %max3A_139 = vector.broadcast %max3A_138 : f32 to vector<101x32xf32>
    %max3A_140 = arith.maximumf %add3A_137, %max3A_139 : vector<101x32xf32>
    %mul3A_141 = vector.broadcast %mul3A_59 : vector<1x32xf32> to vector<101x32xf32>
    %mul3A_142 = arith.mulf %max3A_140, %mul3A_141 : vector<101x32xf32>
    %add3A_143 = vector.broadcast %sub3A_67 : vector<1x32xf32> to vector<101x32xf32>
    %add3A_144 = arith.addf %mul3A_142, %add3A_143 : vector<101x32xf32>
    %dot_general3A_145 = arith.constant dense<0.000000e+00> : vector<101x16xf32>
    %dot_general3A_146 = tpu.matmul %add3A_144, %transpose3A_9, %dot_general3A_145 {dimension_numbers = #tpu.dot_dimension_numbers<[1], [0], [0], [1], [0, 0, 1, 1], [], []>, transpose_lhs_hint = false} : vector<101x32xf32>, vector<32x16xf32>, vector<101x16xf32> -> vector<101x16xf32>
    %get3A_147 = arith.constant 0 : index
    %get3A_148 = arith.constant 0 : index
    %get3A_149 = vector.load %arg13[%get3A_147, %get3A_148] : memref<1x16xf32, #tpu.memory_space<vmem>>, vector<1x16xf32>
    %add3A_150 = vector.broadcast %get3A_149 : vector<1x16xf32> to vector<101x16xf32>
    %add3A_151 = arith.addf %dot_general3A_146, %add3A_150 : vector<101x16xf32>
    %max3A_152 = arith.constant 0.000000e+00 : f32
    %max3A_153 = vector.broadcast %max3A_152 : f32 to vector<101x16xf32>
    %max3A_154 = arith.maximumf %add3A_151, %max3A_153 : vector<101x16xf32>
    %swap3A_155 = arith.constant 0 : index
    %swap3A_156 = arith.constant 48 : index
    %swap3A_157 = vector.load %arg14[%swap3A_155, %swap3A_156] : memref<208x128xf32, #tpu.memory_space<vmem>>, vector<101x16xf32>
    tpu.vector_store %arg14[%swap3A_155, %swap3A_156], %max3A_154 {strides = array<i32>} : memref<208x128xf32, #tpu.memory_space<vmem>>, vector<101x16xf32>,
    %slice3A_158 = vector.extract_strided_slice %dot_general3A_48 {offsets = [4, 0], sizes = [1, 32], strides = [1, 1]} : vector<11x32xf32> to vector<1x32xf32>
    %add3A_159 = vector.broadcast %slice3A_158 : vector<1x32xf32> to vector<101x32xf32>
    %add3A_160 = arith.addf %add3A_45, %add3A_159 : vector<101x32xf32>
    %max3A_161 = arith.constant 0.000000e+00 : f32
    %max3A_162 = vector.broadcast %max3A_161 : f32 to vector<101x32xf32>
    %max3A_163 = arith.maximumf %add3A_160, %max3A_162 : vector<101x32xf32>
    %mul3A_164 = vector.broadcast %mul3A_59 : vector<1x32xf32> to vector<101x32xf32>
    %mul3A_165 = arith.mulf %max3A_163, %mul3A_164 : vector<101x32xf32>
    %add3A_166 = vector.broadcast %sub3A_67 : vector<1x32xf32> to vector<101x32xf32>
    %add3A_167 = arith.addf %mul3A_165, %add3A_166 : vector<101x32xf32>
    %dot_general3A_168 = arith.constant dense<0.000000e+00> : vector<101x16xf32>
    %dot_general3A_169 = tpu.matmul %add3A_167, %transpose3A_9, %dot_general3A_168 {dimension_numbers = #tpu.dot_dimension_numbers<[1], [0], [0], [1], [0, 0, 1, 1], [], []>, transpose_lhs_hint = false} : vector<101x32xf32>, vector<32x16xf32>, vector<101x16xf32> -> vector<101x16xf32>
    %get3A_170 = arith.constant 0 : index
    %get3A_171 = arith.constant 0 : index
    %get3A_172 = vector.load %arg13[%get3A_170, %get3A_171] : memref<1x16xf32, #tpu.memory_space<vmem>>, vector<1x16xf32>
    %add3A_173 = vector.broadcast %get3A_172 : vector<1x16xf32> to vector<101x16xf32>
    %add3A_174 = arith.addf %dot_general3A_169, %add3A_173 : vector<101x16xf32>
    %max3A_175 = arith.constant 0.000000e+00 : f32
    %max3A_176 = vector.broadcast %max3A_175 : f32 to vector<101x16xf32>
    %max3A_177 = arith.maximumf %add3A_174, %max3A_176 : vector<101x16xf32>
    %swap3A_178 = arith.constant 0 : index
    %swap3A_179 = arith.constant 64 : index
    %swap3A_180 = vector.load %arg14[%swap3A_178, %swap3A_179] : memref<208x128xf32, #tpu.memory_space<vmem>>, vector<101x16xf32>
    tpu.vector_store %arg14[%swap3A_178, %swap3A_179], %max3A_177 {strides = array<i32>} : memref<208x128xf32, #tpu.memory_space<vmem>>, vector<101x16xf32>,
    %slice3A_181 = vector.extract_strided_slice %dot_general3A_48 {offsets = [5, 0], sizes = [1, 32], strides = [1, 1]} : vector<11x32xf32> to vector<1x32xf32>
    %add3A_182 = vector.broadcast %slice3A_181 : vector<1x32xf32> to vector<101x32xf32>
    %add3A_183 = arith.addf %add3A_45, %add3A_182 : vector<101x32xf32>
    %max3A_184 = arith.constant 0.000000e+00 : f32
    %max3A_185 = vector.broadcast %max3A_184 : f32 to vector<101x32xf32>
    %max3A_186 = arith.maximumf %add3A_183, %max3A_185 : vector<101x32xf32>
    %mul3A_187 = vector.broadcast %mul3A_59 : vector<1x32xf32> to vector<101x32xf32>
    %mul3A_188 = arith.mulf %max3A_186, %mul3A_187 : vector<101x32xf32>
    %add3A_189 = vector.broadcast %sub3A_67 : vector<1x32xf32> to vector<101x32xf32>
    %add3A_190 = arith.addf %mul3A_188, %add3A_189 : vector<101x32xf32>
    %dot_general3A_191 = arith.constant dense<0.000000e+00> : vector<101x16xf32>
    %dot_general3A_192 = tpu.matmul %add3A_190, %transpose3A_9, %dot_general3A_191 {dimension_numbers = #tpu.dot_dimension_numbers<[1], [0], [0], [1], [0, 0, 1, 1], [], []>, transpose_lhs_hint = false} : vector<101x32xf32>, vector<32x16xf32>, vector<101x16xf32> -> vector<101x16xf32>
    %get3A_193 = arith.constant 0 : index
    %get3A_194 = arith.constant 0 : index
    %get3A_195 = vector.load %arg13[%get3A_193, %get3A_194] : memref<1x16xf32, #tpu.memory_space<vmem>>, vector<1x16xf32>
    %add3A_196 = vector.broadcast %get3A_195 : vector<1x16xf32> to vector<101x16xf32>
    %add3A_197 = arith.addf %dot_general3A_192, %add3A_196 : vector<101x16xf32>
    %max3A_198 = arith.constant 0.000000e+00 : f32
    %max3A_199 = vector.broadcast %max3A_198 : f32 to vector<101x16xf32>
    %max3A_200 = arith.maximumf %add3A_197, %max3A_199 : vector<101x16xf32>
    %swap3A_201 = arith.constant 0 : index
    %swap3A_202 = arith.constant 80 : index
    %swap3A_203 = vector.load %arg14[%swap3A_201, %swap3A_202] : memref<208x128xf32, #tpu.memory_space<vmem>>, vector<101x16xf32>
    tpu.vector_store %arg14[%swap3A_201, %swap3A_202], %max3A_200 {strides = array<i32>} : memref<208x128xf32, #tpu.memory_space<vmem>>, vector<101x16xf32>,
    %slice3A_204 = vector.extract_strided_slice %dot_general3A_48 {offsets = [6, 0], sizes = [1, 32], strides = [1, 1]} : vector<11x32xf32> to vector<1x32xf32>
    %add3A_205 = vector.broadcast %slice3A_204 : vector<1x32xf32> to vector<101x32xf32>
    %add3A_206 = arith.addf %add3A_45, %add3A_205 : vector<101x32xf32>
    %max3A_207 = arith.constant 0.000000e+00 : f32
    %max3A_208 = vector.broadcast %max3A_207 : f32 to vector<101x32xf32>
    %max3A_209 = arith.maximumf %add3A_206, %max3A_208 : vector<101x32xf32>
    %mul3A_210 = vector.broadcast %mul3A_59 : vector<1x32xf32> to vector<101x32xf32>
    %mul3A_211 = arith.mulf %max3A_209, %mul3A_210 : vector<101x32xf32>
    %add3A_212 = vector.broadcast %sub3A_67 : vector<1x32xf32> to vector<101x32xf32>
    %add3A_213 = arith.addf %mul3A_211, %add3A_212 : vector<101x32xf32>
    %dot_general3A_214 = arith.constant dense<0.000000e+00> : vector<101x16xf32>
    %dot_general3A_215 = tpu.matmul %add3A_213, %transpose3A_9, %dot_general3A_214 {dimension_numbers = #tpu.dot_dimension_numbers<[1], [0], [0], [1], [0, 0, 1, 1], [], []>, transpose_lhs_hint = false} : vector<101x32xf32>, vector<32x16xf32>, vector<101x16xf32> -> vector<101x16xf32>
    %get3A_216 = arith.constant 0 : index
    %get3A_217 = arith.constant 0 : index
    %get3A_218 = vector.load %arg13[%get3A_216, %get3A_217] : memref<1x16xf32, #tpu.memory_space<vmem>>, vector<1x16xf32>
    %add3A_219 = vector.broadcast %get3A_218 : vector<1x16xf32> to vector<101x16xf32>
    %add3A_220 = arith.addf %dot_general3A_215, %add3A_219 : vector<101x16xf32>
    %max3A_221 = arith.constant 0.000000e+00 : f32
    %max3A_222 = vector.broadcast %max3A_221 : f32 to vector<101x16xf32>
    %max3A_223 = arith.maximumf %add3A_220, %max3A_222 : vector<101x16xf32>
    %swap3A_224 = arith.constant 0 : index
    %swap3A_225 = arith.constant 96 : index
    %swap3A_226 = vector.load %arg14[%swap3A_224, %swap3A_225] : memref<208x128xf32, #tpu.memory_space<vmem>>, vector<101x16xf32>
    tpu.vector_store %arg14[%swap3A_224, %swap3A_225], %max3A_223 {strides = array<i32>} : memref<208x128xf32, #tpu.memory_space<vmem>>, vector<101x16xf32>,
    %slice3A_227 = vector.extract_strided_slice %dot_general3A_48 {offsets = [7, 0], sizes = [1, 32], strides = [1, 1]} : vector<11x32xf32> to vector<1x32xf32>
    %add3A_228 = vector.broadcast %slice3A_227 : vector<1x32xf32> to vector<101x32xf32>
    %add3A_229 = arith.addf %add3A_45, %add3A_228 : vector<101x32xf32>
    %max3A_230 = arith.constant 0.000000e+00 : f32
    %max3A_231 = vector.broadcast %max3A_230 : f32 to vector<101x32xf32>
    %max3A_232 = arith.maximumf %add3A_229, %max3A_231 : vector<101x32xf32>
    %mul3A_233 = vector.broadcast %mul3A_59 : vector<1x32xf32> to vector<101x32xf32>
    %mul3A_234 = arith.mulf %max3A_232, %mul3A_233 : vector<101x32xf32>
    %add3A_235 = vector.broadcast %sub3A_67 : vector<1x32xf32> to vector<101x32xf32>
    %add3A_236 = arith.addf %mul3A_234, %add3A_235 : vector<101x32xf32>
    %dot_general3A_237 = arith.constant dense<0.000000e+00> : vector<101x16xf32>
    %dot_general3A_238 = tpu.matmul %add3A_236, %transpose3A_9, %dot_general3A_237 {dimension_numbers = #tpu.dot_dimension_numbers<[1], [0], [0], [1], [0, 0, 1, 1], [], []>, transpose_lhs_hint = false} : vector<101x32xf32>, vector<32x16xf32>, vector<101x16xf32> -> vector<101x16xf32>
    %get3A_239 = arith.constant 0 : index
    %get3A_240 = arith.constant 0 : index
    %get3A_241 = vector.load %arg13[%get3A_239, %get3A_240] : memref<1x16xf32, #tpu.memory_space<vmem>>, vector<1x16xf32>
    %add3A_242 = vector.broadcast %get3A_241 : vector<1x16xf32> to vector<101x16xf32>
    %add3A_243 = arith.addf %dot_general3A_238, %add3A_242 : vector<101x16xf32>
    %max3A_244 = arith.constant 0.000000e+00 : f32
    %max3A_245 = vector.broadcast %max3A_244 : f32 to vector<101x16xf32>
    %max3A_246 = arith.maximumf %add3A_243, %max3A_245 : vector<101x16xf32>
    %swap3A_247 = arith.constant 0 : index
    %swap3A_248 = arith.constant 112 : index
    %swap3A_249 = vector.load %arg14[%swap3A_247, %swap3A_248] : memref<208x128xf32, #tpu.memory_space<vmem>>, vector<101x16xf32>
    tpu.vector_store %arg14[%swap3A_247, %swap3A_248], %max3A_246 {strides = array<i32>} : memref<208x128xf32, #tpu.memory_space<vmem>>, vector<101x16xf32>,
    %slice3A_250 = vector.extract_strided_slice %dot_general3A_48 {offsets = [8, 0], sizes = [1, 32], strides = [1, 1]} : vector<11x32xf32> to vector<1x32xf32>
    %add3A_251 = vector.broadcast %slice3A_250 : vector<1x32xf32> to vector<101x32xf32>
    %add3A_252 = arith.addf %add3A_45, %add3A_251 : vector<101x32xf32>
    %max3A_253 = arith.constant 0.000000e+00 : f32
    %max3A_254 = vector.broadcast %max3A_253 : f32 to vector<101x32xf32>
    %max3A_255 = arith.maximumf %add3A_252, %max3A_254 : vector<101x32xf32>
    %mul3A_256 = vector.broadcast %mul3A_59 : vector<1x32xf32> to vector<101x32xf32>
    %mul3A_257 = arith.mulf %max3A_255, %mul3A_256 : vector<101x32xf32>
    %add3A_258 = vector.broadcast %sub3A_67 : vector<1x32xf32> to vector<101x32xf32>
    %add3A_259 = arith.addf %mul3A_257, %add3A_258 : vector<101x32xf32>
    %dot_general3A_260 = arith.constant dense<0.000000e+00> : vector<101x16xf32>
    %dot_general3A_261 = tpu.matmul %add3A_259, %transpose3A_9, %dot_general3A_260 {dimension_numbers = #tpu.dot_dimension_numbers<[1], [0], [0], [1], [0, 0, 1, 1], [], []>, transpose_lhs_hint = false} : vector<101x32xf32>, vector<32x16xf32>, vector<101x16xf32> -> vector<101x16xf32>
    %get3A_262 = arith.constant 0 : index
    %get3A_263 = arith.constant 0 : index
    %get3A_264 = vector.load %arg13[%get3A_262, %get3A_263] : memref<1x16xf32, #tpu.memory_space<vmem>>, vector<1x16xf32>
    %add3A_265 = vector.broadcast %get3A_264 : vector<1x16xf32> to vector<101x16xf32>
    %add3A_266 = arith.addf %dot_general3A_261, %add3A_265 : vector<101x16xf32>
    %max3A_267 = arith.constant 0.000000e+00 : f32
    %max3A_268 = vector.broadcast %max3A_267 : f32 to vector<101x16xf32>
    %max3A_269 = arith.maximumf %add3A_266, %max3A_268 : vector<101x16xf32>
    %swap3A_270 = arith.constant 104 : index
    %swap3A_271 = arith.constant 0 : index
    %swap3A_272 = vector.load %arg14[%swap3A_270, %swap3A_271] : memref<208x128xf32, #tpu.memory_space<vmem>>, vector<101x16xf32>
    tpu.vector_store %arg14[%swap3A_270, %swap3A_271], %max3A_269 {strides = array<i32>} : memref<208x128xf32, #tpu.memory_space<vmem>>, vector<101x16xf32>,
    %slice3A_273 = vector.extract_strided_slice %dot_general3A_48 {offsets = [9, 0], sizes = [1, 32], strides = [1, 1]} : vector<11x32xf32> to vector<1x32xf32>
    %add3A_274 = vector.broadcast %slice3A_273 : vector<1x32xf32> to vector<101x32xf32>
    %add3A_275 = arith.addf %add3A_45, %add3A_274 : vector<101x32xf32>
    %max3A_276 = arith.constant 0.000000e+00 : f32
    %max3A_277 = vector.broadcast %max3A_276 : f32 to vector<101x32xf32>
    %max3A_278 = arith.maximumf %add3A_275, %max3A_277 : vector<101x32xf32>
    %mul3A_279 = vector.broadcast %mul3A_59 : vector<1x32xf32> to vector<101x32xf32>
    %mul3A_280 = arith.mulf %max3A_278, %mul3A_279 : vector<101x32xf32>
    %add3A_281 = vector.broadcast %sub3A_67 : vector<1x32xf32> to vector<101x32xf32>
    %add3A_282 = arith.addf %mul3A_280, %add3A_281 : vector<101x32xf32>
    %dot_general3A_283 = arith.constant dense<0.000000e+00> : vector<101x16xf32>
    %dot_general3A_284 = tpu.matmul %add3A_282, %transpose3A_9, %dot_general3A_283 {dimension_numbers = #tpu.dot_dimension_numbers<[1], [0], [0], [1], [0, 0, 1, 1], [], []>, transpose_lhs_hint = false} : vector<101x32xf32>, vector<32x16xf32>, vector<101x16xf32> -> vector<101x16xf32>
    %get3A_285 = arith.constant 0 : index
    %get3A_286 = arith.constant 0 : index
    %get3A_287 = vector.load %arg13[%get3A_285, %get3A_286] : memref<1x16xf32, #tpu.memory_space<vmem>>, vector<1x16xf32>
    %add3A_288 = vector.broadcast %get3A_287 : vector<1x16xf32> to vector<101x16xf32>
    %add3A_289 = arith.addf %dot_general3A_284, %add3A_288 : vector<101x16xf32>
    %max3A_290 = arith.constant 0.000000e+00 : f32
    %max3A_291 = vector.broadcast %max3A_290 : f32 to vector<101x16xf32>
    %max3A_292 = arith.maximumf %add3A_289, %max3A_291 : vector<101x16xf32>
    %swap3A_293 = arith.constant 104 : index
    %swap3A_294 = arith.constant 16 : index
    %swap3A_295 = vector.load %arg14[%swap3A_293, %swap3A_294] : memref<208x128xf32, #tpu.memory_space<vmem>>, vector<101x16xf32>
    tpu.vector_store %arg14[%swap3A_293, %swap3A_294], %max3A_292 {strides = array<i32>} : memref<208x128xf32, #tpu.memory_space<vmem>>, vector<101x16xf32>,
    %slice3A_296 = vector.extract_strided_slice %dot_general3A_48 {offsets = [10, 0], sizes = [1, 32], strides = [1, 1]} : vector<11x32xf32> to vector<1x32xf32>
    %add3A_297 = vector.broadcast %slice3A_296 : vector<1x32xf32> to vector<101x32xf32>
    %add3A_298 = arith.addf %add3A_45, %add3A_297 : vector<101x32xf32>
    %max3A_299 = arith.constant 0.000000e+00 : f32
    %max3A_300 = vector.broadcast %max3A_299 : f32 to vector<101x32xf32>
    %max3A_301 = arith.maximumf %add3A_298, %max3A_300 : vector<101x32xf32>
    %mul3A_302 = vector.broadcast %mul3A_59 : vector<1x32xf32> to vector<101x32xf32>
    %mul3A_303 = arith.mulf %max3A_301, %mul3A_302 : vector<101x32xf32>
    %add3A_304 = vector.broadcast %sub3A_67 : vector<1x32xf32> to vector<101x32xf32>
    %add3A_305 = arith.addf %mul3A_303, %add3A_304 : vector<101x32xf32>
    %dot_general3A_306 = arith.constant dense<0.000000e+00> : vector<101x16xf32>
    %dot_general3A_307 = tpu.matmul %add3A_305, %transpose3A_9, %dot_general3A_306 {dimension_numbers = #tpu.dot_dimension_numbers<[1], [0], [0], [1], [0, 0, 1, 1], [], []>, transpose_lhs_hint = false} : vector<101x32xf32>, vector<32x16xf32>, vector<101x16xf32> -> vector<101x16xf32>
    %get3A_308 = arith.constant 0 : index
    %get3A_309 = arith.constant 0 : index
    %get3A_310 = vector.load %arg13[%get3A_308, %get3A_309] : memref<1x16xf32, #tpu.memory_space<vmem>>, vector<1x16xf32>
    %add3A_311 = vector.broadcast %get3A_310 : vector<1x16xf32> to vector<101x16xf32>
    %add3A_312 = arith.addf %dot_general3A_307, %add3A_311 : vector<101x16xf32>
    %max3A_313 = arith.constant 0.000000e+00 : f32
    %max3A_314 = vector.broadcast %max3A_313 : f32 to vector<101x16xf32>
    %max3A_315 = arith.maximumf %add3A_312, %max3A_314 : vector<101x16xf32>
    %swap3A_316 = arith.constant 104 : index
    %swap3A_317 = arith.constant 32 : index
    %swap3A_318 = vector.load %arg14[%swap3A_316, %swap3A_317] : memref<208x128xf32, #tpu.memory_space<vmem>>, vector<101x16xf32>
    tpu.vector_store %arg14[%swap3A_316, %swap3A_317], %max3A_315 {strides = array<i32>} : memref<208x128xf32, #tpu.memory_space<vmem>>, vector<101x16xf32>,
    return
  }
}

</mosaic_0001>

<sc_bundles>
// kernel: kernel.4.cloned.1.call-start
scs
__scs_entry_jumppad:
0x0: {  	(pc) =	sbr.rel $0x88, $3  }
0x1: {  	(tag) =	ssettag $0x0;
	lr =	simm.s32 $0x1  }
0x2: {  	[smem:$0x3F91] =	sst lr;
	_ =	strace $0xD0000000  }
0x3: {  	_ = 	snop  }
0x4: {  	_ = 	snop  }
0x5: {  	_ = 	snop  }
0x6: {  	_ = 	snop  }
0x7: {  	_ = 	snop  }
__scs_overlays_trampoline_lowered:
0x8: {  	[smem:$0x3FA0] =	sst s0  }
0x9: {  	[smem:$0x3FA1] =	sst s1  }
0xa: {  	[smem:$0x3FA2] =	sst s2  }
0xb: {  	[smem:$0x3FA3] =	sst s3  }
0xc: {  	[smem:$0x3FA4] =	sst s4  }
0xd: {  	[smem:$0x3FA5] =	sst s5  }
0xe: {  	[smem:$0x3FA6] =	sst s6  }
0xf: {  	[smem:$0x3FA7] =	sst s7  }
0x10: {  	[smem:$0x3FA8] =	sst s8  }
0x11: {  	[smem:$0x3FA9] =	sst s9;
	s0 =	simm.s32 @!p0 $0x0  }
0x12: {  	s1 =	sld [smem:$0x3F8F];
	s0 =	simm.s32 @p0 $0x1  }
0x13: {  	[smem:$0x3FAA] =	sst s0;
	s0 =	simm.s32 @!p1 $0x0  }
0x14: {  	s2 =	sld [smem:$0x3F8E];
	s0 =	simm.s32 @p1 $0x1  }
0x15: {  	[smem:$0x3FAB] =	sst s0;
	s0 =	simm.s32 @!p2 $0x0  }
0x16: {  	s3 =	sld [smem:$0x3FDB];
	s0 =	simm.s32 @p2 $0x1  }
0x17: {  	s4 =	simm.s32 $0x1BF5;
	[smem:$0x3FAD] =	sst s0  }
0x18: {  	s0 =	sld [smem:$0x3F90];
	_ =	swait.ge [sflag:s4], $0x0  }
0x19: {  	s7 =	sld [smem:$0x3F91]  }
0x1a: {  	s8 =	sadd.s32 $0xFFFFE003, lr  }
0x1b: {  	s9 =	sadd.s32 $0xFFFFFEF7, lr;
	s5 =	simm.s32 $0xFFFFFFFF;
	p2 =	slt.u32 s8, $0xFFFFF086  }
0x1c: {  	p1 =	slt.u32 s9, $0xF7A;
	s5 =	simm.s32 @!p2 $0x0  }
0x1d: {  	s5 =	simm.s32 @p1 $0x1;
	p0 =	seq.s32 s7, s2  }
0x1e: {  	s7 =	smul.u32 @!p0 $0xF7A, s2;
	p2 =	seq.s32 @!p0 s5, $0x0  }
0x1f: {  	s9 =	smul.u32 $0xF7A, s1;
	s8 =	simm.s32 @!p0 $0x1BF5;
	p2 =	por !p2, p0  }
0x20: {  	[sflag:s8] =	ssyncset.s32 @!p0 $0xFFFFF086;
	s6 =	sadd.s32 @!p0 s3, s7;
	s7 =	simm.s32 @!p0 $0x108  }
0x21: {  	s3 =	sadd.s32 s3, s9;
	s6 =	sadd.s32 @!p0 $0x88, s6;
	s7 =	simm.s32 @p2 $0x1082  }
0x22: {  	[simem:s7], [sflag:s8] =	dma.local @!p0 [hbm:s6], $0xF7A  }
0x23: {  	s9 =	sor.u32 $0xD0000000, s2;
	s6 =	simm.s32 $0x108;
	_ =	swait.ge @!p0 [sflag:s8], $0x0  }
0x24: {  	s3 =	sadd.s32 $0x88, s3;
	s6 =	simm.s32 @!p1 $0x1082;
	[sflag:s4] =	ssyncset.s32 $0xFFFFF086  }
0x25: {  	[simem:s6], [sflag:s4] =	dma.local [hbm:s3], $0xF7A  }
0x26: {  	[smem:$0x3F91] =	sst s1;
	(tag) =	ssettag s2;
	_ =	strace s9  }
0x27: {  	s1 =	sld [smem:$0x3FA1]  }
0x28: {  	s2 =	sld [smem:$0x3FA2]  }
0x29: {  	s4 =	sld [smem:$0x3FA4]  }
0x2a: {  	p0 =	seq.s32 s5, $0x0;
	s5 =	sld [smem:$0x3FA5]  }
0x2b: {  	s6 =	sld [smem:$0x3FA6]  }
0x2c: {  	s7 =	sld [smem:$0x3FA7]  }
0x2d: {  	s3 =	simm.s32 $0x108;
	s8 =	sld [smem:$0x3FA8]  }
0x2e: {  	s3 =	simm.s32 @!p0 $0x1082;
	s9 =	sld [smem:$0x3FA9]  }
0x2f: {  	lr =	sadd.s32 s0, s3;
	s0 =	sld [smem:$0x3FA0]  }
0x30: {  	s3 =	sld [smem:$0x3FA3]  }
0x31: {  	[smem:$0x3FAC] =	sst s10  }
0x32: {  	s10 =	sld [smem:$0x3FAA];
	_ =	sdelay $0x3  }
0x33: {  	p0 =	seq.s32 s10, $0x1;
	s10 =	sld [smem:$0x3FAC];
	_ =	sdelay $0x3  }
0x34: {  	[smem:$0x3FAC] =	sst s10  }
0x35: {  	s10 =	sld [smem:$0x3FAB];
	_ =	sdelay $0x3  }
0x36: {  	p1 =	seq.s32 s10, $0x1;
	s10 =	sld [smem:$0x3FAC];
	_ =	sdelay $0x3  }
0x37: {  	[smem:$0x3FAC] =	sst s10  }
0x38: {  	s10 =	sld [smem:$0x3FAD]  }
0x39: {  	_ = 	snop;
	(pc) =	sbr.ind lr, $3  }
0x3a: {  	_ = 	snop  }
0x3b: {  	_ = 	snop  }
0x3c: {  	p2 =	seq.s32 s10, $0x1;
	s10 =	sld [smem:$0x3FAC]  }
0x3d: {  	_ =	shalt  }
0x3e: {  	_ =	shalt  }
0x3f: {  	_ =	shalt  }
0x40: {  	_ =	shalt  }
0x41: {  	_ =	shalt  }
0x42: {  	_ =	shalt  }
0x43: {  	_ =	shalt  }
0x44: {  	_ =	shalt  }
0x45: {  	_ =	shalt  }
0x46: {  	_ =	shalt  }
0x47: {  	_ =	shalt  }
0x48: {  	_ =	shalt  }
0x49: {  	_ =	shalt  }
0x4a: {  	_ =	shalt  }
0x4b: {  	_ =	shalt  }
0x4c: {  	_ =	shalt  }
0x4d: {  	_ =	shalt  }
0x4e: {  	_ =	shalt  }
0x4f: {  	_ =	shalt  }
0x50: {  	_ =	shalt  }
0x51: {  	_ =	shalt  }
0x52: {  	_ =	shalt  }
0x53: {  	_ =	shalt  }
0x54: {  	_ =	shalt  }
0x55: {  	_ =	shalt  }
0x56: {  	_ =	shalt  }
0x57: {  	_ =	shalt  }
0x58: {  	_ =	shalt  }
0x59: {  	_ =	shalt  }
0x5a: {  	_ =	shalt  }
0x5b: {  	_ =	shalt  }
0x5c: {  	_ =	shalt  }
0x5d: {  	_ =	shalt  }
0x5e: {  	_ =	shalt  }
0x5f: {  	_ =	shalt  }
0x60: {  	_ =	shalt  }
0x61: {  	_ =	shalt  }
0x62: {  	_ =	shalt  }
0x63: {  	_ =	shalt  }
0x64: {  	_ =	shalt  }
0x65: {  	_ =	shalt  }
0x66: {  	_ =	shalt  }
0x67: {  	_ =	shalt  }
0x68: {  	_ =	shalt  }
0x69: {  	_ =	shalt  }
0x6a: {  	_ =	shalt  }
0x6b: {  	_ =	shalt  }
0x6c: {  	_ =	shalt  }
0x6d: {  	_ =	shalt  }
0x6e: {  	_ =	shalt  }
0x6f: {  	_ =	shalt  }
0x70: {  	_ =	shalt  }
0x71: {  	_ =	shalt  }
0x72: {  	_ =	shalt  }
0x73: {  	_ =	shalt  }
0x74: {  	_ =	shalt  }
0x75: {  	_ =	shalt  }
0x76: {  	_ =	shalt  }
0x77: {  	_ =	shalt  }
0x78: {  	_ =	shalt  }
0x79: {  	_ =	shalt  }
0x7a: {  	_ =	shalt  }
0x7b: {  	_ =	shalt  }
0x7c: {  	_ =	shalt  }
0x7d: {  	_ =	shalt  }
0x7e: {  	_ =	shalt  }
0x7f: {  	_ =	shalt  }
0x80: {  	_ =	shalt  }
0x81: {  	_ =	shalt  }
0x82: {  	_ =	shalt  }
0x83: {  	_ =	shalt  }
0x84: {  	_ =	shalt  }
0x85: {  	_ =	shalt  }
0x86: {  	_ =	shalt  }
0x87: {  	_ =	shalt  }
.Lfunc_end0:
.L_simem_size_0:
called_computation_lowered:
.L_overlay_start_0:
0x88: {  	s2 =	sld [smem:$0x3FD9]  }
0x89: {  	s3 =	sld [smem:$0x3FFE];
	_ =	sdelay $0x1  }
0x8a: {  	s1 =	srdreg.scid  }
0x8b: {  	s0 =	sand.u32 $0x1, s1  }
0x8c: {  	s17 =	sshll.u32 s0, $0xA;
	s2 =	sadd.s32 s3, s2  }
0x8d: {  	s2 =	sadd.s32 s2, s17  }
0x8e: {  	[smem:$0x3FB8] =	sst s2  }
0x8f: {  	_ = 	snop  }
0x90: {  	s2 =	sld [smem:$0x3FC9]  }
0x91: {  	s18 =	sld [smem:$0x3FC8]  }
0x92: {  	s4 =	sld [smem:$0x3FD0];
	(tm) =	ssettm $0x1  }
0x93: {  	s5 =	sld [smem:$0x3FFB];
	_ =	sdelay $0x3  }
0x94: {  	_ =	strace s5  }
0x95: {  	s5 =	sld [smem:$0x3FFC];
	_ =	sdelay $0x3  }
0x96: {  	_ =	strace s5  }
0x97: {  	s5 =	sld [smem:$0x3FFD];
	_ =	sdelay $0x3  }
0x98: {  	_ =	strace s5  }
0x99: {  	_ =	strace $0x8FFFFFFF  }
0x9a: {  	s19 =	sld [smem:$0x3FDB];
	_ =	sdelay $0x1  }
0x9b: {  	s6 =	simm.s32 $_scs_section_size  }
0x9c: {  	s7 =	simm.s32 $_size__tile_overlayer_lowered;
	s8 =	simm.s32 $_tile_overlayer_lowered  }
0x9d: {  	s22 =	simm.s32 $0x1BFF;
	s21 =	sshll.u32 s8, $0x1;
	s5 =	sadd.s32 s6, s19  }
0x9e: {  	s9 =	simm.s32 $0x0;
	s20 =	sshll.u32 s7, $0x1;
	s7 =	sadd.s32 s21, s5  }
0x9f: {  	[timem:s9], [sflag:s22] =	dma.local [hbm:s7], s20  }
0xa0: {  	_ =	swait.ge [sflag:s22], s20  }
0xa1: {  	s6 =	ssub.s32 $0x0, s20;
	[sflag:s22] =	ssyncset.done $0x0  }
0xa2: {  	[sflag:s22] =	ssyncadd.s32 s6;
	_ =	sdelay $0x1  }
0xa3: {  	s23 =	simm.s32 $0x1B8B  }
0xa4: {  	_ =	swait.ge [sflag:s23], $0x1  }
0xa5: {  	[sflag:s23] =	ssyncset.done $0x0  }
0xa6: {  	s25 =	simm.s32 $0x1B8E;
	s24 =	sld [smem:$0x3FFE];
	[sflag:s23] =	ssyncadd.s32 $0xFFFFFFFF  }
0xa7: {  	s26 =	simm.s32 $execute0_lowered;
	[smem:$0x3FD2] =	sst s25  }
0xa8: {  	s7 =	sshll.u32 s26, $0x1;
	_ =	strace $0x80000046;
	[dreg:$0x1] =	wrdreg $0xFFFFFFFF  }
0xa9: {  	s28 =	simm.s32 $_size_execute0_lowered;
	s5 =	sadd.s32 s5, s7;
	[dreg:$0x0] =	wrdreg $0x0  }
0xaa: {  	s7 =	sshll.u32 s28, $0x1;
	[dreg:$0x2] =	wrdreg s5  }
0xab: {  	[dreg:$0x3] =	wrdreg s7  }
0xac: {  	[dreg:$0x4] =	wrdreg $0xC0  }
0xad: {  	_ =	task [dreg:s9], $0x5FFFF  }
0xae: {  	[dreg:$0x1] =	wrdreg $0xFFFFFFFF  }
0xaf: {  	[dreg:$0x0] =	wrdreg $0x60  }
0xb0: {  	[dreg:$0x2] =	wrdreg s2  }
0xb1: {  	[dreg:$0x3] =	wrdreg s18  }
0xb2: {  	[dreg:$0x4] =	wrdreg s24  }
0xb3: {  	[dreg:$0x5] =	wrdreg s4  }
0xb4: {  	[dreg:$0x6] =	wrdreg $0x9  }
0xb5: {  	_ =	task.clear_ibuf [dreg:s9], $0x7FFFF;
	_ =	strace $0x90000046  }
0xb6: {  	s29 =	simm.s32 $0x9;
	_ =	strace $0x80000048  }
0xb7: {  	_ =	swait.ge [sflag:s29], $0x1  }
0xb8: {  	[sflag:s29] =	ssyncadd.s32 $0xFFFFFFFF  }
0xb9: {  	_ =	strace $0x90000048  }
0xba: {  	_ =	sfence  }
0xbb: {  	s30 =	sld [smem:$0x0];
	_ =	sdelay $0x2  }
0xbc: {  	s31 =	sshll.u32 s1, $0xD;
	s1 =	sshrl.u32 s1, $0x2  }
0xbd: {  	s3 =	sand.u32 $0x4000, s31;
	s1 =	sadd.s32 s1, s30  }
0xbe: {  	s0 =	sor.u32 s3, s0;
	s1 =	sshll.u32 s1, $0x11  }
0xbf: {  	s0 =	sor.u32 s1, s0  }
0xc0: {  	s0 =	sadd.s32 $0x8F2B, s0  }
0xc1: {  	[sflag:s0] =	ssyncadd.remote.s32 $0x1  }
0xc2: {  	_ =	sfence.sel $0xFFFF  }
0xc3: {  	[dreg:$0x0] =	wrdreg $0xFFFFFFFF;
	(pc) =	sbr.abs _section_cstart, $3  }
0xc4: {  	[dreg:$0x1] =	wrdreg $0xFFFFFFFF  }
0xc5: {  	_ =	task.clear_ibuf [dreg:s9], $0x2FFFF;
	_ =	strace $0x9FFFFFFF  }
0xc6: {  	(tm) =	ssettm $0x7FFFFFFF  }
0xc7: {  	_ =	shalt  }
tec
execute0_lowered:
.L_overlay_start_1:
0x0: {  	(tag) =	ssettag $0x1  }
0x1: {  	s5 =	rddreg [dreg:$0x0]  }
0x2: {  	s6 =	rddreg [dreg:$0x1]  }
0x3: {  	s3 =	rddreg [dreg:$0x2]  }
0x4: {  	s4 =	rddreg [dreg:$0x3]  }
0x5: {  	s0 =	rddreg [dreg:$0x4];
	s7 =	srdreg.scid  }
0x6: {  	s2 =	simm.s32 $0x0;
	s1 =	stileid.u32;
	s12 =	simm.s32 $0x1  }
0x7: {  	s13 =	simm.s32 $0x80;
	s14 =	simm.s32 $0x400;
	s15 =	simm.s32 $0x600  }
0x8: {  	s16 =	simm.s32 $0x480;
	s17 =	simm.s32 $0xE00;
	s18 =	simm.s32 $0x500  }
0x9: {  	s19 =	simm.s32 $0x1600;
	s20 =	simm.s32 $0x580;
	s21 =	simm.s32 $0x1E00  }
0xa: {  	s22 =	simm.s32 $0x2;
	s7 =	sand.u32 $0x1, s7;
	[smem:$0x7FF] =	sst s2  }
0xb: {  	s8 =	sshll.u32 s1, $0xA;
	s3 =	sadd.s32 $0x2200, s3;
	s9 =	sshll.u32 s7, $0x9  }
0xc: {  	_ =	strace $0x80000047;
	s7 =	ssub.s32 $0x2, s7;
	s8 =	sor.u32 s9, s8  }
0xd: {  	s30 =	sshrl.u32 s7, $0x1;
	s10 =	sshll.u32 s8, $0x1;
	s31 =	sshrl.u32 s8, $0x3  }
0xe: {  	s11 =	ssub.s32 s7, s30;
	s4 =	sadd.s32 s4, s10;
	s5 =	sadd.s32 s5, s31  }
0xf: {  	s6 =	sadd.s32 s6, s31;
	s10 =	smax.u32 s11, $0x1;
	s11 =	simm.s32 $0x200  }
0x10: {  	v0 =	vimm.s32 $0x0;
	s7 =	sadd.s32 $0x100, s4;
	s8 =	sadd.s32 $0x200, s4;
	s9 =	sadd.s32 $0x300, s4  }
.LBB2_1:
0x11: {  	[tilespmem:s2], [sflag:$0x1] =	stream.linear.gather [hbm4b:s5+s2], $0x200, $0x38;
	[tilespmem:$0x2600] =	vst v63  }
0x12: {  	_ = 	snop  }
0x13: {  	[tilespmem:s11], [sflag:$0x1] =	stream.linear.gather [hbm4b:s6+s2], $0x200, $0x38;
	[tilespmem:$0x2600] =	vst v63  }
0x14: {  	_ =	swait.ge [sflag:s12], $0x200  }
0x15: {  	[sflag:s12] =	ssyncset.done $0x0  }
0x16: {  	[sflag:s12] =	ssyncadd.s32 $0xFFFFFE00  }
0x17: {  	_ =	swait.ge [sflag:s12], $0x200  }
0x18: {  	[sflag:s12] =	ssyncset.done $0x0  }
0x19: {  	[sflag:s12] =	ssyncadd.s32 $0xFFFFFE00  }
0x1a: {  	v1 =	vld [tilespmem:$0x200];
	_ =	sdelay $0x3  }
0x1b: {  	v5 =	vld [tilespmem:$0x210]  }
0x1c: {  	v49 =	vld [tilespmem:$0x20];
	vm0 =	vge.f32 v1, $1.000000000e+00  }
0x1d: {  	v61 =	vld [tilespmem:$0x30];
	vm1 =	vge.f32 v1, $1.100000000e+01;
	vm14 =	vge.f32 v1, $2.100000000e+01;
	vm15 =	vge.f32 v1, $3.100000000e+01  }
0x1e: {  	v21 =	vld [tilespmem:$0x40];
	vm4 =	vge.f32 v1, $4.100000000e+01;
	vm5 =	vge.f32 v1, $5.100000000e+01;
	vm6 =	vge.f32 v1, $6.100000000e+01  }
0x1f: {  	vm7 =	vge.f32 v1, $7.100000000e+01;
	vm8 =	vge.f32 v1, $8.100000000e+01;
	vm9 =	vge.f32 v1, $9.100000000e+01  }
0x20: {  	vm10 =	vge.f32 v5, $1.000000000e+00;
	vm11 =	vge.f32 v5, $1.100000000e+01;
	vm13 =	vge.f32 v5, $2.100000000e+01  }
0x21: {  	v56 =	vshll.u32 v49, $0x3;
	v2 =	vsel vm0, $0x1, v0;
	v3 =	vsel vm1, $0x1, v0  }
0x22: {  	v15 =	vshll.u32 v61, $0x3;
	v2 =	vadd.s32 v3, v2;
	v3 =	vsel vm14, $0x1, v0  }
0x23: {  	v29 =	vshll.u32 v21, $0x3;
	v2 =	vadd.s32 v3, v2;
	v3 =	vsel vm15, $0x1, v0  }
0x24: {  	vm14 =	vge.f32 v5, $3.100000000e+01;
	v2 =	vadd.s32 v3, v2;
	v3 =	vsel vm4, $0x1, v0  }
0x25: {  	vm15 =	vge.f32 v5, $4.100000000e+01;
	v2 =	vadd.s32 v3, v2;
	v3 =	vsel vm5, $0x1, v0  }
0x26: {  	v6 =	vld [tilespmem:$0x220];
	vm4 =	vge.f32 v5, $5.100000000e+01;
	v2 =	vadd.s32 v3, v2;
	v3 =	vsel vm6, $0x1, v0  }
0x27: {  	v4 =	vld [tilespmem:$0x0];
	vm5 =	vge.f32 v5, $6.100000000e+01;
	v2 =	vadd.s32 v3, v2;
	v3 =	vsel vm7, $0x1, v0  }
0x28: {  	v8 =	vld [tilespmem:$0x230];
	vm6 =	vge.f32 v5, $7.100000000e+01;
	v2 =	vadd.s32 v3, v2;
	v3 =	vsel vm8, $0x1, v0  }
0x29: {  	vm7 =	vge.f32 v5, $8.100000000e+01;
	vm8 =	vge.f32 v5, $9.100000000e+01;
	v1 =	vadd.s32 v3, v2  }
0x2a: {  	v2 =	vsel vm9, $0x1, v0;
	v3 =	vsel vm10, $0x1, v0;
	v7 =	vsel vm8, $0x1, v0  }
0x2b: {  	v9 =	vld [tilespmem:$0x240];
	vm9 =	vge.f32 v6, $1.000000000e+00;
	vm10 =	vge.f32 v6, $1.100000000e+01;
	v1 =	vadd.s32 v2, v1  }
0x2c: {  	v2 =	vshll.u32 v4, $0x3;
	v44 =	vsel vm9, $0x1, v0;
	v45 =	vsel vm10, $0x1, v0  }
0x2d: {  	vm9 =	vge.f32 v8, $1.000000000e+00;
	vm10 =	vge.f32 v8, $1.100000000e+01;
	v2 =	vadd.s32 v2, v1  }
0x2e: {  	v24 =	vld [tilespmem:$0x250];
	vm12 =	vgt.u32 v1, $0x7;
	v1 =	vsel vm11, $0x1, v0;
	vm11 =	vge.f32 v6, $2.100000000e+01  }
0x2f: {  	v4 =	vadd.s32 v45, v44;
	v57 =	vsel vm9, $0x1, v0;
	v58 =	vsel vm10, $0x1, v0  }
0x30: {  	vm10 =	vge.f32 v9, $2.100000000e+01;
	v1 =	vadd.s32 v1, v3;
	v3 =	vsel vm13, $0x1, v0  }
0x31: {  	v43 =	vsel vm12, $0x338, v0;
	v46 =	vsel vm11, $0x1, v0;
	vm12 =	vge.f32 v6, $3.100000000e+01  }
0x32: {  	vm13 =	vge.f32 v6, $4.100000000e+01;
	vm11 =	vge.f32 v8, $2.100000000e+01;
	v5 =	vadd.s32 v58, v57  }
0x33: {  	v18 =	vsel vm10, $0x1, v0;
	vm10 =	vge.f32 v24, $4.100000000e+01;
	v1 =	vadd.s32 v3, v1  }
0x34: {  	v3 =	vsel vm14, $0x1, v0;
	v4 =	vadd.s32 v46, v4;
	v47 =	vsel vm12, $0x1, v0  }
0x35: {  	v48 =	vsel vm13, $0x1, v0;
	vm14 =	vge.f32 v6, $5.100000000e+01;
	v59 =	vsel vm11, $0x1, v0  }
0x36: {  	vm12 =	vge.f32 v8, $3.100000000e+01;
	vm13 =	vge.f32 v8, $4.100000000e+01;
	vm11 =	vge.f32 v9, $3.100000000e+01  }
0x37: {  	v34 =	vsel vm10, $0x1, v0;
	v1 =	vadd.s32 v3, v1;
	v3 =	vsel vm15, $0x1, v0  }
0x38: {  	v4 =	vadd.s32 v47, v4;
	v50 =	vsel vm14, $0x1, v0;
	vm15 =	vge.f32 v6, $6.100000000e+01  }
0x39: {  	v5 =	vadd.s32 v59, v5;
	v60 =	vsel vm12, $0x1, v0;
	v62 =	vsel vm13, $0x1, v0  }
0x3a: {  	vm14 =	vge.f32 v8, $5.100000000e+01;
	v19 =	vsel vm11, $0x1, v0;
	vm12 =	vge.f32 v9, $4.100000000e+01  }
0x3b: {  	vm13 =	vge.f32 v9, $5.100000000e+01;
	vm11 =	vge.f32 v24, $5.100000000e+01;
	v1 =	vadd.s32 v3, v1  }
0x3c: {  	v3 =	vsel vm4, $0x1, v0;
	v4 =	vadd.s32 v48, v4;
	v51 =	vsel vm15, $0x1, v0  }
0x3d: {  	vm4 =	vge.f32 v6, $7.100000000e+01;
	v5 =	vadd.s32 v60, v5;
	v63 =	vsel vm14, $0x1, v0  }
0x3e: {  	vm15 =	vge.f32 v8, $6.100000000e+01;
	v20 =	vsel vm12, $0x1, v0;
	v22 =	vsel vm13, $0x1, v0  }
0x3f: {  	vm14 =	vge.f32 v9, $6.100000000e+01;
	v35 =	vsel vm11, $0x1, v0;
	vm12 =	vge.f32 v24, $6.100000000e+01  }
0x40: {  	vm13 =	vge.f32 v24, $7.100000000e+01;
	v1 =	vadd.s32 v3, v1;
	v3 =	vsel vm5, $0x1, v0  }
0x41: {  	v4 =	vadd.s32 v50, v4;
	v52 =	vsel vm4, $0x1, v0;
	vm5 =	vge.f32 v6, $8.100000000e+01  }
0x42: {  	v5 =	vadd.s32 v62, v5;
	v10 =	vsel vm15, $0x1, v0;
	vm4 =	vge.f32 v8, $7.100000000e+01  }
0x43: {  	v23 =	vsel vm14, $0x1, v0;
	vm15 =	vge.f32 v9, $7.100000000e+01;
	v36 =	vsel vm12, $0x1, v0  }
0x44: {  	v37 =	vsel vm13, $0x1, v0;
	vm14 =	vge.f32 v24, $8.100000000e+01;
	v1 =	vadd.s32 v3, v1  }
0x45: {  	v3 =	vsel vm6, $0x1, v0;
	v4 =	vadd.s32 v51, v4;
	v53 =	vsel vm5, $0x1, v0  }
0x46: {  	vm6 =	vge.f32 v6, $9.100000000e+01;
	v5 =	vadd.s32 v63, v5;
	v11 =	vsel vm4, $0x1, v0  }
0x47: {  	vm5 =	vge.f32 v8, $8.100000000e+01;
	v25 =	vsel vm15, $0x1, v0;
	vm4 =	vge.f32 v9, $8.100000000e+01  }
0x48: {  	v38 =	vsel vm14, $0x1, v0;
	vm15 =	vge.f32 v24, $9.100000000e+01;
	v1 =	vadd.s32 v3, v1  }
0x49: {  	v42 =	vld [tilespmem:$0x10];
	v3 =	vsel vm7, $0x1, v0;
	v4 =	vadd.s32 v52, v4;
	v54 =	vsel vm6, $0x1, v0  }
0x4a: {  	v5 =	vadd.s32 v10, v5;
	v12 =	vsel vm5, $0x1, v0;
	vm6 =	vge.f32 v8, $9.100000000e+01  }
0x4b: {  	v26 =	vsel vm4, $0x1, v0;
	vm5 =	vge.f32 v9, $9.100000000e+01;
	v40 =	vsel vm15, $0x1, v0  }
0x4c: {  	v3 =	vadd.s32 v3, v1;
	v1 =	vadd.s32 v43, v2;
	v5 =	vadd.s32 v11, v5  }
0x4d: {  	v14 =	vsel vm6, $0x1, v0;
	v28 =	vsel vm5, $0x1, v0;
	vm6 =	vge.f32 v24, $1.000000000e+00  }
0x4e: {  	v10 =	vld [tilespmem:$0x50];
	v2 =	vadd.s32 v7, v3;
	v3 =	vshll.u32 v42, $0x3;
	v13 =	vadd.s32 v12, v5  }
0x4f: {  	v11 =	vld [tilespmem:$0x260];
	v3 =	vadd.s32 v3, v2;
	vm7 =	vgt.u32 v2, $0x7;
	v2 =	vadd.s32 v53, v4  }
0x50: {  	v30 =	vsel vm6, $0x1, v0;
	v55 =	vsel vm7, $0x338, v0;
	v4 =	vadd.s32 v54, v2  }
0x51: {  	vm7 =	vge.f32 v9, $1.000000000e+00;
	v2 =	vadd.s32 v55, v3;
	v3 =	vadd.s32 v56, v4  }
0x52: {  	vm8 =	vgt.u32 v4, $0x7;
	v16 =	vsel vm7, $0x1, v0;
	vm7 =	vge.f32 v24, $1.100000000e+01  }
0x53: {  	v42 =	vshll.u32 v10, $0x3;
	v4 =	vsel vm8, $0x338, v0;
	vm8 =	vge.f32 v9, $1.100000000e+01  }
0x54: {  	v31 =	vsel vm7, $0x1, v0;
	vm6 =	vge.f32 v11, $1.000000000e+00;
	vm7 =	vge.f32 v11, $1.100000000e+01  }
0x55: {  	vm10 =	vge.f32 v11, $4.100000000e+01;
	vm11 =	vge.f32 v11, $5.100000000e+01;
	vm12 =	vge.f32 v11, $6.100000000e+01  }
0x56: {  	v49 =	vld [tilespmem:$0x270];
	vm13 =	vge.f32 v11, $7.100000000e+01;
	vm14 =	vge.f32 v11, $8.100000000e+01;
	vm15 =	vge.f32 v11, $9.100000000e+01  }
0x57: {  	v3 =	vadd.s32 v4, v3;
	v4 =	vadd.s32 v14, v13;
	v17 =	vsel vm8, $0x1, v0  }
0x58: {  	vm8 =	vge.f32 v24, $2.100000000e+01;
	v7 =	vadd.s32 v31, v30;
	v43 =	vsel vm6, $0x1, v0  }
0x59: {  	v44 =	vsel vm7, $0x1, v0;
	v47 =	vsel vm10, $0x1, v0;
	v48 =	vsel vm11, $0x1, v0  }
0x5a: {  	v50 =	vsel vm12, $0x1, v0;
	v51 =	vsel vm13, $0x1, v0;
	v52 =	vsel vm14, $0x1, v0  }
0x5b: {  	v54 =	vsel vm15, $0x1, v0;
	vm6 =	vge.f32 v49, $2.100000000e+01;
	vm7 =	vge.f32 v49, $3.100000000e+01  }
0x5c: {  	vm10 =	vge.f32 v49, $6.100000000e+01;
	vm11 =	vge.f32 v49, $7.100000000e+01;
	vm12 =	vge.f32 v49, $8.100000000e+01  }
0x5d: {  	vm13 =	vge.f32 v49, $9.100000000e+01;
	v5 =	vadd.s32 v15, v4;
	vm9 =	vgt.u32 v4, $0x7  }
0x5e: {  	v4 =	vadd.s32 v17, v16;
	v32 =	vsel vm8, $0x1, v0;
	vm8 =	vge.f32 v11, $2.100000000e+01  }
0x5f: {  	v8 =	vadd.s32 v44, v43;
	v4 =	vadd.s32 v18, v4;
	v27 =	vsel vm9, $0x338, v0  }
0x60: {  	vm9 =	vge.f32 v24, $3.100000000e+01;
	v7 =	vadd.s32 v32, v7;
	v45 =	vsel vm8, $0x1, v0  }
0x61: {  	v4 =	vadd.s32 v19, v4;
	v33 =	vsel vm9, $0x1, v0;
	vm9 =	vge.f32 v11, $3.100000000e+01  }
0x62: {  	v8 =	vadd.s32 v45, v8;
	v4 =	vadd.s32 v20, v4;
	v7 =	vadd.s32 v33, v7  }
0x63: {  	v46 =	vsel vm9, $0x1, v0;
	v4 =	vadd.s32 v22, v4;
	v7 =	vadd.s32 v34, v7  }
0x64: {  	v8 =	vadd.s32 v46, v8;
	v4 =	vadd.s32 v23, v4;
	v7 =	vadd.s32 v35, v7  }
0x65: {  	v8 =	vadd.s32 v47, v8;
	v4 =	vadd.s32 v25, v4;
	v7 =	vadd.s32 v36, v7  }
0x66: {  	v8 =	vadd.s32 v48, v8;
	v4 =	vadd.s32 v26, v4;
	v7 =	vadd.s32 v37, v7  }
0x67: {  	v8 =	vadd.s32 v50, v8;
	v4 =	vadd.s32 v28, v4;
	v39 =	vadd.s32 v38, v7  }
0x68: {  	v6 =	vadd.s32 v29, v4;
	vm4 =	vgt.u32 v4, $0x7;
	v4 =	vadd.s32 v40, v39  }
0x69: {  	v41 =	vsel vm4, $0x338, v0;
	v7 =	vadd.s32 v42, v4;
	vm5 =	vgt.u32 v4, $0x7  }
0x6a: {  	v12 =	vld [tilespmem:$0x70];
	vm4 =	vge.f32 v49, $1.000000000e+00;
	v4 =	vsel vm5, $0x338, v0;
	vm5 =	vge.f32 v49, $1.100000000e+01  }
0x6b: {  	v8 =	vadd.s32 v51, v8;
	v55 =	vsel vm4, $0x1, v0;
	v56 =	vsel vm5, $0x1, v0  }
0x6c: {  	v59 =	vld [tilespmem:$0x60];
	v57 =	vsel vm6, $0x1, v0;
	v53 =	vadd.s32 v52, v8;
	v8 =	vadd.s32 v56, v55  }
0x6d: {  	v58 =	vsel vm7, $0x1, v0;
	vm8 =	vge.f32 v49, $4.100000000e+01;
	v8 =	vadd.s32 v57, v8  }
0x6e: {  	v60 =	vsel vm8, $0x1, v0;
	vm9 =	vge.f32 v49, $5.100000000e+01;
	v8 =	vadd.s32 v58, v8  }
0x6f: {  	[tilespmem:$0x400] =	vst v1;
	v9 =	vshll.u32 v12, $0x3;
	v61 =	vsel vm9, $0x1, v0;
	v8 =	vadd.s32 v60, v8  }
0x70: {  	[tilespmem:$0x410] =	vst v2;
	v62 =	vsel vm10, $0x1, v0;
	v63 =	vsel vm11, $0x1, v0;
	v8 =	vadd.s32 v61, v8  }
0x71: {  	v2 =	vsel vm12, $0x1, v0;
	[tilespmem:$0x420] =	vst v3;
	v3 =	vshll.u32 v59, $0x3;
	v1 =	vadd.s32 v62, v8  }
0x72: {  	v5 =	vadd.s32 v27, v5;
	v4 =	vadd.s32 v4, v7;
	v1 =	vadd.s32 v63, v1  }
0x73: {  	v7 =	vadd.s32 v54, v53;
	v1 =	vadd.s32 v2, v1;
	v2 =	vsel vm13, $0x1, v0  }
0x74: {  	[tilespmem:$0x430] =	vst v5;
	v6 =	vadd.s32 v41, v6;
	vm14 =	vgt.u32 v7, $0x7;
	v1 =	vadd.s32 v2, v1  }
0x75: {  	[tilespmem:$0x440] =	vst v6;
	v3 =	vadd.s32 v3, v7;
	v2 =	vsel vm14, $0x338, v0;
	vm15 =	vgt.u32 v1, $0x7  }
0x76: {  	[tilespmem:$0x450] =	vst v4;
	v2 =	vadd.s32 v2, v3;
	v1 =	vadd.s32 v9, v1;
	v3 =	vsel vm15, $0x338, v0  }
0x77: {  	[tilespmem:$0x460] =	vst v2;
	v1 =	vadd.s32 v3, v1  }
0x78: {  	[tilespmem:$0x470] =	vst v1  }
0x79: {  	[tilespmem:s15], [sflag:$0x2] =	stream.indirect.gather [hbm4b:s3+s13], $0x10, s14, s13, $0xb8;
	[tilespmem:$0x2600] =	vst v63  }
0x7a: {  	v1 =	vld [tilespmem:$0x280];
	_ =	sdelay $0x2  }
0x7b: {  	v11 =	vld [tilespmem:$0x290]  }
0x7c: {  	v21 =	vld [tilespmem:$0xA0]  }
0x7d: {  	v34 =	vld [tilespmem:$0xB0];
	vm4 =	vge.f32 v1, $1.000000000e+00  }
0x7e: {  	v49 =	vld [tilespmem:$0xC0];
	vm5 =	vge.f32 v1, $1.100000000e+01;
	vm6 =	vge.f32 v1, $2.100000000e+01;
	vm7 =	vge.f32 v1, $3.100000000e+01  }
0x7f: {  	vm8 =	vge.f32 v1, $4.100000000e+01;
	vm9 =	vge.f32 v1, $5.100000000e+01;
	vm10 =	vge.f32 v1, $6.100000000e+01  }
0x80: {  	vm11 =	vge.f32 v1, $7.100000000e+01;
	vm12 =	vge.f32 v1, $8.100000000e+01;
	vm13 =	vge.f32 v1, $9.100000000e+01  }
0x81: {  	vm14 =	vge.f32 v11, $1.000000000e+00;
	vm15 =	vge.f32 v11, $1.100000000e+01;
	v29 =	vshll.u32 v21, $0x3  }
0x82: {  	v43 =	vshll.u32 v34, $0x3;
	v2 =	vsel vm4, $0x1, v0;
	v3 =	vsel vm5, $0x1, v0  }
0x83: {  	v57 =	vshll.u32 v49, $0x3;
	v2 =	vadd.s32 v3, v2;
	v3 =	vsel vm6, $0x1, v0  }
0x84: {  	vm5 =	vge.f32 v11, $2.100000000e+01;
	v2 =	vadd.s32 v3, v2;
	v3 =	vsel vm7, $0x1, v0  }
0x85: {  	vm6 =	vge.f32 v11, $3.100000000e+01;
	v2 =	vadd.s32 v3, v2;
	v3 =	vsel vm8, $0x1, v0  }
0x86: {  	vm7 =	vge.f32 v11, $4.100000000e+01;
	v2 =	vadd.s32 v3, v2;
	v3 =	vsel vm9, $0x1, v0  }
0x87: {  	v13 =	vld [tilespmem:$0x2A0];
	vm8 =	vge.f32 v11, $5.100000000e+01;
	v2 =	vadd.s32 v3, v2;
	v3 =	vsel vm10, $0x1, v0  }
0x88: {  	v10 =	vld [tilespmem:$0x80];
	vm9 =	vge.f32 v11, $6.100000000e+01;
	v2 =	vadd.s32 v3, v2;
	v3 =	vsel vm11, $0x1, v0  }
0x89: {  	v25 =	vld [tilespmem:$0x2B0];
	vm10 =	vge.f32 v11, $7.100000000e+01;
	v2 =	vadd.s32 v3, v2;
	v3 =	vsel vm12, $0x1, v0  }
0x8a: {  	vm11 =	vge.f32 v11, $8.100000000e+01;
	vm12 =	vge.f32 v11, $9.100000000e+01;
	v1 =	vadd.s32 v3, v2  }
0x8b: {  	v2 =	vsel vm13, $0x1, v0;
	v3 =	vsel vm14, $0x1, v0;
	v15 =	vsel vm12, $0x1, v0  }
0x8c: {  	v37 =	vld [tilespmem:$0x2C0];
	vm13 =	vge.f32 v13, $1.000000000e+00;
	vm14 =	vge.f32 v13, $1.100000000e+01;
	v1 =	vadd.s32 v2, v1  }
0x8d: {  	v2 =	vshll.u32 v10, $0x3;
	v16 =	vsel vm13, $0x1, v0;
	v17 =	vsel vm14, $0x1, v0  }
0x8e: {  	vm13 =	vge.f32 v25, $1.000000000e+00;
	vm14 =	vge.f32 v25, $1.100000000e+01;
	v2 =	vadd.s32 v2, v1  }
0x8f: {  	v52 =	vld [tilespmem:$0x2D0];
	vm4 =	vgt.u32 v1, $0x7;
	v1 =	vsel vm15, $0x1, v0;
	vm15 =	vge.f32 v13, $2.100000000e+01  }
0x90: {  	v4 =	vadd.s32 v17, v16;
	v30 =	vsel vm13, $0x1, v0;
	v31 =	vsel vm14, $0x1, v0  }
0x91: {  	vm14 =	vge.f32 v37, $2.100000000e+01;
	v1 =	vadd.s32 v1, v3;
	v3 =	vsel vm5, $0x1, v0  }
0x92: {  	v14 =	vsel vm4, $0x338, v0;
	v18 =	vsel vm15, $0x1, v0;
	vm4 =	vge.f32 v13, $3.100000000e+01  }
0x93: {  	vm5 =	vge.f32 v13, $4.100000000e+01;
	vm15 =	vge.f32 v25, $2.100000000e+01;
	v5 =	vadd.s32 v31, v30  }
0x94: {  	v46 =	vsel vm14, $0x1, v0;
	vm14 =	vge.f32 v52, $4.100000000e+01;
	v1 =	vadd.s32 v3, v1  }
0x95: {  	v3 =	vsel vm6, $0x1, v0;
	v4 =	vadd.s32 v18, v4;
	v19 =	vsel vm4, $0x1, v0  }
0x96: {  	v20 =	vsel vm5, $0x1, v0;
	vm6 =	vge.f32 v13, $5.100000000e+01;
	v32 =	vsel vm15, $0x1, v0  }
0x97: {  	vm4 =	vge.f32 v25, $3.100000000e+01;
	vm5 =	vge.f32 v25, $4.100000000e+01;
	vm15 =	vge.f32 v37, $3.100000000e+01  }
0x98: {  	v62 =	vsel vm14, $0x1, v0;
	v1 =	vadd.s32 v3, v1;
	v3 =	vsel vm7, $0x1, v0  }
0x99: {  	v4 =	vadd.s32 v19, v4;
	v22 =	vsel vm6, $0x1, v0;
	vm7 =	vge.f32 v13, $6.100000000e+01  }
0x9a: {  	v5 =	vadd.s32 v32, v5;
	v33 =	vsel vm4, $0x1, v0;
	v35 =	vsel vm5, $0x1, v0  }
0x9b: {  	vm6 =	vge.f32 v25, $5.100000000e+01;
	v47 =	vsel vm15, $0x1, v0;
	vm4 =	vge.f32 v37, $4.100000000e+01  }
0x9c: {  	v63 =	vld [tilespmem:$0xD0];
	vm5 =	vge.f32 v37, $5.100000000e+01;
	vm15 =	vge.f32 v52, $5.100000000e+01;
	v1 =	vadd.s32 v3, v1  }
0x9d: {  	v3 =	vsel vm8, $0x1, v0;
	v4 =	vadd.s32 v20, v4;
	v23 =	vsel vm7, $0x1, v0  }
0x9e: {  	vm8 =	vge.f32 v13, $7.100000000e+01;
	v5 =	vadd.s32 v33, v5;
	v36 =	vsel vm6, $0x1, v0  }
0x9f: {  	vm7 =	vge.f32 v25, $6.100000000e+01;
	v48 =	vsel vm4, $0x1, v0;
	v50 =	vsel vm5, $0x1, v0  }
0xa0: {  	vm6 =	vge.f32 v37, $6.100000000e+01;
	vm4 =	vge.f32 v52, $6.100000000e+01;
	vm5 =	vge.f32 v52, $7.100000000e+01  }
0xa1: {  	v20 =	vshll.u32 v63, $0x3;
	v1 =	vadd.s32 v3, v1;
	v3 =	vsel vm9, $0x1, v0  }
0xa2: {  	v4 =	vadd.s32 v22, v4;
	v24 =	vsel vm8, $0x1, v0;
	vm9 =	vge.f32 v13, $8.100000000e+01  }
0xa3: {  	v5 =	vadd.s32 v35, v5;
	v38 =	vsel vm7, $0x1, v0;
	vm8 =	vge.f32 v25, $7.100000000e+01  }
0xa4: {  	v51 =	vsel vm6, $0x1, v0;
	vm7 =	vge.f32 v37, $7.100000000e+01;
	vm6 =	vge.f32 v52, $8.100000000e+01  }
0xa5: {  	v1 =	vadd.s32 v3, v1;
	v3 =	vsel vm10, $0x1, v0;
	v4 =	vadd.s32 v23, v4  }
0xa6: {  	v26 =	vsel vm9, $0x1, v0;
	vm10 =	vge.f32 v13, $9.100000000e+01;
	v5 =	vadd.s32 v36, v5  }
0xa7: {  	v39 =	vsel vm8, $0x1, v0;
	vm9 =	vge.f32 v25, $8.100000000e+01;
	v53 =	vsel vm7, $0x1, v0  }
0xa8: {  	vm8 =	vge.f32 v37, $8.100000000e+01;
	v13 =	vsel vm4, $0x1, v0;
	v16 =	vsel vm6, $0x1, v0  }
0xa9: {  	vm7 =	vge.f32 v52, $9.100000000e+01;
	v1 =	vadd.s32 v3, v1;
	v3 =	vsel vm11, $0x1, v0  }
0xaa: {  	v12 =	vld [tilespmem:$0x90];
	v4 =	vadd.s32 v24, v4;
	v27 =	vsel vm10, $0x1, v0;
	v5 =	vadd.s32 v38, v5  }
0xab: {  	v40 =	vsel vm9, $0x1, v0;
	vm10 =	vge.f32 v25, $9.100000000e+01;
	v54 =	vsel vm8, $0x1, v0  }
0xac: {  	vm9 =	vge.f32 v37, $9.100000000e+01;
	v18 =	vsel vm7, $0x1, v0;
	v3 =	vadd.s32 v3, v1  }
0xad: {  	v1 =	vadd.s32 v14, v2;
	v5 =	vadd.s32 v39, v5;
	v42 =	vsel vm10, $0x1, v0  }
0xae: {  	v56 =	vsel vm9, $0x1, v0;
	vm10 =	vge.f32 v52, $1.000000000e+00;
	v14 =	vsel vm5, $0x1, v0  }
0xaf: {  	v2 =	vadd.s32 v15, v3;
	v3 =	vshll.u32 v12, $0x3;
	v41 =	vadd.s32 v40, v5  }
0xb0: {  	v58 =	vsel vm10, $0x1, v0;
	v12 =	vsel vm15, $0x1, v0;
	vm11 =	vgt.u32 v2, $0x7  }
0xb1: {  	v3 =	vadd.s32 v3, v2;
	v2 =	vadd.s32 v26, v4;
	v28 =	vsel vm11, $0x338, v0  }
0xb2: {  	v15 =	vld [tilespmem:$0x2E0];
	v4 =	vadd.s32 v27, v2;
	vm11 =	vge.f32 v37, $1.000000000e+00;
	v2 =	vadd.s32 v28, v3  }
0xb3: {  	v3 =	vadd.s32 v29, v4;
	vm12 =	vgt.u32 v4, $0x7;
	v44 =	vsel vm11, $0x1, v0  }
0xb4: {  	vm11 =	vge.f32 v52, $1.100000000e+01;
	v4 =	vsel vm12, $0x338, v0;
	vm12 =	vge.f32 v37, $1.100000000e+01  }
0xb5: {  	v59 =	vsel vm11, $0x1, v0;
	v3 =	vadd.s32 v4, v3;
	v4 =	vadd.s32 v42, v41  }
0xb6: {  	v45 =	vsel vm12, $0x1, v0;
	vm12 =	vge.f32 v52, $2.100000000e+01;
	v7 =	vadd.s32 v59, v58  }
0xb7: {  	vm10 =	vge.f32 v15, $1.000000000e+00;
	vm11 =	vge.f32 v15, $1.100000000e+01;
	vm14 =	vge.f32 v15, $4.100000000e+01  }
0xb8: {  	vm15 =	vge.f32 v15, $5.100000000e+01;
	vm4 =	vge.f32 v15, $6.100000000e+01;
	vm5 =	vge.f32 v15, $7.100000000e+01  }
0xb9: {  	v40 =	vld [tilespmem:$0xF0];
	vm6 =	vge.f32 v15, $8.100000000e+01;
	vm7 =	vge.f32 v15, $9.100000000e+01;
	v5 =	vadd.s32 v43, v4  }
0xba: {  	vm13 =	vgt.u32 v4, $0x7;
	v4 =	vadd.s32 v45, v44;
	v60 =	vsel vm12, $0x1, v0  }
0xbb: {  	v27 =	vld [tilespmem:$0x2F0];
	v21 =	vsel vm10, $0x1, v0;
	v22 =	vsel vm11, $0x1, v0;
	vm12 =	vge.f32 v15, $2.100000000e+01  }
0xbc: {  	v25 =	vsel vm14, $0x1, v0;
	v26 =	vsel vm15, $0x1, v0;
	v28 =	vsel vm4, $0x1, v0  }
0xbd: {  	v29 =	vsel vm5, $0x1, v0;
	v30 =	vsel vm6, $0x1, v0;
	v32 =	vsel vm7, $0x1, v0  }
0xbe: {  	v43 =	vshll.u32 v40, $0x3;
	v4 =	vadd.s32 v46, v4;
	v55 =	vsel vm13, $0x338, v0  }
0xbf: {  	vm13 =	vge.f32 v52, $3.100000000e+01;
	v7 =	vadd.s32 v60, v7;
	v8 =	vadd.s32 v22, v21  }
0xc0: {  	v23 =	vsel vm12, $0x1, v0;
	vm10 =	vge.f32 v27, $2.100000000e+01;
	vm11 =	vge.f32 v27, $3.100000000e+01  }
0xc1: {  	vm12 =	vge.f32 v27, $4.100000000e+01;
	vm14 =	vge.f32 v27, $6.100000000e+01;
	vm15 =	vge.f32 v27, $7.100000000e+01  }
0xc2: {  	v4 =	vadd.s32 v47, v4;
	v61 =	vsel vm13, $0x1, v0;
	vm13 =	vge.f32 v15, $3.100000000e+01  }
0xc3: {  	v8 =	vadd.s32 v23, v8;
	v4 =	vadd.s32 v48, v4;
	v7 =	vadd.s32 v61, v7  }
0xc4: {  	v24 =	vsel vm13, $0x1, v0;
	v4 =	vadd.s32 v50, v4;
	v7 =	vadd.s32 v62, v7  }
0xc5: {  	v8 =	vadd.s32 v24, v8;
	v4 =	vadd.s32 v51, v4;
	v7 =	vadd.s32 v12, v7  }
0xc6: {  	v8 =	vadd.s32 v25, v8;
	v4 =	vadd.s32 v53, v4;
	v7 =	vadd.s32 v13, v7  }
0xc7: {  	v8 =	vadd.s32 v26, v8;
	v4 =	vadd.s32 v54, v4;
	v7 =	vadd.s32 v14, v7  }
0xc8: {  	v8 =	vadd.s32 v28, v8;
	v4 =	vadd.s32 v56, v4;
	v17 =	vadd.s32 v16, v7  }
0xc9: {  	v6 =	vadd.s32 v57, v4;
	vm8 =	vgt.u32 v4, $0x7;
	v4 =	vadd.s32 v18, v17  }
0xca: {  	v19 =	vsel vm8, $0x338, v0;
	v7 =	vadd.s32 v20, v4;
	vm9 =	vgt.u32 v4, $0x7  }
0xcb: {  	vm8 =	vge.f32 v27, $1.000000000e+00;
	v4 =	vsel vm9, $0x338, v0;
	vm9 =	vge.f32 v27, $1.100000000e+01  }
0xcc: {  	v8 =	vadd.s32 v29, v8;
	v33 =	vsel vm8, $0x1, v0;
	v34 =	vsel vm9, $0x1, v0  }
0xcd: {  	v35 =	vsel vm10, $0x1, v0;
	v31 =	vadd.s32 v30, v8;
	v8 =	vadd.s32 v34, v33  }
0xce: {  	v37 =	vld [tilespmem:$0xE0];
	vm4 =	vge.f32 v27, $8.100000000e+01;
	v36 =	vsel vm11, $0x1, v0;
	v8 =	vadd.s32 v35, v8  }
0xcf: {  	v38 =	vsel vm12, $0x1, v0;
	vm13 =	vge.f32 v27, $5.100000000e+01;
	v8 =	vadd.s32 v36, v8  }
0xd0: {  	vm5 =	vge.f32 v27, $9.100000000e+01;
	v39 =	vsel vm13, $0x1, v0;
	v8 =	vadd.s32 v38, v8  }
0xd1: {  	[tilespmem:$0x480] =	vst v1;
	v5 =	vadd.s32 v55, v5;
	v41 =	vsel vm14, $0x1, v0;
	v8 =	vadd.s32 v39, v8  }
0xd2: {  	[tilespmem:$0x490] =	vst v2;
	v42 =	vsel vm15, $0x1, v0;
	v2 =	vsel vm4, $0x1, v0;
	v1 =	vadd.s32 v41, v8  }
0xd3: {  	[tilespmem:$0x4A0] =	vst v3;
	v3 =	vshll.u32 v37, $0x3;
	v4 =	vadd.s32 v4, v7;
	v1 =	vadd.s32 v42, v1  }
0xd4: {  	v7 =	vadd.s32 v32, v31;
	v1 =	vadd.s32 v2, v1;
	v2 =	vsel vm5, $0x1, v0  }
0xd5: {  	[tilespmem:$0x4B0] =	vst v5;
	v6 =	vadd.s32 v19, v6;
	vm6 =	vgt.u32 v7, $0x7;
	v1 =	vadd.s32 v2, v1  }
0xd6: {  	[tilespmem:$0x4C0] =	vst v6;
	v3 =	vadd.s32 v3, v7;
	v2 =	vsel vm6, $0x338, v0;
	vm7 =	vgt.u32 v1, $0x7  }
0xd7: {  	[tilespmem:$0x4D0] =	vst v4;
	v2 =	vadd.s32 v2, v3;
	v1 =	vadd.s32 v43, v1;
	v3 =	vsel vm7, $0x338, v0  }
0xd8: {  	[tilespmem:$0x4E0] =	vst v2;
	v1 =	vadd.s32 v3, v1  }
0xd9: {  	[tilespmem:$0x4F0] =	vst v1  }
0xda: {  	[tilespmem:s17], [sflag:$0x2] =	stream.indirect.gather [hbm4b:s3+s13], $0x10, s16, s13, $0xb8;
	[tilespmem:$0x2600] =	vst v63  }
0xdb: {  	v1 =	vld [tilespmem:$0x300];
	_ =	sdelay $0x2  }
0xdc: {  	v45 =	vld [tilespmem:$0x310]  }
0xdd: {  	v55 =	vld [tilespmem:$0x120]  }
0xde: {  	v13 =	vld [tilespmem:$0x130];
	vm8 =	vge.f32 v1, $1.000000000e+00  }
0xdf: {  	v28 =	vld [tilespmem:$0x140];
	vm9 =	vge.f32 v1, $1.100000000e+01;
	vm10 =	vge.f32 v1, $2.100000000e+01;
	vm11 =	vge.f32 v1, $3.100000000e+01  }
0xe0: {  	vm12 =	vge.f32 v1, $4.100000000e+01;
	vm13 =	vge.f32 v1, $5.100000000e+01;
	vm14 =	vge.f32 v1, $6.100000000e+01  }
0xe1: {  	vm15 =	vge.f32 v1, $7.100000000e+01;
	vm4 =	vge.f32 v1, $8.100000000e+01;
	vm5 =	vge.f32 v1, $9.100000000e+01  }
0xe2: {  	vm6 =	vge.f32 v45, $1.000000000e+00;
	vm7 =	vge.f32 v45, $1.100000000e+01;
	v63 =	vshll.u32 v55, $0x3  }
0xe3: {  	v22 =	vshll.u32 v13, $0x3;
	v2 =	vsel vm8, $0x1, v0;
	v3 =	vsel vm9, $0x1, v0  }
0xe4: {  	v36 =	vshll.u32 v28, $0x3;
	v2 =	vadd.s32 v3, v2;
	v3 =	vsel vm10, $0x1, v0  }
0xe5: {  	vm9 =	vge.f32 v45, $2.100000000e+01;
	v2 =	vadd.s32 v3, v2;
	v3 =	vsel vm11, $0x1, v0  }
0xe6: {  	vm10 =	vge.f32 v45, $3.100000000e+01;
	v2 =	vadd.s32 v3, v2;
	v3 =	vsel vm12, $0x1, v0  }
0xe7: {  	vm11 =	vge.f32 v45, $4.100000000e+01;
	v2 =	vadd.s32 v3, v2;
	v3 =	vsel vm13, $0x1, v0  }
0xe8: {  	v47 =	vld [tilespmem:$0x320];
	vm12 =	vge.f32 v45, $5.100000000e+01;
	v2 =	vadd.s32 v3, v2;
	v3 =	vsel vm14, $0x1, v0  }
0xe9: {  	v44 =	vld [tilespmem:$0x100];
	vm13 =	vge.f32 v45, $6.100000000e+01;
	v2 =	vadd.s32 v3, v2;
	v3 =	vsel vm15, $0x1, v0  }
0xea: {  	v59 =	vld [tilespmem:$0x330];
	vm14 =	vge.f32 v45, $7.100000000e+01;
	v2 =	vadd.s32 v3, v2;
	v3 =	vsel vm4, $0x1, v0  }
0xeb: {  	vm15 =	vge.f32 v45, $8.100000000e+01;
	vm4 =	vge.f32 v45, $9.100000000e+01;
	v1 =	vadd.s32 v3, v2  }
0xec: {  	v16 =	vld [tilespmem:$0x340];
	v2 =	vsel vm5, $0x1, v0;
	v3 =	vsel vm6, $0x1, v0;
	v49 =	vsel vm4, $0x1, v0  }
0xed: {  	v42 =	vld [tilespmem:$0x150];
	vm5 =	vge.f32 v47, $1.000000000e+00;
	vm6 =	vge.f32 v47, $1.100000000e+01;
	v1 =	vadd.s32 v2, v1  }
0xee: {  	v2 =	vshll.u32 v44, $0x3;
	v50 =	vsel vm5, $0x1, v0;
	v51 =	vsel vm6, $0x1, v0  }
0xef: {  	vm5 =	vge.f32 v59, $1.000000000e+00;
	vm6 =	vge.f32 v59, $1.100000000e+01;
	v2 =	vadd.s32 v2, v1  }
0xf0: {  	v31 =	vld [tilespmem:$0x350];
	vm8 =	vgt.u32 v1, $0x7;
	v1 =	vsel vm7, $0x1, v0;
	vm7 =	vge.f32 v47, $2.100000000e+01  }
0xf1: {  	v4 =	vadd.s32 v51, v50;
	v9 =	vsel vm5, $0x1, v0;
	v10 =	vsel vm6, $0x1, v0  }
0xf2: {  	vm6 =	vge.f32 v16, $2.100000000e+01;
	v51 =	vshll.u32 v42, $0x3;
	v1 =	vadd.s32 v1, v3  }
0xf3: {  	v3 =	vsel vm9, $0x1, v0;
	v48 =	vsel vm8, $0x338, v0;
	v52 =	vsel vm7, $0x1, v0  }
0xf4: {  	vm8 =	vge.f32 v47, $3.100000000e+01;
	vm9 =	vge.f32 v47, $4.100000000e+01;
	vm7 =	vge.f32 v59, $2.100000000e+01  }
0xf5: {  	v5 =	vadd.s32 v10, v9;
	v25 =	vsel vm6, $0x1, v0;
	vm6 =	vge.f32 v31, $4.100000000e+01  }
0xf6: {  	v1 =	vadd.s32 v3, v1;
	v3 =	vsel vm10, $0x1, v0;
	v4 =	vadd.s32 v52, v4  }
0xf7: {  	v53 =	vsel vm8, $0x1, v0;
	v54 =	vsel vm9, $0x1, v0;
	vm10 =	vge.f32 v47, $5.100000000e+01  }
0xf8: {  	v11 =	vsel vm7, $0x1, v0;
	vm8 =	vge.f32 v59, $3.100000000e+01;
	vm9 =	vge.f32 v59, $4.100000000e+01  }
0xf9: {  	vm7 =	vge.f32 v16, $3.100000000e+01;
	v41 =	vsel vm6, $0x1, v0;
	v1 =	vadd.s32 v3, v1  }
0xfa: {  	v3 =	vsel vm11, $0x1, v0;
	v4 =	vadd.s32 v53, v4;
	v56 =	vsel vm10, $0x1, v0  }
0xfb: {  	vm11 =	vge.f32 v47, $6.100000000e+01;
	v5 =	vadd.s32 v11, v5;
	v12 =	vsel vm8, $0x1, v0  }
0xfc: {  	v14 =	vsel vm9, $0x1, v0;
	vm10 =	vge.f32 v59, $5.100000000e+01;
	v26 =	vsel vm7, $0x1, v0  }
0xfd: {  	vm8 =	vge.f32 v16, $4.100000000e+01;
	vm9 =	vge.f32 v16, $5.100000000e+01;
	vm7 =	vge.f32 v31, $5.100000000e+01  }
0xfe: {  	v1 =	vadd.s32 v3, v1;
	v3 =	vsel vm12, $0x1, v0;
	v4 =	vadd.s32 v54, v4  }
0xff: {  	v57 =	vsel vm11, $0x1, v0;
	vm12 =	vge.f32 v47, $7.100000000e+01;
	v5 =	vadd.s32 v12, v5  }
0x100: {  	v15 =	vsel vm10, $0x1, v0;
	vm11 =	vge.f32 v59, $6.100000000e+01;
	v27 =	vsel vm8, $0x1, v0  }
0x101: {  	v29 =	vsel vm9, $0x1, v0;
	vm10 =	vge.f32 v16, $6.100000000e+01;
	v43 =	vsel vm7, $0x1, v0  }
0x102: {  	vm8 =	vge.f32 v31, $6.100000000e+01;
	vm9 =	vge.f32 v31, $7.100000000e+01;
	v1 =	vadd.s32 v3, v1  }
0x103: {  	v3 =	vsel vm13, $0x1, v0;
	v4 =	vadd.s32 v56, v4;
	v58 =	vsel vm12, $0x1, v0  }
0x104: {  	vm13 =	vge.f32 v47, $8.100000000e+01;
	v5 =	vadd.s32 v14, v5;
	v17 =	vsel vm11, $0x1, v0  }
0x105: {  	vm12 =	vge.f32 v59, $7.100000000e+01;
	v30 =	vsel vm10, $0x1, v0;
	vm11 =	vge.f32 v16, $7.100000000e+01  }
0x106: {  	v44 =	vsel vm8, $0x1, v0;
	v45 =	vsel vm9, $0x1, v0;
	vm10 =	vge.f32 v31, $8.100000000e+01  }
0x107: {  	v1 =	vadd.s32 v3, v1;
	v3 =	vsel vm14, $0x1, v0;
	v4 =	vadd.s32 v57, v4  }
0x108: {  	v60 =	vsel vm13, $0x1, v0;
	vm14 =	vge.f32 v47, $9.100000000e+01;
	v5 =	vadd.s32 v15, v5  }
0x109: {  	v18 =	vsel vm12, $0x1, v0;
	vm13 =	vge.f32 v59, $8.100000000e+01;
	v32 =	vsel vm11, $0x1, v0  }
0x10a: {  	vm12 =	vge.f32 v16, $8.100000000e+01;
	v47 =	vsel vm10, $0x1, v0;
	vm11 =	vge.f32 v31, $9.100000000e+01  }
0x10b: {  	v46 =	vld [tilespmem:$0x110];
	v1 =	vadd.s32 v3, v1;
	v3 =	vsel vm15, $0x1, v0;
	v4 =	vadd.s32 v58, v4  }
0x10c: {  	v61 =	vsel vm14, $0x1, v0;
	v5 =	vadd.s32 v17, v5;
	v19 =	vsel vm13, $0x1, v0  }
0x10d: {  	vm14 =	vge.f32 v59, $9.100000000e+01;
	v33 =	vsel vm12, $0x1, v0;
	vm13 =	vge.f32 v16, $9.100000000e+01  }
0x10e: {  	v3 =	vadd.s32 v3, v1;
	v1 =	vadd.s32 v48, v2;
	v5 =	vadd.s32 v18, v5  }
0x10f: {  	v21 =	vsel vm14, $0x1, v0;
	v35 =	vsel vm13, $0x1, v0;
	vm14 =	vge.f32 v31, $1.000000000e+00  }
0x110: {  	v2 =	vadd.s32 v49, v3;
	v3 =	vshll.u32 v46, $0x3;
	v20 =	vadd.s32 v19, v5  }
0x111: {  	v37 =	vsel vm14, $0x1, v0;
	v49 =	vsel vm11, $0x1, v0;
	vm15 =	vgt.u32 v2, $0x7  }
0x112: {  	v3 =	vadd.s32 v3, v2;
	v2 =	vadd.s32 v60, v4;
	v62 =	vsel vm15, $0x338, v0  }
0x113: {  	v46 =	vld [tilespmem:$0x360];
	v4 =	vadd.s32 v61, v2;
	vm15 =	vge.f32 v16, $1.000000000e+00;
	v2 =	vadd.s32 v62, v3  }
0x114: {  	v3 =	vadd.s32 v63, v4;
	vm4 =	vgt.u32 v4, $0x7;
	v23 =	vsel vm15, $0x1, v0  }
0x115: {  	vm15 =	vge.f32 v31, $1.100000000e+01;
	v4 =	vsel vm4, $0x338, v0;
	vm4 =	vge.f32 v16, $1.100000000e+01  }
0x116: {  	v38 =	vsel vm15, $0x1, v0;
	v3 =	vadd.s32 v4, v3;
	v4 =	vadd.s32 v21, v20  }
0x117: {  	v24 =	vsel vm4, $0x1, v0;
	vm4 =	vge.f32 v31, $2.100000000e+01;
	v7 =	vadd.s32 v38, v37  }
0x118: {  	vm14 =	vge.f32 v46, $1.000000000e+00;
	vm15 =	vge.f32 v46, $1.100000000e+01;
	vm6 =	vge.f32 v46, $4.100000000e+01  }
0x119: {  	vm7 =	vge.f32 v46, $5.100000000e+01;
	vm8 =	vge.f32 v46, $6.100000000e+01;
	vm9 =	vge.f32 v46, $7.100000000e+01  }
0x11a: {  	v58 =	vld [tilespmem:$0x370];
	vm10 =	vge.f32 v46, $8.100000000e+01;
	vm11 =	vge.f32 v46, $9.100000000e+01;
	v5 =	vadd.s32 v22, v4  }
0x11b: {  	vm5 =	vgt.u32 v4, $0x7;
	v4 =	vadd.s32 v24, v23;
	v39 =	vsel vm4, $0x1, v0  }
0x11c: {  	v52 =	vsel vm14, $0x1, v0;
	v53 =	vsel vm15, $0x1, v0;
	vm4 =	vge.f32 v46, $2.100000000e+01  }
0x11d: {  	v56 =	vsel vm6, $0x1, v0;
	v57 =	vsel vm7, $0x1, v0;
	v59 =	vsel vm8, $0x1, v0  }
0x11e: {  	v60 =	vsel vm9, $0x1, v0;
	v61 =	vsel vm10, $0x1, v0;
	v63 =	vsel vm11, $0x1, v0  }
0x11f: {  	vm14 =	vge.f32 v58, $2.100000000e+01;
	vm15 =	vge.f32 v58, $3.100000000e+01;
	vm6 =	vge.f32 v58, $6.100000000e+01  }
0x120: {  	vm7 =	vge.f32 v58, $7.100000000e+01;
	vm8 =	vge.f32 v58, $8.100000000e+01;
	vm9 =	vge.f32 v58, $9.100000000e+01  }
0x121: {  	v4 =	vadd.s32 v25, v4;
	v34 =	vsel vm5, $0x338, v0;
	vm5 =	vge.f32 v31, $3.100000000e+01  }
0x122: {  	v7 =	vadd.s32 v39, v7;
	v8 =	vadd.s32 v53, v52;
	v54 =	vsel vm4, $0x1, v0  }
0x123: {  	v4 =	vadd.s32 v26, v4;
	v40 =	vsel vm5, $0x1, v0;
	vm5 =	vge.f32 v46, $3.100000000e+01  }
0x124: {  	v8 =	vadd.s32 v54, v8;
	v4 =	vadd.s32 v27, v4;
	v7 =	vadd.s32 v40, v7  }
0x125: {  	v55 =	vsel vm5, $0x1, v0;
	v4 =	vadd.s32 v29, v4;
	v7 =	vadd.s32 v41, v7  }
0x126: {  	v8 =	vadd.s32 v55, v8;
	v4 =	vadd.s32 v30, v4;
	v7 =	vadd.s32 v43, v7  }
0x127: {  	v8 =	vadd.s32 v56, v8;
	v4 =	vadd.s32 v32, v4;
	v7 =	vadd.s32 v44, v7  }
0x128: {  	v8 =	vadd.s32 v57, v8;
	v4 =	vadd.s32 v33, v4;
	v7 =	vadd.s32 v45, v7  }
0x129: {  	v8 =	vadd.s32 v59, v8;
	v4 =	vadd.s32 v35, v4;
	v48 =	vadd.s32 v47, v7  }
0x12a: {  	v6 =	vadd.s32 v36, v4;
	vm12 =	vgt.u32 v4, $0x7;
	v4 =	vadd.s32 v49, v48  }
0x12b: {  	v50 =	vsel vm12, $0x338, v0;
	v7 =	vadd.s32 v51, v4;
	vm13 =	vgt.u32 v4, $0x7  }
0x12c: {  	v19 =	vld [tilespmem:$0x170];
	vm12 =	vge.f32 v58, $1.000000000e+00;
	v4 =	vsel vm13, $0x338, v0;
	vm13 =	vge.f32 v58, $1.100000000e+01  }
0x12d: {  	v8 =	vadd.s32 v60, v8;
	v12 =	vsel vm12, $0x1, v0;
	v13 =	vsel vm13, $0x1, v0  }
0x12e: {  	v14 =	vsel vm14, $0x1, v0;
	v62 =	vadd.s32 v61, v8;
	v8 =	vadd.s32 v13, v12  }
0x12f: {  	v16 =	vld [tilespmem:$0x160];
	v15 =	vsel vm15, $0x1, v0;
	vm4 =	vge.f32 v58, $4.100000000e+01;
	v8 =	vadd.s32 v14, v8  }
0x130: {  	v17 =	vsel vm4, $0x1, v0;
	vm5 =	vge.f32 v58, $5.100000000e+01;
	v8 =	vadd.s32 v15, v8  }
0x131: {  	v22 =	vshll.u32 v19, $0x3;
	v18 =	vsel vm5, $0x1, v0;
	v8 =	vadd.s32 v17, v8  }
0x132: {  	[tilespmem:$0x500] =	vst v1;
	v20 =	vsel vm6, $0x1, v0;
	v21 =	vsel vm7, $0x1, v0;
	v8 =	vadd.s32 v18, v8  }
0x133: {  	[tilespmem:$0x510] =	vst v2;
	v2 =	vsel vm8, $0x1, v0;
	v5 =	vadd.s32 v34, v5;
	v1 =	vadd.s32 v20, v8  }
0x134: {  	[tilespmem:$0x520] =	vst v3;
	v3 =	vshll.u32 v16, $0x3;
	v4 =	vadd.s32 v4, v7;
	v1 =	vadd.s32 v21, v1  }
0x135: {  	v7 =	vadd.s32 v63, v62;
	v1 =	vadd.s32 v2, v1;
	v2 =	vsel vm9, $0x1, v0  }
0x136: {  	[tilespmem:$0x530] =	vst v5;
	v6 =	vadd.s32 v50, v6;
	vm10 =	vgt.u32 v7, $0x7;
	v1 =	vadd.s32 v2, v1  }
0x137: {  	[tilespmem:$0x540] =	vst v6;
	v3 =	vadd.s32 v3, v7;
	v2 =	vsel vm10, $0x338, v0;
	vm11 =	vgt.u32 v1, $0x7  }
0x138: {  	[tilespmem:$0x550] =	vst v4;
	v2 =	vadd.s32 v2, v3;
	v1 =	vadd.s32 v22, v1;
	v3 =	vsel vm11, $0x338, v0  }
0x139: {  	[tilespmem:$0x560] =	vst v2;
	v1 =	vadd.s32 v3, v1  }
0x13a: {  	[tilespmem:$0x570] =	vst v1  }
0x13b: {  	[tilespmem:s19], [sflag:$0x2] =	stream.indirect.gather [hbm4b:s3+s13], $0x10, s18, s13, $0xb8;
	[tilespmem:$0x2600] =	vst v63  }
0x13c: {  	v1 =	vld [tilespmem:$0x380];
	_ =	sdelay $0x1  }
0x13d: {  	v25 =	vld [tilespmem:$0x390]  }
0x13e: {  	v34 =	vld [tilespmem:$0x180]  }
0x13f: {  	v39 =	vld [tilespmem:$0x190]  }
0x140: {  	v57 =	vld [tilespmem:$0x1A0];
	vm12 =	vge.f32 v1, $1.000000000e+00  }
0x141: {  	vm13 =	vge.f32 v1, $1.100000000e+01;
	vm14 =	vge.f32 v1, $2.100000000e+01;
	vm15 =	vge.f32 v1, $3.100000000e+01  }
0x142: {  	vm4 =	vge.f32 v1, $4.100000000e+01;
	vm5 =	vge.f32 v1, $5.100000000e+01;
	vm6 =	vge.f32 v1, $6.100000000e+01  }
0x143: {  	vm7 =	vge.f32 v1, $7.100000000e+01;
	vm8 =	vge.f32 v1, $8.100000000e+01;
	vm9 =	vge.f32 v1, $9.100000000e+01  }
0x144: {  	vm10 =	vge.f32 v25, $1.000000000e+00;
	vm11 =	vge.f32 v25, $1.100000000e+01;
	v5 =	vshll.u32 v34, $0x3  }
0x145: {  	v37 =	vld [tilespmem:$0x3A0];
	v4 =	vshll.u32 v39, $0x3;
	v9 =	vshll.u32 v57, $0x3;
	v2 =	vsel vm12, $0x1, v0  }
0x146: {  	v3 =	vsel vm13, $0x1, v0;
	v23 =	vsel vm14, $0x1, v0;
	v24 =	vsel vm15, $0x1, v0  }
0x147: {  	v26 =	vsel vm5, $0x1, v0;
	v27 =	vsel vm6, $0x1, v0;
	v28 =	vsel vm8, $0x1, v0  }
0x148: {  	v29 =	vsel vm11, $0x1, v0;
	vm12 =	vge.f32 v25, $2.100000000e+01;
	vm13 =	vge.f32 v25, $3.100000000e+01  }
0x149: {  	vm14 =	vge.f32 v25, $4.100000000e+01;
	vm15 =	vge.f32 v25, $5.100000000e+01;
	vm5 =	vge.f32 v25, $7.100000000e+01  }
0x14a: {  	vm6 =	vge.f32 v25, $8.100000000e+01;
	vm11 =	vge.f32 v37, $1.100000000e+01;
	v2 =	vadd.s32 v3, v2  }
0x14b: {  	v3 =	vsel vm4, $0x1, v0;
	v30 =	vsel vm12, $0x1, v0;
	v31 =	vsel vm13, $0x1, v0  }
0x14c: {  	v32 =	vsel vm14, $0x1, v0;
	v33 =	vsel vm15, $0x1, v0;
	vm4 =	vge.f32 v25, $6.100000000e+01  }
0x14d: {  	v45 =	vld [tilespmem:$0x3B0];
	v36 =	vsel vm5, $0x1, v0;
	v38 =	vsel vm6, $0x1, v0;
	vm12 =	vge.f32 v37, $2.100000000e+01  }
0x14e: {  	vm13 =	vge.f32 v37, $3.100000000e+01;
	vm14 =	vge.f32 v37, $4.100000000e+01;
	vm15 =	vge.f32 v37, $5.100000000e+01  }
0x14f: {  	vm5 =	vge.f32 v37, $7.100000000e+01;
	vm6 =	vge.f32 v37, $8.100000000e+01;
	v2 =	vadd.s32 v23, v2  }
0x150: {  	v35 =	vsel vm4, $0x1, v0;
	v42 =	vsel vm12, $0x1, v0;
	v43 =	vsel vm13, $0x1, v0  }
0x151: {  	v44 =	vsel vm14, $0x1, v0;
	v46 =	vsel vm15, $0x1, v0;
	vm4 =	vge.f32 v37, $6.100000000e+01  }
0x152: {  	v60 =	vld [tilespmem:$0x3C0];
	v48 =	vsel vm5, $0x1, v0;
	v49 =	vsel vm6, $0x1, v0;
	vm12 =	vge.f32 v45, $4.100000000e+01  }
0x153: {  	vm13 =	vge.f32 v45, $5.100000000e+01;
	vm14 =	vge.f32 v45, $6.100000000e+01;
	vm15 =	vge.f32 v45, $7.100000000e+01  }
0x154: {  	vm5 =	vge.f32 v45, $9.100000000e+01;
	v2 =	vadd.s32 v24, v2;
	v47 =	vsel vm4, $0x1, v0  }
0x155: {  	v55 =	vsel vm12, $0x1, v0;
	v56 =	vsel vm13, $0x1, v0;
	v58 =	vsel vm14, $0x1, v0  }
0x156: {  	v59 =	vsel vm15, $0x1, v0;
	vm4 =	vge.f32 v45, $8.100000000e+01;
	v63 =	vsel vm5, $0x1, v0  }
0x157: {  	v18 =	vld [tilespmem:$0x3D0];
	vm12 =	vge.f32 v60, $4.100000000e+01;
	vm13 =	vge.f32 v60, $5.100000000e+01;
	vm14 =	vge.f32 v60, $6.100000000e+01  }
0x158: {  	vm15 =	vge.f32 v60, $7.100000000e+01;
	vm5 =	vge.f32 v60, $9.100000000e+01;
	v2 =	vadd.s32 v3, v2  }
0x159: {  	v3 =	vsel vm7, $0x1, v0;
	vm7 =	vge.f32 v25, $9.100000000e+01;
	v61 =	vsel vm4, $0x1, v0  }
0x15a: {  	v17 =	vsel vm12, $0x1, v0;
	v19 =	vsel vm13, $0x1, v0;
	v20 =	vsel vm14, $0x1, v0  }
0x15b: {  	v21 =	vsel vm15, $0x1, v0;
	vm4 =	vge.f32 v60, $8.100000000e+01;
	v23 =	vsel vm5, $0x1, v0  }
0x15c: {  	vm12 =	vge.f32 v18, $6.100000000e+01;
	vm13 =	vge.f32 v18, $7.100000000e+01;
	v2 =	vadd.s32 v26, v2  }
0x15d: {  	vm14 =	vge.f32 v18, $8.100000000e+01;
	vm15 =	vge.f32 v18, $9.100000000e+01;
	v1 =	vadd.s32 v27, v2  }
0x15e: {  	v22 =	vsel vm4, $0x1, v0;
	v1 =	vadd.s32 v3, v1;
	v3 =	vsel vm10, $0x1, v0  }
0x15f: {  	v2 =	vsel vm9, $0x1, v0;
	vm10 =	vge.f32 v37, $1.000000000e+00;
	v3 =	vadd.s32 v29, v3  }
0x160: {  	v1 =	vadd.s32 v28, v1;
	v41 =	vsel vm10, $0x1, v0;
	v3 =	vadd.s32 v30, v3  }
0x161: {  	vm10 =	vge.f32 v45, $2.100000000e+01;
	v1 =	vadd.s32 v2, v1;
	v3 =	vadd.s32 v31, v3  }
0x162: {  	v53 =	vsel vm10, $0x1, v0;
	vm10 =	vge.f32 v60, $2.100000000e+01;
	v3 =	vadd.s32 v32, v3  }
0x163: {  	v29 =	vld [tilespmem:$0x1C0];
	vm8 =	vgt.u32 v1, $0x7;
	v1 =	vadd.s32 v5, v1;
	v3 =	vadd.s32 v33, v3  }
0x164: {  	v15 =	vsel vm10, $0x1, v0;
	vm10 =	vge.f32 v18, $4.100000000e+01;
	v3 =	vadd.s32 v35, v3  }
0x165: {  	v31 =	vsel vm12, $0x1, v0;
	v28 =	vsel vm10, $0x1, v0;
	v3 =	vadd.s32 v36, v3  }
0x166: {  	v62 =	vld [tilespmem:$0x1B0];
	v32 =	vsel vm13, $0x1, v0;
	v35 =	vsel vm14, $0x1, v0;
	v2 =	vadd.s32 v38, v3  }
0x167: {  	v33 =	vld [tilespmem:$0x3E0];
	v3 =	vsel vm7, $0x1, v0;
	vm7 =	vge.f32 v37, $9.100000000e+01;
	v37 =	vsel vm15, $0x1, v0  }
0x168: {  	v38 =	vshll.u32 v29, $0x3;
	v2 =	vadd.s32 v3, v2;
	v3 =	vsel vm8, $0x338, v0  }
0x169: {  	v50 =	vsel vm7, $0x1, v0;
	vm8 =	vge.f32 v45, $1.000000000e+00;
	vm9 =	vgt.u32 v2, $0x7  }
0x16a: {  	v1 =	vadd.s32 v3, v1;
	v3 =	vsel vm11, $0x1, v0;
	v2 =	vadd.s32 v4, v2  }
0x16b: {  	v34 =	vld [tilespmem:$0x1D0];
	v51 =	vsel vm8, $0x1, v0;
	vm11 =	vge.f32 v45, $3.100000000e+01;
	vm8 =	vge.f32 v60, $1.000000000e+00  }
0x16c: {  	v4 =	vshll.u32 v62, $0x3;
	vm10 =	vge.f32 v33, $4.100000000e+01;
	vm12 =	vge.f32 v33, $6.100000000e+01  }
0x16d: {  	vm13 =	vge.f32 v33, $7.100000000e+01;
	vm14 =	vge.f32 v33, $8.100000000e+01;
	vm15 =	vge.f32 v33, $9.100000000e+01  }
0x16e: {  	v40 =	vsel vm9, $0x338, v0;
	v3 =	vadd.s32 v3, v41;
	vm9 =	vge.f32 v45, $1.100000000e+01  }
0x16f: {  	v54 =	vsel vm11, $0x1, v0;
	v13 =	vsel vm8, $0x1, v0;
	vm11 =	vge.f32 v60, $3.100000000e+01  }
0x170: {  	vm8 =	vge.f32 v18, $2.100000000e+01;
	v41 =	vshll.u32 v34, $0x3;
	v3 =	vadd.s32 v42, v3  }
0x171: {  	v52 =	vsel vm9, $0x1, v0;
	v2 =	vadd.s32 v40, v2;
	vm9 =	vge.f32 v60, $1.100000000e+01  }
0x172: {  	v16 =	vsel vm11, $0x1, v0;
	v26 =	vsel vm8, $0x1, v0;
	vm11 =	vge.f32 v18, $5.100000000e+01  }
0x173: {  	vm8 =	vge.f32 v33, $2.100000000e+01;
	v3 =	vadd.s32 v43, v3;
	v5 =	vadd.s32 v52, v51  }
0x174: {  	v14 =	vsel vm9, $0x1, v0;
	vm9 =	vge.f32 v18, $3.100000000e+01;
	v30 =	vsel vm11, $0x1, v0  }
0x175: {  	vm11 =	vge.f32 v33, $5.100000000e+01;
	v51 =	vsel vm14, $0x1, v0;
	v52 =	vsel vm15, $0x1, v0  }
0x176: {  	v3 =	vadd.s32 v44, v3;
	v5 =	vadd.s32 v53, v5;
	v7 =	vadd.s32 v14, v13  }
0x177: {  	v27 =	vsel vm9, $0x1, v0;
	v44 =	vsel vm8, $0x1, v0;
	vm9 =	vge.f32 v33, $3.100000000e+01  }
0x178: {  	v3 =	vadd.s32 v46, v3;
	v5 =	vadd.s32 v54, v5;
	v45 =	vsel vm9, $0x1, v0  }
0x179: {  	v46 =	vsel vm10, $0x1, v0;
	v3 =	vadd.s32 v47, v3;
	v5 =	vadd.s32 v55, v5  }
0x17a: {  	v47 =	vld [tilespmem:$0x3F0];
	v3 =	vadd.s32 v48, v3;
	v5 =	vadd.s32 v56, v5;
	v48 =	vsel vm11, $0x1, v0  }
0x17b: {  	v3 =	vadd.s32 v49, v3;
	v5 =	vadd.s32 v58, v5;
	v49 =	vsel vm12, $0x1, v0  }
0x17c: {  	v60 =	vld [tilespmem:$0x1F0];
	v5 =	vadd.s32 v59, v5;
	v3 =	vadd.s32 v50, v3;
	v50 =	vsel vm13, $0x1, v0  }
0x17d: {  	v5 =	vadd.s32 v61, v5;
	vm6 =	vgt.u32 v3, $0x7;
	v3 =	vadd.s32 v9, v3  }
0x17e: {  	v5 =	vadd.s32 v63, v5;
	v11 =	vsel vm6, $0x338, v0;
	vm6 =	vge.f32 v18, $1.000000000e+00  }
0x17f: {  	vm8 =	vge.f32 v47, $4.100000000e+01;
	vm9 =	vge.f32 v47, $5.100000000e+01;
	vm10 =	vge.f32 v47, $6.100000000e+01  }
0x180: {  	vm11 =	vge.f32 v47, $7.100000000e+01;
	vm12 =	vge.f32 v47, $8.100000000e+01;
	vm13 =	vge.f32 v47, $9.100000000e+01  }
0x181: {  	v63 =	vshll.u32 v60, $0x3;
	vm7 =	vgt.u32 v5, $0x7;
	v3 =	vadd.s32 v11, v3  }
0x182: {  	v4 =	vadd.s32 v4, v5;
	v12 =	vsel vm7, $0x338, v0;
	vm7 =	vge.f32 v18, $1.100000000e+01  }
0x183: {  	v5 =	vadd.s32 v15, v7;
	v24 =	vsel vm6, $0x1, v0;
	v25 =	vsel vm7, $0x1, v0  }
0x184: {  	vm6 =	vge.f32 v33, $1.000000000e+00;
	v58 =	vsel vm8, $0x1, v0;
	v7 =	vadd.s32 v25, v24  }
0x185: {  	v59 =	vsel vm9, $0x1, v0;
	v5 =	vadd.s32 v16, v5;
	v7 =	vadd.s32 v26, v7  }
0x186: {  	v61 =	vsel vm10, $0x1, v0;
	v5 =	vadd.s32 v17, v5;
	v7 =	vadd.s32 v27, v7  }
0x187: {  	v62 =	vsel vm11, $0x1, v0;
	v5 =	vadd.s32 v19, v5;
	v7 =	vadd.s32 v28, v7  }
0x188: {  	[tilespmem:$0x590] =	vst v2;
	v2 =	vsel vm12, $0x1, v0;
	v5 =	vadd.s32 v20, v5;
	v7 =	vadd.s32 v30, v7  }
0x189: {  	v42 =	vsel vm6, $0x1, v0;
	v5 =	vadd.s32 v21, v5;
	v7 =	vadd.s32 v31, v7  }
0x18a: {  	vm6 =	vge.f32 v47, $2.100000000e+01;
	v5 =	vadd.s32 v22, v5;
	v7 =	vadd.s32 v32, v7  }
0x18b: {  	vm7 =	vge.f32 v33, $1.100000000e+01;
	v5 =	vadd.s32 v23, v5;
	v36 =	vadd.s32 v35, v7  }
0x18c: {  	v55 =	vsel vm6, $0x1, v0;
	vm4 =	vgt.u32 v5, $0x7;
	v6 =	vadd.s32 v37, v36  }
0x18d: {  	v43 =	vsel vm7, $0x1, v0;
	v39 =	vsel vm4, $0x338, v0;
	vm5 =	vgt.u32 v6, $0x7  }
0x18e: {  	vm4 =	vge.f32 v47, $1.000000000e+00;
	v40 =	vsel vm5, $0x338, v0;
	vm5 =	vge.f32 v47, $1.100000000e+01  }
0x18f: {  	v8 =	vadd.s32 v43, v42;
	v53 =	vsel vm4, $0x1, v0;
	v54 =	vsel vm5, $0x1, v0  }
0x190: {  	vm7 =	vge.f32 v47, $3.100000000e+01;
	v7 =	vadd.s32 v44, v8;
	v8 =	vadd.s32 v54, v53  }
0x191: {  	v56 =	vsel vm7, $0x1, v0;
	v7 =	vadd.s32 v45, v7;
	v8 =	vadd.s32 v55, v8  }
0x192: {  	[tilespmem:$0x5A0] =	vst v3;
	v3 =	vsel vm13, $0x1, v0;
	v7 =	vadd.s32 v46, v7;
	v8 =	vadd.s32 v56, v8  }
0x193: {  	v57 =	vld [tilespmem:$0x1E0];
	v4 =	vadd.s32 v12, v4;
	v7 =	vadd.s32 v48, v7;
	v8 =	vadd.s32 v58, v8  }
0x194: {  	v5 =	vadd.s32 v38, v5;
	v7 =	vadd.s32 v49, v7;
	v8 =	vadd.s32 v59, v8  }
0x195: {  	[tilespmem:$0x580] =	vst v1;
	v5 =	vadd.s32 v39, v5;
	v7 =	vadd.s32 v50, v7;
	v1 =	vadd.s32 v61, v8  }
0x196: {  	v6 =	vadd.s32 v41, v6;
	v7 =	vadd.s32 v51, v7;
	v1 =	vadd.s32 v62, v1  }
0x197: {  	v6 =	vadd.s32 v40, v6;
	v7 =	vadd.s32 v52, v7;
	v1 =	vadd.s32 v2, v1  }
0x198: {  	[tilespmem:$0x5B0] =	vst v4;
	vm14 =	vgt.u32 v7, $0x7;
	v2 =	vshll.u32 v57, $0x3;
	v1 =	vadd.s32 v3, v1  }
0x199: {  	[tilespmem:$0x5C0] =	vst v5;
	v2 =	vadd.s32 v2, v7;
	v3 =	vsel vm14, $0x338, v0;
	vm15 =	vgt.u32 v1, $0x7  }
0x19a: {  	[tilespmem:$0x5D0] =	vst v6;
	v2 =	vadd.s32 v3, v2;
	v1 =	vadd.s32 v63, v1;
	v3 =	vsel vm15, $0x338, v0  }
0x19b: {  	[tilespmem:$0x5E0] =	vst v2;
	v1 =	vadd.s32 v3, v1  }
0x19c: {  	[tilespmem:$0x5F0] =	vst v1  }
0x19d: {  	[tilespmem:s21], [sflag:$0x2] =	stream.indirect.gather [hbm4b:s3+s13], $0x10, s20, s13, $0xb8;
	[tilespmem:$0x2600] =	vst v63  }
0x19e: {  	_ =	swait.ge [sflag:s22], $0x800  }
0x19f: {  	[sflag:s22] =	ssyncset.done $0x0  }
0x1a0: {  	[sflag:s22] =	ssyncadd.s32 $0xFFFFF800  }
0x1a1: {  	[hbm4b:s4+s2] =	stream.linear.scatter [tilespmem:s15], [sflag:$0x1], $0x800, $0x38;
	[tilespmem:$0x2600] =	vst v63  }
0x1a2: {  	_ =	swait.ge [sflag:s22], $0x800  }
0x1a3: {  	[sflag:s22] =	ssyncset.done $0x0  }
0x1a4: {  	[sflag:s22] =	ssyncadd.s32 $0xFFFFF800  }
0x1a5: {  	[hbm4b:s7+s2] =	stream.linear.scatter [tilespmem:s17], [sflag:$0x1], $0x800, $0x38;
	[tilespmem:$0x2600] =	vst v63  }
0x1a6: {  	_ =	swait.ge [sflag:s22], $0x800  }
0x1a7: {  	[sflag:s22] =	ssyncset.done $0x0  }
0x1a8: {  	[sflag:s22] =	ssyncadd.s32 $0xFFFFF800  }
0x1a9: {  	[hbm4b:s8+s2] =	stream.linear.scatter [tilespmem:s19], [sflag:$0x1], $0x800, $0x38;
	[tilespmem:$0x2600] =	vst v63  }
0x1aa: {  	_ =	swait.ge [sflag:s22], $0x800  }
0x1ab: {  	[sflag:s22] =	ssyncset.done $0x0  }
0x1ac: {  	[sflag:s22] =	ssyncadd.s32 $0xFFFFF800  }
0x1ad: {  	[hbm4b:s9+s2] =	stream.linear.scatter [tilespmem:s21], [sflag:$0x1], $0x800, $0x38;
	[tilespmem:$0x2600] =	vst v63  }
0x1ae: {  	_ =	swait.ge [sflag:s12], $0x800  }
0x1af: {  	[sflag:s12] =	ssyncset.done $0x0  }
0x1b0: {  	[sflag:s12] =	ssyncadd.s32 $0xFFFFF800  }
0x1b1: {  	_ =	swait.ge [sflag:s12], $0x800  }
0x1b2: {  	[sflag:s12] =	ssyncset.done $0x0  }
0x1b3: {  	[sflag:s12] =	ssyncadd.s32 $0xFFFFF800  }
0x1b4: {  	p0 =	sne.s32 s10, $0x1;
	_ =	swait.ge [sflag:s12], $0x800  }
.Ltmp0:
0x1b5: {  	[sflag:s12] =	ssyncset.done $0x0;
	(pc) =	sbr.rel @p0 .LBB2_1-.Ltmp0, $4  }
0x1b6: {  	[sflag:s12] =	ssyncadd.s32 $0xFFFFF800  }
0x1b7: {  	_ =	swait.ge [sflag:s12], $0x800  }
0x1b8: {  	[sflag:s12] =	ssyncset.done $0x0  }
0x1b9: {  	s10 =	sadd.s32 $0xFFFFFFFF, s10;
	[sflag:s12] =	ssyncadd.s32 $0xFFFFF800  }
0x1ba: {  	_ =	sfence.sel $0x180000  }
0x1bb: {  	[bflag:$0x0] =	sbarrier.arrive $0xFFFF  }
0x1bc: {  	p0 =	sne.s32 s1, $0x0;
	_ =	strace $0x90000047  }
0x1bd: {  	s0 =	sadd.s32 @!p0 $0x100000, s0;
	[bflag:$0x2] =	sbarrier.arrive $0xFFFF  }
0x1be: {  	[sflag:s0] =	ssyncadd.tile.s32 @!p0 $0x1;
	_ =	shalt  }
.Lfunc_end2:
_tile_overlayer_lowered:
.L_overlay_start_2:
0x1bf: {  	(tag) =	ssettag $0x2  }
0x1c0: {  	s0 =	rddreg [dreg:$0x0];
	s2 =	stileid.u32  }
0x1c1: {  	s1 =	rddreg [dreg:$0x1];
	p0 =	sne.s32 s2, $0x0  }
0x1c2: {  	s3 =	rddreg [dreg:$0x2];
	[bflag:$0x3] =	sbarrier.arrive $0xFFFF;
	s2 =	simm.s32 @!p0 $0x1C03  }
0x1c3: {  	[timem:s3], [sflag:s2] =	dma.local @!p0 [hbm:s0], s1  }
0x1c4: {  	s0 =	simm.s32 @!p0 $0x3  }
0x1c5: {  	_ =	swait.ge @!p0 [sflag:s0], s1  }
0x1c6: {  	s1 =	ssub.s32 @!p0 $0x0, s1;
	[sflag:s0] =	ssyncset.done @!p0 $0x0  }
0x1c7: {  	[sflag:s0] =	ssyncadd.s32 @!p0 s1  }
0x1c8: {  	[bflag:$0x3] =	sbarrier.arrive $0xFFFF  }
0x1c9: {  	_ =	shalt  }

</sc_bundles>
